<compile_context>
chip_gen: v7x
topology: tpu7x:2x2x1
jax: 0.10.2.dev20260603
libtpu: 0.0.44.dev20260713+nightly
codegen_flags: <defaults>
</compile_context>

<pallas_src>
import jax
import jax.numpy as jnp
from jax import lax
from jax.experimental import pallas as pl
from jax.experimental.pallas import tpu as pltpu
from jax.experimental.pallas import tpu_sc as plsc

N = 6_400_000
S = 100_000
NWORK = 32
PERW = N // NWORK
C = 10_000
NCH = PERW // C
A = 32_768
FB = 4_096
NFB = A // FB
OUT_PAD = 100_352
ACC_PAD = 133_120
ZSL = ACC_PAD // 16


def _sc_body(ind_hbm, val_hbm, out_hbm, ids0, ids1, vls0, vls1, win,
             elemidx, acc, si0, si1, sv0, sv1):
    c = lax.axis_index("c")
    s = lax.axis_index("s")
    w = s * 2 + c
    base = w * PERW
    z16 = jnp.zeros((16,), jnp.float32)
    iota16 = lax.iota(jnp.int32, 16)
    lane15 = iota16 == 15

    def flush(W, ph):
        used = ph - W + 1
        for b in range(NFB):
            @pl.when(b * FB < used)
            def _():
                def fe(j, carry):
                    elemidx[pl.ds(j * 16, 16)] = W + b * FB + j * 16 + iota16
                    return carry
                lax.fori_loop(0, FB // 16, fe, 0)
                pltpu.sync_copy(win.at[pl.ds(b * FB, FB)], acc.at[elemidx],
                                add=True)
                def zz(j, carry):
                    win[pl.ds(b * FB + j * 16, 16)] = z16
                    return carry
                lax.fori_loop(0, FB // 16, zz, 0)

    def align(x):
        return jnp.bitwise_and(x, jnp.int32(-128))

    def scatter(ids_ref, vls_ref, k, W):
        loc = ids_ref[pl.ds(k * 16, 16)] - W
        vv = vls_ref[pl.ds(k * 16, 16)]
        plsc.addupdate_scatter(win, [loc], vv)

    def process(ids_ref, vls_ref, Wp):
        W, ph = Wp
        lo = ids_ref[pl.ds(0, 16)][0]
        hi = ids_ref[pl.ds(C - 16, 16)][15]

        def chunk_flush(a):
            flush(a[0], a[1])
            return align(lo)
        W = lax.cond(hi >= W + A, chunk_flush, lambda a: a[0], (W, ph))

        def fastp(Wx):
            @plsc.parallel_loop(0, C // 16, unroll=4)
            def fb(k):
                b16 = k * 16
                ids = ids_ref[pl.ds(b16, 16)]
                vv = vls_ref[pl.ds(b16, 16)]
                idn = ids_ref[pl.ds(b16 + 1, 16)]
                prefix = plsc.cumsum(vv)
                bnd = ids != idn
                m_end = bnd | lane15
                plsc.addupdate_scatter(win, [ids - Wx], prefix, mask=m_end)
                m_sub = bnd & (~lane15)
                plsc.addupdate_scatter(win, [jnp.clip(idn - Wx, 0, A - 1)],
                                       -prefix, mask=m_sub)
            return Wx

        def slowp(Wx):
            def sb(k, Wy):
                ids = ids_ref[pl.ds(k * 16, 16)]
                vv = vls_ref[pl.ds(k * 16, 16)]
                def vec_flush(Wz):
                    flush(Wz, Wz + A - 1)
                    return align(ids[0])
                Wy = lax.cond(ids[15] >= Wy + A, vec_flush, lambda Wz: Wz, Wy)
                def one_pass(p, Wz):
                    loc = ids - Wz
                    m = (loc >= 0) & (loc < A)
                    plsc.addupdate_scatter(
                        win, [jnp.clip(loc, 0, A - 1)], vv, mask=m)
                    def adv(Wq):
                        flush(Wq, Wq + A - 1)
                        return Wq + A
                    return lax.cond(ids[15] >= Wz + A, adv,
                                    lambda Wq: Wq, Wz)
                return lax.fori_loop(0, 4, one_pass, Wy)
            return lax.fori_loop(0, C // 16, sb, Wx)

        W = lax.cond(hi < W + A, fastp, slowp, W)
        return (W, hi)

    def issue(buf_i, buf_v, sem_i, sem_v, chunk):
        off = base + chunk * C
        pltpu.make_async_copy(ind_hbm.at[pl.ds(off, C)],
                              buf_i.at[pl.ds(0, C)], sem_i).start()
        pltpu.make_async_copy(val_hbm.at[pl.ds(off, C)], buf_v, sem_v).start()

    def wait(buf_i, buf_v, sem_i, sem_v, chunk):
        off = base + chunk * C
        pltpu.make_async_copy(ind_hbm.at[pl.ds(off, C)],
                              buf_i.at[pl.ds(0, C)], sem_i).wait()
        pltpu.make_async_copy(val_hbm.at[pl.ds(off, C)], buf_v, sem_v).wait()

    def zw(j, carry):
        win[pl.ds(j * 16, 16)] = z16
        return carry
    lax.fori_loop(0, A // 16, zw, 0)
    ids0[pl.ds(C, 16)] = jnp.zeros((16,), jnp.int32)
    ids1[pl.ds(C, 16)] = jnp.zeros((16,), jnp.int32)
    pltpu.sync_copy(win.at[pl.ds(0, ZSL)], acc.at[pl.ds(s * ZSL, ZSL)])
    plsc.subcore_barrier()

    issue(ids0, vls0, si0, sv0, 0)

    def gbody(g, Wp):
        cA = 2 * g
        wait(ids0, vls0, si0, sv0, cA)
        issue(ids1, vls1, si1, sv1, cA + 1)
        Wp = process(ids0, vls0, Wp)
        wait(ids1, vls1, si1, sv1, cA + 1)
        @pl.when(g < NCH // 2 - 1)
        def _():
            issue(ids0, vls0, si0, sv0, cA + 2)
        Wp = process(ids1, vls1, Wp)
        return Wp

    W, ph = lax.fori_loop(0, NCH // 2, gbody,
                          (jnp.int32(0), jnp.int32(0)))
    flush(W, ph)

    plsc.subcore_barrier()

    @pl.when(s == 0)
    def _():
        pltpu.sync_copy(acc.at[pl.ds(0, OUT_PAD)], out_hbm.at[c])


def _merge_body(a_ref, o_ref):
    o_ref[...] = a_ref[0] + a_ref[1]


def kernel(ind_1, output):
    ind2 = ind_1.reshape(N)
    val2 = output.reshape(N)

    mesh = plsc.VectorSubcoreMesh(core_axis_name="c", subcore_axis_name="s")
    partials = pl.kernel(
        _sc_body,
        out_type=jax.ShapeDtypeStruct((2, OUT_PAD), jnp.float32),
        mesh=mesh,
        compiler_params=pltpu.CompilerParams(needs_layout_passes=False,
                                             use_tc_tiling_on_sc=False),
        scratch_types=[
            pltpu.VMEM((C + 16,), jnp.int32),
            pltpu.VMEM((C + 16,), jnp.int32),
            pltpu.VMEM((C,), jnp.float32),
            pltpu.VMEM((C,), jnp.float32),
            pltpu.VMEM((A,), jnp.float32),
            pltpu.VMEM((FB,), jnp.int32),
            pltpu.VMEM_SHARED((ACC_PAD,), jnp.float32),
            pltpu.SemaphoreType.DMA,
            pltpu.SemaphoreType.DMA,
            pltpu.SemaphoreType.DMA,
            pltpu.SemaphoreType.DMA,
        ],
    )(ind2, val2)

    merged = pl.pallas_call(
        _merge_body,
        out_shape=jax.ShapeDtypeStruct((OUT_PAD // 128, 128), jnp.float32),
    )(partials.reshape(2, OUT_PAD // 128, 128))
    return merged.reshape(OUT_PAD)[:S]

# --- scband reference (transcript-rebuilt; emitter-appended) ---
"""Pipeline reference for scband-annoutput-39539468927508 (READ-ONLY COPY).

The authoritative reference and input builder live on the scoring server;
editing this copy changes nothing except your own understanding.
"""

import jax, jax.numpy as jnp
import numpy as np

N = 6_400_000
S = 100_000

def setup_inputs(seed: int = 0) -> dict:
    key = jax.random.key(seed)
    k1, k2 = jax.random.split(key)
    ind_1 = jnp.sort(jax.random.randint(k1, (N, 1), 0, S, dtype=jnp.int32), axis=0)
    # pin the max id so num_segments is deterministic (= S)
    ind_1 = ind_1.at[-1, 0].set(S - 1)
    output = jax.random.normal(k2, (N, 1), dtype=jnp.float32)
    return {"ind_1": ind_1, "output": output}

def reference(ind_1, output):
    # tf.math.unsorted_segment_sum(output, ind_1[:, 0], max(ind_1) + 1)
    # setup_inputs pins ind_1's max to S - 1, so num_segments == S statically
    num_segments = S
    pooled = jax.ops.segment_sum(output, ind_1[:, 0], num_segments=num_segments)
    # tf.squeeze(output, axis=1)
    return jnp.squeeze(pooled, axis=1)

if __name__ == "__main__":
    import jax
    _d = setup_inputs()
    print(jax.jit(kernel)(*tuple(_d.values())))

</pallas_src>

<mosaic_0001>
#map = affine_map<(d0, d1) -> (0)>
#map1 = affine_map<(d0, d1) -> (0, 0)>
module attributes {stable_mosaic.version = 14 : i64} {
  func.func @_sc_body(%arg0: i32, %arg1: i32, %arg2: memref<6400000xi32, #tpu.memory_space<hbm>>, %arg3: memref<6400000xf32, #tpu.memory_space<hbm>>, %arg4: memref<2x100352xf32, #tpu.memory_space<hbm>>, %arg5: memref<10016xi32, #tpu.memory_space<vmem>>, %arg6: memref<10016xi32, #tpu.memory_space<vmem>>, %arg7: memref<10000xf32, #tpu.memory_space<vmem>>, %arg8: memref<10000xf32, #tpu.memory_space<vmem>>, %arg9: memref<32768xf32, #tpu.memory_space<vmem>>, %arg10: memref<4096xi32, #tpu.memory_space<vmem>>, %arg11: memref<133120xf32, #tpu.memory_space<vmem_shared>>, %arg12: memref<!tpu.dma_semaphore, #tpu.memory_space<semaphore_mem>>, %arg13: memref<!tpu.dma_semaphore, #tpu.memory_space<semaphore_mem>>, %arg14: memref<!tpu.dma_semaphore, #tpu.memory_space<semaphore_mem>>, %arg15: memref<!tpu.dma_semaphore, #tpu.memory_space<semaphore_mem>>) attributes {dimension_semantics = [#tpu.dimension_semantics<core_parallel>, #tpu.dimension_semantics<subcore_parallel>], iteration_bounds = array<i64: 2, 16>, scalar_prefetch = 0 : i64, scratch_operands = 11 : i64, tpu.core_type = #tpu.core_type<sc_vector_subcore>, window_params = [{transform_indices = #map}, {transform_indices = #map}, {transform_indices = #map1}]} {
    %mul3A = arith.constant 2 : i32
    %mul3A_0 = arith.muli %arg1, %mul3A : i32
    %add3A = arith.addi %mul3A_0, %arg0 : i32
    %mul3A_1 = arith.constant 200000 : i32
    %mul3A_2 = arith.muli %add3A, %mul3A_1 : i32
    %broadcast_in_dim3A = arith.constant 0.000000e+00 : f32
    %broadcast_in_dim3A_3 = vector.broadcast %broadcast_in_dim3A : f32 to vector<16xf32>
    %iota3A = tpu.iota {dimensions = array<i32: 0>} : vector<16xi32>
    %eq3A = arith.constant 15 : i32
    %eq3A_4 = vector.broadcast %eq3A : i32 to vector<16xi32>
    %eq3A_5 = arith.cmpi eq, %iota3A, %eq3A_4 : vector<16xi32>
    %scan3A = arith.constant 0 : i32
    %scan3A_6 = arith.constant 0 : i32
    %scan3A_7 = arith.constant 2048 : i32
    %scan3A_8 = arith.addi %scan3A_6, %scan3A_7 : i32
    %scan3A_9 = arith.constant 1 : i32
    scf.for %scan3A_82 = %scan3A_6 to %scan3A_8 step %scan3A_9  : i32 {
      %mul3A_83 = arith.constant 16 : i32
      %mul3A_84 = arith.muli %scan3A_82, %mul3A_83 : i32
      %swap3A_85 = arith.index_cast %mul3A_84 : i32 to index
      %swap3A_86 = tpu.vector_load %arg9[%swap3A_85] {strides = array<i32>} : memref<32768xf32, #tpu.memory_space<vmem>>, vector<16xf32>,
      tpu.vector_store %arg9[%swap3A_85], %broadcast_in_dim3A_3 {strides = array<i32>} : memref<32768xf32, #tpu.memory_space<vmem>>, vector<16xf32>,
    }
    %scan3A_10 = arith.constant 2048 : i32
    %broadcast_in_dim3A_11 = arith.constant 0 : i32
    %broadcast_in_dim3A_12 = vector.broadcast %broadcast_in_dim3A_11 : i32 to vector<16xi32>
    %swap3A = arith.constant 10000 : index
    %swap3A_13 = tpu.vector_load %arg5[%swap3A] {strides = array<i32>} : memref<10016xi32, #tpu.memory_space<vmem>>, vector<16xi32>,
    tpu.vector_store %arg5[%swap3A], %broadcast_in_dim3A_12 {strides = array<i32>} : memref<10016xi32, #tpu.memory_space<vmem>>, vector<16xi32>,
    %broadcast_in_dim3A_14 = arith.constant 0 : i32
    %broadcast_in_dim3A_15 = vector.broadcast %broadcast_in_dim3A_14 : i32 to vector<16xi32>
    %swap3A_16 = arith.constant 10000 : index
    %swap3A_17 = tpu.vector_load %arg6[%swap3A_16] {strides = array<i32>} : memref<10016xi32, #tpu.memory_space<vmem>>, vector<16xi32>,
    tpu.vector_store %arg6[%swap3A_16], %broadcast_in_dim3A_15 {strides = array<i32>} : memref<10016xi32, #tpu.memory_space<vmem>>, vector<16xi32>,
    %mul3A_18 = arith.constant 8320 : i32
    %mul3A_19 = arith.muli %arg1, %mul3A_18 : i32
    "tpu.region"() ({
      %run_scoped3A = tpu.sem_alloc : memref<!tpu.dma_semaphore, #tpu.memory_space<semaphore_mem>>
      %dma_start3A_82 = arith.constant 0 : i32
      %dma_start3A_83 = tpu.memref_slice %arg9[%dma_start3A_82] : memref<32768xf32, #tpu.memory_space<vmem>> -> memref<8320xf32, #tpu.memory_space<vmem>>
      %dma_start3A_84 = tpu.memref_slice %arg11[%mul3A_19] : memref<133120xf32, #tpu.memory_space<vmem_shared>> -> memref<8320xf32, #tpu.memory_space<vmem_shared>>
      %dma_start3A_85 = tpu.memref_slice %arg11[%mul3A_19] : memref<133120xf32, #tpu.memory_space<vmem_shared>> -> memref<8320xf32, #tpu.memory_space<vmem_shared>>
      %dma_start3A_86 = arith.constant 0 : i32
      %dma_start3A_87 = tpu.memref_slice %arg9[%dma_start3A_86] : memref<32768xf32, #tpu.memory_space<vmem>> -> memref<8320xf32, #tpu.memory_space<vmem>>
      tpu.enqueue_dma source(%dma_start3A_87 : memref<8320xf32, #tpu.memory_space<vmem>>) target(%dma_start3A_85 : memref<8320xf32, #tpu.memory_space<vmem_shared>>) target_semaphore(%run_scoped3A : memref<!tpu.dma_semaphore, #tpu.memory_space<semaphore_mem>>)
      %dma_wait3A = arith.constant 0 : i32
      %dma_wait3A_88 = tpu.memref_slice %arg9[%dma_wait3A] : memref<32768xf32, #tpu.memory_space<vmem>> -> memref<8320xf32, #tpu.memory_space<vmem>>
      %dma_wait3A_89 = tpu.memref_slice %arg11[%mul3A_19] : memref<133120xf32, #tpu.memory_space<vmem_shared>> -> memref<8320xf32, #tpu.memory_space<vmem_shared>>
      %dma_wait3A_90 = tpu.memref_slice %arg11[%mul3A_19] : memref<133120xf32, #tpu.memory_space<vmem_shared>> -> memref<8320xf32, #tpu.memory_space<vmem_shared>>
      %dma_wait3A_91 = arith.constant 0 : i32
      %dma_wait3A_92 = tpu.memref_slice %arg9[%dma_wait3A_91] : memref<32768xf32, #tpu.memory_space<vmem>> -> memref<8320xf32, #tpu.memory_space<vmem>>
      tpu.wait_dma2 semaphore(%run_scoped3A : memref<!tpu.dma_semaphore, #tpu.memory_space<semaphore_mem>>) src(%dma_wait3A_92 : memref<8320xf32, #tpu.memory_space<vmem>>) dst(%dma_wait3A_90 : memref<8320xf32, #tpu.memory_space<vmem_shared>>)
      tpu.yield
    }) : () -> ()
    %barrier3A = arith.constant 0 : index
    tpu.barrier barrier_id(%barrier3A)
    %add3A_20 = arith.constant 0 : i32
    %add3A_21 = arith.addi %mul3A_2, %add3A_20 : i32
    %dma_start3A = arith.constant 0 : i32
    %dma_start3A_22 = tpu.memref_slice %arg5[%dma_start3A] : memref<10016xi32, #tpu.memory_space<vmem>> -> memref<10000xi32, #tpu.memory_space<vmem>>
    %dma_start3A_23 = tpu.memref_slice %arg2[%add3A_21] : memref<6400000xi32, #tpu.memory_space<hbm>> -> memref<10000xi32, #tpu.memory_space<hbm>>
    %dma_start3A_24 = arith.constant 0 : i32
    %dma_start3A_25 = tpu.memref_slice %arg5[%dma_start3A_24] : memref<10016xi32, #tpu.memory_space<vmem>> -> memref<10000xi32, #tpu.memory_space<vmem>>
    %dma_start3A_26 = tpu.memref_slice %arg2[%add3A_21] : memref<6400000xi32, #tpu.memory_space<hbm>> -> memref<10000xi32, #tpu.memory_space<hbm>>
    tpu.enqueue_dma source(%dma_start3A_26 : memref<10000xi32, #tpu.memory_space<hbm>>) target(%dma_start3A_25 : memref<10000xi32, #tpu.memory_space<vmem>>) target_semaphore(%arg12 : memref<!tpu.dma_semaphore, #tpu.memory_space<semaphore_mem>>)
    %dma_start3A_27 = tpu.memref_slice %arg3[%add3A_21] : memref<6400000xf32, #tpu.memory_space<hbm>> -> memref<10000xf32, #tpu.memory_space<hbm>>
    %dma_start3A_28 = tpu.memref_slice %arg3[%add3A_21] : memref<6400000xf32, #tpu.memory_space<hbm>> -> memref<10000xf32, #tpu.memory_space<hbm>>
    tpu.enqueue_dma source(%dma_start3A_28 : memref<10000xf32, #tpu.memory_space<hbm>>) target(%arg7 : memref<10000xf32, #tpu.memory_space<vmem>>) target_semaphore(%arg14 : memref<!tpu.dma_semaphore, #tpu.memory_space<semaphore_mem>>)
    %scan3A_29 = arith.constant 0 : i32
    %scan3A_30 = arith.constant 0 : i32
    %scan3A_31 = arith.constant 0 : i32
    %scan3A_32 = arith.constant 10 : i32
    %scan3A_33 = arith.addi %scan3A_31, %scan3A_32 : i32
    %scan3A_34 = arith.constant 1 : i32
    %scan3A_35:2 = scf.for %scan3A_82 = %scan3A_31 to %scan3A_33 step %scan3A_34 iter_args(%scan3A_83 = %scan3A_29, %scan3A_84 = %scan3A_30) -> (i32, i32)  : i32 {
      %mul3A_85 = arith.constant 2 : i32
      %mul3A_86 = arith.muli %mul3A_85, %scan3A_82 : i32
      %mul3A_87 = arith.constant 10000 : i32
      %mul3A_88 = arith.muli %mul3A_86, %mul3A_87 : i32
      %add3A_89 = arith.addi %mul3A_2, %mul3A_88 : i32
      %dma_wait3A = arith.constant 0 : i32
      %dma_wait3A_90 = tpu.memref_slice %arg5[%dma_wait3A] : memref<10016xi32, #tpu.memory_space<vmem>> -> memref<10000xi32, #tpu.memory_space<vmem>>
      %dma_wait3A_91 = tpu.memref_slice %arg2[%add3A_89] : memref<6400000xi32, #tpu.memory_space<hbm>> -> memref<10000xi32, #tpu.memory_space<hbm>>
      %dma_wait3A_92 = arith.constant 0 : i32
      %dma_wait3A_93 = tpu.memref_slice %arg5[%dma_wait3A_92] : memref<10016xi32, #tpu.memory_space<vmem>> -> memref<10000xi32, #tpu.memory_space<vmem>>
      %dma_wait3A_94 = tpu.memref_slice %arg2[%add3A_89] : memref<6400000xi32, #tpu.memory_space<hbm>> -> memref<10000xi32, #tpu.memory_space<hbm>>
      tpu.wait_dma2 semaphore(%arg12 : memref<!tpu.dma_semaphore, #tpu.memory_space<semaphore_mem>>) src(%dma_wait3A_94 : memref<10000xi32, #tpu.memory_space<hbm>>) dst(%dma_wait3A_93 : memref<10000xi32, #tpu.memory_space<vmem>>)
      %dma_wait3A_95 = tpu.memref_slice %arg3[%add3A_89] : memref<6400000xf32, #tpu.memory_space<hbm>> -> memref<10000xf32, #tpu.memory_space<hbm>>
      %dma_wait3A_96 = tpu.memref_slice %arg3[%add3A_89] : memref<6400000xf32, #tpu.memory_space<hbm>> -> memref<10000xf32, #tpu.memory_space<hbm>>
      tpu.wait_dma2 semaphore(%arg14 : memref<!tpu.dma_semaphore, #tpu.memory_space<semaphore_mem>>) src(%dma_wait3A_96 : memref<10000xf32, #tpu.memory_space<hbm>>) dst(%arg7 : memref<10000xf32, #tpu.memory_space<vmem>>)
      %add3A_97 = arith.constant 1 : i32
      %add3A_98 = arith.addi %mul3A_86, %add3A_97 : i32
      %mul3A_99 = arith.constant 10000 : i32
      %mul3A_100 = arith.muli %add3A_98, %mul3A_99 : i32
      %add3A_101 = arith.addi %mul3A_2, %mul3A_100 : i32
      %dma_start3A_102 = arith.constant 0 : i32
      %dma_start3A_103 = tpu.memref_slice %arg6[%dma_start3A_102] : memref<10016xi32, #tpu.memory_space<vmem>> -> memref<10000xi32, #tpu.memory_space<vmem>>
      %dma_start3A_104 = tpu.memref_slice %arg2[%add3A_101] : memref<6400000xi32, #tpu.memory_space<hbm>> -> memref<10000xi32, #tpu.memory_space<hbm>>
      %dma_start3A_105 = arith.constant 0 : i32
      %dma_start3A_106 = tpu.memref_slice %arg6[%dma_start3A_105] : memref<10016xi32, #tpu.memory_space<vmem>> -> memref<10000xi32, #tpu.memory_space<vmem>>
      %dma_start3A_107 = tpu.memref_slice %arg2[%add3A_101] : memref<6400000xi32, #tpu.memory_space<hbm>> -> memref<10000xi32, #tpu.memory_space<hbm>>
      tpu.enqueue_dma source(%dma_start3A_107 : memref<10000xi32, #tpu.memory_space<hbm>>) target(%dma_start3A_106 : memref<10000xi32, #tpu.memory_space<vmem>>) target_semaphore(%arg13 : memref<!tpu.dma_semaphore, #tpu.memory_space<semaphore_mem>>)
      %dma_start3A_108 = tpu.memref_slice %arg3[%add3A_101] : memref<6400000xf32, #tpu.memory_space<hbm>> -> memref<10000xf32, #tpu.memory_space<hbm>>
      %dma_start3A_109 = tpu.memref_slice %arg3[%add3A_101] : memref<6400000xf32, #tpu.memory_space<hbm>> -> memref<10000xf32, #tpu.memory_space<hbm>>
      tpu.enqueue_dma source(%dma_start3A_109 : memref<10000xf32, #tpu.memory_space<hbm>>) target(%arg8 : memref<10000xf32, #tpu.memory_space<vmem>>) target_semaphore(%arg15 : memref<!tpu.dma_semaphore, #tpu.memory_space<semaphore_mem>>)
      %get3A = arith.constant 0 : index
      %get3A_110 = tpu.vector_load %arg5[%get3A] {strides = array<i32>} : memref<10016xi32, #tpu.memory_space<vmem>>, vector<16xi32>,
      %slice3A = vector.extract_strided_slice %get3A_110 {offsets = [0], sizes = [1], strides = [1]} : vector<16xi32> to vector<1xi32>
      %squeeze3A = vector.extract %slice3A[0] : i32 from vector<1xi32>
      %get3A_111 = arith.constant 9984 : index
      %get3A_112 = tpu.vector_load %arg5[%get3A_111] {strides = array<i32>} : memref<10016xi32, #tpu.memory_space<vmem>>, vector<16xi32>,
      %slice3A_113 = vector.extract_strided_slice %get3A_112 {offsets = [15], sizes = [1], strides = [1]} : vector<16xi32> to vector<1xi32>
      %squeeze3A_114 = vector.extract %slice3A_113[0] : i32 from vector<1xi32>
      %add3A_115 = arith.constant 32768 : i32
      %add3A_116 = arith.addi %scan3A_83, %add3A_115 : i32
      %ge3A = arith.cmpi sge, %squeeze3A_114, %add3A_116 : i32
      %convert_element_type3A_117 = arith.extui %ge3A : i1 to i32
      %cond3A_118 = arith.constant 0 : i32
      %cond3A_119 = arith.cmpi ne, %convert_element_type3A_117, %cond3A_118 : i32
      %cond3A_120 = scf.if %cond3A_119 -> (i32) {
        %sub3A_167 = arith.subi %scan3A_84, %scan3A_83 : i32
        %add3A_168 = arith.constant 1 : i32
        %add3A_169 = arith.addi %sub3A_167, %add3A_168 : i32
        %gt3A_170 = arith.constant 0 : i32
        %gt3A_171 = arith.cmpi sgt, %add3A_169, %gt3A_170 : i32
        %convert_element_type3A_172 = arith.extui %gt3A_171 : i1 to i32
        %cond3A_173 = arith.constant 0 : i32
        %cond3A_174 = arith.cmpi ne, %convert_element_type3A_172, %cond3A_173 : i32
        scf.if %cond3A_174 {
          %scan3A_211 = arith.constant 0 : i32
          %scan3A_212 = arith.constant 0 : i32
          %scan3A_213 = arith.constant 256 : i32
          %scan3A_214 = arith.addi %scan3A_212, %scan3A_213 : i32
          %scan3A_215 = arith.constant 1 : i32
          scf.for %scan3A_223 = %scan3A_212 to %scan3A_214 step %scan3A_215  : i32 {
            %add3A_224 = arith.constant 0 : i32
            %add3A_225 = arith.addi %scan3A_83, %add3A_224 : i32
            %mul3A_226 = arith.constant 16 : i32
            %mul3A_227 = arith.muli %scan3A_223, %mul3A_226 : i32
            %add3A_228 = arith.addi %add3A_225, %mul3A_227 : i32
            %add3A_229 = vector.broadcast %add3A_228 : i32 to vector<16xi32>
            %add3A_230 = arith.addi %add3A_229, %iota3A : vector<16xi32>
            %mul3A_231 = arith.constant 16 : i32
            %mul3A_232 = arith.muli %scan3A_223, %mul3A_231 : i32
            %swap3A_233 = arith.index_cast %mul3A_232 : i32 to index
            %swap3A_234 = tpu.vector_load %arg10[%swap3A_233] {strides = array<i32>} : memref<4096xi32, #tpu.memory_space<vmem>>, vector<16xi32>,
            tpu.vector_store %arg10[%swap3A_233], %add3A_230 {strides = array<i32>} : memref<4096xi32, #tpu.memory_space<vmem>>, vector<16xi32>,
          }
          %scan3A_216 = arith.constant 256 : i32
          "tpu.region"() ({
            %run_scoped3A = tpu.sem_alloc : memref<!tpu.dma_semaphore, #tpu.memory_space<semaphore_mem>>
            %dma_start3A_223 = arith.constant 0 : i32
            %dma_start3A_224 = tpu.memref_slice %arg9[%dma_start3A_223] : memref<32768xf32, #tpu.memory_space<vmem>> -> memref<4096xf32, #tpu.memory_space<vmem>>
            %dma_start3A_225 = arith.constant 0 : i32
            %dma_start3A_226 = tpu.memref_slice %arg11[%dma_start3A_225] : memref<133120xf32, #tpu.memory_space<vmem_shared>> -> memref<133120xf32, #tpu.memory_space<vmem_shared>>
            tpu.enqueue_indirect_dma source(%dma_start3A_224 : memref<4096xf32, #tpu.memory_space<vmem>>) target(%dma_start3A_226 : memref<133120xf32, #tpu.memory_space<vmem_shared>>) offsets(%arg10 : memref<4096xi32, #tpu.memory_space<vmem>>) semaphore(%run_scoped3A : memref<!tpu.dma_semaphore, #tpu.memory_space<semaphore_mem>>) {add = true}
            %dma_wait3A_227 = arith.constant 0 : i32
            %dma_wait3A_228 = tpu.memref_slice %arg9[%dma_wait3A_227] : memref<32768xf32, #tpu.memory_space<vmem>> -> memref<4096xf32, #tpu.memory_space<vmem>>
            %dma_wait3A_229 = arith.constant 0 : i32
            %dma_wait3A_230 = tpu.memref_slice %arg11[%dma_wait3A_229] : memref<133120xf32, #tpu.memory_space<vmem_shared>> -> memref<133120xf32, #tpu.memory_space<vmem_shared>>
            tpu.wait_indirect_dma semaphore(%run_scoped3A : memref<!tpu.dma_semaphore, #tpu.memory_space<semaphore_mem>>) src(%dma_wait3A_228 : memref<4096xf32, #tpu.memory_space<vmem>>) dst(%dma_wait3A_230 : memref<133120xf32, #tpu.memory_space<vmem_shared>>)
            tpu.yield
          }) : () -> ()
          %scan3A_217 = arith.constant 0 : i32
          %scan3A_218 = arith.constant 0 : i32
          %scan3A_219 = arith.constant 256 : i32
          %scan3A_220 = arith.addi %scan3A_218, %scan3A_219 : i32
          %scan3A_221 = arith.constant 1 : i32
          scf.for %scan3A_223 = %scan3A_218 to %scan3A_220 step %scan3A_221  : i32 {
            %mul3A_224 = arith.constant 16 : i32
            %mul3A_225 = arith.muli %scan3A_223, %mul3A_224 : i32
            %add3A_226 = arith.constant 0 : i32
            %add3A_227 = arith.addi %add3A_226, %mul3A_225 : i32
            %swap3A_228 = arith.index_cast %add3A_227 : i32 to index
            %swap3A_229 = tpu.vector_load %arg9[%swap3A_228] {strides = array<i32>} : memref<32768xf32, #tpu.memory_space<vmem>>, vector<16xf32>,
            tpu.vector_store %arg9[%swap3A_228], %broadcast_in_dim3A_3 {strides = array<i32>} : memref<32768xf32, #tpu.memory_space<vmem>>, vector<16xf32>,
          }
          %scan3A_222 = arith.constant 256 : i32
        } else {
        }
        %gt3A_175 = arith.constant 4096 : i32
        %gt3A_176 = arith.cmpi sgt, %add3A_169, %gt3A_175 : i32
        %convert_element_type3A_177 = arith.extui %gt3A_176 : i1 to i32
        %cond3A_178 = arith.constant 0 : i32
        %cond3A_179 = arith.cmpi ne, %convert_element_type3A_177, %cond3A_178 : i32
        scf.if %cond3A_179 {
          %scan3A_211 = arith.constant 0 : i32
          %scan3A_212 = arith.constant 0 : i32
          %scan3A_213 = arith.constant 256 : i32
          %scan3A_214 = arith.addi %scan3A_212, %scan3A_213 : i32
          %scan3A_215 = arith.constant 1 : i32
          scf.for %scan3A_223 = %scan3A_212 to %scan3A_214 step %scan3A_215  : i32 {
            %add3A_224 = arith.constant 4096 : i32
            %add3A_225 = arith.addi %scan3A_83, %add3A_224 : i32
            %mul3A_226 = arith.constant 16 : i32
            %mul3A_227 = arith.muli %scan3A_223, %mul3A_226 : i32
            %add3A_228 = arith.addi %add3A_225, %mul3A_227 : i32
            %add3A_229 = vector.broadcast %add3A_228 : i32 to vector<16xi32>
            %add3A_230 = arith.addi %add3A_229, %iota3A : vector<16xi32>
            %mul3A_231 = arith.constant 16 : i32
            %mul3A_232 = arith.muli %scan3A_223, %mul3A_231 : i32
            %swap3A_233 = arith.index_cast %mul3A_232 : i32 to index
            %swap3A_234 = tpu.vector_load %arg10[%swap3A_233] {strides = array<i32>} : memref<4096xi32, #tpu.memory_space<vmem>>, vector<16xi32>,
            tpu.vector_store %arg10[%swap3A_233], %add3A_230 {strides = array<i32>} : memref<4096xi32, #tpu.memory_space<vmem>>, vector<16xi32>,
          }
          %scan3A_216 = arith.constant 256 : i32
          "tpu.region"() ({
            %run_scoped3A = tpu.sem_alloc : memref<!tpu.dma_semaphore, #tpu.memory_space<semaphore_mem>>
            %dma_start3A_223 = arith.constant 4096 : i32
            %dma_start3A_224 = tpu.memref_slice %arg9[%dma_start3A_223] : memref<32768xf32, #tpu.memory_space<vmem>> -> memref<4096xf32, #tpu.memory_space<vmem>>
            %dma_start3A_225 = arith.constant 0 : i32
            %dma_start3A_226 = tpu.memref_slice %arg11[%dma_start3A_225] : memref<133120xf32, #tpu.memory_space<vmem_shared>> -> memref<133120xf32, #tpu.memory_space<vmem_shared>>
            tpu.enqueue_indirect_dma source(%dma_start3A_224 : memref<4096xf32, #tpu.memory_space<vmem>>) target(%dma_start3A_226 : memref<133120xf32, #tpu.memory_space<vmem_shared>>) offsets(%arg10 : memref<4096xi32, #tpu.memory_space<vmem>>) semaphore(%run_scoped3A : memref<!tpu.dma_semaphore, #tpu.memory_space<semaphore_mem>>) {add = true}
            %dma_wait3A_227 = arith.constant 4096 : i32
            %dma_wait3A_228 = tpu.memref_slice %arg9[%dma_wait3A_227] : memref<32768xf32, #tpu.memory_space<vmem>> -> memref<4096xf32, #tpu.memory_space<vmem>>
            %dma_wait3A_229 = arith.constant 0 : i32
            %dma_wait3A_230 = tpu.memref_slice %arg11[%dma_wait3A_229] : memref<133120xf32, #tpu.memory_space<vmem_shared>> -> memref<133120xf32, #tpu.memory_space<vmem_shared>>
            tpu.wait_indirect_dma semaphore(%run_scoped3A : memref<!tpu.dma_semaphore, #tpu.memory_space<semaphore_mem>>) src(%dma_wait3A_228 : memref<4096xf32, #tpu.memory_space<vmem>>) dst(%dma_wait3A_230 : memref<133120xf32, #tpu.memory_space<vmem_shared>>)
            tpu.yield
          }) : () -> ()
          %scan3A_217 = arith.constant 0 : i32
          %scan3A_218 = arith.constant 0 : i32
          %scan3A_219 = arith.constant 256 : i32
          %scan3A_220 = arith.addi %scan3A_218, %scan3A_219 : i32
          %scan3A_221 = arith.constant 1 : i32
          scf.for %scan3A_223 = %scan3A_218 to %scan3A_220 step %scan3A_221  : i32 {
            %mul3A_224 = arith.constant 16 : i32
            %mul3A_225 = arith.muli %scan3A_223, %mul3A_224 : i32
            %add3A_226 = arith.constant 4096 : i32
            %add3A_227 = arith.addi %add3A_226, %mul3A_225 : i32
            %swap3A_228 = arith.index_cast %add3A_227 : i32 to index
            %swap3A_229 = tpu.vector_load %arg9[%swap3A_228] {strides = array<i32>} : memref<32768xf32, #tpu.memory_space<vmem>>, vector<16xf32>,
            tpu.vector_store %arg9[%swap3A_228], %broadcast_in_dim3A_3 {strides = array<i32>} : memref<32768xf32, #tpu.memory_space<vmem>>, vector<16xf32>,
          }
          %scan3A_222 = arith.constant 256 : i32
        } else {
        }
        %gt3A_180 = arith.constant 8192 : i32
        %gt3A_181 = arith.cmpi sgt, %add3A_169, %gt3A_180 : i32
        %convert_element_type3A_182 = arith.extui %gt3A_181 : i1 to i32
        %cond3A_183 = arith.constant 0 : i32
        %cond3A_184 = arith.cmpi ne, %convert_element_type3A_182, %cond3A_183 : i32
        scf.if %cond3A_184 {
          %scan3A_211 = arith.constant 0 : i32
          %scan3A_212 = arith.constant 0 : i32
          %scan3A_213 = arith.constant 256 : i32
          %scan3A_214 = arith.addi %scan3A_212, %scan3A_213 : i32
          %scan3A_215 = arith.constant 1 : i32
          scf.for %scan3A_223 = %scan3A_212 to %scan3A_214 step %scan3A_215  : i32 {
            %add3A_224 = arith.constant 8192 : i32
            %add3A_225 = arith.addi %scan3A_83, %add3A_224 : i32
            %mul3A_226 = arith.constant 16 : i32
            %mul3A_227 = arith.muli %scan3A_223, %mul3A_226 : i32
            %add3A_228 = arith.addi %add3A_225, %mul3A_227 : i32
            %add3A_229 = vector.broadcast %add3A_228 : i32 to vector<16xi32>
            %add3A_230 = arith.addi %add3A_229, %iota3A : vector<16xi32>
            %mul3A_231 = arith.constant 16 : i32
            %mul3A_232 = arith.muli %scan3A_223, %mul3A_231 : i32
            %swap3A_233 = arith.index_cast %mul3A_232 : i32 to index
            %swap3A_234 = tpu.vector_load %arg10[%swap3A_233] {strides = array<i32>} : memref<4096xi32, #tpu.memory_space<vmem>>, vector<16xi32>,
            tpu.vector_store %arg10[%swap3A_233], %add3A_230 {strides = array<i32>} : memref<4096xi32, #tpu.memory_space<vmem>>, vector<16xi32>,
          }
          %scan3A_216 = arith.constant 256 : i32
          "tpu.region"() ({
            %run_scoped3A = tpu.sem_alloc : memref<!tpu.dma_semaphore, #tpu.memory_space<semaphore_mem>>
            %dma_start3A_223 = arith.constant 8192 : i32
            %dma_start3A_224 = tpu.memref_slice %arg9[%dma_start3A_223] : memref<32768xf32, #tpu.memory_space<vmem>> -> memref<4096xf32, #tpu.memory_space<vmem>>
            %dma_start3A_225 = arith.constant 0 : i32
            %dma_start3A_226 = tpu.memref_slice %arg11[%dma_start3A_225] : memref<133120xf32, #tpu.memory_space<vmem_shared>> -> memref<133120xf32, #tpu.memory_space<vmem_shared>>
            tpu.enqueue_indirect_dma source(%dma_start3A_224 : memref<4096xf32, #tpu.memory_space<vmem>>) target(%dma_start3A_226 : memref<133120xf32, #tpu.memory_space<vmem_shared>>) offsets(%arg10 : memref<4096xi32, #tpu.memory_space<vmem>>) semaphore(%run_scoped3A : memref<!tpu.dma_semaphore, #tpu.memory_space<semaphore_mem>>) {add = true}
            %dma_wait3A_227 = arith.constant 8192 : i32
            %dma_wait3A_228 = tpu.memref_slice %arg9[%dma_wait3A_227] : memref<32768xf32, #tpu.memory_space<vmem>> -> memref<4096xf32, #tpu.memory_space<vmem>>
            %dma_wait3A_229 = arith.constant 0 : i32
            %dma_wait3A_230 = tpu.memref_slice %arg11[%dma_wait3A_229] : memref<133120xf32, #tpu.memory_space<vmem_shared>> -> memref<133120xf32, #tpu.memory_space<vmem_shared>>
            tpu.wait_indirect_dma semaphore(%run_scoped3A : memref<!tpu.dma_semaphore, #tpu.memory_space<semaphore_mem>>) src(%dma_wait3A_228 : memref<4096xf32, #tpu.memory_space<vmem>>) dst(%dma_wait3A_230 : memref<133120xf32, #tpu.memory_space<vmem_shared>>)
            tpu.yield
          }) : () -> ()
          %scan3A_217 = arith.constant 0 : i32
          %scan3A_218 = arith.constant 0 : i32
          %scan3A_219 = arith.constant 256 : i32
          %scan3A_220 = arith.addi %scan3A_218, %scan3A_219 : i32
          %scan3A_221 = arith.constant 1 : i32
          scf.for %scan3A_223 = %scan3A_218 to %scan3A_220 step %scan3A_221  : i32 {
            %mul3A_224 = arith.constant 16 : i32
            %mul3A_225 = arith.muli %scan3A_223, %mul3A_224 : i32
            %add3A_226 = arith.constant 8192 : i32
            %add3A_227 = arith.addi %add3A_226, %mul3A_225 : i32
            %swap3A_228 = arith.index_cast %add3A_227 : i32 to index
            %swap3A_229 = tpu.vector_load %arg9[%swap3A_228] {strides = array<i32>} : memref<32768xf32, #tpu.memory_space<vmem>>, vector<16xf32>,
            tpu.vector_store %arg9[%swap3A_228], %broadcast_in_dim3A_3 {strides = array<i32>} : memref<32768xf32, #tpu.memory_space<vmem>>, vector<16xf32>,
          }
          %scan3A_222 = arith.constant 256 : i32
        } else {
        }
        %gt3A_185 = arith.constant 12288 : i32
        %gt3A_186 = arith.cmpi sgt, %add3A_169, %gt3A_185 : i32
        %convert_element_type3A_187 = arith.extui %gt3A_186 : i1 to i32
        %cond3A_188 = arith.constant 0 : i32
        %cond3A_189 = arith.cmpi ne, %convert_element_type3A_187, %cond3A_188 : i32
        scf.if %cond3A_189 {
          %scan3A_211 = arith.constant 0 : i32
          %scan3A_212 = arith.constant 0 : i32
          %scan3A_213 = arith.constant 256 : i32
          %scan3A_214 = arith.addi %scan3A_212, %scan3A_213 : i32
          %scan3A_215 = arith.constant 1 : i32
          scf.for %scan3A_223 = %scan3A_212 to %scan3A_214 step %scan3A_215  : i32 {
            %add3A_224 = arith.constant 12288 : i32
            %add3A_225 = arith.addi %scan3A_83, %add3A_224 : i32
            %mul3A_226 = arith.constant 16 : i32
            %mul3A_227 = arith.muli %scan3A_223, %mul3A_226 : i32
            %add3A_228 = arith.addi %add3A_225, %mul3A_227 : i32
            %add3A_229 = vector.broadcast %add3A_228 : i32 to vector<16xi32>
            %add3A_230 = arith.addi %add3A_229, %iota3A : vector<16xi32>
            %mul3A_231 = arith.constant 16 : i32
            %mul3A_232 = arith.muli %scan3A_223, %mul3A_231 : i32
            %swap3A_233 = arith.index_cast %mul3A_232 : i32 to index
            %swap3A_234 = tpu.vector_load %arg10[%swap3A_233] {strides = array<i32>} : memref<4096xi32, #tpu.memory_space<vmem>>, vector<16xi32>,
            tpu.vector_store %arg10[%swap3A_233], %add3A_230 {strides = array<i32>} : memref<4096xi32, #tpu.memory_space<vmem>>, vector<16xi32>,
          }
          %scan3A_216 = arith.constant 256 : i32
          "tpu.region"() ({
            %run_scoped3A = tpu.sem_alloc : memref<!tpu.dma_semaphore, #tpu.memory_space<semaphore_mem>>
            %dma_start3A_223 = arith.constant 12288 : i32
            %dma_start3A_224 = tpu.memref_slice %arg9[%dma_start3A_223] : memref<32768xf32, #tpu.memory_space<vmem>> -> memref<4096xf32, #tpu.memory_space<vmem>>
            %dma_start3A_225 = arith.constant 0 : i32
            %dma_start3A_226 = tpu.memref_slice %arg11[%dma_start3A_225] : memref<133120xf32, #tpu.memory_space<vmem_shared>> -> memref<133120xf32, #tpu.memory_space<vmem_shared>>
            tpu.enqueue_indirect_dma source(%dma_start3A_224 : memref<4096xf32, #tpu.memory_space<vmem>>) target(%dma_start3A_226 : memref<133120xf32, #tpu.memory_space<vmem_shared>>) offsets(%arg10 : memref<4096xi32, #tpu.memory_space<vmem>>) semaphore(%run_scoped3A : memref<!tpu.dma_semaphore, #tpu.memory_space<semaphore_mem>>) {add = true}
            %dma_wait3A_227 = arith.constant 12288 : i32
            %dma_wait3A_228 = tpu.memref_slice %arg9[%dma_wait3A_227] : memref<32768xf32, #tpu.memory_space<vmem>> -> memref<4096xf32, #tpu.memory_space<vmem>>
            %dma_wait3A_229 = arith.constant 0 : i32
            %dma_wait3A_230 = tpu.memref_slice %arg11[%dma_wait3A_229] : memref<133120xf32, #tpu.memory_space<vmem_shared>> -> memref<133120xf32, #tpu.memory_space<vmem_shared>>
            tpu.wait_indirect_dma semaphore(%run_scoped3A : memref<!tpu.dma_semaphore, #tpu.memory_space<semaphore_mem>>) src(%dma_wait3A_228 : memref<4096xf32, #tpu.memory_space<vmem>>) dst(%dma_wait3A_230 : memref<133120xf32, #tpu.memory_space<vmem_shared>>)
            tpu.yield
          }) : () -> ()
          %scan3A_217 = arith.constant 0 : i32
          %scan3A_218 = arith.constant 0 : i32
          %scan3A_219 = arith.constant 256 : i32
          %scan3A_220 = arith.addi %scan3A_218, %scan3A_219 : i32
          %scan3A_221 = arith.constant 1 : i32
          scf.for %scan3A_223 = %scan3A_218 to %scan3A_220 step %scan3A_221  : i32 {
            %mul3A_224 = arith.constant 16 : i32
            %mul3A_225 = arith.muli %scan3A_223, %mul3A_224 : i32
            %add3A_226 = arith.constant 12288 : i32
            %add3A_227 = arith.addi %add3A_226, %mul3A_225 : i32
            %swap3A_228 = arith.index_cast %add3A_227 : i32 to index
            %swap3A_229 = tpu.vector_load %arg9[%swap3A_228] {strides = array<i32>} : memref<32768xf32, #tpu.memory_space<vmem>>, vector<16xf32>,
            tpu.vector_store %arg9[%swap3A_228], %broadcast_in_dim3A_3 {strides = array<i32>} : memref<32768xf32, #tpu.memory_space<vmem>>, vector<16xf32>,
          }
          %scan3A_222 = arith.constant 256 : i32
        } else {
        }
        %gt3A_190 = arith.constant 16384 : i32
        %gt3A_191 = arith.cmpi sgt, %add3A_169, %gt3A_190 : i32
        %convert_element_type3A_192 = arith.extui %gt3A_191 : i1 to i32
        %cond3A_193 = arith.constant 0 : i32
        %cond3A_194 = arith.cmpi ne, %convert_element_type3A_192, %cond3A_193 : i32
        scf.if %cond3A_194 {
          %scan3A_211 = arith.constant 0 : i32
          %scan3A_212 = arith.constant 0 : i32
          %scan3A_213 = arith.constant 256 : i32
          %scan3A_214 = arith.addi %scan3A_212, %scan3A_213 : i32
          %scan3A_215 = arith.constant 1 : i32
          scf.for %scan3A_223 = %scan3A_212 to %scan3A_214 step %scan3A_215  : i32 {
            %add3A_224 = arith.constant 16384 : i32
            %add3A_225 = arith.addi %scan3A_83, %add3A_224 : i32
            %mul3A_226 = arith.constant 16 : i32
            %mul3A_227 = arith.muli %scan3A_223, %mul3A_226 : i32
            %add3A_228 = arith.addi %add3A_225, %mul3A_227 : i32
            %add3A_229 = vector.broadcast %add3A_228 : i32 to vector<16xi32>
            %add3A_230 = arith.addi %add3A_229, %iota3A : vector<16xi32>
            %mul3A_231 = arith.constant 16 : i32
            %mul3A_232 = arith.muli %scan3A_223, %mul3A_231 : i32
            %swap3A_233 = arith.index_cast %mul3A_232 : i32 to index
            %swap3A_234 = tpu.vector_load %arg10[%swap3A_233] {strides = array<i32>} : memref<4096xi32, #tpu.memory_space<vmem>>, vector<16xi32>,
            tpu.vector_store %arg10[%swap3A_233], %add3A_230 {strides = array<i32>} : memref<4096xi32, #tpu.memory_space<vmem>>, vector<16xi32>,
          }
          %scan3A_216 = arith.constant 256 : i32
          "tpu.region"() ({
            %run_scoped3A = tpu.sem_alloc : memref<!tpu.dma_semaphore, #tpu.memory_space<semaphore_mem>>
            %dma_start3A_223 = arith.constant 16384 : i32
            %dma_start3A_224 = tpu.memref_slice %arg9[%dma_start3A_223] : memref<32768xf32, #tpu.memory_space<vmem>> -> memref<4096xf32, #tpu.memory_space<vmem>>
            %dma_start3A_225 = arith.constant 0 : i32
            %dma_start3A_226 = tpu.memref_slice %arg11[%dma_start3A_225] : memref<133120xf32, #tpu.memory_space<vmem_shared>> -> memref<133120xf32, #tpu.memory_space<vmem_shared>>
            tpu.enqueue_indirect_dma source(%dma_start3A_224 : memref<4096xf32, #tpu.memory_space<vmem>>) target(%dma_start3A_226 : memref<133120xf32, #tpu.memory_space<vmem_shared>>) offsets(%arg10 : memref<4096xi32, #tpu.memory_space<vmem>>) semaphore(%run_scoped3A : memref<!tpu.dma_semaphore, #tpu.memory_space<semaphore_mem>>) {add = true}
            %dma_wait3A_227 = arith.constant 16384 : i32
            %dma_wait3A_228 = tpu.memref_slice %arg9[%dma_wait3A_227] : memref<32768xf32, #tpu.memory_space<vmem>> -> memref<4096xf32, #tpu.memory_space<vmem>>
            %dma_wait3A_229 = arith.constant 0 : i32
            %dma_wait3A_230 = tpu.memref_slice %arg11[%dma_wait3A_229] : memref<133120xf32, #tpu.memory_space<vmem_shared>> -> memref<133120xf32, #tpu.memory_space<vmem_shared>>
            tpu.wait_indirect_dma semaphore(%run_scoped3A : memref<!tpu.dma_semaphore, #tpu.memory_space<semaphore_mem>>) src(%dma_wait3A_228 : memref<4096xf32, #tpu.memory_space<vmem>>) dst(%dma_wait3A_230 : memref<133120xf32, #tpu.memory_space<vmem_shared>>)
            tpu.yield
          }) : () -> ()
          %scan3A_217 = arith.constant 0 : i32
          %scan3A_218 = arith.constant 0 : i32
          %scan3A_219 = arith.constant 256 : i32
          %scan3A_220 = arith.addi %scan3A_218, %scan3A_219 : i32
          %scan3A_221 = arith.constant 1 : i32
          scf.for %scan3A_223 = %scan3A_218 to %scan3A_220 step %scan3A_221  : i32 {
            %mul3A_224 = arith.constant 16 : i32
            %mul3A_225 = arith.muli %scan3A_223, %mul3A_224 : i32
            %add3A_226 = arith.constant 16384 : i32
            %add3A_227 = arith.addi %add3A_226, %mul3A_225 : i32
            %swap3A_228 = arith.index_cast %add3A_227 : i32 to index
            %swap3A_229 = tpu.vector_load %arg9[%swap3A_228] {strides = array<i32>} : memref<32768xf32, #tpu.memory_space<vmem>>, vector<16xf32>,
            tpu.vector_store %arg9[%swap3A_228], %broadcast_in_dim3A_3 {strides = array<i32>} : memref<32768xf32, #tpu.memory_space<vmem>>, vector<16xf32>,
          }
          %scan3A_222 = arith.constant 256 : i32
        } else {
        }
        %gt3A_195 = arith.constant 20480 : i32
        %gt3A_196 = arith.cmpi sgt, %add3A_169, %gt3A_195 : i32
        %convert_element_type3A_197 = arith.extui %gt3A_196 : i1 to i32
        %cond3A_198 = arith.constant 0 : i32
        %cond3A_199 = arith.cmpi ne, %convert_element_type3A_197, %cond3A_198 : i32
        scf.if %cond3A_199 {
          %scan3A_211 = arith.constant 0 : i32
          %scan3A_212 = arith.constant 0 : i32
          %scan3A_213 = arith.constant 256 : i32
          %scan3A_214 = arith.addi %scan3A_212, %scan3A_213 : i32
          %scan3A_215 = arith.constant 1 : i32
          scf.for %scan3A_223 = %scan3A_212 to %scan3A_214 step %scan3A_215  : i32 {
            %add3A_224 = arith.constant 20480 : i32
            %add3A_225 = arith.addi %scan3A_83, %add3A_224 : i32
            %mul3A_226 = arith.constant 16 : i32
            %mul3A_227 = arith.muli %scan3A_223, %mul3A_226 : i32
            %add3A_228 = arith.addi %add3A_225, %mul3A_227 : i32
            %add3A_229 = vector.broadcast %add3A_228 : i32 to vector<16xi32>
            %add3A_230 = arith.addi %add3A_229, %iota3A : vector<16xi32>
            %mul3A_231 = arith.constant 16 : i32
            %mul3A_232 = arith.muli %scan3A_223, %mul3A_231 : i32
            %swap3A_233 = arith.index_cast %mul3A_232 : i32 to index
            %swap3A_234 = tpu.vector_load %arg10[%swap3A_233] {strides = array<i32>} : memref<4096xi32, #tpu.memory_space<vmem>>, vector<16xi32>,
            tpu.vector_store %arg10[%swap3A_233], %add3A_230 {strides = array<i32>} : memref<4096xi32, #tpu.memory_space<vmem>>, vector<16xi32>,
          }
          %scan3A_216 = arith.constant 256 : i32
          "tpu.region"() ({
            %run_scoped3A = tpu.sem_alloc : memref<!tpu.dma_semaphore, #tpu.memory_space<semaphore_mem>>
            %dma_start3A_223 = arith.constant 20480 : i32
            %dma_start3A_224 = tpu.memref_slice %arg9[%dma_start3A_223] : memref<32768xf32, #tpu.memory_space<vmem>> -> memref<4096xf32, #tpu.memory_space<vmem>>
            %dma_start3A_225 = arith.constant 0 : i32
            %dma_start3A_226 = tpu.memref_slice %arg11[%dma_start3A_225] : memref<133120xf32, #tpu.memory_space<vmem_shared>> -> memref<133120xf32, #tpu.memory_space<vmem_shared>>
            tpu.enqueue_indirect_dma source(%dma_start3A_224 : memref<4096xf32, #tpu.memory_space<vmem>>) target(%dma_start3A_226 : memref<133120xf32, #tpu.memory_space<vmem_shared>>) offsets(%arg10 : memref<4096xi32, #tpu.memory_space<vmem>>) semaphore(%run_scoped3A : memref<!tpu.dma_semaphore, #tpu.memory_space<semaphore_mem>>) {add = true}
            %dma_wait3A_227 = arith.constant 20480 : i32
            %dma_wait3A_228 = tpu.memref_slice %arg9[%dma_wait3A_227] : memref<32768xf32, #tpu.memory_space<vmem>> -> memref<4096xf32, #tpu.memory_space<vmem>>
            %dma_wait3A_229 = arith.constant 0 : i32
            %dma_wait3A_230 = tpu.memref_slice %arg11[%dma_wait3A_229] : memref<133120xf32, #tpu.memory_space<vmem_shared>> -> memref<133120xf32, #tpu.memory_space<vmem_shared>>
            tpu.wait_indirect_dma semaphore(%run_scoped3A : memref<!tpu.dma_semaphore, #tpu.memory_space<semaphore_mem>>) src(%dma_wait3A_228 : memref<4096xf32, #tpu.memory_space<vmem>>) dst(%dma_wait3A_230 : memref<133120xf32, #tpu.memory_space<vmem_shared>>)
            tpu.yield
          }) : () -> ()
          %scan3A_217 = arith.constant 0 : i32
          %scan3A_218 = arith.constant 0 : i32
          %scan3A_219 = arith.constant 256 : i32
          %scan3A_220 = arith.addi %scan3A_218, %scan3A_219 : i32
          %scan3A_221 = arith.constant 1 : i32
          scf.for %scan3A_223 = %scan3A_218 to %scan3A_220 step %scan3A_221  : i32 {
            %mul3A_224 = arith.constant 16 : i32
            %mul3A_225 = arith.muli %scan3A_223, %mul3A_224 : i32
            %add3A_226 = arith.constant 20480 : i32
            %add3A_227 = arith.addi %add3A_226, %mul3A_225 : i32
            %swap3A_228 = arith.index_cast %add3A_227 : i32 to index
            %swap3A_229 = tpu.vector_load %arg9[%swap3A_228] {strides = array<i32>} : memref<32768xf32, #tpu.memory_space<vmem>>, vector<16xf32>,
            tpu.vector_store %arg9[%swap3A_228], %broadcast_in_dim3A_3 {strides = array<i32>} : memref<32768xf32, #tpu.memory_space<vmem>>, vector<16xf32>,
          }
          %scan3A_222 = arith.constant 256 : i32
        } else {
        }
        %gt3A_200 = arith.constant 24576 : i32
        %gt3A_201 = arith.cmpi sgt, %add3A_169, %gt3A_200 : i32
        %convert_element_type3A_202 = arith.extui %gt3A_201 : i1 to i32
        %cond3A_203 = arith.constant 0 : i32
        %cond3A_204 = arith.cmpi ne, %convert_element_type3A_202, %cond3A_203 : i32
        scf.if %cond3A_204 {
          %scan3A_211 = arith.constant 0 : i32
          %scan3A_212 = arith.constant 0 : i32
          %scan3A_213 = arith.constant 256 : i32
          %scan3A_214 = arith.addi %scan3A_212, %scan3A_213 : i32
          %scan3A_215 = arith.constant 1 : i32
          scf.for %scan3A_223 = %scan3A_212 to %scan3A_214 step %scan3A_215  : i32 {
            %add3A_224 = arith.constant 24576 : i32
            %add3A_225 = arith.addi %scan3A_83, %add3A_224 : i32
            %mul3A_226 = arith.constant 16 : i32
            %mul3A_227 = arith.muli %scan3A_223, %mul3A_226 : i32
            %add3A_228 = arith.addi %add3A_225, %mul3A_227 : i32
            %add3A_229 = vector.broadcast %add3A_228 : i32 to vector<16xi32>
            %add3A_230 = arith.addi %add3A_229, %iota3A : vector<16xi32>
            %mul3A_231 = arith.constant 16 : i32
            %mul3A_232 = arith.muli %scan3A_223, %mul3A_231 : i32
            %swap3A_233 = arith.index_cast %mul3A_232 : i32 to index
            %swap3A_234 = tpu.vector_load %arg10[%swap3A_233] {strides = array<i32>} : memref<4096xi32, #tpu.memory_space<vmem>>, vector<16xi32>,
            tpu.vector_store %arg10[%swap3A_233], %add3A_230 {strides = array<i32>} : memref<4096xi32, #tpu.memory_space<vmem>>, vector<16xi32>,
          }
          %scan3A_216 = arith.constant 256 : i32
          "tpu.region"() ({
            %run_scoped3A = tpu.sem_alloc : memref<!tpu.dma_semaphore, #tpu.memory_space<semaphore_mem>>
            %dma_start3A_223 = arith.constant 24576 : i32
            %dma_start3A_224 = tpu.memref_slice %arg9[%dma_start3A_223] : memref<32768xf32, #tpu.memory_space<vmem>> -> memref<4096xf32, #tpu.memory_space<vmem>>
            %dma_start3A_225 = arith.constant 0 : i32
            %dma_start3A_226 = tpu.memref_slice %arg11[%dma_start3A_225] : memref<133120xf32, #tpu.memory_space<vmem_shared>> -> memref<133120xf32, #tpu.memory_space<vmem_shared>>
            tpu.enqueue_indirect_dma source(%dma_start3A_224 : memref<4096xf32, #tpu.memory_space<vmem>>) target(%dma_start3A_226 : memref<133120xf32, #tpu.memory_space<vmem_shared>>) offsets(%arg10 : memref<4096xi32, #tpu.memory_space<vmem>>) semaphore(%run_scoped3A : memref<!tpu.dma_semaphore, #tpu.memory_space<semaphore_mem>>) {add = true}
            %dma_wait3A_227 = arith.constant 24576 : i32
            %dma_wait3A_228 = tpu.memref_slice %arg9[%dma_wait3A_227] : memref<32768xf32, #tpu.memory_space<vmem>> -> memref<4096xf32, #tpu.memory_space<vmem>>
            %dma_wait3A_229 = arith.constant 0 : i32
            %dma_wait3A_230 = tpu.memref_slice %arg11[%dma_wait3A_229] : memref<133120xf32, #tpu.memory_space<vmem_shared>> -> memref<133120xf32, #tpu.memory_space<vmem_shared>>
            tpu.wait_indirect_dma semaphore(%run_scoped3A : memref<!tpu.dma_semaphore, #tpu.memory_space<semaphore_mem>>) src(%dma_wait3A_228 : memref<4096xf32, #tpu.memory_space<vmem>>) dst(%dma_wait3A_230 : memref<133120xf32, #tpu.memory_space<vmem_shared>>)
            tpu.yield
          }) : () -> ()
          %scan3A_217 = arith.constant 0 : i32
          %scan3A_218 = arith.constant 0 : i32
          %scan3A_219 = arith.constant 256 : i32
          %scan3A_220 = arith.addi %scan3A_218, %scan3A_219 : i32
          %scan3A_221 = arith.constant 1 : i32
          scf.for %scan3A_223 = %scan3A_218 to %scan3A_220 step %scan3A_221  : i32 {
            %mul3A_224 = arith.constant 16 : i32
            %mul3A_225 = arith.muli %scan3A_223, %mul3A_224 : i32
            %add3A_226 = arith.constant 24576 : i32
            %add3A_227 = arith.addi %add3A_226, %mul3A_225 : i32
            %swap3A_228 = arith.index_cast %add3A_227 : i32 to index
            %swap3A_229 = tpu.vector_load %arg9[%swap3A_228] {strides = array<i32>} : memref<32768xf32, #tpu.memory_space<vmem>>, vector<16xf32>,
            tpu.vector_store %arg9[%swap3A_228], %broadcast_in_dim3A_3 {strides = array<i32>} : memref<32768xf32, #tpu.memory_space<vmem>>, vector<16xf32>,
          }
          %scan3A_222 = arith.constant 256 : i32
        } else {
        }
        %gt3A_205 = arith.constant 28672 : i32
        %gt3A_206 = arith.cmpi sgt, %add3A_169, %gt3A_205 : i32
        %convert_element_type3A_207 = arith.extui %gt3A_206 : i1 to i32
        %cond3A_208 = arith.constant 0 : i32
        %cond3A_209 = arith.cmpi ne, %convert_element_type3A_207, %cond3A_208 : i32
        scf.if %cond3A_209 {
          %scan3A_211 = arith.constant 0 : i32
          %scan3A_212 = arith.constant 0 : i32
          %scan3A_213 = arith.constant 256 : i32
          %scan3A_214 = arith.addi %scan3A_212, %scan3A_213 : i32
          %scan3A_215 = arith.constant 1 : i32
          scf.for %scan3A_223 = %scan3A_212 to %scan3A_214 step %scan3A_215  : i32 {
            %add3A_224 = arith.constant 28672 : i32
            %add3A_225 = arith.addi %scan3A_83, %add3A_224 : i32
            %mul3A_226 = arith.constant 16 : i32
            %mul3A_227 = arith.muli %scan3A_223, %mul3A_226 : i32
            %add3A_228 = arith.addi %add3A_225, %mul3A_227 : i32
            %add3A_229 = vector.broadcast %add3A_228 : i32 to vector<16xi32>
            %add3A_230 = arith.addi %add3A_229, %iota3A : vector<16xi32>
            %mul3A_231 = arith.constant 16 : i32
            %mul3A_232 = arith.muli %scan3A_223, %mul3A_231 : i32
            %swap3A_233 = arith.index_cast %mul3A_232 : i32 to index
            %swap3A_234 = tpu.vector_load %arg10[%swap3A_233] {strides = array<i32>} : memref<4096xi32, #tpu.memory_space<vmem>>, vector<16xi32>,
            tpu.vector_store %arg10[%swap3A_233], %add3A_230 {strides = array<i32>} : memref<4096xi32, #tpu.memory_space<vmem>>, vector<16xi32>,
          }
          %scan3A_216 = arith.constant 256 : i32
          "tpu.region"() ({
            %run_scoped3A = tpu.sem_alloc : memref<!tpu.dma_semaphore, #tpu.memory_space<semaphore_mem>>
            %dma_start3A_223 = arith.constant 28672 : i32
            %dma_start3A_224 = tpu.memref_slice %arg9[%dma_start3A_223] : memref<32768xf32, #tpu.memory_space<vmem>> -> memref<4096xf32, #tpu.memory_space<vmem>>
            %dma_start3A_225 = arith.constant 0 : i32
            %dma_start3A_226 = tpu.memref_slice %arg11[%dma_start3A_225] : memref<133120xf32, #tpu.memory_space<vmem_shared>> -> memref<133120xf32, #tpu.memory_space<vmem_shared>>
            tpu.enqueue_indirect_dma source(%dma_start3A_224 : memref<4096xf32, #tpu.memory_space<vmem>>) target(%dma_start3A_226 : memref<133120xf32, #tpu.memory_space<vmem_shared>>) offsets(%arg10 : memref<4096xi32, #tpu.memory_space<vmem>>) semaphore(%run_scoped3A : memref<!tpu.dma_semaphore, #tpu.memory_space<semaphore_mem>>) {add = true}
            %dma_wait3A_227 = arith.constant 28672 : i32
            %dma_wait3A_228 = tpu.memref_slice %arg9[%dma_wait3A_227] : memref<32768xf32, #tpu.memory_space<vmem>> -> memref<4096xf32, #tpu.memory_space<vmem>>
            %dma_wait3A_229 = arith.constant 0 : i32
            %dma_wait3A_230 = tpu.memref_slice %arg11[%dma_wait3A_229] : memref<133120xf32, #tpu.memory_space<vmem_shared>> -> memref<133120xf32, #tpu.memory_space<vmem_shared>>
            tpu.wait_indirect_dma semaphore(%run_scoped3A : memref<!tpu.dma_semaphore, #tpu.memory_space<semaphore_mem>>) src(%dma_wait3A_228 : memref<4096xf32, #tpu.memory_space<vmem>>) dst(%dma_wait3A_230 : memref<133120xf32, #tpu.memory_space<vmem_shared>>)
            tpu.yield
          }) : () -> ()
          %scan3A_217 = arith.constant 0 : i32
          %scan3A_218 = arith.constant 0 : i32
          %scan3A_219 = arith.constant 256 : i32
          %scan3A_220 = arith.addi %scan3A_218, %scan3A_219 : i32
          %scan3A_221 = arith.constant 1 : i32
          scf.for %scan3A_223 = %scan3A_218 to %scan3A_220 step %scan3A_221  : i32 {
            %mul3A_224 = arith.constant 16 : i32
            %mul3A_225 = arith.muli %scan3A_223, %mul3A_224 : i32
            %add3A_226 = arith.constant 28672 : i32
            %add3A_227 = arith.addi %add3A_226, %mul3A_225 : i32
            %swap3A_228 = arith.index_cast %add3A_227 : i32 to index
            %swap3A_229 = tpu.vector_load %arg9[%swap3A_228] {strides = array<i32>} : memref<32768xf32, #tpu.memory_space<vmem>>, vector<16xf32>,
            tpu.vector_store %arg9[%swap3A_228], %broadcast_in_dim3A_3 {strides = array<i32>} : memref<32768xf32, #tpu.memory_space<vmem>>, vector<16xf32>,
          }
          %scan3A_222 = arith.constant 256 : i32
        } else {
        }
        %and3A = arith.constant -128 : i32
        %and3A_210 = arith.andi %squeeze3A, %and3A : i32
        scf.yield %and3A_210 : i32
      } else {
        scf.yield %scan3A_83 : i32
      }
      %add3A_121 = arith.constant 32768 : i32
      %add3A_122 = arith.addi %cond3A_120, %add3A_121 : i32
      %lt3A = arith.cmpi slt, %squeeze3A_114, %add3A_122 : i32
      %convert_element_type3A_123 = arith.extui %lt3A : i1 to i32
      %cond3A_124 = arith.constant 0 : i32
      %cond3A_125 = arith.cmpi ne, %convert_element_type3A_123, %cond3A_124 : i32
      %cond3A_126 = scf.if %cond3A_125 -> (i32) {
        %parallel_loop3A = arith.constant 0 : i32
        %parallel_loop3A_167 = arith.constant 625 : i32
        %parallel_loop3A_168 = arith.constant 1 : i32
        scf.for %parallel_loop3A_169 = %parallel_loop3A to %parallel_loop3A_167 step %parallel_loop3A_168  : i32 {
          %parallel_loop3A_170 = arith.constant 16 : i32
          %parallel_loop3A_171 = arith.muli %parallel_loop3A_169, %parallel_loop3A_170 : i32
          %parallel_loop3A_172 = arith.index_cast %parallel_loop3A_171 : i32 to index
          %parallel_loop3A_173 = tpu.vector_load %arg5[%parallel_loop3A_172] {strides = array<i32>} : memref<10016xi32, #tpu.memory_space<vmem>>, vector<16xi32>,
          %parallel_loop3A_174 = arith.index_cast %parallel_loop3A_171 : i32 to index
          %parallel_loop3A_175 = tpu.vector_load %arg7[%parallel_loop3A_174] {strides = array<i32>} : memref<10000xf32, #tpu.memory_space<vmem>>, vector<16xf32>,
          %parallel_loop3A_176 = arith.constant 1 : i32
          %parallel_loop3A_177 = arith.addi %parallel_loop3A_171, %parallel_loop3A_176 : i32
          %parallel_loop3A_178 = arith.index_cast %parallel_loop3A_177 : i32 to index
          %parallel_loop3A_179 = tpu.vector_load %arg5[%parallel_loop3A_178] {strides = array<i32>} : memref<10016xi32, #tpu.memory_space<vmem>>, vector<16xi32>,
          %parallel_loop3A_180 = arith.constant true
          %parallel_loop3A_181 = vector.broadcast %parallel_loop3A_180 : i1 to vector<16xi1>
          %parallel_loop3A_182 = tpu.scan <sum>, %parallel_loop3A_175 masked %parallel_loop3A_181 : vector<16xf32>, vector<16xi1> -> vector<16xf32>
          %parallel_loop3A_183 = arith.cmpi ne, %parallel_loop3A_173, %parallel_loop3A_179 : vector<16xi32>
          %parallel_loop3A_184 = arith.ori %parallel_loop3A_183, %eq3A_5 : vector<16xi1>
          %parallel_loop3A_185 = vector.broadcast %cond3A_120 : i32 to vector<16xi32>
          %parallel_loop3A_186 = arith.subi %parallel_loop3A_173, %parallel_loop3A_185 : vector<16xi32>
          tpu.vector_store_idx %arg9[%parallel_loop3A_186], %parallel_loop3A_182 masked %parallel_loop3A_184 {add = true} : memref<32768xf32, #tpu.memory_space<vmem>>[vector<16xi32>], vector<16xf32>, vector<16xi1>
          %parallel_loop3A_187 = arith.constant dense<true> : vector<16xi1>
          %parallel_loop3A_188 = arith.xori %eq3A_5, %parallel_loop3A_187 : vector<16xi1>
          %parallel_loop3A_189 = arith.andi %parallel_loop3A_183, %parallel_loop3A_188 : vector<16xi1>
          %parallel_loop3A_190 = vector.broadcast %cond3A_120 : i32 to vector<16xi32>
          %parallel_loop3A_191 = arith.subi %parallel_loop3A_179, %parallel_loop3A_190 : vector<16xi32>
          %parallel_loop3A_192 = arith.constant 0 : i32
          %parallel_loop3A_193 = arith.constant 32767 : i32
          %parallel_loop3A_194 = vector.broadcast %parallel_loop3A_192 : i32 to vector<16xi32>
          %parallel_loop3A_195 = arith.maxsi %parallel_loop3A_194, %parallel_loop3A_191 : vector<16xi32>
          %parallel_loop3A_196 = vector.broadcast %parallel_loop3A_193 : i32 to vector<16xi32>
          %parallel_loop3A_197 = arith.minsi %parallel_loop3A_196, %parallel_loop3A_195 : vector<16xi32>
          %parallel_loop3A_198 = arith.constant 0.000000e+00 : f32
          %parallel_loop3A_199 = vector.broadcast %parallel_loop3A_198 : f32 to vector<16xf32>
          %parallel_loop3A_200 = arith.subf %parallel_loop3A_199, %parallel_loop3A_182 : vector<16xf32>
          tpu.vector_store_idx %arg9[%parallel_loop3A_197], %parallel_loop3A_200 masked %parallel_loop3A_189 {add = true} : memref<32768xf32, #tpu.memory_space<vmem>>[vector<16xi32>], vector<16xf32>, vector<16xi1>
        } {sc.loop_unroll_factor = 4 : i64, sc.parallel_access}
        scf.yield %cond3A_120 : i32
      } else {
        %scan3A_167 = arith.constant 0 : i32
        %scan3A_168 = arith.constant 625 : i32
        %scan3A_169 = arith.addi %scan3A_167, %scan3A_168 : i32
        %scan3A_170 = arith.constant 1 : i32
        %scan3A_171 = scf.for %scan3A_173 = %scan3A_167 to %scan3A_169 step %scan3A_170 iter_args(%scan3A_174 = %cond3A_120) -> (i32)  : i32 {
          %mul3A_175 = arith.constant 16 : i32
          %mul3A_176 = arith.muli %scan3A_173, %mul3A_175 : i32
          %get3A_177 = arith.index_cast %mul3A_176 : i32 to index
          %get3A_178 = tpu.vector_load %arg5[%get3A_177] {strides = array<i32>} : memref<10016xi32, #tpu.memory_space<vmem>>, vector<16xi32>,
          %mul3A_179 = arith.constant 16 : i32
          %mul3A_180 = arith.muli %scan3A_173, %mul3A_179 : i32
          %get3A_181 = arith.index_cast %mul3A_180 : i32 to index
          %get3A_182 = tpu.vector_load %arg7[%get3A_181] {strides = array<i32>} : memref<10000xf32, #tpu.memory_space<vmem>>, vector<16xf32>,
          %slice3A_183 = vector.extract_strided_slice %get3A_178 {offsets = [15], sizes = [1], strides = [1]} : vector<16xi32> to vector<1xi32>
          %squeeze3A_184 = vector.extract %slice3A_183[0] : i32 from vector<1xi32>
          %add3A_185 = arith.constant 32768 : i32
          %add3A_186 = arith.addi %scan3A_174, %add3A_185 : i32
          %ge3A_187 = arith.cmpi sge, %squeeze3A_184, %add3A_186 : i32
          %convert_element_type3A_188 = arith.extui %ge3A_187 : i1 to i32
          %cond3A_189 = arith.constant 0 : i32
          %cond3A_190 = arith.cmpi ne, %convert_element_type3A_188, %cond3A_189 : i32
          %cond3A_191 = scf.if %cond3A_190 -> (i32) {
            %add3A_198 = arith.constant 32768 : i32
            %add3A_199 = arith.addi %scan3A_174, %add3A_198 : i32
            %sub3A_200 = arith.constant 1 : i32
            %sub3A_201 = arith.subi %add3A_199, %sub3A_200 : i32
            %sub3A_202 = arith.subi %sub3A_201, %scan3A_174 : i32
            %add3A_203 = arith.constant 1 : i32
            %add3A_204 = arith.addi %sub3A_202, %add3A_203 : i32
            %gt3A_205 = arith.constant 0 : i32
            %gt3A_206 = arith.cmpi sgt, %add3A_204, %gt3A_205 : i32
            %convert_element_type3A_207 = arith.extui %gt3A_206 : i1 to i32
            %cond3A_208 = arith.constant 0 : i32
            %cond3A_209 = arith.cmpi ne, %convert_element_type3A_207, %cond3A_208 : i32
            scf.if %cond3A_209 {
              %scan3A_248 = arith.constant 0 : i32
              %scan3A_249 = arith.constant 0 : i32
              %scan3A_250 = arith.constant 256 : i32
              %scan3A_251 = arith.addi %scan3A_249, %scan3A_250 : i32
              %scan3A_252 = arith.constant 1 : i32
              scf.for %scan3A_260 = %scan3A_249 to %scan3A_251 step %scan3A_252  : i32 {
                %add3A_261 = arith.constant 0 : i32
                %add3A_262 = arith.addi %scan3A_174, %add3A_261 : i32
                %mul3A_263 = arith.constant 16 : i32
                %mul3A_264 = arith.muli %scan3A_260, %mul3A_263 : i32
                %add3A_265 = arith.addi %add3A_262, %mul3A_264 : i32
                %add3A_266 = vector.broadcast %add3A_265 : i32 to vector<16xi32>
                %add3A_267 = arith.addi %add3A_266, %iota3A : vector<16xi32>
                %mul3A_268 = arith.constant 16 : i32
                %mul3A_269 = arith.muli %scan3A_260, %mul3A_268 : i32
                %swap3A_270 = arith.index_cast %mul3A_269 : i32 to index
                %swap3A_271 = tpu.vector_load %arg10[%swap3A_270] {strides = array<i32>} : memref<4096xi32, #tpu.memory_space<vmem>>, vector<16xi32>,
                tpu.vector_store %arg10[%swap3A_270], %add3A_267 {strides = array<i32>} : memref<4096xi32, #tpu.memory_space<vmem>>, vector<16xi32>,
              }
              %scan3A_253 = arith.constant 256 : i32
              "tpu.region"() ({
                %run_scoped3A = tpu.sem_alloc : memref<!tpu.dma_semaphore, #tpu.memory_space<semaphore_mem>>
                %dma_start3A_260 = arith.constant 0 : i32
                %dma_start3A_261 = tpu.memref_slice %arg9[%dma_start3A_260] : memref<32768xf32, #tpu.memory_space<vmem>> -> memref<4096xf32, #tpu.memory_space<vmem>>
                %dma_start3A_262 = arith.constant 0 : i32
                %dma_start3A_263 = tpu.memref_slice %arg11[%dma_start3A_262] : memref<133120xf32, #tpu.memory_space<vmem_shared>> -> memref<133120xf32, #tpu.memory_space<vmem_shared>>
                tpu.enqueue_indirect_dma source(%dma_start3A_261 : memref<4096xf32, #tpu.memory_space<vmem>>) target(%dma_start3A_263 : memref<133120xf32, #tpu.memory_space<vmem_shared>>) offsets(%arg10 : memref<4096xi32, #tpu.memory_space<vmem>>) semaphore(%run_scoped3A : memref<!tpu.dma_semaphore, #tpu.memory_space<semaphore_mem>>) {add = true}
                %dma_wait3A_264 = arith.constant 0 : i32
                %dma_wait3A_265 = tpu.memref_slice %arg9[%dma_wait3A_264] : memref<32768xf32, #tpu.memory_space<vmem>> -> memref<4096xf32, #tpu.memory_space<vmem>>
                %dma_wait3A_266 = arith.constant 0 : i32
                %dma_wait3A_267 = tpu.memref_slice %arg11[%dma_wait3A_266] : memref<133120xf32, #tpu.memory_space<vmem_shared>> -> memref<133120xf32, #tpu.memory_space<vmem_shared>>
                tpu.wait_indirect_dma semaphore(%run_scoped3A : memref<!tpu.dma_semaphore, #tpu.memory_space<semaphore_mem>>) src(%dma_wait3A_265 : memref<4096xf32, #tpu.memory_space<vmem>>) dst(%dma_wait3A_267 : memref<133120xf32, #tpu.memory_space<vmem_shared>>)
                tpu.yield
              }) : () -> ()
              %scan3A_254 = arith.constant 0 : i32
              %scan3A_255 = arith.constant 0 : i32
              %scan3A_256 = arith.constant 256 : i32
              %scan3A_257 = arith.addi %scan3A_255, %scan3A_256 : i32
              %scan3A_258 = arith.constant 1 : i32
              scf.for %scan3A_260 = %scan3A_255 to %scan3A_257 step %scan3A_258  : i32 {
                %mul3A_261 = arith.constant 16 : i32
                %mul3A_262 = arith.muli %scan3A_260, %mul3A_261 : i32
                %add3A_263 = arith.constant 0 : i32
                %add3A_264 = arith.addi %add3A_263, %mul3A_262 : i32
                %swap3A_265 = arith.index_cast %add3A_264 : i32 to index
                %swap3A_266 = tpu.vector_load %arg9[%swap3A_265] {strides = array<i32>} : memref<32768xf32, #tpu.memory_space<vmem>>, vector<16xf32>,
                tpu.vector_store %arg9[%swap3A_265], %broadcast_in_dim3A_3 {strides = array<i32>} : memref<32768xf32, #tpu.memory_space<vmem>>, vector<16xf32>,
              }
              %scan3A_259 = arith.constant 256 : i32
            } else {
            }
            %gt3A_210 = arith.constant 4096 : i32
            %gt3A_211 = arith.cmpi sgt, %add3A_204, %gt3A_210 : i32
            %convert_element_type3A_212 = arith.extui %gt3A_211 : i1 to i32
            %cond3A_213 = arith.constant 0 : i32
            %cond3A_214 = arith.cmpi ne, %convert_element_type3A_212, %cond3A_213 : i32
            scf.if %cond3A_214 {
              %scan3A_248 = arith.constant 0 : i32
              %scan3A_249 = arith.constant 0 : i32
              %scan3A_250 = arith.constant 256 : i32
              %scan3A_251 = arith.addi %scan3A_249, %scan3A_250 : i32
              %scan3A_252 = arith.constant 1 : i32
              scf.for %scan3A_260 = %scan3A_249 to %scan3A_251 step %scan3A_252  : i32 {
                %add3A_261 = arith.constant 4096 : i32
                %add3A_262 = arith.addi %scan3A_174, %add3A_261 : i32
                %mul3A_263 = arith.constant 16 : i32
                %mul3A_264 = arith.muli %scan3A_260, %mul3A_263 : i32
                %add3A_265 = arith.addi %add3A_262, %mul3A_264 : i32
                %add3A_266 = vector.broadcast %add3A_265 : i32 to vector<16xi32>
                %add3A_267 = arith.addi %add3A_266, %iota3A : vector<16xi32>
                %mul3A_268 = arith.constant 16 : i32
                %mul3A_269 = arith.muli %scan3A_260, %mul3A_268 : i32
                %swap3A_270 = arith.index_cast %mul3A_269 : i32 to index
                %swap3A_271 = tpu.vector_load %arg10[%swap3A_270] {strides = array<i32>} : memref<4096xi32, #tpu.memory_space<vmem>>, vector<16xi32>,
                tpu.vector_store %arg10[%swap3A_270], %add3A_267 {strides = array<i32>} : memref<4096xi32, #tpu.memory_space<vmem>>, vector<16xi32>,
              }
              %scan3A_253 = arith.constant 256 : i32
              "tpu.region"() ({
                %run_scoped3A = tpu.sem_alloc : memref<!tpu.dma_semaphore, #tpu.memory_space<semaphore_mem>>
                %dma_start3A_260 = arith.constant 4096 : i32
                %dma_start3A_261 = tpu.memref_slice %arg9[%dma_start3A_260] : memref<32768xf32, #tpu.memory_space<vmem>> -> memref<4096xf32, #tpu.memory_space<vmem>>
                %dma_start3A_262 = arith.constant 0 : i32
                %dma_start3A_263 = tpu.memref_slice %arg11[%dma_start3A_262] : memref<133120xf32, #tpu.memory_space<vmem_shared>> -> memref<133120xf32, #tpu.memory_space<vmem_shared>>
                tpu.enqueue_indirect_dma source(%dma_start3A_261 : memref<4096xf32, #tpu.memory_space<vmem>>) target(%dma_start3A_263 : memref<133120xf32, #tpu.memory_space<vmem_shared>>) offsets(%arg10 : memref<4096xi32, #tpu.memory_space<vmem>>) semaphore(%run_scoped3A : memref<!tpu.dma_semaphore, #tpu.memory_space<semaphore_mem>>) {add = true}
                %dma_wait3A_264 = arith.constant 4096 : i32
                %dma_wait3A_265 = tpu.memref_slice %arg9[%dma_wait3A_264] : memref<32768xf32, #tpu.memory_space<vmem>> -> memref<4096xf32, #tpu.memory_space<vmem>>
                %dma_wait3A_266 = arith.constant 0 : i32
                %dma_wait3A_267 = tpu.memref_slice %arg11[%dma_wait3A_266] : memref<133120xf32, #tpu.memory_space<vmem_shared>> -> memref<133120xf32, #tpu.memory_space<vmem_shared>>
                tpu.wait_indirect_dma semaphore(%run_scoped3A : memref<!tpu.dma_semaphore, #tpu.memory_space<semaphore_mem>>) src(%dma_wait3A_265 : memref<4096xf32, #tpu.memory_space<vmem>>) dst(%dma_wait3A_267 : memref<133120xf32, #tpu.memory_space<vmem_shared>>)
                tpu.yield
              }) : () -> ()
              %scan3A_254 = arith.constant 0 : i32
              %scan3A_255 = arith.constant 0 : i32
              %scan3A_256 = arith.constant 256 : i32
              %scan3A_257 = arith.addi %scan3A_255, %scan3A_256 : i32
              %scan3A_258 = arith.constant 1 : i32
              scf.for %scan3A_260 = %scan3A_255 to %scan3A_257 step %scan3A_258  : i32 {
                %mul3A_261 = arith.constant 16 : i32
                %mul3A_262 = arith.muli %scan3A_260, %mul3A_261 : i32
                %add3A_263 = arith.constant 4096 : i32
                %add3A_264 = arith.addi %add3A_263, %mul3A_262 : i32
                %swap3A_265 = arith.index_cast %add3A_264 : i32 to index
                %swap3A_266 = tpu.vector_load %arg9[%swap3A_265] {strides = array<i32>} : memref<32768xf32, #tpu.memory_space<vmem>>, vector<16xf32>,
                tpu.vector_store %arg9[%swap3A_265], %broadcast_in_dim3A_3 {strides = array<i32>} : memref<32768xf32, #tpu.memory_space<vmem>>, vector<16xf32>,
              }
              %scan3A_259 = arith.constant 256 : i32
            } else {
            }
            %gt3A_215 = arith.constant 8192 : i32
            %gt3A_216 = arith.cmpi sgt, %add3A_204, %gt3A_215 : i32
            %convert_element_type3A_217 = arith.extui %gt3A_216 : i1 to i32
            %cond3A_218 = arith.constant 0 : i32
            %cond3A_219 = arith.cmpi ne, %convert_element_type3A_217, %cond3A_218 : i32
            scf.if %cond3A_219 {
              %scan3A_248 = arith.constant 0 : i32
              %scan3A_249 = arith.constant 0 : i32
              %scan3A_250 = arith.constant 256 : i32
              %scan3A_251 = arith.addi %scan3A_249, %scan3A_250 : i32
              %scan3A_252 = arith.constant 1 : i32
              scf.for %scan3A_260 = %scan3A_249 to %scan3A_251 step %scan3A_252  : i32 {
                %add3A_261 = arith.constant 8192 : i32
                %add3A_262 = arith.addi %scan3A_174, %add3A_261 : i32
                %mul3A_263 = arith.constant 16 : i32
                %mul3A_264 = arith.muli %scan3A_260, %mul3A_263 : i32
                %add3A_265 = arith.addi %add3A_262, %mul3A_264 : i32
                %add3A_266 = vector.broadcast %add3A_265 : i32 to vector<16xi32>
                %add3A_267 = arith.addi %add3A_266, %iota3A : vector<16xi32>
                %mul3A_268 = arith.constant 16 : i32
                %mul3A_269 = arith.muli %scan3A_260, %mul3A_268 : i32
                %swap3A_270 = arith.index_cast %mul3A_269 : i32 to index
                %swap3A_271 = tpu.vector_load %arg10[%swap3A_270] {strides = array<i32>} : memref<4096xi32, #tpu.memory_space<vmem>>, vector<16xi32>,
                tpu.vector_store %arg10[%swap3A_270], %add3A_267 {strides = array<i32>} : memref<4096xi32, #tpu.memory_space<vmem>>, vector<16xi32>,
              }
              %scan3A_253 = arith.constant 256 : i32
              "tpu.region"() ({
                %run_scoped3A = tpu.sem_alloc : memref<!tpu.dma_semaphore, #tpu.memory_space<semaphore_mem>>
                %dma_start3A_260 = arith.constant 8192 : i32
                %dma_start3A_261 = tpu.memref_slice %arg9[%dma_start3A_260] : memref<32768xf32, #tpu.memory_space<vmem>> -> memref<4096xf32, #tpu.memory_space<vmem>>
                %dma_start3A_262 = arith.constant 0 : i32
                %dma_start3A_263 = tpu.memref_slice %arg11[%dma_start3A_262] : memref<133120xf32, #tpu.memory_space<vmem_shared>> -> memref<133120xf32, #tpu.memory_space<vmem_shared>>
                tpu.enqueue_indirect_dma source(%dma_start3A_261 : memref<4096xf32, #tpu.memory_space<vmem>>) target(%dma_start3A_263 : memref<133120xf32, #tpu.memory_space<vmem_shared>>) offsets(%arg10 : memref<4096xi32, #tpu.memory_space<vmem>>) semaphore(%run_scoped3A : memref<!tpu.dma_semaphore, #tpu.memory_space<semaphore_mem>>) {add = true}
                %dma_wait3A_264 = arith.constant 8192 : i32
                %dma_wait3A_265 = tpu.memref_slice %arg9[%dma_wait3A_264] : memref<32768xf32, #tpu.memory_space<vmem>> -> memref<4096xf32, #tpu.memory_space<vmem>>
                %dma_wait3A_266 = arith.constant 0 : i32
                %dma_wait3A_267 = tpu.memref_slice %arg11[%dma_wait3A_266] : memref<133120xf32, #tpu.memory_space<vmem_shared>> -> memref<133120xf32, #tpu.memory_space<vmem_shared>>
                tpu.wait_indirect_dma semaphore(%run_scoped3A : memref<!tpu.dma_semaphore, #tpu.memory_space<semaphore_mem>>) src(%dma_wait3A_265 : memref<4096xf32, #tpu.memory_space<vmem>>) dst(%dma_wait3A_267 : memref<133120xf32, #tpu.memory_space<vmem_shared>>)
                tpu.yield
              }) : () -> ()
              %scan3A_254 = arith.constant 0 : i32
              %scan3A_255 = arith.constant 0 : i32
              %scan3A_256 = arith.constant 256 : i32
              %scan3A_257 = arith.addi %scan3A_255, %scan3A_256 : i32
              %scan3A_258 = arith.constant 1 : i32
              scf.for %scan3A_260 = %scan3A_255 to %scan3A_257 step %scan3A_258  : i32 {
                %mul3A_261 = arith.constant 16 : i32
                %mul3A_262 = arith.muli %scan3A_260, %mul3A_261 : i32
                %add3A_263 = arith.constant 8192 : i32
                %add3A_264 = arith.addi %add3A_263, %mul3A_262 : i32
                %swap3A_265 = arith.index_cast %add3A_264 : i32 to index
                %swap3A_266 = tpu.vector_load %arg9[%swap3A_265] {strides = array<i32>} : memref<32768xf32, #tpu.memory_space<vmem>>, vector<16xf32>,
                tpu.vector_store %arg9[%swap3A_265], %broadcast_in_dim3A_3 {strides = array<i32>} : memref<32768xf32, #tpu.memory_space<vmem>>, vector<16xf32>,
              }
              %scan3A_259 = arith.constant 256 : i32
            } else {
            }
            %gt3A_220 = arith.constant 12288 : i32
            %gt3A_221 = arith.cmpi sgt, %add3A_204, %gt3A_220 : i32
            %convert_element_type3A_222 = arith.extui %gt3A_221 : i1 to i32
            %cond3A_223 = arith.constant 0 : i32
            %cond3A_224 = arith.cmpi ne, %convert_element_type3A_222, %cond3A_223 : i32
            scf.if %cond3A_224 {
              %scan3A_248 = arith.constant 0 : i32
              %scan3A_249 = arith.constant 0 : i32
              %scan3A_250 = arith.constant 256 : i32
              %scan3A_251 = arith.addi %scan3A_249, %scan3A_250 : i32
              %scan3A_252 = arith.constant 1 : i32
              scf.for %scan3A_260 = %scan3A_249 to %scan3A_251 step %scan3A_252  : i32 {
                %add3A_261 = arith.constant 12288 : i32
                %add3A_262 = arith.addi %scan3A_174, %add3A_261 : i32
                %mul3A_263 = arith.constant 16 : i32
                %mul3A_264 = arith.muli %scan3A_260, %mul3A_263 : i32
                %add3A_265 = arith.addi %add3A_262, %mul3A_264 : i32
                %add3A_266 = vector.broadcast %add3A_265 : i32 to vector<16xi32>
                %add3A_267 = arith.addi %add3A_266, %iota3A : vector<16xi32>
                %mul3A_268 = arith.constant 16 : i32
                %mul3A_269 = arith.muli %scan3A_260, %mul3A_268 : i32
                %swap3A_270 = arith.index_cast %mul3A_269 : i32 to index
                %swap3A_271 = tpu.vector_load %arg10[%swap3A_270] {strides = array<i32>} : memref<4096xi32, #tpu.memory_space<vmem>>, vector<16xi32>,
                tpu.vector_store %arg10[%swap3A_270], %add3A_267 {strides = array<i32>} : memref<4096xi32, #tpu.memory_space<vmem>>, vector<16xi32>,
              }
              %scan3A_253 = arith.constant 256 : i32
              "tpu.region"() ({
                %run_scoped3A = tpu.sem_alloc : memref<!tpu.dma_semaphore, #tpu.memory_space<semaphore_mem>>
                %dma_start3A_260 = arith.constant 12288 : i32
                %dma_start3A_261 = tpu.memref_slice %arg9[%dma_start3A_260] : memref<32768xf32, #tpu.memory_space<vmem>> -> memref<4096xf32, #tpu.memory_space<vmem>>
                %dma_start3A_262 = arith.constant 0 : i32
                %dma_start3A_263 = tpu.memref_slice %arg11[%dma_start3A_262] : memref<133120xf32, #tpu.memory_space<vmem_shared>> -> memref<133120xf32, #tpu.memory_space<vmem_shared>>
                tpu.enqueue_indirect_dma source(%dma_start3A_261 : memref<4096xf32, #tpu.memory_space<vmem>>) target(%dma_start3A_263 : memref<133120xf32, #tpu.memory_space<vmem_shared>>) offsets(%arg10 : memref<4096xi32, #tpu.memory_space<vmem>>) semaphore(%run_scoped3A : memref<!tpu.dma_semaphore, #tpu.memory_space<semaphore_mem>>) {add = true}
                %dma_wait3A_264 = arith.constant 12288 : i32
                %dma_wait3A_265 = tpu.memref_slice %arg9[%dma_wait3A_264] : memref<32768xf32, #tpu.memory_space<vmem>> -> memref<4096xf32, #tpu.memory_space<vmem>>
                %dma_wait3A_266 = arith.constant 0 : i32
                %dma_wait3A_267 = tpu.memref_slice %arg11[%dma_wait3A_266] : memref<133120xf32, #tpu.memory_space<vmem_shared>> -> memref<133120xf32, #tpu.memory_space<vmem_shared>>
                tpu.wait_indirect_dma semaphore(%run_scoped3A : memref<!tpu.dma_semaphore, #tpu.memory_space<semaphore_mem>>) src(%dma_wait3A_265 : memref<4096xf32, #tpu.memory_space<vmem>>) dst(%dma_wait3A_267 : memref<133120xf32, #tpu.memory_space<vmem_shared>>)
                tpu.yield
              }) : () -> ()
              %scan3A_254 = arith.constant 0 : i32
              %scan3A_255 = arith.constant 0 : i32
              %scan3A_256 = arith.constant 256 : i32
              %scan3A_257 = arith.addi %scan3A_255, %scan3A_256 : i32
              %scan3A_258 = arith.constant 1 : i32
              scf.for %scan3A_260 = %scan3A_255 to %scan3A_257 step %scan3A_258  : i32 {
                %mul3A_261 = arith.constant 16 : i32
                %mul3A_262 = arith.muli %scan3A_260, %mul3A_261 : i32
                %add3A_263 = arith.constant 12288 : i32
                %add3A_264 = arith.addi %add3A_263, %mul3A_262 : i32
                %swap3A_265 = arith.index_cast %add3A_264 : i32 to index
                %swap3A_266 = tpu.vector_load %arg9[%swap3A_265] {strides = array<i32>} : memref<32768xf32, #tpu.memory_space<vmem>>, vector<16xf32>,
                tpu.vector_store %arg9[%swap3A_265], %broadcast_in_dim3A_3 {strides = array<i32>} : memref<32768xf32, #tpu.memory_space<vmem>>, vector<16xf32>,
              }
              %scan3A_259 = arith.constant 256 : i32
            } else {
            }
            %gt3A_225 = arith.constant 16384 : i32
            %gt3A_226 = arith.cmpi sgt, %add3A_204, %gt3A_225 : i32
            %convert_element_type3A_227 = arith.extui %gt3A_226 : i1 to i32
            %cond3A_228 = arith.constant 0 : i32
            %cond3A_229 = arith.cmpi ne, %convert_element_type3A_227, %cond3A_228 : i32
            scf.if %cond3A_229 {
              %scan3A_248 = arith.constant 0 : i32
              %scan3A_249 = arith.constant 0 : i32
              %scan3A_250 = arith.constant 256 : i32
              %scan3A_251 = arith.addi %scan3A_249, %scan3A_250 : i32
              %scan3A_252 = arith.constant 1 : i32
              scf.for %scan3A_260 = %scan3A_249 to %scan3A_251 step %scan3A_252  : i32 {
                %add3A_261 = arith.constant 16384 : i32
                %add3A_262 = arith.addi %scan3A_174, %add3A_261 : i32
                %mul3A_263 = arith.constant 16 : i32
                %mul3A_264 = arith.muli %scan3A_260, %mul3A_263 : i32
                %add3A_265 = arith.addi %add3A_262, %mul3A_264 : i32
                %add3A_266 = vector.broadcast %add3A_265 : i32 to vector<16xi32>
                %add3A_267 = arith.addi %add3A_266, %iota3A : vector<16xi32>
                %mul3A_268 = arith.constant 16 : i32
                %mul3A_269 = arith.muli %scan3A_260, %mul3A_268 : i32
                %swap3A_270 = arith.index_cast %mul3A_269 : i32 to index
                %swap3A_271 = tpu.vector_load %arg10[%swap3A_270] {strides = array<i32>} : memref<4096xi32, #tpu.memory_space<vmem>>, vector<16xi32>,
                tpu.vector_store %arg10[%swap3A_270], %add3A_267 {strides = array<i32>} : memref<4096xi32, #tpu.memory_space<vmem>>, vector<16xi32>,
              }
              %scan3A_253 = arith.constant 256 : i32
              "tpu.region"() ({
                %run_scoped3A = tpu.sem_alloc : memref<!tpu.dma_semaphore, #tpu.memory_space<semaphore_mem>>
                %dma_start3A_260 = arith.constant 16384 : i32
                %dma_start3A_261 = tpu.memref_slice %arg9[%dma_start3A_260] : memref<32768xf32, #tpu.memory_space<vmem>> -> memref<4096xf32, #tpu.memory_space<vmem>>
                %dma_start3A_262 = arith.constant 0 : i32
                %dma_start3A_263 = tpu.memref_slice %arg11[%dma_start3A_262] : memref<133120xf32, #tpu.memory_space<vmem_shared>> -> memref<133120xf32, #tpu.memory_space<vmem_shared>>
                tpu.enqueue_indirect_dma source(%dma_start3A_261 : memref<4096xf32, #tpu.memory_space<vmem>>) target(%dma_start3A_263 : memref<133120xf32, #tpu.memory_space<vmem_shared>>) offsets(%arg10 : memref<4096xi32, #tpu.memory_space<vmem>>) semaphore(%run_scoped3A : memref<!tpu.dma_semaphore, #tpu.memory_space<semaphore_mem>>) {add = true}
                %dma_wait3A_264 = arith.constant 16384 : i32
                %dma_wait3A_265 = tpu.memref_slice %arg9[%dma_wait3A_264] : memref<32768xf32, #tpu.memory_space<vmem>> -> memref<4096xf32, #tpu.memory_space<vmem>>
                %dma_wait3A_266 = arith.constant 0 : i32
                %dma_wait3A_267 = tpu.memref_slice %arg11[%dma_wait3A_266] : memref<133120xf32, #tpu.memory_space<vmem_shared>> -> memref<133120xf32, #tpu.memory_space<vmem_shared>>
                tpu.wait_indirect_dma semaphore(%run_scoped3A : memref<!tpu.dma_semaphore, #tpu.memory_space<semaphore_mem>>) src(%dma_wait3A_265 : memref<4096xf32, #tpu.memory_space<vmem>>) dst(%dma_wait3A_267 : memref<133120xf32, #tpu.memory_space<vmem_shared>>)
                tpu.yield
              }) : () -> ()
              %scan3A_254 = arith.constant 0 : i32
              %scan3A_255 = arith.constant 0 : i32
              %scan3A_256 = arith.constant 256 : i32
              %scan3A_257 = arith.addi %scan3A_255, %scan3A_256 : i32
              %scan3A_258 = arith.constant 1 : i32
              scf.for %scan3A_260 = %scan3A_255 to %scan3A_257 step %scan3A_258  : i32 {
                %mul3A_261 = arith.constant 16 : i32
                %mul3A_262 = arith.muli %scan3A_260, %mul3A_261 : i32
                %add3A_263 = arith.constant 16384 : i32
                %add3A_264 = arith.addi %add3A_263, %mul3A_262 : i32
                %swap3A_265 = arith.index_cast %add3A_264 : i32 to index
                %swap3A_266 = tpu.vector_load %arg9[%swap3A_265] {strides = array<i32>} : memref<32768xf32, #tpu.memory_space<vmem>>, vector<16xf32>,
                tpu.vector_store %arg9[%swap3A_265], %broadcast_in_dim3A_3 {strides = array<i32>} : memref<32768xf32, #tpu.memory_space<vmem>>, vector<16xf32>,
              }
              %scan3A_259 = arith.constant 256 : i32
            } else {
            }
            %gt3A_230 = arith.constant 20480 : i32
            %gt3A_231 = arith.cmpi sgt, %add3A_204, %gt3A_230 : i32
            %convert_element_type3A_232 = arith.extui %gt3A_231 : i1 to i32
            %cond3A_233 = arith.constant 0 : i32
            %cond3A_234 = arith.cmpi ne, %convert_element_type3A_232, %cond3A_233 : i32
            scf.if %cond3A_234 {
              %scan3A_248 = arith.constant 0 : i32
              %scan3A_249 = arith.constant 0 : i32
              %scan3A_250 = arith.constant 256 : i32
              %scan3A_251 = arith.addi %scan3A_249, %scan3A_250 : i32
              %scan3A_252 = arith.constant 1 : i32
              scf.for %scan3A_260 = %scan3A_249 to %scan3A_251 step %scan3A_252  : i32 {
                %add3A_261 = arith.constant 20480 : i32
                %add3A_262 = arith.addi %scan3A_174, %add3A_261 : i32
                %mul3A_263 = arith.constant 16 : i32
                %mul3A_264 = arith.muli %scan3A_260, %mul3A_263 : i32
                %add3A_265 = arith.addi %add3A_262, %mul3A_264 : i32
                %add3A_266 = vector.broadcast %add3A_265 : i32 to vector<16xi32>
                %add3A_267 = arith.addi %add3A_266, %iota3A : vector<16xi32>
                %mul3A_268 = arith.constant 16 : i32
                %mul3A_269 = arith.muli %scan3A_260, %mul3A_268 : i32
                %swap3A_270 = arith.index_cast %mul3A_269 : i32 to index
                %swap3A_271 = tpu.vector_load %arg10[%swap3A_270] {strides = array<i32>} : memref<4096xi32, #tpu.memory_space<vmem>>, vector<16xi32>,
                tpu.vector_store %arg10[%swap3A_270], %add3A_267 {strides = array<i32>} : memref<4096xi32, #tpu.memory_space<vmem>>, vector<16xi32>,
              }
              %scan3A_253 = arith.constant 256 : i32
              "tpu.region"() ({
                %run_scoped3A = tpu.sem_alloc : memref<!tpu.dma_semaphore, #tpu.memory_space<semaphore_mem>>
                %dma_start3A_260 = arith.constant 20480 : i32
                %dma_start3A_261 = tpu.memref_slice %arg9[%dma_start3A_260] : memref<32768xf32, #tpu.memory_space<vmem>> -> memref<4096xf32, #tpu.memory_space<vmem>>
                %dma_start3A_262 = arith.constant 0 : i32
                %dma_start3A_263 = tpu.memref_slice %arg11[%dma_start3A_262] : memref<133120xf32, #tpu.memory_space<vmem_shared>> -> memref<133120xf32, #tpu.memory_space<vmem_shared>>
                tpu.enqueue_indirect_dma source(%dma_start3A_261 : memref<4096xf32, #tpu.memory_space<vmem>>) target(%dma_start3A_263 : memref<133120xf32, #tpu.memory_space<vmem_shared>>) offsets(%arg10 : memref<4096xi32, #tpu.memory_space<vmem>>) semaphore(%run_scoped3A : memref<!tpu.dma_semaphore, #tpu.memory_space<semaphore_mem>>) {add = true}
                %dma_wait3A_264 = arith.constant 20480 : i32
                %dma_wait3A_265 = tpu.memref_slice %arg9[%dma_wait3A_264] : memref<32768xf32, #tpu.memory_space<vmem>> -> memref<4096xf32, #tpu.memory_space<vmem>>
                %dma_wait3A_266 = arith.constant 0 : i32
                %dma_wait3A_267 = tpu.memref_slice %arg11[%dma_wait3A_266] : memref<133120xf32, #tpu.memory_space<vmem_shared>> -> memref<133120xf32, #tpu.memory_space<vmem_shared>>
                tpu.wait_indirect_dma semaphore(%run_scoped3A : memref<!tpu.dma_semaphore, #tpu.memory_space<semaphore_mem>>) src(%dma_wait3A_265 : memref<4096xf32, #tpu.memory_space<vmem>>) dst(%dma_wait3A_267 : memref<133120xf32, #tpu.memory_space<vmem_shared>>)
                tpu.yield
              }) : () -> ()
              %scan3A_254 = arith.constant 0 : i32
              %scan3A_255 = arith.constant 0 : i32
              %scan3A_256 = arith.constant 256 : i32
              %scan3A_257 = arith.addi %scan3A_255, %scan3A_256 : i32
              %scan3A_258 = arith.constant 1 : i32
              scf.for %scan3A_260 = %scan3A_255 to %scan3A_257 step %scan3A_258  : i32 {
                %mul3A_261 = arith.constant 16 : i32
                %mul3A_262 = arith.muli %scan3A_260, %mul3A_261 : i32
                %add3A_263 = arith.constant 20480 : i32
                %add3A_264 = arith.addi %add3A_263, %mul3A_262 : i32
                %swap3A_265 = arith.index_cast %add3A_264 : i32 to index
                %swap3A_266 = tpu.vector_load %arg9[%swap3A_265] {strides = array<i32>} : memref<32768xf32, #tpu.memory_space<vmem>>, vector<16xf32>,
                tpu.vector_store %arg9[%swap3A_265], %broadcast_in_dim3A_3 {strides = array<i32>} : memref<32768xf32, #tpu.memory_space<vmem>>, vector<16xf32>,
              }
              %scan3A_259 = arith.constant 256 : i32
            } else {
            }
            %gt3A_235 = arith.constant 24576 : i32
            %gt3A_236 = arith.cmpi sgt, %add3A_204, %gt3A_235 : i32
            %convert_element_type3A_237 = arith.extui %gt3A_236 : i1 to i32
            %cond3A_238 = arith.constant 0 : i32
            %cond3A_239 = arith.cmpi ne, %convert_element_type3A_237, %cond3A_238 : i32
            scf.if %cond3A_239 {
              %scan3A_248 = arith.constant 0 : i32
              %scan3A_249 = arith.constant 0 : i32
              %scan3A_250 = arith.constant 256 : i32
              %scan3A_251 = arith.addi %scan3A_249, %scan3A_250 : i32
              %scan3A_252 = arith.constant 1 : i32
              scf.for %scan3A_260 = %scan3A_249 to %scan3A_251 step %scan3A_252  : i32 {
                %add3A_261 = arith.constant 24576 : i32
                %add3A_262 = arith.addi %scan3A_174, %add3A_261 : i32
                %mul3A_263 = arith.constant 16 : i32
                %mul3A_264 = arith.muli %scan3A_260, %mul3A_263 : i32
                %add3A_265 = arith.addi %add3A_262, %mul3A_264 : i32
                %add3A_266 = vector.broadcast %add3A_265 : i32 to vector<16xi32>
                %add3A_267 = arith.addi %add3A_266, %iota3A : vector<16xi32>
                %mul3A_268 = arith.constant 16 : i32
                %mul3A_269 = arith.muli %scan3A_260, %mul3A_268 : i32
                %swap3A_270 = arith.index_cast %mul3A_269 : i32 to index
                %swap3A_271 = tpu.vector_load %arg10[%swap3A_270] {strides = array<i32>} : memref<4096xi32, #tpu.memory_space<vmem>>, vector<16xi32>,
                tpu.vector_store %arg10[%swap3A_270], %add3A_267 {strides = array<i32>} : memref<4096xi32, #tpu.memory_space<vmem>>, vector<16xi32>,
              }
              %scan3A_253 = arith.constant 256 : i32
              "tpu.region"() ({
                %run_scoped3A = tpu.sem_alloc : memref<!tpu.dma_semaphore, #tpu.memory_space<semaphore_mem>>
                %dma_start3A_260 = arith.constant 24576 : i32
                %dma_start3A_261 = tpu.memref_slice %arg9[%dma_start3A_260] : memref<32768xf32, #tpu.memory_space<vmem>> -> memref<4096xf32, #tpu.memory_space<vmem>>
                %dma_start3A_262 = arith.constant 0 : i32
                %dma_start3A_263 = tpu.memref_slice %arg11[%dma_start3A_262] : memref<133120xf32, #tpu.memory_space<vmem_shared>> -> memref<133120xf32, #tpu.memory_space<vmem_shared>>
                tpu.enqueue_indirect_dma source(%dma_start3A_261 : memref<4096xf32, #tpu.memory_space<vmem>>) target(%dma_start3A_263 : memref<133120xf32, #tpu.memory_space<vmem_shared>>) offsets(%arg10 : memref<4096xi32, #tpu.memory_space<vmem>>) semaphore(%run_scoped3A : memref<!tpu.dma_semaphore, #tpu.memory_space<semaphore_mem>>) {add = true}
                %dma_wait3A_264 = arith.constant 24576 : i32
                %dma_wait3A_265 = tpu.memref_slice %arg9[%dma_wait3A_264] : memref<32768xf32, #tpu.memory_space<vmem>> -> memref<4096xf32, #tpu.memory_space<vmem>>
                %dma_wait3A_266 = arith.constant 0 : i32
                %dma_wait3A_267 = tpu.memref_slice %arg11[%dma_wait3A_266] : memref<133120xf32, #tpu.memory_space<vmem_shared>> -> memref<133120xf32, #tpu.memory_space<vmem_shared>>
                tpu.wait_indirect_dma semaphore(%run_scoped3A : memref<!tpu.dma_semaphore, #tpu.memory_space<semaphore_mem>>) src(%dma_wait3A_265 : memref<4096xf32, #tpu.memory_space<vmem>>) dst(%dma_wait3A_267 : memref<133120xf32, #tpu.memory_space<vmem_shared>>)
                tpu.yield
              }) : () -> ()
              %scan3A_254 = arith.constant 0 : i32
              %scan3A_255 = arith.constant 0 : i32
              %scan3A_256 = arith.constant 256 : i32
              %scan3A_257 = arith.addi %scan3A_255, %scan3A_256 : i32
              %scan3A_258 = arith.constant 1 : i32
              scf.for %scan3A_260 = %scan3A_255 to %scan3A_257 step %scan3A_258  : i32 {
                %mul3A_261 = arith.constant 16 : i32
                %mul3A_262 = arith.muli %scan3A_260, %mul3A_261 : i32
                %add3A_263 = arith.constant 24576 : i32
                %add3A_264 = arith.addi %add3A_263, %mul3A_262 : i32
                %swap3A_265 = arith.index_cast %add3A_264 : i32 to index
                %swap3A_266 = tpu.vector_load %arg9[%swap3A_265] {strides = array<i32>} : memref<32768xf32, #tpu.memory_space<vmem>>, vector<16xf32>,
                tpu.vector_store %arg9[%swap3A_265], %broadcast_in_dim3A_3 {strides = array<i32>} : memref<32768xf32, #tpu.memory_space<vmem>>, vector<16xf32>,
              }
              %scan3A_259 = arith.constant 256 : i32
            } else {
            }
            %gt3A_240 = arith.constant 28672 : i32
            %gt3A_241 = arith.cmpi sgt, %add3A_204, %gt3A_240 : i32
            %convert_element_type3A_242 = arith.extui %gt3A_241 : i1 to i32
            %cond3A_243 = arith.constant 0 : i32
            %cond3A_244 = arith.cmpi ne, %convert_element_type3A_242, %cond3A_243 : i32
            scf.if %cond3A_244 {
              %scan3A_248 = arith.constant 0 : i32
              %scan3A_249 = arith.constant 0 : i32
              %scan3A_250 = arith.constant 256 : i32
              %scan3A_251 = arith.addi %scan3A_249, %scan3A_250 : i32
              %scan3A_252 = arith.constant 1 : i32
              scf.for %scan3A_260 = %scan3A_249 to %scan3A_251 step %scan3A_252  : i32 {
                %add3A_261 = arith.constant 28672 : i32
                %add3A_262 = arith.addi %scan3A_174, %add3A_261 : i32
                %mul3A_263 = arith.constant 16 : i32
                %mul3A_264 = arith.muli %scan3A_260, %mul3A_263 : i32
                %add3A_265 = arith.addi %add3A_262, %mul3A_264 : i32
                %add3A_266 = vector.broadcast %add3A_265 : i32 to vector<16xi32>
                %add3A_267 = arith.addi %add3A_266, %iota3A : vector<16xi32>
                %mul3A_268 = arith.constant 16 : i32
                %mul3A_269 = arith.muli %scan3A_260, %mul3A_268 : i32
                %swap3A_270 = arith.index_cast %mul3A_269 : i32 to index
                %swap3A_271 = tpu.vector_load %arg10[%swap3A_270] {strides = array<i32>} : memref<4096xi32, #tpu.memory_space<vmem>>, vector<16xi32>,
                tpu.vector_store %arg10[%swap3A_270], %add3A_267 {strides = array<i32>} : memref<4096xi32, #tpu.memory_space<vmem>>, vector<16xi32>,
              }
              %scan3A_253 = arith.constant 256 : i32
              "tpu.region"() ({
                %run_scoped3A = tpu.sem_alloc : memref<!tpu.dma_semaphore, #tpu.memory_space<semaphore_mem>>
                %dma_start3A_260 = arith.constant 28672 : i32
                %dma_start3A_261 = tpu.memref_slice %arg9[%dma_start3A_260] : memref<32768xf32, #tpu.memory_space<vmem>> -> memref<4096xf32, #tpu.memory_space<vmem>>
                %dma_start3A_262 = arith.constant 0 : i32
                %dma_start3A_263 = tpu.memref_slice %arg11[%dma_start3A_262] : memref<133120xf32, #tpu.memory_space<vmem_shared>> -> memref<133120xf32, #tpu.memory_space<vmem_shared>>
                tpu.enqueue_indirect_dma source(%dma_start3A_261 : memref<4096xf32, #tpu.memory_space<vmem>>) target(%dma_start3A_263 : memref<133120xf32, #tpu.memory_space<vmem_shared>>) offsets(%arg10 : memref<4096xi32, #tpu.memory_space<vmem>>) semaphore(%run_scoped3A : memref<!tpu.dma_semaphore, #tpu.memory_space<semaphore_mem>>) {add = true}
                %dma_wait3A_264 = arith.constant 28672 : i32
                %dma_wait3A_265 = tpu.memref_slice %arg9[%dma_wait3A_264] : memref<32768xf32, #tpu.memory_space<vmem>> -> memref<4096xf32, #tpu.memory_space<vmem>>
                %dma_wait3A_266 = arith.constant 0 : i32
                %dma_wait3A_267 = tpu.memref_slice %arg11[%dma_wait3A_266] : memref<133120xf32, #tpu.memory_space<vmem_shared>> -> memref<133120xf32, #tpu.memory_space<vmem_shared>>
                tpu.wait_indirect_dma semaphore(%run_scoped3A : memref<!tpu.dma_semaphore, #tpu.memory_space<semaphore_mem>>) src(%dma_wait3A_265 : memref<4096xf32, #tpu.memory_space<vmem>>) dst(%dma_wait3A_267 : memref<133120xf32, #tpu.memory_space<vmem_shared>>)
                tpu.yield
              }) : () -> ()
              %scan3A_254 = arith.constant 0 : i32
              %scan3A_255 = arith.constant 0 : i32
              %scan3A_256 = arith.constant 256 : i32
              %scan3A_257 = arith.addi %scan3A_255, %scan3A_256 : i32
              %scan3A_258 = arith.constant 1 : i32
              scf.for %scan3A_260 = %scan3A_255 to %scan3A_257 step %scan3A_258  : i32 {
                %mul3A_261 = arith.constant 16 : i32
                %mul3A_262 = arith.muli %scan3A_260, %mul3A_261 : i32
                %add3A_263 = arith.constant 28672 : i32
                %add3A_264 = arith.addi %add3A_263, %mul3A_262 : i32
                %swap3A_265 = arith.index_cast %add3A_264 : i32 to index
                %swap3A_266 = tpu.vector_load %arg9[%swap3A_265] {strides = array<i32>} : memref<32768xf32, #tpu.memory_space<vmem>>, vector<16xf32>,
                tpu.vector_store %arg9[%swap3A_265], %broadcast_in_dim3A_3 {strides = array<i32>} : memref<32768xf32, #tpu.memory_space<vmem>>, vector<16xf32>,
              }
              %scan3A_259 = arith.constant 256 : i32
            } else {
            }
            %slice3A_245 = vector.extract_strided_slice %get3A_178 {offsets = [0], sizes = [1], strides = [1]} : vector<16xi32> to vector<1xi32>
            %squeeze3A_246 = vector.extract %slice3A_245[0] : i32 from vector<1xi32>
            %and3A = arith.constant -128 : i32
            %and3A_247 = arith.andi %squeeze3A_246, %and3A : i32
            scf.yield %and3A_247 : i32
          } else {
            scf.yield %scan3A_174 : i32
          }
          %scan3A_192 = arith.constant 0 : i32
          %scan3A_193 = arith.constant 4 : i32
          %scan3A_194 = arith.addi %scan3A_192, %scan3A_193 : i32
          %scan3A_195 = arith.constant 1 : i32
          %scan3A_196 = scf.for %scan3A_198 = %scan3A_192 to %scan3A_194 step %scan3A_195 iter_args(%scan3A_199 = %cond3A_191) -> (i32)  : i32 {
            %sub3A_200 = vector.broadcast %scan3A_199 : i32 to vector<16xi32>
            %sub3A_201 = arith.subi %get3A_178, %sub3A_200 : vector<16xi32>
            %ge3A_202 = arith.constant 0 : i32
            %ge3A_203 = vector.broadcast %ge3A_202 : i32 to vector<16xi32>
            %ge3A_204 = arith.cmpi sge, %sub3A_201, %ge3A_203 : vector<16xi32>
            %lt3A_205 = arith.constant 32768 : i32
            %lt3A_206 = vector.broadcast %lt3A_205 : i32 to vector<16xi32>
            %lt3A_207 = arith.cmpi slt, %sub3A_201, %lt3A_206 : vector<16xi32>
            %and3A = arith.andi %ge3A_204, %lt3A_207 : vector<16xi1>
            %jit3A = arith.constant 0 : i32
            %jit3A_208 = arith.constant 32767 : i32
            %max3A = vector.broadcast %jit3A : i32 to vector<16xi32>
            %max3A_209 = arith.maxsi %max3A, %sub3A_201 : vector<16xi32>
            %min3A = vector.broadcast %jit3A_208 : i32 to vector<16xi32>
            %min3A_210 = arith.minsi %min3A, %max3A_209 : vector<16xi32>
            tpu.vector_store_idx %arg9[%min3A_210], %get3A_182 masked %and3A {add = true} : memref<32768xf32, #tpu.memory_space<vmem>>[vector<16xi32>], vector<16xf32>, vector<16xi1>
            %slice3A_211 = vector.extract_strided_slice %get3A_178 {offsets = [15], sizes = [1], strides = [1]} : vector<16xi32> to vector<1xi32>
            %squeeze3A_212 = vector.extract %slice3A_211[0] : i32 from vector<1xi32>
            %add3A_213 = arith.constant 32768 : i32
            %add3A_214 = arith.addi %scan3A_199, %add3A_213 : i32
            %ge3A_215 = arith.cmpi sge, %squeeze3A_212, %add3A_214 : i32
            %convert_element_type3A_216 = arith.extui %ge3A_215 : i1 to i32
            %cond3A_217 = arith.constant 0 : i32
            %cond3A_218 = arith.cmpi ne, %convert_element_type3A_216, %cond3A_217 : i32
            %cond3A_219 = scf.if %cond3A_218 -> (i32) {
              %add3A_220 = arith.constant 32768 : i32
              %add3A_221 = arith.addi %scan3A_199, %add3A_220 : i32
              %sub3A_222 = arith.constant 1 : i32
              %sub3A_223 = arith.subi %add3A_221, %sub3A_222 : i32
              %sub3A_224 = arith.subi %sub3A_223, %scan3A_199 : i32
              %add3A_225 = arith.constant 1 : i32
              %add3A_226 = arith.addi %sub3A_224, %add3A_225 : i32
              %gt3A_227 = arith.constant 0 : i32
              %gt3A_228 = arith.cmpi sgt, %add3A_226, %gt3A_227 : i32
              %convert_element_type3A_229 = arith.extui %gt3A_228 : i1 to i32
              %cond3A_230 = arith.constant 0 : i32
              %cond3A_231 = arith.cmpi ne, %convert_element_type3A_229, %cond3A_230 : i32
              scf.if %cond3A_231 {
                %scan3A_269 = arith.constant 0 : i32
                %scan3A_270 = arith.constant 0 : i32
                %scan3A_271 = arith.constant 256 : i32
                %scan3A_272 = arith.addi %scan3A_270, %scan3A_271 : i32
                %scan3A_273 = arith.constant 1 : i32
                scf.for %scan3A_281 = %scan3A_270 to %scan3A_272 step %scan3A_273  : i32 {
                  %add3A_282 = arith.constant 0 : i32
                  %add3A_283 = arith.addi %scan3A_199, %add3A_282 : i32
                  %mul3A_284 = arith.constant 16 : i32
                  %mul3A_285 = arith.muli %scan3A_281, %mul3A_284 : i32
                  %add3A_286 = arith.addi %add3A_283, %mul3A_285 : i32
                  %add3A_287 = vector.broadcast %add3A_286 : i32 to vector<16xi32>
                  %add3A_288 = arith.addi %add3A_287, %iota3A : vector<16xi32>
                  %mul3A_289 = arith.constant 16 : i32
                  %mul3A_290 = arith.muli %scan3A_281, %mul3A_289 : i32
                  %swap3A_291 = arith.index_cast %mul3A_290 : i32 to index
                  %swap3A_292 = tpu.vector_load %arg10[%swap3A_291] {strides = array<i32>} : memref<4096xi32, #tpu.memory_space<vmem>>, vector<16xi32>,
                  tpu.vector_store %arg10[%swap3A_291], %add3A_288 {strides = array<i32>} : memref<4096xi32, #tpu.memory_space<vmem>>, vector<16xi32>,
                }
                %scan3A_274 = arith.constant 256 : i32
                "tpu.region"() ({
                  %run_scoped3A = tpu.sem_alloc : memref<!tpu.dma_semaphore, #tpu.memory_space<semaphore_mem>>
                  %dma_start3A_281 = arith.constant 0 : i32
                  %dma_start3A_282 = tpu.memref_slice %arg9[%dma_start3A_281] : memref<32768xf32, #tpu.memory_space<vmem>> -> memref<4096xf32, #tpu.memory_space<vmem>>
                  %dma_start3A_283 = arith.constant 0 : i32
                  %dma_start3A_284 = tpu.memref_slice %arg11[%dma_start3A_283] : memref<133120xf32, #tpu.memory_space<vmem_shared>> -> memref<133120xf32, #tpu.memory_space<vmem_shared>>
                  tpu.enqueue_indirect_dma source(%dma_start3A_282 : memref<4096xf32, #tpu.memory_space<vmem>>) target(%dma_start3A_284 : memref<133120xf32, #tpu.memory_space<vmem_shared>>) offsets(%arg10 : memref<4096xi32, #tpu.memory_space<vmem>>) semaphore(%run_scoped3A : memref<!tpu.dma_semaphore, #tpu.memory_space<semaphore_mem>>) {add = true}
                  %dma_wait3A_285 = arith.constant 0 : i32
                  %dma_wait3A_286 = tpu.memref_slice %arg9[%dma_wait3A_285] : memref<32768xf32, #tpu.memory_space<vmem>> -> memref<4096xf32, #tpu.memory_space<vmem>>
                  %dma_wait3A_287 = arith.constant 0 : i32
                  %dma_wait3A_288 = tpu.memref_slice %arg11[%dma_wait3A_287] : memref<133120xf32, #tpu.memory_space<vmem_shared>> -> memref<133120xf32, #tpu.memory_space<vmem_shared>>
                  tpu.wait_indirect_dma semaphore(%run_scoped3A : memref<!tpu.dma_semaphore, #tpu.memory_space<semaphore_mem>>) src(%dma_wait3A_286 : memref<4096xf32, #tpu.memory_space<vmem>>) dst(%dma_wait3A_288 : memref<133120xf32, #tpu.memory_space<vmem_shared>>)
                  tpu.yield
                }) : () -> ()
                %scan3A_275 = arith.constant 0 : i32
                %scan3A_276 = arith.constant 0 : i32
                %scan3A_277 = arith.constant 256 : i32
                %scan3A_278 = arith.addi %scan3A_276, %scan3A_277 : i32
                %scan3A_279 = arith.constant 1 : i32
                scf.for %scan3A_281 = %scan3A_276 to %scan3A_278 step %scan3A_279  : i32 {
                  %mul3A_282 = arith.constant 16 : i32
                  %mul3A_283 = arith.muli %scan3A_281, %mul3A_282 : i32
                  %add3A_284 = arith.constant 0 : i32
                  %add3A_285 = arith.addi %add3A_284, %mul3A_283 : i32
                  %swap3A_286 = arith.index_cast %add3A_285 : i32 to index
                  %swap3A_287 = tpu.vector_load %arg9[%swap3A_286] {strides = array<i32>} : memref<32768xf32, #tpu.memory_space<vmem>>, vector<16xf32>,
                  tpu.vector_store %arg9[%swap3A_286], %broadcast_in_dim3A_3 {strides = array<i32>} : memref<32768xf32, #tpu.memory_space<vmem>>, vector<16xf32>,
                }
                %scan3A_280 = arith.constant 256 : i32
              } else {
              }
              %gt3A_232 = arith.constant 4096 : i32
              %gt3A_233 = arith.cmpi sgt, %add3A_226, %gt3A_232 : i32
              %convert_element_type3A_234 = arith.extui %gt3A_233 : i1 to i32
              %cond3A_235 = arith.constant 0 : i32
              %cond3A_236 = arith.cmpi ne, %convert_element_type3A_234, %cond3A_235 : i32
              scf.if %cond3A_236 {
                %scan3A_269 = arith.constant 0 : i32
                %scan3A_270 = arith.constant 0 : i32
                %scan3A_271 = arith.constant 256 : i32
                %scan3A_272 = arith.addi %scan3A_270, %scan3A_271 : i32
                %scan3A_273 = arith.constant 1 : i32
                scf.for %scan3A_281 = %scan3A_270 to %scan3A_272 step %scan3A_273  : i32 {
                  %add3A_282 = arith.constant 4096 : i32
                  %add3A_283 = arith.addi %scan3A_199, %add3A_282 : i32
                  %mul3A_284 = arith.constant 16 : i32
                  %mul3A_285 = arith.muli %scan3A_281, %mul3A_284 : i32
                  %add3A_286 = arith.addi %add3A_283, %mul3A_285 : i32
                  %add3A_287 = vector.broadcast %add3A_286 : i32 to vector<16xi32>
                  %add3A_288 = arith.addi %add3A_287, %iota3A : vector<16xi32>
                  %mul3A_289 = arith.constant 16 : i32
                  %mul3A_290 = arith.muli %scan3A_281, %mul3A_289 : i32
                  %swap3A_291 = arith.index_cast %mul3A_290 : i32 to index
                  %swap3A_292 = tpu.vector_load %arg10[%swap3A_291] {strides = array<i32>} : memref<4096xi32, #tpu.memory_space<vmem>>, vector<16xi32>,
                  tpu.vector_store %arg10[%swap3A_291], %add3A_288 {strides = array<i32>} : memref<4096xi32, #tpu.memory_space<vmem>>, vector<16xi32>,
                }
                %scan3A_274 = arith.constant 256 : i32
                "tpu.region"() ({
                  %run_scoped3A = tpu.sem_alloc : memref<!tpu.dma_semaphore, #tpu.memory_space<semaphore_mem>>
                  %dma_start3A_281 = arith.constant 4096 : i32
                  %dma_start3A_282 = tpu.memref_slice %arg9[%dma_start3A_281] : memref<32768xf32, #tpu.memory_space<vmem>> -> memref<4096xf32, #tpu.memory_space<vmem>>
                  %dma_start3A_283 = arith.constant 0 : i32
                  %dma_start3A_284 = tpu.memref_slice %arg11[%dma_start3A_283] : memref<133120xf32, #tpu.memory_space<vmem_shared>> -> memref<133120xf32, #tpu.memory_space<vmem_shared>>
                  tpu.enqueue_indirect_dma source(%dma_start3A_282 : memref<4096xf32, #tpu.memory_space<vmem>>) target(%dma_start3A_284 : memref<133120xf32, #tpu.memory_space<vmem_shared>>) offsets(%arg10 : memref<4096xi32, #tpu.memory_space<vmem>>) semaphore(%run_scoped3A : memref<!tpu.dma_semaphore, #tpu.memory_space<semaphore_mem>>) {add = true}
                  %dma_wait3A_285 = arith.constant 4096 : i32
                  %dma_wait3A_286 = tpu.memref_slice %arg9[%dma_wait3A_285] : memref<32768xf32, #tpu.memory_space<vmem>> -> memref<4096xf32, #tpu.memory_space<vmem>>
                  %dma_wait3A_287 = arith.constant 0 : i32
                  %dma_wait3A_288 = tpu.memref_slice %arg11[%dma_wait3A_287] : memref<133120xf32, #tpu.memory_space<vmem_shared>> -> memref<133120xf32, #tpu.memory_space<vmem_shared>>
                  tpu.wait_indirect_dma semaphore(%run_scoped3A : memref<!tpu.dma_semaphore, #tpu.memory_space<semaphore_mem>>) src(%dma_wait3A_286 : memref<4096xf32, #tpu.memory_space<vmem>>) dst(%dma_wait3A_288 : memref<133120xf32, #tpu.memory_space<vmem_shared>>)
                  tpu.yield
                }) : () -> ()
                %scan3A_275 = arith.constant 0 : i32
                %scan3A_276 = arith.constant 0 : i32
                %scan3A_277 = arith.constant 256 : i32
                %scan3A_278 = arith.addi %scan3A_276, %scan3A_277 : i32
                %scan3A_279 = arith.constant 1 : i32
                scf.for %scan3A_281 = %scan3A_276 to %scan3A_278 step %scan3A_279  : i32 {
                  %mul3A_282 = arith.constant 16 : i32
                  %mul3A_283 = arith.muli %scan3A_281, %mul3A_282 : i32
                  %add3A_284 = arith.constant 4096 : i32
                  %add3A_285 = arith.addi %add3A_284, %mul3A_283 : i32
                  %swap3A_286 = arith.index_cast %add3A_285 : i32 to index
                  %swap3A_287 = tpu.vector_load %arg9[%swap3A_286] {strides = array<i32>} : memref<32768xf32, #tpu.memory_space<vmem>>, vector<16xf32>,
                  tpu.vector_store %arg9[%swap3A_286], %broadcast_in_dim3A_3 {strides = array<i32>} : memref<32768xf32, #tpu.memory_space<vmem>>, vector<16xf32>,
                }
                %scan3A_280 = arith.constant 256 : i32
              } else {
              }
              %gt3A_237 = arith.constant 8192 : i32
              %gt3A_238 = arith.cmpi sgt, %add3A_226, %gt3A_237 : i32
              %convert_element_type3A_239 = arith.extui %gt3A_238 : i1 to i32
              %cond3A_240 = arith.constant 0 : i32
              %cond3A_241 = arith.cmpi ne, %convert_element_type3A_239, %cond3A_240 : i32
              scf.if %cond3A_241 {
                %scan3A_269 = arith.constant 0 : i32
                %scan3A_270 = arith.constant 0 : i32
                %scan3A_271 = arith.constant 256 : i32
                %scan3A_272 = arith.addi %scan3A_270, %scan3A_271 : i32
                %scan3A_273 = arith.constant 1 : i32
                scf.for %scan3A_281 = %scan3A_270 to %scan3A_272 step %scan3A_273  : i32 {
                  %add3A_282 = arith.constant 8192 : i32
                  %add3A_283 = arith.addi %scan3A_199, %add3A_282 : i32
                  %mul3A_284 = arith.constant 16 : i32
                  %mul3A_285 = arith.muli %scan3A_281, %mul3A_284 : i32
                  %add3A_286 = arith.addi %add3A_283, %mul3A_285 : i32
                  %add3A_287 = vector.broadcast %add3A_286 : i32 to vector<16xi32>
                  %add3A_288 = arith.addi %add3A_287, %iota3A : vector<16xi32>
                  %mul3A_289 = arith.constant 16 : i32
                  %mul3A_290 = arith.muli %scan3A_281, %mul3A_289 : i32
                  %swap3A_291 = arith.index_cast %mul3A_290 : i32 to index
                  %swap3A_292 = tpu.vector_load %arg10[%swap3A_291] {strides = array<i32>} : memref<4096xi32, #tpu.memory_space<vmem>>, vector<16xi32>,
                  tpu.vector_store %arg10[%swap3A_291], %add3A_288 {strides = array<i32>} : memref<4096xi32, #tpu.memory_space<vmem>>, vector<16xi32>,
                }
                %scan3A_274 = arith.constant 256 : i32
                "tpu.region"() ({
                  %run_scoped3A = tpu.sem_alloc : memref<!tpu.dma_semaphore, #tpu.memory_space<semaphore_mem>>
                  %dma_start3A_281 = arith.constant 8192 : i32
                  %dma_start3A_282 = tpu.memref_slice %arg9[%dma_start3A_281] : memref<32768xf32, #tpu.memory_space<vmem>> -> memref<4096xf32, #tpu.memory_space<vmem>>
                  %dma_start3A_283 = arith.constant 0 : i32
                  %dma_start3A_284 = tpu.memref_slice %arg11[%dma_start3A_283] : memref<133120xf32, #tpu.memory_space<vmem_shared>> -> memref<133120xf32, #tpu.memory_space<vmem_shared>>
                  tpu.enqueue_indirect_dma source(%dma_start3A_282 : memref<4096xf32, #tpu.memory_space<vmem>>) target(%dma_start3A_284 : memref<133120xf32, #tpu.memory_space<vmem_shared>>) offsets(%arg10 : memref<4096xi32, #tpu.memory_space<vmem>>) semaphore(%run_scoped3A : memref<!tpu.dma_semaphore, #tpu.memory_space<semaphore_mem>>) {add = true}
                  %dma_wait3A_285 = arith.constant 8192 : i32
                  %dma_wait3A_286 = tpu.memref_slice %arg9[%dma_wait3A_285] : memref<32768xf32, #tpu.memory_space<vmem>> -> memref<4096xf32, #tpu.memory_space<vmem>>
                  %dma_wait3A_287 = arith.constant 0 : i32
                  %dma_wait3A_288 = tpu.memref_slice %arg11[%dma_wait3A_287] : memref<133120xf32, #tpu.memory_space<vmem_shared>> -> memref<133120xf32, #tpu.memory_space<vmem_shared>>
                  tpu.wait_indirect_dma semaphore(%run_scoped3A : memref<!tpu.dma_semaphore, #tpu.memory_space<semaphore_mem>>) src(%dma_wait3A_286 : memref<4096xf32, #tpu.memory_space<vmem>>) dst(%dma_wait3A_288 : memref<133120xf32, #tpu.memory_space<vmem_shared>>)
                  tpu.yield
                }) : () -> ()
                %scan3A_275 = arith.constant 0 : i32
                %scan3A_276 = arith.constant 0 : i32
                %scan3A_277 = arith.constant 256 : i32
                %scan3A_278 = arith.addi %scan3A_276, %scan3A_277 : i32
                %scan3A_279 = arith.constant 1 : i32
                scf.for %scan3A_281 = %scan3A_276 to %scan3A_278 step %scan3A_279  : i32 {
                  %mul3A_282 = arith.constant 16 : i32
                  %mul3A_283 = arith.muli %scan3A_281, %mul3A_282 : i32
                  %add3A_284 = arith.constant 8192 : i32
                  %add3A_285 = arith.addi %add3A_284, %mul3A_283 : i32
                  %swap3A_286 = arith.index_cast %add3A_285 : i32 to index
                  %swap3A_287 = tpu.vector_load %arg9[%swap3A_286] {strides = array<i32>} : memref<32768xf32, #tpu.memory_space<vmem>>, vector<16xf32>,
                  tpu.vector_store %arg9[%swap3A_286], %broadcast_in_dim3A_3 {strides = array<i32>} : memref<32768xf32, #tpu.memory_space<vmem>>, vector<16xf32>,
                }
                %scan3A_280 = arith.constant 256 : i32
              } else {
              }
              %gt3A_242 = arith.constant 12288 : i32
              %gt3A_243 = arith.cmpi sgt, %add3A_226, %gt3A_242 : i32
              %convert_element_type3A_244 = arith.extui %gt3A_243 : i1 to i32
              %cond3A_245 = arith.constant 0 : i32
              %cond3A_246 = arith.cmpi ne, %convert_element_type3A_244, %cond3A_245 : i32
              scf.if %cond3A_246 {
                %scan3A_269 = arith.constant 0 : i32
                %scan3A_270 = arith.constant 0 : i32
                %scan3A_271 = arith.constant 256 : i32
                %scan3A_272 = arith.addi %scan3A_270, %scan3A_271 : i32
                %scan3A_273 = arith.constant 1 : i32
                scf.for %scan3A_281 = %scan3A_270 to %scan3A_272 step %scan3A_273  : i32 {
                  %add3A_282 = arith.constant 12288 : i32
                  %add3A_283 = arith.addi %scan3A_199, %add3A_282 : i32
                  %mul3A_284 = arith.constant 16 : i32
                  %mul3A_285 = arith.muli %scan3A_281, %mul3A_284 : i32
                  %add3A_286 = arith.addi %add3A_283, %mul3A_285 : i32
                  %add3A_287 = vector.broadcast %add3A_286 : i32 to vector<16xi32>
                  %add3A_288 = arith.addi %add3A_287, %iota3A : vector<16xi32>
                  %mul3A_289 = arith.constant 16 : i32
                  %mul3A_290 = arith.muli %scan3A_281, %mul3A_289 : i32
                  %swap3A_291 = arith.index_cast %mul3A_290 : i32 to index
                  %swap3A_292 = tpu.vector_load %arg10[%swap3A_291] {strides = array<i32>} : memref<4096xi32, #tpu.memory_space<vmem>>, vector<16xi32>,
                  tpu.vector_store %arg10[%swap3A_291], %add3A_288 {strides = array<i32>} : memref<4096xi32, #tpu.memory_space<vmem>>, vector<16xi32>,
                }
                %scan3A_274 = arith.constant 256 : i32
                "tpu.region"() ({
                  %run_scoped3A = tpu.sem_alloc : memref<!tpu.dma_semaphore, #tpu.memory_space<semaphore_mem>>
                  %dma_start3A_281 = arith.constant 12288 : i32
                  %dma_start3A_282 = tpu.memref_slice %arg9[%dma_start3A_281] : memref<32768xf32, #tpu.memory_space<vmem>> -> memref<4096xf32, #tpu.memory_space<vmem>>
                  %dma_start3A_283 = arith.constant 0 : i32
                  %dma_start3A_284 = tpu.memref_slice %arg11[%dma_start3A_283] : memref<133120xf32, #tpu.memory_space<vmem_shared>> -> memref<133120xf32, #tpu.memory_space<vmem_shared>>
                  tpu.enqueue_indirect_dma source(%dma_start3A_282 : memref<4096xf32, #tpu.memory_space<vmem>>) target(%dma_start3A_284 : memref<133120xf32, #tpu.memory_space<vmem_shared>>) offsets(%arg10 : memref<4096xi32, #tpu.memory_space<vmem>>) semaphore(%run_scoped3A : memref<!tpu.dma_semaphore, #tpu.memory_space<semaphore_mem>>) {add = true}
                  %dma_wait3A_285 = arith.constant 12288 : i32
                  %dma_wait3A_286 = tpu.memref_slice %arg9[%dma_wait3A_285] : memref<32768xf32, #tpu.memory_space<vmem>> -> memref<4096xf32, #tpu.memory_space<vmem>>
                  %dma_wait3A_287 = arith.constant 0 : i32
                  %dma_wait3A_288 = tpu.memref_slice %arg11[%dma_wait3A_287] : memref<133120xf32, #tpu.memory_space<vmem_shared>> -> memref<133120xf32, #tpu.memory_space<vmem_shared>>
                  tpu.wait_indirect_dma semaphore(%run_scoped3A : memref<!tpu.dma_semaphore, #tpu.memory_space<semaphore_mem>>) src(%dma_wait3A_286 : memref<4096xf32, #tpu.memory_space<vmem>>) dst(%dma_wait3A_288 : memref<133120xf32, #tpu.memory_space<vmem_shared>>)
                  tpu.yield
                }) : () -> ()
                %scan3A_275 = arith.constant 0 : i32
                %scan3A_276 = arith.constant 0 : i32
                %scan3A_277 = arith.constant 256 : i32
                %scan3A_278 = arith.addi %scan3A_276, %scan3A_277 : i32
                %scan3A_279 = arith.constant 1 : i32
                scf.for %scan3A_281 = %scan3A_276 to %scan3A_278 step %scan3A_279  : i32 {
                  %mul3A_282 = arith.constant 16 : i32
                  %mul3A_283 = arith.muli %scan3A_281, %mul3A_282 : i32
                  %add3A_284 = arith.constant 12288 : i32
                  %add3A_285 = arith.addi %add3A_284, %mul3A_283 : i32
                  %swap3A_286 = arith.index_cast %add3A_285 : i32 to index
                  %swap3A_287 = tpu.vector_load %arg9[%swap3A_286] {strides = array<i32>} : memref<32768xf32, #tpu.memory_space<vmem>>, vector<16xf32>,
                  tpu.vector_store %arg9[%swap3A_286], %broadcast_in_dim3A_3 {strides = array<i32>} : memref<32768xf32, #tpu.memory_space<vmem>>, vector<16xf32>,
                }
                %scan3A_280 = arith.constant 256 : i32
              } else {
              }
              %gt3A_247 = arith.constant 16384 : i32
              %gt3A_248 = arith.cmpi sgt, %add3A_226, %gt3A_247 : i32
              %convert_element_type3A_249 = arith.extui %gt3A_248 : i1 to i32
              %cond3A_250 = arith.constant 0 : i32
              %cond3A_251 = arith.cmpi ne, %convert_element_type3A_249, %cond3A_250 : i32
              scf.if %cond3A_251 {
                %scan3A_269 = arith.constant 0 : i32
                %scan3A_270 = arith.constant 0 : i32
                %scan3A_271 = arith.constant 256 : i32
                %scan3A_272 = arith.addi %scan3A_270, %scan3A_271 : i32
                %scan3A_273 = arith.constant 1 : i32
                scf.for %scan3A_281 = %scan3A_270 to %scan3A_272 step %scan3A_273  : i32 {
                  %add3A_282 = arith.constant 16384 : i32
                  %add3A_283 = arith.addi %scan3A_199, %add3A_282 : i32
                  %mul3A_284 = arith.constant 16 : i32
                  %mul3A_285 = arith.muli %scan3A_281, %mul3A_284 : i32
                  %add3A_286 = arith.addi %add3A_283, %mul3A_285 : i32
                  %add3A_287 = vector.broadcast %add3A_286 : i32 to vector<16xi32>
                  %add3A_288 = arith.addi %add3A_287, %iota3A : vector<16xi32>
                  %mul3A_289 = arith.constant 16 : i32
                  %mul3A_290 = arith.muli %scan3A_281, %mul3A_289 : i32
                  %swap3A_291 = arith.index_cast %mul3A_290 : i32 to index
                  %swap3A_292 = tpu.vector_load %arg10[%swap3A_291] {strides = array<i32>} : memref<4096xi32, #tpu.memory_space<vmem>>, vector<16xi32>,
                  tpu.vector_store %arg10[%swap3A_291], %add3A_288 {strides = array<i32>} : memref<4096xi32, #tpu.memory_space<vmem>>, vector<16xi32>,
                }
                %scan3A_274 = arith.constant 256 : i32
                "tpu.region"() ({
                  %run_scoped3A = tpu.sem_alloc : memref<!tpu.dma_semaphore, #tpu.memory_space<semaphore_mem>>
                  %dma_start3A_281 = arith.constant 16384 : i32
                  %dma_start3A_282 = tpu.memref_slice %arg9[%dma_start3A_281] : memref<32768xf32, #tpu.memory_space<vmem>> -> memref<4096xf32, #tpu.memory_space<vmem>>
                  %dma_start3A_283 = arith.constant 0 : i32
                  %dma_start3A_284 = tpu.memref_slice %arg11[%dma_start3A_283] : memref<133120xf32, #tpu.memory_space<vmem_shared>> -> memref<133120xf32, #tpu.memory_space<vmem_shared>>
                  tpu.enqueue_indirect_dma source(%dma_start3A_282 : memref<4096xf32, #tpu.memory_space<vmem>>) target(%dma_start3A_284 : memref<133120xf32, #tpu.memory_space<vmem_shared>>) offsets(%arg10 : memref<4096xi32, #tpu.memory_space<vmem>>) semaphore(%run_scoped3A : memref<!tpu.dma_semaphore, #tpu.memory_space<semaphore_mem>>) {add = true}
                  %dma_wait3A_285 = arith.constant 16384 : i32
                  %dma_wait3A_286 = tpu.memref_slice %arg9[%dma_wait3A_285] : memref<32768xf32, #tpu.memory_space<vmem>> -> memref<4096xf32, #tpu.memory_space<vmem>>
                  %dma_wait3A_287 = arith.constant 0 : i32
                  %dma_wait3A_288 = tpu.memref_slice %arg11[%dma_wait3A_287] : memref<133120xf32, #tpu.memory_space<vmem_shared>> -> memref<133120xf32, #tpu.memory_space<vmem_shared>>
                  tpu.wait_indirect_dma semaphore(%run_scoped3A : memref<!tpu.dma_semaphore, #tpu.memory_space<semaphore_mem>>) src(%dma_wait3A_286 : memref<4096xf32, #tpu.memory_space<vmem>>) dst(%dma_wait3A_288 : memref<133120xf32, #tpu.memory_space<vmem_shared>>)
                  tpu.yield
                }) : () -> ()
                %scan3A_275 = arith.constant 0 : i32
                %scan3A_276 = arith.constant 0 : i32
                %scan3A_277 = arith.constant 256 : i32
                %scan3A_278 = arith.addi %scan3A_276, %scan3A_277 : i32
                %scan3A_279 = arith.constant 1 : i32
                scf.for %scan3A_281 = %scan3A_276 to %scan3A_278 step %scan3A_279  : i32 {
                  %mul3A_282 = arith.constant 16 : i32
                  %mul3A_283 = arith.muli %scan3A_281, %mul3A_282 : i32
                  %add3A_284 = arith.constant 16384 : i32
                  %add3A_285 = arith.addi %add3A_284, %mul3A_283 : i32
                  %swap3A_286 = arith.index_cast %add3A_285 : i32 to index
                  %swap3A_287 = tpu.vector_load %arg9[%swap3A_286] {strides = array<i32>} : memref<32768xf32, #tpu.memory_space<vmem>>, vector<16xf32>,
                  tpu.vector_store %arg9[%swap3A_286], %broadcast_in_dim3A_3 {strides = array<i32>} : memref<32768xf32, #tpu.memory_space<vmem>>, vector<16xf32>,
                }
                %scan3A_280 = arith.constant 256 : i32
              } else {
              }
              %gt3A_252 = arith.constant 20480 : i32
              %gt3A_253 = arith.cmpi sgt, %add3A_226, %gt3A_252 : i32
              %convert_element_type3A_254 = arith.extui %gt3A_253 : i1 to i32
              %cond3A_255 = arith.constant 0 : i32
              %cond3A_256 = arith.cmpi ne, %convert_element_type3A_254, %cond3A_255 : i32
              scf.if %cond3A_256 {
                %scan3A_269 = arith.constant 0 : i32
                %scan3A_270 = arith.constant 0 : i32
                %scan3A_271 = arith.constant 256 : i32
                %scan3A_272 = arith.addi %scan3A_270, %scan3A_271 : i32
                %scan3A_273 = arith.constant 1 : i32
                scf.for %scan3A_281 = %scan3A_270 to %scan3A_272 step %scan3A_273  : i32 {
                  %add3A_282 = arith.constant 20480 : i32
                  %add3A_283 = arith.addi %scan3A_199, %add3A_282 : i32
                  %mul3A_284 = arith.constant 16 : i32
                  %mul3A_285 = arith.muli %scan3A_281, %mul3A_284 : i32
                  %add3A_286 = arith.addi %add3A_283, %mul3A_285 : i32
                  %add3A_287 = vector.broadcast %add3A_286 : i32 to vector<16xi32>
                  %add3A_288 = arith.addi %add3A_287, %iota3A : vector<16xi32>
                  %mul3A_289 = arith.constant 16 : i32
                  %mul3A_290 = arith.muli %scan3A_281, %mul3A_289 : i32
                  %swap3A_291 = arith.index_cast %mul3A_290 : i32 to index
                  %swap3A_292 = tpu.vector_load %arg10[%swap3A_291] {strides = array<i32>} : memref<4096xi32, #tpu.memory_space<vmem>>, vector<16xi32>,
                  tpu.vector_store %arg10[%swap3A_291], %add3A_288 {strides = array<i32>} : memref<4096xi32, #tpu.memory_space<vmem>>, vector<16xi32>,
                }
                %scan3A_274 = arith.constant 256 : i32
                "tpu.region"() ({
                  %run_scoped3A = tpu.sem_alloc : memref<!tpu.dma_semaphore, #tpu.memory_space<semaphore_mem>>
                  %dma_start3A_281 = arith.constant 20480 : i32
                  %dma_start3A_282 = tpu.memref_slice %arg9[%dma_start3A_281] : memref<32768xf32, #tpu.memory_space<vmem>> -> memref<4096xf32, #tpu.memory_space<vmem>>
                  %dma_start3A_283 = arith.constant 0 : i32
                  %dma_start3A_284 = tpu.memref_slice %arg11[%dma_start3A_283] : memref<133120xf32, #tpu.memory_space<vmem_shared>> -> memref<133120xf32, #tpu.memory_space<vmem_shared>>
                  tpu.enqueue_indirect_dma source(%dma_start3A_282 : memref<4096xf32, #tpu.memory_space<vmem>>) target(%dma_start3A_284 : memref<133120xf32, #tpu.memory_space<vmem_shared>>) offsets(%arg10 : memref<4096xi32, #tpu.memory_space<vmem>>) semaphore(%run_scoped3A : memref<!tpu.dma_semaphore, #tpu.memory_space<semaphore_mem>>) {add = true}
                  %dma_wait3A_285 = arith.constant 20480 : i32
                  %dma_wait3A_286 = tpu.memref_slice %arg9[%dma_wait3A_285] : memref<32768xf32, #tpu.memory_space<vmem>> -> memref<4096xf32, #tpu.memory_space<vmem>>
                  %dma_wait3A_287 = arith.constant 0 : i32
                  %dma_wait3A_288 = tpu.memref_slice %arg11[%dma_wait3A_287] : memref<133120xf32, #tpu.memory_space<vmem_shared>> -> memref<133120xf32, #tpu.memory_space<vmem_shared>>
                  tpu.wait_indirect_dma semaphore(%run_scoped3A : memref<!tpu.dma_semaphore, #tpu.memory_space<semaphore_mem>>) src(%dma_wait3A_286 : memref<4096xf32, #tpu.memory_space<vmem>>) dst(%dma_wait3A_288 : memref<133120xf32, #tpu.memory_space<vmem_shared>>)
                  tpu.yield
                }) : () -> ()
                %scan3A_275 = arith.constant 0 : i32
                %scan3A_276 = arith.constant 0 : i32
                %scan3A_277 = arith.constant 256 : i32
                %scan3A_278 = arith.addi %scan3A_276, %scan3A_277 : i32
                %scan3A_279 = arith.constant 1 : i32
                scf.for %scan3A_281 = %scan3A_276 to %scan3A_278 step %scan3A_279  : i32 {
                  %mul3A_282 = arith.constant 16 : i32
                  %mul3A_283 = arith.muli %scan3A_281, %mul3A_282 : i32
                  %add3A_284 = arith.constant 20480 : i32
                  %add3A_285 = arith.addi %add3A_284, %mul3A_283 : i32
                  %swap3A_286 = arith.index_cast %add3A_285 : i32 to index
                  %swap3A_287 = tpu.vector_load %arg9[%swap3A_286] {strides = array<i32>} : memref<32768xf32, #tpu.memory_space<vmem>>, vector<16xf32>,
                  tpu.vector_store %arg9[%swap3A_286], %broadcast_in_dim3A_3 {strides = array<i32>} : memref<32768xf32, #tpu.memory_space<vmem>>, vector<16xf32>,
                }
                %scan3A_280 = arith.constant 256 : i32
              } else {
              }
              %gt3A_257 = arith.constant 24576 : i32
              %gt3A_258 = arith.cmpi sgt, %add3A_226, %gt3A_257 : i32
              %convert_element_type3A_259 = arith.extui %gt3A_258 : i1 to i32
              %cond3A_260 = arith.constant 0 : i32
              %cond3A_261 = arith.cmpi ne, %convert_element_type3A_259, %cond3A_260 : i32
              scf.if %cond3A_261 {
                %scan3A_269 = arith.constant 0 : i32
                %scan3A_270 = arith.constant 0 : i32
                %scan3A_271 = arith.constant 256 : i32
                %scan3A_272 = arith.addi %scan3A_270, %scan3A_271 : i32
                %scan3A_273 = arith.constant 1 : i32
                scf.for %scan3A_281 = %scan3A_270 to %scan3A_272 step %scan3A_273  : i32 {
                  %add3A_282 = arith.constant 24576 : i32
                  %add3A_283 = arith.addi %scan3A_199, %add3A_282 : i32
                  %mul3A_284 = arith.constant 16 : i32
                  %mul3A_285 = arith.muli %scan3A_281, %mul3A_284 : i32
                  %add3A_286 = arith.addi %add3A_283, %mul3A_285 : i32
                  %add3A_287 = vector.broadcast %add3A_286 : i32 to vector<16xi32>
                  %add3A_288 = arith.addi %add3A_287, %iota3A : vector<16xi32>
                  %mul3A_289 = arith.constant 16 : i32
                  %mul3A_290 = arith.muli %scan3A_281, %mul3A_289 : i32
                  %swap3A_291 = arith.index_cast %mul3A_290 : i32 to index
                  %swap3A_292 = tpu.vector_load %arg10[%swap3A_291] {strides = array<i32>} : memref<4096xi32, #tpu.memory_space<vmem>>, vector<16xi32>,
                  tpu.vector_store %arg10[%swap3A_291], %add3A_288 {strides = array<i32>} : memref<4096xi32, #tpu.memory_space<vmem>>, vector<16xi32>,
                }
                %scan3A_274 = arith.constant 256 : i32
                "tpu.region"() ({
                  %run_scoped3A = tpu.sem_alloc : memref<!tpu.dma_semaphore, #tpu.memory_space<semaphore_mem>>
                  %dma_start3A_281 = arith.constant 24576 : i32
                  %dma_start3A_282 = tpu.memref_slice %arg9[%dma_start3A_281] : memref<32768xf32, #tpu.memory_space<vmem>> -> memref<4096xf32, #tpu.memory_space<vmem>>
                  %dma_start3A_283 = arith.constant 0 : i32
                  %dma_start3A_284 = tpu.memref_slice %arg11[%dma_start3A_283] : memref<133120xf32, #tpu.memory_space<vmem_shared>> -> memref<133120xf32, #tpu.memory_space<vmem_shared>>
                  tpu.enqueue_indirect_dma source(%dma_start3A_282 : memref<4096xf32, #tpu.memory_space<vmem>>) target(%dma_start3A_284 : memref<133120xf32, #tpu.memory_space<vmem_shared>>) offsets(%arg10 : memref<4096xi32, #tpu.memory_space<vmem>>) semaphore(%run_scoped3A : memref<!tpu.dma_semaphore, #tpu.memory_space<semaphore_mem>>) {add = true}
                  %dma_wait3A_285 = arith.constant 24576 : i32
                  %dma_wait3A_286 = tpu.memref_slice %arg9[%dma_wait3A_285] : memref<32768xf32, #tpu.memory_space<vmem>> -> memref<4096xf32, #tpu.memory_space<vmem>>
                  %dma_wait3A_287 = arith.constant 0 : i32
                  %dma_wait3A_288 = tpu.memref_slice %arg11[%dma_wait3A_287] : memref<133120xf32, #tpu.memory_space<vmem_shared>> -> memref<133120xf32, #tpu.memory_space<vmem_shared>>
                  tpu.wait_indirect_dma semaphore(%run_scoped3A : memref<!tpu.dma_semaphore, #tpu.memory_space<semaphore_mem>>) src(%dma_wait3A_286 : memref<4096xf32, #tpu.memory_space<vmem>>) dst(%dma_wait3A_288 : memref<133120xf32, #tpu.memory_space<vmem_shared>>)
                  tpu.yield
                }) : () -> ()
                %scan3A_275 = arith.constant 0 : i32
                %scan3A_276 = arith.constant 0 : i32
                %scan3A_277 = arith.constant 256 : i32
                %scan3A_278 = arith.addi %scan3A_276, %scan3A_277 : i32
                %scan3A_279 = arith.constant 1 : i32
                scf.for %scan3A_281 = %scan3A_276 to %scan3A_278 step %scan3A_279  : i32 {
                  %mul3A_282 = arith.constant 16 : i32
                  %mul3A_283 = arith.muli %scan3A_281, %mul3A_282 : i32
                  %add3A_284 = arith.constant 24576 : i32
                  %add3A_285 = arith.addi %add3A_284, %mul3A_283 : i32
                  %swap3A_286 = arith.index_cast %add3A_285 : i32 to index
                  %swap3A_287 = tpu.vector_load %arg9[%swap3A_286] {strides = array<i32>} : memref<32768xf32, #tpu.memory_space<vmem>>, vector<16xf32>,
                  tpu.vector_store %arg9[%swap3A_286], %broadcast_in_dim3A_3 {strides = array<i32>} : memref<32768xf32, #tpu.memory_space<vmem>>, vector<16xf32>,
                }
                %scan3A_280 = arith.constant 256 : i32
              } else {
              }
              %gt3A_262 = arith.constant 28672 : i32
              %gt3A_263 = arith.cmpi sgt, %add3A_226, %gt3A_262 : i32
              %convert_element_type3A_264 = arith.extui %gt3A_263 : i1 to i32
              %cond3A_265 = arith.constant 0 : i32
              %cond3A_266 = arith.cmpi ne, %convert_element_type3A_264, %cond3A_265 : i32
              scf.if %cond3A_266 {
                %scan3A_269 = arith.constant 0 : i32
                %scan3A_270 = arith.constant 0 : i32
                %scan3A_271 = arith.constant 256 : i32
                %scan3A_272 = arith.addi %scan3A_270, %scan3A_271 : i32
                %scan3A_273 = arith.constant 1 : i32
                scf.for %scan3A_281 = %scan3A_270 to %scan3A_272 step %scan3A_273  : i32 {
                  %add3A_282 = arith.constant 28672 : i32
                  %add3A_283 = arith.addi %scan3A_199, %add3A_282 : i32
                  %mul3A_284 = arith.constant 16 : i32
                  %mul3A_285 = arith.muli %scan3A_281, %mul3A_284 : i32
                  %add3A_286 = arith.addi %add3A_283, %mul3A_285 : i32
                  %add3A_287 = vector.broadcast %add3A_286 : i32 to vector<16xi32>
                  %add3A_288 = arith.addi %add3A_287, %iota3A : vector<16xi32>
                  %mul3A_289 = arith.constant 16 : i32
                  %mul3A_290 = arith.muli %scan3A_281, %mul3A_289 : i32
                  %swap3A_291 = arith.index_cast %mul3A_290 : i32 to index
                  %swap3A_292 = tpu.vector_load %arg10[%swap3A_291] {strides = array<i32>} : memref<4096xi32, #tpu.memory_space<vmem>>, vector<16xi32>,
                  tpu.vector_store %arg10[%swap3A_291], %add3A_288 {strides = array<i32>} : memref<4096xi32, #tpu.memory_space<vmem>>, vector<16xi32>,
                }
                %scan3A_274 = arith.constant 256 : i32
                "tpu.region"() ({
                  %run_scoped3A = tpu.sem_alloc : memref<!tpu.dma_semaphore, #tpu.memory_space<semaphore_mem>>
                  %dma_start3A_281 = arith.constant 28672 : i32
                  %dma_start3A_282 = tpu.memref_slice %arg9[%dma_start3A_281] : memref<32768xf32, #tpu.memory_space<vmem>> -> memref<4096xf32, #tpu.memory_space<vmem>>
                  %dma_start3A_283 = arith.constant 0 : i32
                  %dma_start3A_284 = tpu.memref_slice %arg11[%dma_start3A_283] : memref<133120xf32, #tpu.memory_space<vmem_shared>> -> memref<133120xf32, #tpu.memory_space<vmem_shared>>
                  tpu.enqueue_indirect_dma source(%dma_start3A_282 : memref<4096xf32, #tpu.memory_space<vmem>>) target(%dma_start3A_284 : memref<133120xf32, #tpu.memory_space<vmem_shared>>) offsets(%arg10 : memref<4096xi32, #tpu.memory_space<vmem>>) semaphore(%run_scoped3A : memref<!tpu.dma_semaphore, #tpu.memory_space<semaphore_mem>>) {add = true}
                  %dma_wait3A_285 = arith.constant 28672 : i32
                  %dma_wait3A_286 = tpu.memref_slice %arg9[%dma_wait3A_285] : memref<32768xf32, #tpu.memory_space<vmem>> -> memref<4096xf32, #tpu.memory_space<vmem>>
                  %dma_wait3A_287 = arith.constant 0 : i32
                  %dma_wait3A_288 = tpu.memref_slice %arg11[%dma_wait3A_287] : memref<133120xf32, #tpu.memory_space<vmem_shared>> -> memref<133120xf32, #tpu.memory_space<vmem_shared>>
                  tpu.wait_indirect_dma semaphore(%run_scoped3A : memref<!tpu.dma_semaphore, #tpu.memory_space<semaphore_mem>>) src(%dma_wait3A_286 : memref<4096xf32, #tpu.memory_space<vmem>>) dst(%dma_wait3A_288 : memref<133120xf32, #tpu.memory_space<vmem_shared>>)
                  tpu.yield
                }) : () -> ()
                %scan3A_275 = arith.constant 0 : i32
                %scan3A_276 = arith.constant 0 : i32
                %scan3A_277 = arith.constant 256 : i32
                %scan3A_278 = arith.addi %scan3A_276, %scan3A_277 : i32
                %scan3A_279 = arith.constant 1 : i32
                scf.for %scan3A_281 = %scan3A_276 to %scan3A_278 step %scan3A_279  : i32 {
                  %mul3A_282 = arith.constant 16 : i32
                  %mul3A_283 = arith.muli %scan3A_281, %mul3A_282 : i32
                  %add3A_284 = arith.constant 28672 : i32
                  %add3A_285 = arith.addi %add3A_284, %mul3A_283 : i32
                  %swap3A_286 = arith.index_cast %add3A_285 : i32 to index
                  %swap3A_287 = tpu.vector_load %arg9[%swap3A_286] {strides = array<i32>} : memref<32768xf32, #tpu.memory_space<vmem>>, vector<16xf32>,
                  tpu.vector_store %arg9[%swap3A_286], %broadcast_in_dim3A_3 {strides = array<i32>} : memref<32768xf32, #tpu.memory_space<vmem>>, vector<16xf32>,
                }
                %scan3A_280 = arith.constant 256 : i32
              } else {
              }
              %add3A_267 = arith.constant 32768 : i32
              %add3A_268 = arith.addi %scan3A_199, %add3A_267 : i32
              scf.yield %add3A_268 : i32
            } else {
              scf.yield %scan3A_199 : i32
            }
            scf.yield %cond3A_219 : i32
          }
          %scan3A_197 = arith.constant 4 : i32
          scf.yield %scan3A_196 : i32
        }
        %scan3A_172 = arith.constant 625 : i32
        scf.yield %scan3A_171 : i32
      }
      %add3A_127 = arith.constant 1 : i32
      %add3A_128 = arith.addi %mul3A_86, %add3A_127 : i32
      %mul3A_129 = arith.constant 10000 : i32
      %mul3A_130 = arith.muli %add3A_128, %mul3A_129 : i32
      %add3A_131 = arith.addi %mul3A_2, %mul3A_130 : i32
      %dma_wait3A_132 = arith.constant 0 : i32
      %dma_wait3A_133 = tpu.memref_slice %arg6[%dma_wait3A_132] : memref<10016xi32, #tpu.memory_space<vmem>> -> memref<10000xi32, #tpu.memory_space<vmem>>
      %dma_wait3A_134 = tpu.memref_slice %arg2[%add3A_131] : memref<6400000xi32, #tpu.memory_space<hbm>> -> memref<10000xi32, #tpu.memory_space<hbm>>
      %dma_wait3A_135 = arith.constant 0 : i32
      %dma_wait3A_136 = tpu.memref_slice %arg6[%dma_wait3A_135] : memref<10016xi32, #tpu.memory_space<vmem>> -> memref<10000xi32, #tpu.memory_space<vmem>>
      %dma_wait3A_137 = tpu.memref_slice %arg2[%add3A_131] : memref<6400000xi32, #tpu.memory_space<hbm>> -> memref<10000xi32, #tpu.memory_space<hbm>>
      tpu.wait_dma2 semaphore(%arg13 : memref<!tpu.dma_semaphore, #tpu.memory_space<semaphore_mem>>) src(%dma_wait3A_137 : memref<10000xi32, #tpu.memory_space<hbm>>) dst(%dma_wait3A_136 : memref<10000xi32, #tpu.memory_space<vmem>>)
      %dma_wait3A_138 = tpu.memref_slice %arg3[%add3A_131] : memref<6400000xf32, #tpu.memory_space<hbm>> -> memref<10000xf32, #tpu.memory_space<hbm>>
      %dma_wait3A_139 = tpu.memref_slice %arg3[%add3A_131] : memref<6400000xf32, #tpu.memory_space<hbm>> -> memref<10000xf32, #tpu.memory_space<hbm>>
      tpu.wait_dma2 semaphore(%arg15 : memref<!tpu.dma_semaphore, #tpu.memory_space<semaphore_mem>>) src(%dma_wait3A_139 : memref<10000xf32, #tpu.memory_space<hbm>>) dst(%arg8 : memref<10000xf32, #tpu.memory_space<vmem>>)
      %lt3A_140 = arith.constant 9 : i32
      %lt3A_141 = arith.cmpi slt, %scan3A_82, %lt3A_140 : i32
      %convert_element_type3A_142 = arith.extui %lt3A_141 : i1 to i32
      %cond3A_143 = arith.constant 0 : i32
      %cond3A_144 = arith.cmpi ne, %convert_element_type3A_142, %cond3A_143 : i32
      scf.if %cond3A_144 {
        %add3A_167 = arith.constant 2 : i32
        %add3A_168 = arith.addi %mul3A_86, %add3A_167 : i32
        %mul3A_169 = arith.constant 10000 : i32
        %mul3A_170 = arith.muli %add3A_168, %mul3A_169 : i32
        %add3A_171 = arith.addi %mul3A_2, %mul3A_170 : i32
        %dma_start3A_172 = arith.constant 0 : i32
        %dma_start3A_173 = tpu.memref_slice %arg5[%dma_start3A_172] : memref<10016xi32, #tpu.memory_space<vmem>> -> memref<10000xi32, #tpu.memory_space<vmem>>
        %dma_start3A_174 = tpu.memref_slice %arg2[%add3A_171] : memref<6400000xi32, #tpu.memory_space<hbm>> -> memref<10000xi32, #tpu.memory_space<hbm>>
        %dma_start3A_175 = arith.constant 0 : i32
        %dma_start3A_176 = tpu.memref_slice %arg5[%dma_start3A_175] : memref<10016xi32, #tpu.memory_space<vmem>> -> memref<10000xi32, #tpu.memory_space<vmem>>
        %dma_start3A_177 = tpu.memref_slice %arg2[%add3A_171] : memref<6400000xi32, #tpu.memory_space<hbm>> -> memref<10000xi32, #tpu.memory_space<hbm>>
        tpu.enqueue_dma source(%dma_start3A_177 : memref<10000xi32, #tpu.memory_space<hbm>>) target(%dma_start3A_176 : memref<10000xi32, #tpu.memory_space<vmem>>) target_semaphore(%arg12 : memref<!tpu.dma_semaphore, #tpu.memory_space<semaphore_mem>>)
        %dma_start3A_178 = tpu.memref_slice %arg3[%add3A_171] : memref<6400000xf32, #tpu.memory_space<hbm>> -> memref<10000xf32, #tpu.memory_space<hbm>>
        %dma_start3A_179 = tpu.memref_slice %arg3[%add3A_171] : memref<6400000xf32, #tpu.memory_space<hbm>> -> memref<10000xf32, #tpu.memory_space<hbm>>
        tpu.enqueue_dma source(%dma_start3A_179 : memref<10000xf32, #tpu.memory_space<hbm>>) target(%arg7 : memref<10000xf32, #tpu.memory_space<vmem>>) target_semaphore(%arg14 : memref<!tpu.dma_semaphore, #tpu.memory_space<semaphore_mem>>)
      } else {
      }
      %get3A_145 = arith.constant 0 : index
      %get3A_146 = tpu.vector_load %arg6[%get3A_145] {strides = array<i32>} : memref<10016xi32, #tpu.memory_space<vmem>>, vector<16xi32>,
      %slice3A_147 = vector.extract_strided_slice %get3A_146 {offsets = [0], sizes = [1], strides = [1]} : vector<16xi32> to vector<1xi32>
      %squeeze3A_148 = vector.extract %slice3A_147[0] : i32 from vector<1xi32>
      %get3A_149 = arith.constant 9984 : index
      %get3A_150 = tpu.vector_load %arg6[%get3A_149] {strides = array<i32>} : memref<10016xi32, #tpu.memory_space<vmem>>, vector<16xi32>,
      %slice3A_151 = vector.extract_strided_slice %get3A_150 {offsets = [15], sizes = [1], strides = [1]} : vector<16xi32> to vector<1xi32>
      %squeeze3A_152 = vector.extract %slice3A_151[0] : i32 from vector<1xi32>
      %add3A_153 = arith.constant 32768 : i32
      %add3A_154 = arith.addi %cond3A_126, %add3A_153 : i32
      %ge3A_155 = arith.cmpi sge, %squeeze3A_152, %add3A_154 : i32
      %convert_element_type3A_156 = arith.extui %ge3A_155 : i1 to i32
      %cond3A_157 = arith.constant 0 : i32
      %cond3A_158 = arith.cmpi ne, %convert_element_type3A_156, %cond3A_157 : i32
      %cond3A_159 = scf.if %cond3A_158 -> (i32) {
        %sub3A_167 = arith.subi %squeeze3A_114, %cond3A_126 : i32
        %add3A_168 = arith.constant 1 : i32
        %add3A_169 = arith.addi %sub3A_167, %add3A_168 : i32
        %gt3A_170 = arith.constant 0 : i32
        %gt3A_171 = arith.cmpi sgt, %add3A_169, %gt3A_170 : i32
        %convert_element_type3A_172 = arith.extui %gt3A_171 : i1 to i32
        %cond3A_173 = arith.constant 0 : i32
        %cond3A_174 = arith.cmpi ne, %convert_element_type3A_172, %cond3A_173 : i32
        scf.if %cond3A_174 {
          %scan3A_211 = arith.constant 0 : i32
          %scan3A_212 = arith.constant 0 : i32
          %scan3A_213 = arith.constant 256 : i32
          %scan3A_214 = arith.addi %scan3A_212, %scan3A_213 : i32
          %scan3A_215 = arith.constant 1 : i32
          scf.for %scan3A_223 = %scan3A_212 to %scan3A_214 step %scan3A_215  : i32 {
            %add3A_224 = arith.constant 0 : i32
            %add3A_225 = arith.addi %cond3A_126, %add3A_224 : i32
            %mul3A_226 = arith.constant 16 : i32
            %mul3A_227 = arith.muli %scan3A_223, %mul3A_226 : i32
            %add3A_228 = arith.addi %add3A_225, %mul3A_227 : i32
            %add3A_229 = vector.broadcast %add3A_228 : i32 to vector<16xi32>
            %add3A_230 = arith.addi %add3A_229, %iota3A : vector<16xi32>
            %mul3A_231 = arith.constant 16 : i32
            %mul3A_232 = arith.muli %scan3A_223, %mul3A_231 : i32
            %swap3A_233 = arith.index_cast %mul3A_232 : i32 to index
            %swap3A_234 = tpu.vector_load %arg10[%swap3A_233] {strides = array<i32>} : memref<4096xi32, #tpu.memory_space<vmem>>, vector<16xi32>,
            tpu.vector_store %arg10[%swap3A_233], %add3A_230 {strides = array<i32>} : memref<4096xi32, #tpu.memory_space<vmem>>, vector<16xi32>,
          }
          %scan3A_216 = arith.constant 256 : i32
          "tpu.region"() ({
            %run_scoped3A = tpu.sem_alloc : memref<!tpu.dma_semaphore, #tpu.memory_space<semaphore_mem>>
            %dma_start3A_223 = arith.constant 0 : i32
            %dma_start3A_224 = tpu.memref_slice %arg9[%dma_start3A_223] : memref<32768xf32, #tpu.memory_space<vmem>> -> memref<4096xf32, #tpu.memory_space<vmem>>
            %dma_start3A_225 = arith.constant 0 : i32
            %dma_start3A_226 = tpu.memref_slice %arg11[%dma_start3A_225] : memref<133120xf32, #tpu.memory_space<vmem_shared>> -> memref<133120xf32, #tpu.memory_space<vmem_shared>>
            tpu.enqueue_indirect_dma source(%dma_start3A_224 : memref<4096xf32, #tpu.memory_space<vmem>>) target(%dma_start3A_226 : memref<133120xf32, #tpu.memory_space<vmem_shared>>) offsets(%arg10 : memref<4096xi32, #tpu.memory_space<vmem>>) semaphore(%run_scoped3A : memref<!tpu.dma_semaphore, #tpu.memory_space<semaphore_mem>>) {add = true}
            %dma_wait3A_227 = arith.constant 0 : i32
            %dma_wait3A_228 = tpu.memref_slice %arg9[%dma_wait3A_227] : memref<32768xf32, #tpu.memory_space<vmem>> -> memref<4096xf32, #tpu.memory_space<vmem>>
            %dma_wait3A_229 = arith.constant 0 : i32
            %dma_wait3A_230 = tpu.memref_slice %arg11[%dma_wait3A_229] : memref<133120xf32, #tpu.memory_space<vmem_shared>> -> memref<133120xf32, #tpu.memory_space<vmem_shared>>
            tpu.wait_indirect_dma semaphore(%run_scoped3A : memref<!tpu.dma_semaphore, #tpu.memory_space<semaphore_mem>>) src(%dma_wait3A_228 : memref<4096xf32, #tpu.memory_space<vmem>>) dst(%dma_wait3A_230 : memref<133120xf32, #tpu.memory_space<vmem_shared>>)
            tpu.yield
          }) : () -> ()
          %scan3A_217 = arith.constant 0 : i32
          %scan3A_218 = arith.constant 0 : i32
          %scan3A_219 = arith.constant 256 : i32
          %scan3A_220 = arith.addi %scan3A_218, %scan3A_219 : i32
          %scan3A_221 = arith.constant 1 : i32
          scf.for %scan3A_223 = %scan3A_218 to %scan3A_220 step %scan3A_221  : i32 {
            %mul3A_224 = arith.constant 16 : i32
            %mul3A_225 = arith.muli %scan3A_223, %mul3A_224 : i32
            %add3A_226 = arith.constant 0 : i32
            %add3A_227 = arith.addi %add3A_226, %mul3A_225 : i32
            %swap3A_228 = arith.index_cast %add3A_227 : i32 to index
            %swap3A_229 = tpu.vector_load %arg9[%swap3A_228] {strides = array<i32>} : memref<32768xf32, #tpu.memory_space<vmem>>, vector<16xf32>,
            tpu.vector_store %arg9[%swap3A_228], %broadcast_in_dim3A_3 {strides = array<i32>} : memref<32768xf32, #tpu.memory_space<vmem>>, vector<16xf32>,
          }
          %scan3A_222 = arith.constant 256 : i32
        } else {
        }
        %gt3A_175 = arith.constant 4096 : i32
        %gt3A_176 = arith.cmpi sgt, %add3A_169, %gt3A_175 : i32
        %convert_element_type3A_177 = arith.extui %gt3A_176 : i1 to i32
        %cond3A_178 = arith.constant 0 : i32
        %cond3A_179 = arith.cmpi ne, %convert_element_type3A_177, %cond3A_178 : i32
        scf.if %cond3A_179 {
          %scan3A_211 = arith.constant 0 : i32
          %scan3A_212 = arith.constant 0 : i32
          %scan3A_213 = arith.constant 256 : i32
          %scan3A_214 = arith.addi %scan3A_212, %scan3A_213 : i32
          %scan3A_215 = arith.constant 1 : i32
          scf.for %scan3A_223 = %scan3A_212 to %scan3A_214 step %scan3A_215  : i32 {
            %add3A_224 = arith.constant 4096 : i32
            %add3A_225 = arith.addi %cond3A_126, %add3A_224 : i32
            %mul3A_226 = arith.constant 16 : i32
            %mul3A_227 = arith.muli %scan3A_223, %mul3A_226 : i32
            %add3A_228 = arith.addi %add3A_225, %mul3A_227 : i32
            %add3A_229 = vector.broadcast %add3A_228 : i32 to vector<16xi32>
            %add3A_230 = arith.addi %add3A_229, %iota3A : vector<16xi32>
            %mul3A_231 = arith.constant 16 : i32
            %mul3A_232 = arith.muli %scan3A_223, %mul3A_231 : i32
            %swap3A_233 = arith.index_cast %mul3A_232 : i32 to index
            %swap3A_234 = tpu.vector_load %arg10[%swap3A_233] {strides = array<i32>} : memref<4096xi32, #tpu.memory_space<vmem>>, vector<16xi32>,
            tpu.vector_store %arg10[%swap3A_233], %add3A_230 {strides = array<i32>} : memref<4096xi32, #tpu.memory_space<vmem>>, vector<16xi32>,
          }
          %scan3A_216 = arith.constant 256 : i32
          "tpu.region"() ({
            %run_scoped3A = tpu.sem_alloc : memref<!tpu.dma_semaphore, #tpu.memory_space<semaphore_mem>>
            %dma_start3A_223 = arith.constant 4096 : i32
            %dma_start3A_224 = tpu.memref_slice %arg9[%dma_start3A_223] : memref<32768xf32, #tpu.memory_space<vmem>> -> memref<4096xf32, #tpu.memory_space<vmem>>
            %dma_start3A_225 = arith.constant 0 : i32
            %dma_start3A_226 = tpu.memref_slice %arg11[%dma_start3A_225] : memref<133120xf32, #tpu.memory_space<vmem_shared>> -> memref<133120xf32, #tpu.memory_space<vmem_shared>>
            tpu.enqueue_indirect_dma source(%dma_start3A_224 : memref<4096xf32, #tpu.memory_space<vmem>>) target(%dma_start3A_226 : memref<133120xf32, #tpu.memory_space<vmem_shared>>) offsets(%arg10 : memref<4096xi32, #tpu.memory_space<vmem>>) semaphore(%run_scoped3A : memref<!tpu.dma_semaphore, #tpu.memory_space<semaphore_mem>>) {add = true}
            %dma_wait3A_227 = arith.constant 4096 : i32
            %dma_wait3A_228 = tpu.memref_slice %arg9[%dma_wait3A_227] : memref<32768xf32, #tpu.memory_space<vmem>> -> memref<4096xf32, #tpu.memory_space<vmem>>
            %dma_wait3A_229 = arith.constant 0 : i32
            %dma_wait3A_230 = tpu.memref_slice %arg11[%dma_wait3A_229] : memref<133120xf32, #tpu.memory_space<vmem_shared>> -> memref<133120xf32, #tpu.memory_space<vmem_shared>>
            tpu.wait_indirect_dma semaphore(%run_scoped3A : memref<!tpu.dma_semaphore, #tpu.memory_space<semaphore_mem>>) src(%dma_wait3A_228 : memref<4096xf32, #tpu.memory_space<vmem>>) dst(%dma_wait3A_230 : memref<133120xf32, #tpu.memory_space<vmem_shared>>)
            tpu.yield
          }) : () -> ()
          %scan3A_217 = arith.constant 0 : i32
          %scan3A_218 = arith.constant 0 : i32
          %scan3A_219 = arith.constant 256 : i32
          %scan3A_220 = arith.addi %scan3A_218, %scan3A_219 : i32
          %scan3A_221 = arith.constant 1 : i32
          scf.for %scan3A_223 = %scan3A_218 to %scan3A_220 step %scan3A_221  : i32 {
            %mul3A_224 = arith.constant 16 : i32
            %mul3A_225 = arith.muli %scan3A_223, %mul3A_224 : i32
            %add3A_226 = arith.constant 4096 : i32
            %add3A_227 = arith.addi %add3A_226, %mul3A_225 : i32
            %swap3A_228 = arith.index_cast %add3A_227 : i32 to index
            %swap3A_229 = tpu.vector_load %arg9[%swap3A_228] {strides = array<i32>} : memref<32768xf32, #tpu.memory_space<vmem>>, vector<16xf32>,
            tpu.vector_store %arg9[%swap3A_228], %broadcast_in_dim3A_3 {strides = array<i32>} : memref<32768xf32, #tpu.memory_space<vmem>>, vector<16xf32>,
          }
          %scan3A_222 = arith.constant 256 : i32
        } else {
        }
        %gt3A_180 = arith.constant 8192 : i32
        %gt3A_181 = arith.cmpi sgt, %add3A_169, %gt3A_180 : i32
        %convert_element_type3A_182 = arith.extui %gt3A_181 : i1 to i32
        %cond3A_183 = arith.constant 0 : i32
        %cond3A_184 = arith.cmpi ne, %convert_element_type3A_182, %cond3A_183 : i32
        scf.if %cond3A_184 {
          %scan3A_211 = arith.constant 0 : i32
          %scan3A_212 = arith.constant 0 : i32
          %scan3A_213 = arith.constant 256 : i32
          %scan3A_214 = arith.addi %scan3A_212, %scan3A_213 : i32
          %scan3A_215 = arith.constant 1 : i32
          scf.for %scan3A_223 = %scan3A_212 to %scan3A_214 step %scan3A_215  : i32 {
            %add3A_224 = arith.constant 8192 : i32
            %add3A_225 = arith.addi %cond3A_126, %add3A_224 : i32
            %mul3A_226 = arith.constant 16 : i32
            %mul3A_227 = arith.muli %scan3A_223, %mul3A_226 : i32
            %add3A_228 = arith.addi %add3A_225, %mul3A_227 : i32
            %add3A_229 = vector.broadcast %add3A_228 : i32 to vector<16xi32>
            %add3A_230 = arith.addi %add3A_229, %iota3A : vector<16xi32>
            %mul3A_231 = arith.constant 16 : i32
            %mul3A_232 = arith.muli %scan3A_223, %mul3A_231 : i32
            %swap3A_233 = arith.index_cast %mul3A_232 : i32 to index
            %swap3A_234 = tpu.vector_load %arg10[%swap3A_233] {strides = array<i32>} : memref<4096xi32, #tpu.memory_space<vmem>>, vector<16xi32>,
            tpu.vector_store %arg10[%swap3A_233], %add3A_230 {strides = array<i32>} : memref<4096xi32, #tpu.memory_space<vmem>>, vector<16xi32>,
          }
          %scan3A_216 = arith.constant 256 : i32
          "tpu.region"() ({
            %run_scoped3A = tpu.sem_alloc : memref<!tpu.dma_semaphore, #tpu.memory_space<semaphore_mem>>
            %dma_start3A_223 = arith.constant 8192 : i32
            %dma_start3A_224 = tpu.memref_slice %arg9[%dma_start3A_223] : memref<32768xf32, #tpu.memory_space<vmem>> -> memref<4096xf32, #tpu.memory_space<vmem>>
            %dma_start3A_225 = arith.constant 0 : i32
            %dma_start3A_226 = tpu.memref_slice %arg11[%dma_start3A_225] : memref<133120xf32, #tpu.memory_space<vmem_shared>> -> memref<133120xf32, #tpu.memory_space<vmem_shared>>
            tpu.enqueue_indirect_dma source(%dma_start3A_224 : memref<4096xf32, #tpu.memory_space<vmem>>) target(%dma_start3A_226 : memref<133120xf32, #tpu.memory_space<vmem_shared>>) offsets(%arg10 : memref<4096xi32, #tpu.memory_space<vmem>>) semaphore(%run_scoped3A : memref<!tpu.dma_semaphore, #tpu.memory_space<semaphore_mem>>) {add = true}
            %dma_wait3A_227 = arith.constant 8192 : i32
            %dma_wait3A_228 = tpu.memref_slice %arg9[%dma_wait3A_227] : memref<32768xf32, #tpu.memory_space<vmem>> -> memref<4096xf32, #tpu.memory_space<vmem>>
            %dma_wait3A_229 = arith.constant 0 : i32
            %dma_wait3A_230 = tpu.memref_slice %arg11[%dma_wait3A_229] : memref<133120xf32, #tpu.memory_space<vmem_shared>> -> memref<133120xf32, #tpu.memory_space<vmem_shared>>
            tpu.wait_indirect_dma semaphore(%run_scoped3A : memref<!tpu.dma_semaphore, #tpu.memory_space<semaphore_mem>>) src(%dma_wait3A_228 : memref<4096xf32, #tpu.memory_space<vmem>>) dst(%dma_wait3A_230 : memref<133120xf32, #tpu.memory_space<vmem_shared>>)
            tpu.yield
          }) : () -> ()
          %scan3A_217 = arith.constant 0 : i32
          %scan3A_218 = arith.constant 0 : i32
          %scan3A_219 = arith.constant 256 : i32
          %scan3A_220 = arith.addi %scan3A_218, %scan3A_219 : i32
          %scan3A_221 = arith.constant 1 : i32
          scf.for %scan3A_223 = %scan3A_218 to %scan3A_220 step %scan3A_221  : i32 {
            %mul3A_224 = arith.constant 16 : i32
            %mul3A_225 = arith.muli %scan3A_223, %mul3A_224 : i32
            %add3A_226 = arith.constant 8192 : i32
            %add3A_227 = arith.addi %add3A_226, %mul3A_225 : i32
            %swap3A_228 = arith.index_cast %add3A_227 : i32 to index
            %swap3A_229 = tpu.vector_load %arg9[%swap3A_228] {strides = array<i32>} : memref<32768xf32, #tpu.memory_space<vmem>>, vector<16xf32>,
            tpu.vector_store %arg9[%swap3A_228], %broadcast_in_dim3A_3 {strides = array<i32>} : memref<32768xf32, #tpu.memory_space<vmem>>, vector<16xf32>,
          }
          %scan3A_222 = arith.constant 256 : i32
        } else {
        }
        %gt3A_185 = arith.constant 12288 : i32
        %gt3A_186 = arith.cmpi sgt, %add3A_169, %gt3A_185 : i32
        %convert_element_type3A_187 = arith.extui %gt3A_186 : i1 to i32
        %cond3A_188 = arith.constant 0 : i32
        %cond3A_189 = arith.cmpi ne, %convert_element_type3A_187, %cond3A_188 : i32
        scf.if %cond3A_189 {
          %scan3A_211 = arith.constant 0 : i32
          %scan3A_212 = arith.constant 0 : i32
          %scan3A_213 = arith.constant 256 : i32
          %scan3A_214 = arith.addi %scan3A_212, %scan3A_213 : i32
          %scan3A_215 = arith.constant 1 : i32
          scf.for %scan3A_223 = %scan3A_212 to %scan3A_214 step %scan3A_215  : i32 {
            %add3A_224 = arith.constant 12288 : i32
            %add3A_225 = arith.addi %cond3A_126, %add3A_224 : i32
            %mul3A_226 = arith.constant 16 : i32
            %mul3A_227 = arith.muli %scan3A_223, %mul3A_226 : i32
            %add3A_228 = arith.addi %add3A_225, %mul3A_227 : i32
            %add3A_229 = vector.broadcast %add3A_228 : i32 to vector<16xi32>
            %add3A_230 = arith.addi %add3A_229, %iota3A : vector<16xi32>
            %mul3A_231 = arith.constant 16 : i32
            %mul3A_232 = arith.muli %scan3A_223, %mul3A_231 : i32
            %swap3A_233 = arith.index_cast %mul3A_232 : i32 to index
            %swap3A_234 = tpu.vector_load %arg10[%swap3A_233] {strides = array<i32>} : memref<4096xi32, #tpu.memory_space<vmem>>, vector<16xi32>,
            tpu.vector_store %arg10[%swap3A_233], %add3A_230 {strides = array<i32>} : memref<4096xi32, #tpu.memory_space<vmem>>, vector<16xi32>,
          }
          %scan3A_216 = arith.constant 256 : i32
          "tpu.region"() ({
            %run_scoped3A = tpu.sem_alloc : memref<!tpu.dma_semaphore, #tpu.memory_space<semaphore_mem>>
            %dma_start3A_223 = arith.constant 12288 : i32
            %dma_start3A_224 = tpu.memref_slice %arg9[%dma_start3A_223] : memref<32768xf32, #tpu.memory_space<vmem>> -> memref<4096xf32, #tpu.memory_space<vmem>>
            %dma_start3A_225 = arith.constant 0 : i32
            %dma_start3A_226 = tpu.memref_slice %arg11[%dma_start3A_225] : memref<133120xf32, #tpu.memory_space<vmem_shared>> -> memref<133120xf32, #tpu.memory_space<vmem_shared>>
            tpu.enqueue_indirect_dma source(%dma_start3A_224 : memref<4096xf32, #tpu.memory_space<vmem>>) target(%dma_start3A_226 : memref<133120xf32, #tpu.memory_space<vmem_shared>>) offsets(%arg10 : memref<4096xi32, #tpu.memory_space<vmem>>) semaphore(%run_scoped3A : memref<!tpu.dma_semaphore, #tpu.memory_space<semaphore_mem>>) {add = true}
            %dma_wait3A_227 = arith.constant 12288 : i32
            %dma_wait3A_228 = tpu.memref_slice %arg9[%dma_wait3A_227] : memref<32768xf32, #tpu.memory_space<vmem>> -> memref<4096xf32, #tpu.memory_space<vmem>>
            %dma_wait3A_229 = arith.constant 0 : i32
            %dma_wait3A_230 = tpu.memref_slice %arg11[%dma_wait3A_229] : memref<133120xf32, #tpu.memory_space<vmem_shared>> -> memref<133120xf32, #tpu.memory_space<vmem_shared>>
            tpu.wait_indirect_dma semaphore(%run_scoped3A : memref<!tpu.dma_semaphore, #tpu.memory_space<semaphore_mem>>) src(%dma_wait3A_228 : memref<4096xf32, #tpu.memory_space<vmem>>) dst(%dma_wait3A_230 : memref<133120xf32, #tpu.memory_space<vmem_shared>>)
            tpu.yield
          }) : () -> ()
          %scan3A_217 = arith.constant 0 : i32
          %scan3A_218 = arith.constant 0 : i32
          %scan3A_219 = arith.constant 256 : i32
          %scan3A_220 = arith.addi %scan3A_218, %scan3A_219 : i32
          %scan3A_221 = arith.constant 1 : i32
          scf.for %scan3A_223 = %scan3A_218 to %scan3A_220 step %scan3A_221  : i32 {
            %mul3A_224 = arith.constant 16 : i32
            %mul3A_225 = arith.muli %scan3A_223, %mul3A_224 : i32
            %add3A_226 = arith.constant 12288 : i32
            %add3A_227 = arith.addi %add3A_226, %mul3A_225 : i32
            %swap3A_228 = arith.index_cast %add3A_227 : i32 to index
            %swap3A_229 = tpu.vector_load %arg9[%swap3A_228] {strides = array<i32>} : memref<32768xf32, #tpu.memory_space<vmem>>, vector<16xf32>,
            tpu.vector_store %arg9[%swap3A_228], %broadcast_in_dim3A_3 {strides = array<i32>} : memref<32768xf32, #tpu.memory_space<vmem>>, vector<16xf32>,
          }
          %scan3A_222 = arith.constant 256 : i32
        } else {
        }
        %gt3A_190 = arith.constant 16384 : i32
        %gt3A_191 = arith.cmpi sgt, %add3A_169, %gt3A_190 : i32
        %convert_element_type3A_192 = arith.extui %gt3A_191 : i1 to i32
        %cond3A_193 = arith.constant 0 : i32
        %cond3A_194 = arith.cmpi ne, %convert_element_type3A_192, %cond3A_193 : i32
        scf.if %cond3A_194 {
          %scan3A_211 = arith.constant 0 : i32
          %scan3A_212 = arith.constant 0 : i32
          %scan3A_213 = arith.constant 256 : i32
          %scan3A_214 = arith.addi %scan3A_212, %scan3A_213 : i32
          %scan3A_215 = arith.constant 1 : i32
          scf.for %scan3A_223 = %scan3A_212 to %scan3A_214 step %scan3A_215  : i32 {
            %add3A_224 = arith.constant 16384 : i32
            %add3A_225 = arith.addi %cond3A_126, %add3A_224 : i32
            %mul3A_226 = arith.constant 16 : i32
            %mul3A_227 = arith.muli %scan3A_223, %mul3A_226 : i32
            %add3A_228 = arith.addi %add3A_225, %mul3A_227 : i32
            %add3A_229 = vector.broadcast %add3A_228 : i32 to vector<16xi32>
            %add3A_230 = arith.addi %add3A_229, %iota3A : vector<16xi32>
            %mul3A_231 = arith.constant 16 : i32
            %mul3A_232 = arith.muli %scan3A_223, %mul3A_231 : i32
            %swap3A_233 = arith.index_cast %mul3A_232 : i32 to index
            %swap3A_234 = tpu.vector_load %arg10[%swap3A_233] {strides = array<i32>} : memref<4096xi32, #tpu.memory_space<vmem>>, vector<16xi32>,
            tpu.vector_store %arg10[%swap3A_233], %add3A_230 {strides = array<i32>} : memref<4096xi32, #tpu.memory_space<vmem>>, vector<16xi32>,
          }
          %scan3A_216 = arith.constant 256 : i32
          "tpu.region"() ({
            %run_scoped3A = tpu.sem_alloc : memref<!tpu.dma_semaphore, #tpu.memory_space<semaphore_mem>>
            %dma_start3A_223 = arith.constant 16384 : i32
            %dma_start3A_224 = tpu.memref_slice %arg9[%dma_start3A_223] : memref<32768xf32, #tpu.memory_space<vmem>> -> memref<4096xf32, #tpu.memory_space<vmem>>
            %dma_start3A_225 = arith.constant 0 : i32
            %dma_start3A_226 = tpu.memref_slice %arg11[%dma_start3A_225] : memref<133120xf32, #tpu.memory_space<vmem_shared>> -> memref<133120xf32, #tpu.memory_space<vmem_shared>>
            tpu.enqueue_indirect_dma source(%dma_start3A_224 : memref<4096xf32, #tpu.memory_space<vmem>>) target(%dma_start3A_226 : memref<133120xf32, #tpu.memory_space<vmem_shared>>) offsets(%arg10 : memref<4096xi32, #tpu.memory_space<vmem>>) semaphore(%run_scoped3A : memref<!tpu.dma_semaphore, #tpu.memory_space<semaphore_mem>>) {add = true}
            %dma_wait3A_227 = arith.constant 16384 : i32
            %dma_wait3A_228 = tpu.memref_slice %arg9[%dma_wait3A_227] : memref<32768xf32, #tpu.memory_space<vmem>> -> memref<4096xf32, #tpu.memory_space<vmem>>
            %dma_wait3A_229 = arith.constant 0 : i32
            %dma_wait3A_230 = tpu.memref_slice %arg11[%dma_wait3A_229] : memref<133120xf32, #tpu.memory_space<vmem_shared>> -> memref<133120xf32, #tpu.memory_space<vmem_shared>>
            tpu.wait_indirect_dma semaphore(%run_scoped3A : memref<!tpu.dma_semaphore, #tpu.memory_space<semaphore_mem>>) src(%dma_wait3A_228 : memref<4096xf32, #tpu.memory_space<vmem>>) dst(%dma_wait3A_230 : memref<133120xf32, #tpu.memory_space<vmem_shared>>)
            tpu.yield
          }) : () -> ()
          %scan3A_217 = arith.constant 0 : i32
          %scan3A_218 = arith.constant 0 : i32
          %scan3A_219 = arith.constant 256 : i32
          %scan3A_220 = arith.addi %scan3A_218, %scan3A_219 : i32
          %scan3A_221 = arith.constant 1 : i32
          scf.for %scan3A_223 = %scan3A_218 to %scan3A_220 step %scan3A_221  : i32 {
            %mul3A_224 = arith.constant 16 : i32
            %mul3A_225 = arith.muli %scan3A_223, %mul3A_224 : i32
            %add3A_226 = arith.constant 16384 : i32
            %add3A_227 = arith.addi %add3A_226, %mul3A_225 : i32
            %swap3A_228 = arith.index_cast %add3A_227 : i32 to index
            %swap3A_229 = tpu.vector_load %arg9[%swap3A_228] {strides = array<i32>} : memref<32768xf32, #tpu.memory_space<vmem>>, vector<16xf32>,
            tpu.vector_store %arg9[%swap3A_228], %broadcast_in_dim3A_3 {strides = array<i32>} : memref<32768xf32, #tpu.memory_space<vmem>>, vector<16xf32>,
          }
          %scan3A_222 = arith.constant 256 : i32
        } else {
        }
        %gt3A_195 = arith.constant 20480 : i32
        %gt3A_196 = arith.cmpi sgt, %add3A_169, %gt3A_195 : i32
        %convert_element_type3A_197 = arith.extui %gt3A_196 : i1 to i32
        %cond3A_198 = arith.constant 0 : i32
        %cond3A_199 = arith.cmpi ne, %convert_element_type3A_197, %cond3A_198 : i32
        scf.if %cond3A_199 {
          %scan3A_211 = arith.constant 0 : i32
          %scan3A_212 = arith.constant 0 : i32
          %scan3A_213 = arith.constant 256 : i32
          %scan3A_214 = arith.addi %scan3A_212, %scan3A_213 : i32
          %scan3A_215 = arith.constant 1 : i32
          scf.for %scan3A_223 = %scan3A_212 to %scan3A_214 step %scan3A_215  : i32 {
            %add3A_224 = arith.constant 20480 : i32
            %add3A_225 = arith.addi %cond3A_126, %add3A_224 : i32
            %mul3A_226 = arith.constant 16 : i32
            %mul3A_227 = arith.muli %scan3A_223, %mul3A_226 : i32
            %add3A_228 = arith.addi %add3A_225, %mul3A_227 : i32
            %add3A_229 = vector.broadcast %add3A_228 : i32 to vector<16xi32>
            %add3A_230 = arith.addi %add3A_229, %iota3A : vector<16xi32>
            %mul3A_231 = arith.constant 16 : i32
            %mul3A_232 = arith.muli %scan3A_223, %mul3A_231 : i32
            %swap3A_233 = arith.index_cast %mul3A_232 : i32 to index
            %swap3A_234 = tpu.vector_load %arg10[%swap3A_233] {strides = array<i32>} : memref<4096xi32, #tpu.memory_space<vmem>>, vector<16xi32>,
            tpu.vector_store %arg10[%swap3A_233], %add3A_230 {strides = array<i32>} : memref<4096xi32, #tpu.memory_space<vmem>>, vector<16xi32>,
          }
          %scan3A_216 = arith.constant 256 : i32
          "tpu.region"() ({
            %run_scoped3A = tpu.sem_alloc : memref<!tpu.dma_semaphore, #tpu.memory_space<semaphore_mem>>
            %dma_start3A_223 = arith.constant 20480 : i32
            %dma_start3A_224 = tpu.memref_slice %arg9[%dma_start3A_223] : memref<32768xf32, #tpu.memory_space<vmem>> -> memref<4096xf32, #tpu.memory_space<vmem>>
            %dma_start3A_225 = arith.constant 0 : i32
            %dma_start3A_226 = tpu.memref_slice %arg11[%dma_start3A_225] : memref<133120xf32, #tpu.memory_space<vmem_shared>> -> memref<133120xf32, #tpu.memory_space<vmem_shared>>
            tpu.enqueue_indirect_dma source(%dma_start3A_224 : memref<4096xf32, #tpu.memory_space<vmem>>) target(%dma_start3A_226 : memref<133120xf32, #tpu.memory_space<vmem_shared>>) offsets(%arg10 : memref<4096xi32, #tpu.memory_space<vmem>>) semaphore(%run_scoped3A : memref<!tpu.dma_semaphore, #tpu.memory_space<semaphore_mem>>) {add = true}
            %dma_wait3A_227 = arith.constant 20480 : i32
            %dma_wait3A_228 = tpu.memref_slice %arg9[%dma_wait3A_227] : memref<32768xf32, #tpu.memory_space<vmem>> -> memref<4096xf32, #tpu.memory_space<vmem>>
            %dma_wait3A_229 = arith.constant 0 : i32
            %dma_wait3A_230 = tpu.memref_slice %arg11[%dma_wait3A_229] : memref<133120xf32, #tpu.memory_space<vmem_shared>> -> memref<133120xf32, #tpu.memory_space<vmem_shared>>
            tpu.wait_indirect_dma semaphore(%run_scoped3A : memref<!tpu.dma_semaphore, #tpu.memory_space<semaphore_mem>>) src(%dma_wait3A_228 : memref<4096xf32, #tpu.memory_space<vmem>>) dst(%dma_wait3A_230 : memref<133120xf32, #tpu.memory_space<vmem_shared>>)
            tpu.yield
          }) : () -> ()
          %scan3A_217 = arith.constant 0 : i32
          %scan3A_218 = arith.constant 0 : i32
          %scan3A_219 = arith.constant 256 : i32
          %scan3A_220 = arith.addi %scan3A_218, %scan3A_219 : i32
          %scan3A_221 = arith.constant 1 : i32
          scf.for %scan3A_223 = %scan3A_218 to %scan3A_220 step %scan3A_221  : i32 {
            %mul3A_224 = arith.constant 16 : i32
            %mul3A_225 = arith.muli %scan3A_223, %mul3A_224 : i32
            %add3A_226 = arith.constant 20480 : i32
            %add3A_227 = arith.addi %add3A_226, %mul3A_225 : i32
            %swap3A_228 = arith.index_cast %add3A_227 : i32 to index
            %swap3A_229 = tpu.vector_load %arg9[%swap3A_228] {strides = array<i32>} : memref<32768xf32, #tpu.memory_space<vmem>>, vector<16xf32>,
            tpu.vector_store %arg9[%swap3A_228], %broadcast_in_dim3A_3 {strides = array<i32>} : memref<32768xf32, #tpu.memory_space<vmem>>, vector<16xf32>,
          }
          %scan3A_222 = arith.constant 256 : i32
        } else {
        }
        %gt3A_200 = arith.constant 24576 : i32
        %gt3A_201 = arith.cmpi sgt, %add3A_169, %gt3A_200 : i32
        %convert_element_type3A_202 = arith.extui %gt3A_201 : i1 to i32
        %cond3A_203 = arith.constant 0 : i32
        %cond3A_204 = arith.cmpi ne, %convert_element_type3A_202, %cond3A_203 : i32
        scf.if %cond3A_204 {
          %scan3A_211 = arith.constant 0 : i32
          %scan3A_212 = arith.constant 0 : i32
          %scan3A_213 = arith.constant 256 : i32
          %scan3A_214 = arith.addi %scan3A_212, %scan3A_213 : i32
          %scan3A_215 = arith.constant 1 : i32
          scf.for %scan3A_223 = %scan3A_212 to %scan3A_214 step %scan3A_215  : i32 {
            %add3A_224 = arith.constant 24576 : i32
            %add3A_225 = arith.addi %cond3A_126, %add3A_224 : i32
            %mul3A_226 = arith.constant 16 : i32
            %mul3A_227 = arith.muli %scan3A_223, %mul3A_226 : i32
            %add3A_228 = arith.addi %add3A_225, %mul3A_227 : i32
            %add3A_229 = vector.broadcast %add3A_228 : i32 to vector<16xi32>
            %add3A_230 = arith.addi %add3A_229, %iota3A : vector<16xi32>
            %mul3A_231 = arith.constant 16 : i32
            %mul3A_232 = arith.muli %scan3A_223, %mul3A_231 : i32
            %swap3A_233 = arith.index_cast %mul3A_232 : i32 to index
            %swap3A_234 = tpu.vector_load %arg10[%swap3A_233] {strides = array<i32>} : memref<4096xi32, #tpu.memory_space<vmem>>, vector<16xi32>,
            tpu.vector_store %arg10[%swap3A_233], %add3A_230 {strides = array<i32>} : memref<4096xi32, #tpu.memory_space<vmem>>, vector<16xi32>,
          }
          %scan3A_216 = arith.constant 256 : i32
          "tpu.region"() ({
            %run_scoped3A = tpu.sem_alloc : memref<!tpu.dma_semaphore, #tpu.memory_space<semaphore_mem>>
            %dma_start3A_223 = arith.constant 24576 : i32
            %dma_start3A_224 = tpu.memref_slice %arg9[%dma_start3A_223] : memref<32768xf32, #tpu.memory_space<vmem>> -> memref<4096xf32, #tpu.memory_space<vmem>>
            %dma_start3A_225 = arith.constant 0 : i32
            %dma_start3A_226 = tpu.memref_slice %arg11[%dma_start3A_225] : memref<133120xf32, #tpu.memory_space<vmem_shared>> -> memref<133120xf32, #tpu.memory_space<vmem_shared>>
            tpu.enqueue_indirect_dma source(%dma_start3A_224 : memref<4096xf32, #tpu.memory_space<vmem>>) target(%dma_start3A_226 : memref<133120xf32, #tpu.memory_space<vmem_shared>>) offsets(%arg10 : memref<4096xi32, #tpu.memory_space<vmem>>) semaphore(%run_scoped3A : memref<!tpu.dma_semaphore, #tpu.memory_space<semaphore_mem>>) {add = true}
            %dma_wait3A_227 = arith.constant 24576 : i32
            %dma_wait3A_228 = tpu.memref_slice %arg9[%dma_wait3A_227] : memref<32768xf32, #tpu.memory_space<vmem>> -> memref<4096xf32, #tpu.memory_space<vmem>>
            %dma_wait3A_229 = arith.constant 0 : i32
            %dma_wait3A_230 = tpu.memref_slice %arg11[%dma_wait3A_229] : memref<133120xf32, #tpu.memory_space<vmem_shared>> -> memref<133120xf32, #tpu.memory_space<vmem_shared>>
            tpu.wait_indirect_dma semaphore(%run_scoped3A : memref<!tpu.dma_semaphore, #tpu.memory_space<semaphore_mem>>) src(%dma_wait3A_228 : memref<4096xf32, #tpu.memory_space<vmem>>) dst(%dma_wait3A_230 : memref<133120xf32, #tpu.memory_space<vmem_shared>>)
            tpu.yield
          }) : () -> ()
          %scan3A_217 = arith.constant 0 : i32
          %scan3A_218 = arith.constant 0 : i32
          %scan3A_219 = arith.constant 256 : i32
          %scan3A_220 = arith.addi %scan3A_218, %scan3A_219 : i32
          %scan3A_221 = arith.constant 1 : i32
          scf.for %scan3A_223 = %scan3A_218 to %scan3A_220 step %scan3A_221  : i32 {
            %mul3A_224 = arith.constant 16 : i32
            %mul3A_225 = arith.muli %scan3A_223, %mul3A_224 : i32
            %add3A_226 = arith.constant 24576 : i32
            %add3A_227 = arith.addi %add3A_226, %mul3A_225 : i32
            %swap3A_228 = arith.index_cast %add3A_227 : i32 to index
            %swap3A_229 = tpu.vector_load %arg9[%swap3A_228] {strides = array<i32>} : memref<32768xf32, #tpu.memory_space<vmem>>, vector<16xf32>,
            tpu.vector_store %arg9[%swap3A_228], %broadcast_in_dim3A_3 {strides = array<i32>} : memref<32768xf32, #tpu.memory_space<vmem>>, vector<16xf32>,
          }
          %scan3A_222 = arith.constant 256 : i32
        } else {
        }
        %gt3A_205 = arith.constant 28672 : i32
        %gt3A_206 = arith.cmpi sgt, %add3A_169, %gt3A_205 : i32
        %convert_element_type3A_207 = arith.extui %gt3A_206 : i1 to i32
        %cond3A_208 = arith.constant 0 : i32
        %cond3A_209 = arith.cmpi ne, %convert_element_type3A_207, %cond3A_208 : i32
        scf.if %cond3A_209 {
          %scan3A_211 = arith.constant 0 : i32
          %scan3A_212 = arith.constant 0 : i32
          %scan3A_213 = arith.constant 256 : i32
          %scan3A_214 = arith.addi %scan3A_212, %scan3A_213 : i32
          %scan3A_215 = arith.constant 1 : i32
          scf.for %scan3A_223 = %scan3A_212 to %scan3A_214 step %scan3A_215  : i32 {
            %add3A_224 = arith.constant 28672 : i32
            %add3A_225 = arith.addi %cond3A_126, %add3A_224 : i32
            %mul3A_226 = arith.constant 16 : i32
            %mul3A_227 = arith.muli %scan3A_223, %mul3A_226 : i32
            %add3A_228 = arith.addi %add3A_225, %mul3A_227 : i32
            %add3A_229 = vector.broadcast %add3A_228 : i32 to vector<16xi32>
            %add3A_230 = arith.addi %add3A_229, %iota3A : vector<16xi32>
            %mul3A_231 = arith.constant 16 : i32
            %mul3A_232 = arith.muli %scan3A_223, %mul3A_231 : i32
            %swap3A_233 = arith.index_cast %mul3A_232 : i32 to index
            %swap3A_234 = tpu.vector_load %arg10[%swap3A_233] {strides = array<i32>} : memref<4096xi32, #tpu.memory_space<vmem>>, vector<16xi32>,
            tpu.vector_store %arg10[%swap3A_233], %add3A_230 {strides = array<i32>} : memref<4096xi32, #tpu.memory_space<vmem>>, vector<16xi32>,
          }
          %scan3A_216 = arith.constant 256 : i32
          "tpu.region"() ({
            %run_scoped3A = tpu.sem_alloc : memref<!tpu.dma_semaphore, #tpu.memory_space<semaphore_mem>>
            %dma_start3A_223 = arith.constant 28672 : i32
            %dma_start3A_224 = tpu.memref_slice %arg9[%dma_start3A_223] : memref<32768xf32, #tpu.memory_space<vmem>> -> memref<4096xf32, #tpu.memory_space<vmem>>
            %dma_start3A_225 = arith.constant 0 : i32
            %dma_start3A_226 = tpu.memref_slice %arg11[%dma_start3A_225] : memref<133120xf32, #tpu.memory_space<vmem_shared>> -> memref<133120xf32, #tpu.memory_space<vmem_shared>>
            tpu.enqueue_indirect_dma source(%dma_start3A_224 : memref<4096xf32, #tpu.memory_space<vmem>>) target(%dma_start3A_226 : memref<133120xf32, #tpu.memory_space<vmem_shared>>) offsets(%arg10 : memref<4096xi32, #tpu.memory_space<vmem>>) semaphore(%run_scoped3A : memref<!tpu.dma_semaphore, #tpu.memory_space<semaphore_mem>>) {add = true}
            %dma_wait3A_227 = arith.constant 28672 : i32
            %dma_wait3A_228 = tpu.memref_slice %arg9[%dma_wait3A_227] : memref<32768xf32, #tpu.memory_space<vmem>> -> memref<4096xf32, #tpu.memory_space<vmem>>
            %dma_wait3A_229 = arith.constant 0 : i32
            %dma_wait3A_230 = tpu.memref_slice %arg11[%dma_wait3A_229] : memref<133120xf32, #tpu.memory_space<vmem_shared>> -> memref<133120xf32, #tpu.memory_space<vmem_shared>>
            tpu.wait_indirect_dma semaphore(%run_scoped3A : memref<!tpu.dma_semaphore, #tpu.memory_space<semaphore_mem>>) src(%dma_wait3A_228 : memref<4096xf32, #tpu.memory_space<vmem>>) dst(%dma_wait3A_230 : memref<133120xf32, #tpu.memory_space<vmem_shared>>)
            tpu.yield
          }) : () -> ()
          %scan3A_217 = arith.constant 0 : i32
          %scan3A_218 = arith.constant 0 : i32
          %scan3A_219 = arith.constant 256 : i32
          %scan3A_220 = arith.addi %scan3A_218, %scan3A_219 : i32
          %scan3A_221 = arith.constant 1 : i32
          scf.for %scan3A_223 = %scan3A_218 to %scan3A_220 step %scan3A_221  : i32 {
            %mul3A_224 = arith.constant 16 : i32
            %mul3A_225 = arith.muli %scan3A_223, %mul3A_224 : i32
            %add3A_226 = arith.constant 28672 : i32
            %add3A_227 = arith.addi %add3A_226, %mul3A_225 : i32
            %swap3A_228 = arith.index_cast %add3A_227 : i32 to index
            %swap3A_229 = tpu.vector_load %arg9[%swap3A_228] {strides = array<i32>} : memref<32768xf32, #tpu.memory_space<vmem>>, vector<16xf32>,
            tpu.vector_store %arg9[%swap3A_228], %broadcast_in_dim3A_3 {strides = array<i32>} : memref<32768xf32, #tpu.memory_space<vmem>>, vector<16xf32>,
          }
          %scan3A_222 = arith.constant 256 : i32
        } else {
        }
        %and3A = arith.constant -128 : i32
        %and3A_210 = arith.andi %squeeze3A_148, %and3A : i32
        scf.yield %and3A_210 : i32
      } else {
        scf.yield %cond3A_126 : i32
      }
      %add3A_160 = arith.constant 32768 : i32
      %add3A_161 = arith.addi %cond3A_159, %add3A_160 : i32
      %lt3A_162 = arith.cmpi slt, %squeeze3A_152, %add3A_161 : i32
      %convert_element_type3A_163 = arith.extui %lt3A_162 : i1 to i32
      %cond3A_164 = arith.constant 0 : i32
      %cond3A_165 = arith.cmpi ne, %convert_element_type3A_163, %cond3A_164 : i32
      %cond3A_166 = scf.if %cond3A_165 -> (i32) {
        %parallel_loop3A = arith.constant 0 : i32
        %parallel_loop3A_167 = arith.constant 625 : i32
        %parallel_loop3A_168 = arith.constant 1 : i32
        scf.for %parallel_loop3A_169 = %parallel_loop3A to %parallel_loop3A_167 step %parallel_loop3A_168  : i32 {
          %parallel_loop3A_170 = arith.constant 16 : i32
          %parallel_loop3A_171 = arith.muli %parallel_loop3A_169, %parallel_loop3A_170 : i32
          %parallel_loop3A_172 = arith.index_cast %parallel_loop3A_171 : i32 to index
          %parallel_loop3A_173 = tpu.vector_load %arg6[%parallel_loop3A_172] {strides = array<i32>} : memref<10016xi32, #tpu.memory_space<vmem>>, vector<16xi32>,
          %parallel_loop3A_174 = arith.index_cast %parallel_loop3A_171 : i32 to index
          %parallel_loop3A_175 = tpu.vector_load %arg8[%parallel_loop3A_174] {strides = array<i32>} : memref<10000xf32, #tpu.memory_space<vmem>>, vector<16xf32>,
          %parallel_loop3A_176 = arith.constant 1 : i32
          %parallel_loop3A_177 = arith.addi %parallel_loop3A_171, %parallel_loop3A_176 : i32
          %parallel_loop3A_178 = arith.index_cast %parallel_loop3A_177 : i32 to index
          %parallel_loop3A_179 = tpu.vector_load %arg6[%parallel_loop3A_178] {strides = array<i32>} : memref<10016xi32, #tpu.memory_space<vmem>>, vector<16xi32>,
          %parallel_loop3A_180 = arith.constant true
          %parallel_loop3A_181 = vector.broadcast %parallel_loop3A_180 : i1 to vector<16xi1>
          %parallel_loop3A_182 = tpu.scan <sum>, %parallel_loop3A_175 masked %parallel_loop3A_181 : vector<16xf32>, vector<16xi1> -> vector<16xf32>
          %parallel_loop3A_183 = arith.cmpi ne, %parallel_loop3A_173, %parallel_loop3A_179 : vector<16xi32>
          %parallel_loop3A_184 = arith.ori %parallel_loop3A_183, %eq3A_5 : vector<16xi1>
          %parallel_loop3A_185 = vector.broadcast %cond3A_159 : i32 to vector<16xi32>
          %parallel_loop3A_186 = arith.subi %parallel_loop3A_173, %parallel_loop3A_185 : vector<16xi32>
          tpu.vector_store_idx %arg9[%parallel_loop3A_186], %parallel_loop3A_182 masked %parallel_loop3A_184 {add = true} : memref<32768xf32, #tpu.memory_space<vmem>>[vector<16xi32>], vector<16xf32>, vector<16xi1>
          %parallel_loop3A_187 = arith.constant dense<true> : vector<16xi1>
          %parallel_loop3A_188 = arith.xori %eq3A_5, %parallel_loop3A_187 : vector<16xi1>
          %parallel_loop3A_189 = arith.andi %parallel_loop3A_183, %parallel_loop3A_188 : vector<16xi1>
          %parallel_loop3A_190 = vector.broadcast %cond3A_159 : i32 to vector<16xi32>
          %parallel_loop3A_191 = arith.subi %parallel_loop3A_179, %parallel_loop3A_190 : vector<16xi32>
          %parallel_loop3A_192 = arith.constant 0 : i32
          %parallel_loop3A_193 = arith.constant 32767 : i32
          %parallel_loop3A_194 = vector.broadcast %parallel_loop3A_192 : i32 to vector<16xi32>
          %parallel_loop3A_195 = arith.maxsi %parallel_loop3A_194, %parallel_loop3A_191 : vector<16xi32>
          %parallel_loop3A_196 = vector.broadcast %parallel_loop3A_193 : i32 to vector<16xi32>
          %parallel_loop3A_197 = arith.minsi %parallel_loop3A_196, %parallel_loop3A_195 : vector<16xi32>
          %parallel_loop3A_198 = arith.constant 0.000000e+00 : f32
          %parallel_loop3A_199 = vector.broadcast %parallel_loop3A_198 : f32 to vector<16xf32>
          %parallel_loop3A_200 = arith.subf %parallel_loop3A_199, %parallel_loop3A_182 : vector<16xf32>
          tpu.vector_store_idx %arg9[%parallel_loop3A_197], %parallel_loop3A_200 masked %parallel_loop3A_189 {add = true} : memref<32768xf32, #tpu.memory_space<vmem>>[vector<16xi32>], vector<16xf32>, vector<16xi1>
        } {sc.loop_unroll_factor = 4 : i64, sc.parallel_access}
        scf.yield %cond3A_159 : i32
      } else {
        %scan3A_167 = arith.constant 0 : i32
        %scan3A_168 = arith.constant 625 : i32
        %scan3A_169 = arith.addi %scan3A_167, %scan3A_168 : i32
        %scan3A_170 = arith.constant 1 : i32
        %scan3A_171 = scf.for %scan3A_173 = %scan3A_167 to %scan3A_169 step %scan3A_170 iter_args(%scan3A_174 = %cond3A_159) -> (i32)  : i32 {
          %mul3A_175 = arith.constant 16 : i32
          %mul3A_176 = arith.muli %scan3A_173, %mul3A_175 : i32
          %get3A_177 = arith.index_cast %mul3A_176 : i32 to index
          %get3A_178 = tpu.vector_load %arg6[%get3A_177] {strides = array<i32>} : memref<10016xi32, #tpu.memory_space<vmem>>, vector<16xi32>,
          %mul3A_179 = arith.constant 16 : i32
          %mul3A_180 = arith.muli %scan3A_173, %mul3A_179 : i32
          %get3A_181 = arith.index_cast %mul3A_180 : i32 to index
          %get3A_182 = tpu.vector_load %arg8[%get3A_181] {strides = array<i32>} : memref<10000xf32, #tpu.memory_space<vmem>>, vector<16xf32>,
          %slice3A_183 = vector.extract_strided_slice %get3A_178 {offsets = [15], sizes = [1], strides = [1]} : vector<16xi32> to vector<1xi32>
          %squeeze3A_184 = vector.extract %slice3A_183[0] : i32 from vector<1xi32>
          %add3A_185 = arith.constant 32768 : i32
          %add3A_186 = arith.addi %scan3A_174, %add3A_185 : i32
          %ge3A_187 = arith.cmpi sge, %squeeze3A_184, %add3A_186 : i32
          %convert_element_type3A_188 = arith.extui %ge3A_187 : i1 to i32
          %cond3A_189 = arith.constant 0 : i32
          %cond3A_190 = arith.cmpi ne, %convert_element_type3A_188, %cond3A_189 : i32
          %cond3A_191 = scf.if %cond3A_190 -> (i32) {
            %add3A_198 = arith.constant 32768 : i32
            %add3A_199 = arith.addi %scan3A_174, %add3A_198 : i32
            %sub3A_200 = arith.constant 1 : i32
            %sub3A_201 = arith.subi %add3A_199, %sub3A_200 : i32
            %sub3A_202 = arith.subi %sub3A_201, %scan3A_174 : i32
            %add3A_203 = arith.constant 1 : i32
            %add3A_204 = arith.addi %sub3A_202, %add3A_203 : i32
            %gt3A_205 = arith.constant 0 : i32
            %gt3A_206 = arith.cmpi sgt, %add3A_204, %gt3A_205 : i32
            %convert_element_type3A_207 = arith.extui %gt3A_206 : i1 to i32
            %cond3A_208 = arith.constant 0 : i32
            %cond3A_209 = arith.cmpi ne, %convert_element_type3A_207, %cond3A_208 : i32
            scf.if %cond3A_209 {
              %scan3A_248 = arith.constant 0 : i32
              %scan3A_249 = arith.constant 0 : i32
              %scan3A_250 = arith.constant 256 : i32
              %scan3A_251 = arith.addi %scan3A_249, %scan3A_250 : i32
              %scan3A_252 = arith.constant 1 : i32
              scf.for %scan3A_260 = %scan3A_249 to %scan3A_251 step %scan3A_252  : i32 {
                %add3A_261 = arith.constant 0 : i32
                %add3A_262 = arith.addi %scan3A_174, %add3A_261 : i32
                %mul3A_263 = arith.constant 16 : i32
                %mul3A_264 = arith.muli %scan3A_260, %mul3A_263 : i32
                %add3A_265 = arith.addi %add3A_262, %mul3A_264 : i32
                %add3A_266 = vector.broadcast %add3A_265 : i32 to vector<16xi32>
                %add3A_267 = arith.addi %add3A_266, %iota3A : vector<16xi32>
                %mul3A_268 = arith.constant 16 : i32
                %mul3A_269 = arith.muli %scan3A_260, %mul3A_268 : i32
                %swap3A_270 = arith.index_cast %mul3A_269 : i32 to index
                %swap3A_271 = tpu.vector_load %arg10[%swap3A_270] {strides = array<i32>} : memref<4096xi32, #tpu.memory_space<vmem>>, vector<16xi32>,
                tpu.vector_store %arg10[%swap3A_270], %add3A_267 {strides = array<i32>} : memref<4096xi32, #tpu.memory_space<vmem>>, vector<16xi32>,
              }
              %scan3A_253 = arith.constant 256 : i32
              "tpu.region"() ({
                %run_scoped3A = tpu.sem_alloc : memref<!tpu.dma_semaphore, #tpu.memory_space<semaphore_mem>>
                %dma_start3A_260 = arith.constant 0 : i32
                %dma_start3A_261 = tpu.memref_slice %arg9[%dma_start3A_260] : memref<32768xf32, #tpu.memory_space<vmem>> -> memref<4096xf32, #tpu.memory_space<vmem>>
                %dma_start3A_262 = arith.constant 0 : i32
                %dma_start3A_263 = tpu.memref_slice %arg11[%dma_start3A_262] : memref<133120xf32, #tpu.memory_space<vmem_shared>> -> memref<133120xf32, #tpu.memory_space<vmem_shared>>
                tpu.enqueue_indirect_dma source(%dma_start3A_261 : memref<4096xf32, #tpu.memory_space<vmem>>) target(%dma_start3A_263 : memref<133120xf32, #tpu.memory_space<vmem_shared>>) offsets(%arg10 : memref<4096xi32, #tpu.memory_space<vmem>>) semaphore(%run_scoped3A : memref<!tpu.dma_semaphore, #tpu.memory_space<semaphore_mem>>) {add = true}
                %dma_wait3A_264 = arith.constant 0 : i32
                %dma_wait3A_265 = tpu.memref_slice %arg9[%dma_wait3A_264] : memref<32768xf32, #tpu.memory_space<vmem>> -> memref<4096xf32, #tpu.memory_space<vmem>>
                %dma_wait3A_266 = arith.constant 0 : i32
                %dma_wait3A_267 = tpu.memref_slice %arg11[%dma_wait3A_266] : memref<133120xf32, #tpu.memory_space<vmem_shared>> -> memref<133120xf32, #tpu.memory_space<vmem_shared>>
                tpu.wait_indirect_dma semaphore(%run_scoped3A : memref<!tpu.dma_semaphore, #tpu.memory_space<semaphore_mem>>) src(%dma_wait3A_265 : memref<4096xf32, #tpu.memory_space<vmem>>) dst(%dma_wait3A_267 : memref<133120xf32, #tpu.memory_space<vmem_shared>>)
                tpu.yield
              }) : () -> ()
              %scan3A_254 = arith.constant 0 : i32
              %scan3A_255 = arith.constant 0 : i32
              %scan3A_256 = arith.constant 256 : i32
              %scan3A_257 = arith.addi %scan3A_255, %scan3A_256 : i32
              %scan3A_258 = arith.constant 1 : i32
              scf.for %scan3A_260 = %scan3A_255 to %scan3A_257 step %scan3A_258  : i32 {
                %mul3A_261 = arith.constant 16 : i32
                %mul3A_262 = arith.muli %scan3A_260, %mul3A_261 : i32
                %add3A_263 = arith.constant 0 : i32
                %add3A_264 = arith.addi %add3A_263, %mul3A_262 : i32
                %swap3A_265 = arith.index_cast %add3A_264 : i32 to index
                %swap3A_266 = tpu.vector_load %arg9[%swap3A_265] {strides = array<i32>} : memref<32768xf32, #tpu.memory_space<vmem>>, vector<16xf32>,
                tpu.vector_store %arg9[%swap3A_265], %broadcast_in_dim3A_3 {strides = array<i32>} : memref<32768xf32, #tpu.memory_space<vmem>>, vector<16xf32>,
              }
              %scan3A_259 = arith.constant 256 : i32
            } else {
            }
            %gt3A_210 = arith.constant 4096 : i32
            %gt3A_211 = arith.cmpi sgt, %add3A_204, %gt3A_210 : i32
            %convert_element_type3A_212 = arith.extui %gt3A_211 : i1 to i32
            %cond3A_213 = arith.constant 0 : i32
            %cond3A_214 = arith.cmpi ne, %convert_element_type3A_212, %cond3A_213 : i32
            scf.if %cond3A_214 {
              %scan3A_248 = arith.constant 0 : i32
              %scan3A_249 = arith.constant 0 : i32
              %scan3A_250 = arith.constant 256 : i32
              %scan3A_251 = arith.addi %scan3A_249, %scan3A_250 : i32
              %scan3A_252 = arith.constant 1 : i32
              scf.for %scan3A_260 = %scan3A_249 to %scan3A_251 step %scan3A_252  : i32 {
                %add3A_261 = arith.constant 4096 : i32
                %add3A_262 = arith.addi %scan3A_174, %add3A_261 : i32
                %mul3A_263 = arith.constant 16 : i32
                %mul3A_264 = arith.muli %scan3A_260, %mul3A_263 : i32
                %add3A_265 = arith.addi %add3A_262, %mul3A_264 : i32
                %add3A_266 = vector.broadcast %add3A_265 : i32 to vector<16xi32>
                %add3A_267 = arith.addi %add3A_266, %iota3A : vector<16xi32>
                %mul3A_268 = arith.constant 16 : i32
                %mul3A_269 = arith.muli %scan3A_260, %mul3A_268 : i32
                %swap3A_270 = arith.index_cast %mul3A_269 : i32 to index
                %swap3A_271 = tpu.vector_load %arg10[%swap3A_270] {strides = array<i32>} : memref<4096xi32, #tpu.memory_space<vmem>>, vector<16xi32>,
                tpu.vector_store %arg10[%swap3A_270], %add3A_267 {strides = array<i32>} : memref<4096xi32, #tpu.memory_space<vmem>>, vector<16xi32>,
              }
              %scan3A_253 = arith.constant 256 : i32
              "tpu.region"() ({
                %run_scoped3A = tpu.sem_alloc : memref<!tpu.dma_semaphore, #tpu.memory_space<semaphore_mem>>
                %dma_start3A_260 = arith.constant 4096 : i32
                %dma_start3A_261 = tpu.memref_slice %arg9[%dma_start3A_260] : memref<32768xf32, #tpu.memory_space<vmem>> -> memref<4096xf32, #tpu.memory_space<vmem>>
                %dma_start3A_262 = arith.constant 0 : i32
                %dma_start3A_263 = tpu.memref_slice %arg11[%dma_start3A_262] : memref<133120xf32, #tpu.memory_space<vmem_shared>> -> memref<133120xf32, #tpu.memory_space<vmem_shared>>
                tpu.enqueue_indirect_dma source(%dma_start3A_261 : memref<4096xf32, #tpu.memory_space<vmem>>) target(%dma_start3A_263 : memref<133120xf32, #tpu.memory_space<vmem_shared>>) offsets(%arg10 : memref<4096xi32, #tpu.memory_space<vmem>>) semaphore(%run_scoped3A : memref<!tpu.dma_semaphore, #tpu.memory_space<semaphore_mem>>) {add = true}
                %dma_wait3A_264 = arith.constant 4096 : i32
                %dma_wait3A_265 = tpu.memref_slice %arg9[%dma_wait3A_264] : memref<32768xf32, #tpu.memory_space<vmem>> -> memref<4096xf32, #tpu.memory_space<vmem>>
                %dma_wait3A_266 = arith.constant 0 : i32
                %dma_wait3A_267 = tpu.memref_slice %arg11[%dma_wait3A_266] : memref<133120xf32, #tpu.memory_space<vmem_shared>> -> memref<133120xf32, #tpu.memory_space<vmem_shared>>
                tpu.wait_indirect_dma semaphore(%run_scoped3A : memref<!tpu.dma_semaphore, #tpu.memory_space<semaphore_mem>>) src(%dma_wait3A_265 : memref<4096xf32, #tpu.memory_space<vmem>>) dst(%dma_wait3A_267 : memref<133120xf32, #tpu.memory_space<vmem_shared>>)
                tpu.yield
              }) : () -> ()
              %scan3A_254 = arith.constant 0 : i32
              %scan3A_255 = arith.constant 0 : i32
              %scan3A_256 = arith.constant 256 : i32
              %scan3A_257 = arith.addi %scan3A_255, %scan3A_256 : i32
              %scan3A_258 = arith.constant 1 : i32
              scf.for %scan3A_260 = %scan3A_255 to %scan3A_257 step %scan3A_258  : i32 {
                %mul3A_261 = arith.constant 16 : i32
                %mul3A_262 = arith.muli %scan3A_260, %mul3A_261 : i32
                %add3A_263 = arith.constant 4096 : i32
                %add3A_264 = arith.addi %add3A_263, %mul3A_262 : i32
                %swap3A_265 = arith.index_cast %add3A_264 : i32 to index
                %swap3A_266 = tpu.vector_load %arg9[%swap3A_265] {strides = array<i32>} : memref<32768xf32, #tpu.memory_space<vmem>>, vector<16xf32>,
                tpu.vector_store %arg9[%swap3A_265], %broadcast_in_dim3A_3 {strides = array<i32>} : memref<32768xf32, #tpu.memory_space<vmem>>, vector<16xf32>,
              }
              %scan3A_259 = arith.constant 256 : i32
            } else {
            }
            %gt3A_215 = arith.constant 8192 : i32
            %gt3A_216 = arith.cmpi sgt, %add3A_204, %gt3A_215 : i32
            %convert_element_type3A_217 = arith.extui %gt3A_216 : i1 to i32
            %cond3A_218 = arith.constant 0 : i32
            %cond3A_219 = arith.cmpi ne, %convert_element_type3A_217, %cond3A_218 : i32
            scf.if %cond3A_219 {
              %scan3A_248 = arith.constant 0 : i32
              %scan3A_249 = arith.constant 0 : i32
              %scan3A_250 = arith.constant 256 : i32
              %scan3A_251 = arith.addi %scan3A_249, %scan3A_250 : i32
              %scan3A_252 = arith.constant 1 : i32
              scf.for %scan3A_260 = %scan3A_249 to %scan3A_251 step %scan3A_252  : i32 {
                %add3A_261 = arith.constant 8192 : i32
                %add3A_262 = arith.addi %scan3A_174, %add3A_261 : i32
                %mul3A_263 = arith.constant 16 : i32
                %mul3A_264 = arith.muli %scan3A_260, %mul3A_263 : i32
                %add3A_265 = arith.addi %add3A_262, %mul3A_264 : i32
                %add3A_266 = vector.broadcast %add3A_265 : i32 to vector<16xi32>
                %add3A_267 = arith.addi %add3A_266, %iota3A : vector<16xi32>
                %mul3A_268 = arith.constant 16 : i32
                %mul3A_269 = arith.muli %scan3A_260, %mul3A_268 : i32
                %swap3A_270 = arith.index_cast %mul3A_269 : i32 to index
                %swap3A_271 = tpu.vector_load %arg10[%swap3A_270] {strides = array<i32>} : memref<4096xi32, #tpu.memory_space<vmem>>, vector<16xi32>,
                tpu.vector_store %arg10[%swap3A_270], %add3A_267 {strides = array<i32>} : memref<4096xi32, #tpu.memory_space<vmem>>, vector<16xi32>,
              }
              %scan3A_253 = arith.constant 256 : i32
              "tpu.region"() ({
                %run_scoped3A = tpu.sem_alloc : memref<!tpu.dma_semaphore, #tpu.memory_space<semaphore_mem>>
                %dma_start3A_260 = arith.constant 8192 : i32
                %dma_start3A_261 = tpu.memref_slice %arg9[%dma_start3A_260] : memref<32768xf32, #tpu.memory_space<vmem>> -> memref<4096xf32, #tpu.memory_space<vmem>>
                %dma_start3A_262 = arith.constant 0 : i32
                %dma_start3A_263 = tpu.memref_slice %arg11[%dma_start3A_262] : memref<133120xf32, #tpu.memory_space<vmem_shared>> -> memref<133120xf32, #tpu.memory_space<vmem_shared>>
                tpu.enqueue_indirect_dma source(%dma_start3A_261 : memref<4096xf32, #tpu.memory_space<vmem>>) target(%dma_start3A_263 : memref<133120xf32, #tpu.memory_space<vmem_shared>>) offsets(%arg10 : memref<4096xi32, #tpu.memory_space<vmem>>) semaphore(%run_scoped3A : memref<!tpu.dma_semaphore, #tpu.memory_space<semaphore_mem>>) {add = true}
                %dma_wait3A_264 = arith.constant 8192 : i32
                %dma_wait3A_265 = tpu.memref_slice %arg9[%dma_wait3A_264] : memref<32768xf32, #tpu.memory_space<vmem>> -> memref<4096xf32, #tpu.memory_space<vmem>>
                %dma_wait3A_266 = arith.constant 0 : i32
                %dma_wait3A_267 = tpu.memref_slice %arg11[%dma_wait3A_266] : memref<133120xf32, #tpu.memory_space<vmem_shared>> -> memref<133120xf32, #tpu.memory_space<vmem_shared>>
                tpu.wait_indirect_dma semaphore(%run_scoped3A : memref<!tpu.dma_semaphore, #tpu.memory_space<semaphore_mem>>) src(%dma_wait3A_265 : memref<4096xf32, #tpu.memory_space<vmem>>) dst(%dma_wait3A_267 : memref<133120xf32, #tpu.memory_space<vmem_shared>>)
                tpu.yield
              }) : () -> ()
              %scan3A_254 = arith.constant 0 : i32
              %scan3A_255 = arith.constant 0 : i32
              %scan3A_256 = arith.constant 256 : i32
              %scan3A_257 = arith.addi %scan3A_255, %scan3A_256 : i32
              %scan3A_258 = arith.constant 1 : i32
              scf.for %scan3A_260 = %scan3A_255 to %scan3A_257 step %scan3A_258  : i32 {
                %mul3A_261 = arith.constant 16 : i32
                %mul3A_262 = arith.muli %scan3A_260, %mul3A_261 : i32
                %add3A_263 = arith.constant 8192 : i32
                %add3A_264 = arith.addi %add3A_263, %mul3A_262 : i32
                %swap3A_265 = arith.index_cast %add3A_264 : i32 to index
                %swap3A_266 = tpu.vector_load %arg9[%swap3A_265] {strides = array<i32>} : memref<32768xf32, #tpu.memory_space<vmem>>, vector<16xf32>,
                tpu.vector_store %arg9[%swap3A_265], %broadcast_in_dim3A_3 {strides = array<i32>} : memref<32768xf32, #tpu.memory_space<vmem>>, vector<16xf32>,
              }
              %scan3A_259 = arith.constant 256 : i32
            } else {
            }
            %gt3A_220 = arith.constant 12288 : i32
            %gt3A_221 = arith.cmpi sgt, %add3A_204, %gt3A_220 : i32
            %convert_element_type3A_222 = arith.extui %gt3A_221 : i1 to i32
            %cond3A_223 = arith.constant 0 : i32
            %cond3A_224 = arith.cmpi ne, %convert_element_type3A_222, %cond3A_223 : i32
            scf.if %cond3A_224 {
              %scan3A_248 = arith.constant 0 : i32
              %scan3A_249 = arith.constant 0 : i32
              %scan3A_250 = arith.constant 256 : i32
              %scan3A_251 = arith.addi %scan3A_249, %scan3A_250 : i32
              %scan3A_252 = arith.constant 1 : i32
              scf.for %scan3A_260 = %scan3A_249 to %scan3A_251 step %scan3A_252  : i32 {
                %add3A_261 = arith.constant 12288 : i32
                %add3A_262 = arith.addi %scan3A_174, %add3A_261 : i32
                %mul3A_263 = arith.constant 16 : i32
                %mul3A_264 = arith.muli %scan3A_260, %mul3A_263 : i32
                %add3A_265 = arith.addi %add3A_262, %mul3A_264 : i32
                %add3A_266 = vector.broadcast %add3A_265 : i32 to vector<16xi32>
                %add3A_267 = arith.addi %add3A_266, %iota3A : vector<16xi32>
                %mul3A_268 = arith.constant 16 : i32
                %mul3A_269 = arith.muli %scan3A_260, %mul3A_268 : i32
                %swap3A_270 = arith.index_cast %mul3A_269 : i32 to index
                %swap3A_271 = tpu.vector_load %arg10[%swap3A_270] {strides = array<i32>} : memref<4096xi32, #tpu.memory_space<vmem>>, vector<16xi32>,
                tpu.vector_store %arg10[%swap3A_270], %add3A_267 {strides = array<i32>} : memref<4096xi32, #tpu.memory_space<vmem>>, vector<16xi32>,
              }
              %scan3A_253 = arith.constant 256 : i32
              "tpu.region"() ({
                %run_scoped3A = tpu.sem_alloc : memref<!tpu.dma_semaphore, #tpu.memory_space<semaphore_mem>>
                %dma_start3A_260 = arith.constant 12288 : i32
                %dma_start3A_261 = tpu.memref_slice %arg9[%dma_start3A_260] : memref<32768xf32, #tpu.memory_space<vmem>> -> memref<4096xf32, #tpu.memory_space<vmem>>
                %dma_start3A_262 = arith.constant 0 : i32
                %dma_start3A_263 = tpu.memref_slice %arg11[%dma_start3A_262] : memref<133120xf32, #tpu.memory_space<vmem_shared>> -> memref<133120xf32, #tpu.memory_space<vmem_shared>>
                tpu.enqueue_indirect_dma source(%dma_start3A_261 : memref<4096xf32, #tpu.memory_space<vmem>>) target(%dma_start3A_263 : memref<133120xf32, #tpu.memory_space<vmem_shared>>) offsets(%arg10 : memref<4096xi32, #tpu.memory_space<vmem>>) semaphore(%run_scoped3A : memref<!tpu.dma_semaphore, #tpu.memory_space<semaphore_mem>>) {add = true}
                %dma_wait3A_264 = arith.constant 12288 : i32
                %dma_wait3A_265 = tpu.memref_slice %arg9[%dma_wait3A_264] : memref<32768xf32, #tpu.memory_space<vmem>> -> memref<4096xf32, #tpu.memory_space<vmem>>
                %dma_wait3A_266 = arith.constant 0 : i32
                %dma_wait3A_267 = tpu.memref_slice %arg11[%dma_wait3A_266] : memref<133120xf32, #tpu.memory_space<vmem_shared>> -> memref<133120xf32, #tpu.memory_space<vmem_shared>>
                tpu.wait_indirect_dma semaphore(%run_scoped3A : memref<!tpu.dma_semaphore, #tpu.memory_space<semaphore_mem>>) src(%dma_wait3A_265 : memref<4096xf32, #tpu.memory_space<vmem>>) dst(%dma_wait3A_267 : memref<133120xf32, #tpu.memory_space<vmem_shared>>)
                tpu.yield
              }) : () -> ()
              %scan3A_254 = arith.constant 0 : i32
              %scan3A_255 = arith.constant 0 : i32
              %scan3A_256 = arith.constant 256 : i32
              %scan3A_257 = arith.addi %scan3A_255, %scan3A_256 : i32
              %scan3A_258 = arith.constant 1 : i32
              scf.for %scan3A_260 = %scan3A_255 to %scan3A_257 step %scan3A_258  : i32 {
                %mul3A_261 = arith.constant 16 : i32
                %mul3A_262 = arith.muli %scan3A_260, %mul3A_261 : i32
                %add3A_263 = arith.constant 12288 : i32
                %add3A_264 = arith.addi %add3A_263, %mul3A_262 : i32
                %swap3A_265 = arith.index_cast %add3A_264 : i32 to index
                %swap3A_266 = tpu.vector_load %arg9[%swap3A_265] {strides = array<i32>} : memref<32768xf32, #tpu.memory_space<vmem>>, vector<16xf32>,
                tpu.vector_store %arg9[%swap3A_265], %broadcast_in_dim3A_3 {strides = array<i32>} : memref<32768xf32, #tpu.memory_space<vmem>>, vector<16xf32>,
              }
              %scan3A_259 = arith.constant 256 : i32
            } else {
            }
            %gt3A_225 = arith.constant 16384 : i32
            %gt3A_226 = arith.cmpi sgt, %add3A_204, %gt3A_225 : i32
            %convert_element_type3A_227 = arith.extui %gt3A_226 : i1 to i32
            %cond3A_228 = arith.constant 0 : i32
            %cond3A_229 = arith.cmpi ne, %convert_element_type3A_227, %cond3A_228 : i32
            scf.if %cond3A_229 {
              %scan3A_248 = arith.constant 0 : i32
              %scan3A_249 = arith.constant 0 : i32
              %scan3A_250 = arith.constant 256 : i32
              %scan3A_251 = arith.addi %scan3A_249, %scan3A_250 : i32
              %scan3A_252 = arith.constant 1 : i32
              scf.for %scan3A_260 = %scan3A_249 to %scan3A_251 step %scan3A_252  : i32 {
                %add3A_261 = arith.constant 16384 : i32
                %add3A_262 = arith.addi %scan3A_174, %add3A_261 : i32
                %mul3A_263 = arith.constant 16 : i32
                %mul3A_264 = arith.muli %scan3A_260, %mul3A_263 : i32
                %add3A_265 = arith.addi %add3A_262, %mul3A_264 : i32
                %add3A_266 = vector.broadcast %add3A_265 : i32 to vector<16xi32>
                %add3A_267 = arith.addi %add3A_266, %iota3A : vector<16xi32>
                %mul3A_268 = arith.constant 16 : i32
                %mul3A_269 = arith.muli %scan3A_260, %mul3A_268 : i32
                %swap3A_270 = arith.index_cast %mul3A_269 : i32 to index
                %swap3A_271 = tpu.vector_load %arg10[%swap3A_270] {strides = array<i32>} : memref<4096xi32, #tpu.memory_space<vmem>>, vector<16xi32>,
                tpu.vector_store %arg10[%swap3A_270], %add3A_267 {strides = array<i32>} : memref<4096xi32, #tpu.memory_space<vmem>>, vector<16xi32>,
              }
              %scan3A_253 = arith.constant 256 : i32
              "tpu.region"() ({
                %run_scoped3A = tpu.sem_alloc : memref<!tpu.dma_semaphore, #tpu.memory_space<semaphore_mem>>
                %dma_start3A_260 = arith.constant 16384 : i32
                %dma_start3A_261 = tpu.memref_slice %arg9[%dma_start3A_260] : memref<32768xf32, #tpu.memory_space<vmem>> -> memref<4096xf32, #tpu.memory_space<vmem>>
                %dma_start3A_262 = arith.constant 0 : i32
                %dma_start3A_263 = tpu.memref_slice %arg11[%dma_start3A_262] : memref<133120xf32, #tpu.memory_space<vmem_shared>> -> memref<133120xf32, #tpu.memory_space<vmem_shared>>
                tpu.enqueue_indirect_dma source(%dma_start3A_261 : memref<4096xf32, #tpu.memory_space<vmem>>) target(%dma_start3A_263 : memref<133120xf32, #tpu.memory_space<vmem_shared>>) offsets(%arg10 : memref<4096xi32, #tpu.memory_space<vmem>>) semaphore(%run_scoped3A : memref<!tpu.dma_semaphore, #tpu.memory_space<semaphore_mem>>) {add = true}
                %dma_wait3A_264 = arith.constant 16384 : i32
                %dma_wait3A_265 = tpu.memref_slice %arg9[%dma_wait3A_264] : memref<32768xf32, #tpu.memory_space<vmem>> -> memref<4096xf32, #tpu.memory_space<vmem>>
                %dma_wait3A_266 = arith.constant 0 : i32
                %dma_wait3A_267 = tpu.memref_slice %arg11[%dma_wait3A_266] : memref<133120xf32, #tpu.memory_space<vmem_shared>> -> memref<133120xf32, #tpu.memory_space<vmem_shared>>
                tpu.wait_indirect_dma semaphore(%run_scoped3A : memref<!tpu.dma_semaphore, #tpu.memory_space<semaphore_mem>>) src(%dma_wait3A_265 : memref<4096xf32, #tpu.memory_space<vmem>>) dst(%dma_wait3A_267 : memref<133120xf32, #tpu.memory_space<vmem_shared>>)
                tpu.yield
              }) : () -> ()
              %scan3A_254 = arith.constant 0 : i32
              %scan3A_255 = arith.constant 0 : i32
              %scan3A_256 = arith.constant 256 : i32
              %scan3A_257 = arith.addi %scan3A_255, %scan3A_256 : i32
              %scan3A_258 = arith.constant 1 : i32
              scf.for %scan3A_260 = %scan3A_255 to %scan3A_257 step %scan3A_258  : i32 {
                %mul3A_261 = arith.constant 16 : i32
                %mul3A_262 = arith.muli %scan3A_260, %mul3A_261 : i32
                %add3A_263 = arith.constant 16384 : i32
                %add3A_264 = arith.addi %add3A_263, %mul3A_262 : i32
                %swap3A_265 = arith.index_cast %add3A_264 : i32 to index
                %swap3A_266 = tpu.vector_load %arg9[%swap3A_265] {strides = array<i32>} : memref<32768xf32, #tpu.memory_space<vmem>>, vector<16xf32>,
                tpu.vector_store %arg9[%swap3A_265], %broadcast_in_dim3A_3 {strides = array<i32>} : memref<32768xf32, #tpu.memory_space<vmem>>, vector<16xf32>,
              }
              %scan3A_259 = arith.constant 256 : i32
            } else {
            }
            %gt3A_230 = arith.constant 20480 : i32
            %gt3A_231 = arith.cmpi sgt, %add3A_204, %gt3A_230 : i32
            %convert_element_type3A_232 = arith.extui %gt3A_231 : i1 to i32
            %cond3A_233 = arith.constant 0 : i32
            %cond3A_234 = arith.cmpi ne, %convert_element_type3A_232, %cond3A_233 : i32
            scf.if %cond3A_234 {
              %scan3A_248 = arith.constant 0 : i32
              %scan3A_249 = arith.constant 0 : i32
              %scan3A_250 = arith.constant 256 : i32
              %scan3A_251 = arith.addi %scan3A_249, %scan3A_250 : i32
              %scan3A_252 = arith.constant 1 : i32
              scf.for %scan3A_260 = %scan3A_249 to %scan3A_251 step %scan3A_252  : i32 {
                %add3A_261 = arith.constant 20480 : i32
                %add3A_262 = arith.addi %scan3A_174, %add3A_261 : i32
                %mul3A_263 = arith.constant 16 : i32
                %mul3A_264 = arith.muli %scan3A_260, %mul3A_263 : i32
                %add3A_265 = arith.addi %add3A_262, %mul3A_264 : i32
                %add3A_266 = vector.broadcast %add3A_265 : i32 to vector<16xi32>
                %add3A_267 = arith.addi %add3A_266, %iota3A : vector<16xi32>
                %mul3A_268 = arith.constant 16 : i32
                %mul3A_269 = arith.muli %scan3A_260, %mul3A_268 : i32
                %swap3A_270 = arith.index_cast %mul3A_269 : i32 to index
                %swap3A_271 = tpu.vector_load %arg10[%swap3A_270] {strides = array<i32>} : memref<4096xi32, #tpu.memory_space<vmem>>, vector<16xi32>,
                tpu.vector_store %arg10[%swap3A_270], %add3A_267 {strides = array<i32>} : memref<4096xi32, #tpu.memory_space<vmem>>, vector<16xi32>,
              }
              %scan3A_253 = arith.constant 256 : i32
              "tpu.region"() ({
                %run_scoped3A = tpu.sem_alloc : memref<!tpu.dma_semaphore, #tpu.memory_space<semaphore_mem>>
                %dma_start3A_260 = arith.constant 20480 : i32
                %dma_start3A_261 = tpu.memref_slice %arg9[%dma_start3A_260] : memref<32768xf32, #tpu.memory_space<vmem>> -> memref<4096xf32, #tpu.memory_space<vmem>>
                %dma_start3A_262 = arith.constant 0 : i32
                %dma_start3A_263 = tpu.memref_slice %arg11[%dma_start3A_262] : memref<133120xf32, #tpu.memory_space<vmem_shared>> -> memref<133120xf32, #tpu.memory_space<vmem_shared>>
                tpu.enqueue_indirect_dma source(%dma_start3A_261 : memref<4096xf32, #tpu.memory_space<vmem>>) target(%dma_start3A_263 : memref<133120xf32, #tpu.memory_space<vmem_shared>>) offsets(%arg10 : memref<4096xi32, #tpu.memory_space<vmem>>) semaphore(%run_scoped3A : memref<!tpu.dma_semaphore, #tpu.memory_space<semaphore_mem>>) {add = true}
                %dma_wait3A_264 = arith.constant 20480 : i32
                %dma_wait3A_265 = tpu.memref_slice %arg9[%dma_wait3A_264] : memref<32768xf32, #tpu.memory_space<vmem>> -> memref<4096xf32, #tpu.memory_space<vmem>>
                %dma_wait3A_266 = arith.constant 0 : i32
                %dma_wait3A_267 = tpu.memref_slice %arg11[%dma_wait3A_266] : memref<133120xf32, #tpu.memory_space<vmem_shared>> -> memref<133120xf32, #tpu.memory_space<vmem_shared>>
                tpu.wait_indirect_dma semaphore(%run_scoped3A : memref<!tpu.dma_semaphore, #tpu.memory_space<semaphore_mem>>) src(%dma_wait3A_265 : memref<4096xf32, #tpu.memory_space<vmem>>) dst(%dma_wait3A_267 : memref<133120xf32, #tpu.memory_space<vmem_shared>>)
                tpu.yield
              }) : () -> ()
              %scan3A_254 = arith.constant 0 : i32
              %scan3A_255 = arith.constant 0 : i32
              %scan3A_256 = arith.constant 256 : i32
              %scan3A_257 = arith.addi %scan3A_255, %scan3A_256 : i32
              %scan3A_258 = arith.constant 1 : i32
              scf.for %scan3A_260 = %scan3A_255 to %scan3A_257 step %scan3A_258  : i32 {
                %mul3A_261 = arith.constant 16 : i32
                %mul3A_262 = arith.muli %scan3A_260, %mul3A_261 : i32
                %add3A_263 = arith.constant 20480 : i32
                %add3A_264 = arith.addi %add3A_263, %mul3A_262 : i32
                %swap3A_265 = arith.index_cast %add3A_264 : i32 to index
                %swap3A_266 = tpu.vector_load %arg9[%swap3A_265] {strides = array<i32>} : memref<32768xf32, #tpu.memory_space<vmem>>, vector<16xf32>,
                tpu.vector_store %arg9[%swap3A_265], %broadcast_in_dim3A_3 {strides = array<i32>} : memref<32768xf32, #tpu.memory_space<vmem>>, vector<16xf32>,
              }
              %scan3A_259 = arith.constant 256 : i32
            } else {
            }
            %gt3A_235 = arith.constant 24576 : i32
            %gt3A_236 = arith.cmpi sgt, %add3A_204, %gt3A_235 : i32
            %convert_element_type3A_237 = arith.extui %gt3A_236 : i1 to i32
            %cond3A_238 = arith.constant 0 : i32
            %cond3A_239 = arith.cmpi ne, %convert_element_type3A_237, %cond3A_238 : i32
            scf.if %cond3A_239 {
              %scan3A_248 = arith.constant 0 : i32
              %scan3A_249 = arith.constant 0 : i32
              %scan3A_250 = arith.constant 256 : i32
              %scan3A_251 = arith.addi %scan3A_249, %scan3A_250 : i32
              %scan3A_252 = arith.constant 1 : i32
              scf.for %scan3A_260 = %scan3A_249 to %scan3A_251 step %scan3A_252  : i32 {
                %add3A_261 = arith.constant 24576 : i32
                %add3A_262 = arith.addi %scan3A_174, %add3A_261 : i32
                %mul3A_263 = arith.constant 16 : i32
                %mul3A_264 = arith.muli %scan3A_260, %mul3A_263 : i32
                %add3A_265 = arith.addi %add3A_262, %mul3A_264 : i32
                %add3A_266 = vector.broadcast %add3A_265 : i32 to vector<16xi32>
                %add3A_267 = arith.addi %add3A_266, %iota3A : vector<16xi32>
                %mul3A_268 = arith.constant 16 : i32
                %mul3A_269 = arith.muli %scan3A_260, %mul3A_268 : i32
                %swap3A_270 = arith.index_cast %mul3A_269 : i32 to index
                %swap3A_271 = tpu.vector_load %arg10[%swap3A_270] {strides = array<i32>} : memref<4096xi32, #tpu.memory_space<vmem>>, vector<16xi32>,
                tpu.vector_store %arg10[%swap3A_270], %add3A_267 {strides = array<i32>} : memref<4096xi32, #tpu.memory_space<vmem>>, vector<16xi32>,
              }
              %scan3A_253 = arith.constant 256 : i32
              "tpu.region"() ({
                %run_scoped3A = tpu.sem_alloc : memref<!tpu.dma_semaphore, #tpu.memory_space<semaphore_mem>>
                %dma_start3A_260 = arith.constant 24576 : i32
                %dma_start3A_261 = tpu.memref_slice %arg9[%dma_start3A_260] : memref<32768xf32, #tpu.memory_space<vmem>> -> memref<4096xf32, #tpu.memory_space<vmem>>
                %dma_start3A_262 = arith.constant 0 : i32
                %dma_start3A_263 = tpu.memref_slice %arg11[%dma_start3A_262] : memref<133120xf32, #tpu.memory_space<vmem_shared>> -> memref<133120xf32, #tpu.memory_space<vmem_shared>>
                tpu.enqueue_indirect_dma source(%dma_start3A_261 : memref<4096xf32, #tpu.memory_space<vmem>>) target(%dma_start3A_263 : memref<133120xf32, #tpu.memory_space<vmem_shared>>) offsets(%arg10 : memref<4096xi32, #tpu.memory_space<vmem>>) semaphore(%run_scoped3A : memref<!tpu.dma_semaphore, #tpu.memory_space<semaphore_mem>>) {add = true}
                %dma_wait3A_264 = arith.constant 24576 : i32
                %dma_wait3A_265 = tpu.memref_slice %arg9[%dma_wait3A_264] : memref<32768xf32, #tpu.memory_space<vmem>> -> memref<4096xf32, #tpu.memory_space<vmem>>
                %dma_wait3A_266 = arith.constant 0 : i32
                %dma_wait3A_267 = tpu.memref_slice %arg11[%dma_wait3A_266] : memref<133120xf32, #tpu.memory_space<vmem_shared>> -> memref<133120xf32, #tpu.memory_space<vmem_shared>>
                tpu.wait_indirect_dma semaphore(%run_scoped3A : memref<!tpu.dma_semaphore, #tpu.memory_space<semaphore_mem>>) src(%dma_wait3A_265 : memref<4096xf32, #tpu.memory_space<vmem>>) dst(%dma_wait3A_267 : memref<133120xf32, #tpu.memory_space<vmem_shared>>)
                tpu.yield
              }) : () -> ()
              %scan3A_254 = arith.constant 0 : i32
              %scan3A_255 = arith.constant 0 : i32
              %scan3A_256 = arith.constant 256 : i32
              %scan3A_257 = arith.addi %scan3A_255, %scan3A_256 : i32
              %scan3A_258 = arith.constant 1 : i32
              scf.for %scan3A_260 = %scan3A_255 to %scan3A_257 step %scan3A_258  : i32 {
                %mul3A_261 = arith.constant 16 : i32
                %mul3A_262 = arith.muli %scan3A_260, %mul3A_261 : i32
                %add3A_263 = arith.constant 24576 : i32
                %add3A_264 = arith.addi %add3A_263, %mul3A_262 : i32
                %swap3A_265 = arith.index_cast %add3A_264 : i32 to index
                %swap3A_266 = tpu.vector_load %arg9[%swap3A_265] {strides = array<i32>} : memref<32768xf32, #tpu.memory_space<vmem>>, vector<16xf32>,
                tpu.vector_store %arg9[%swap3A_265], %broadcast_in_dim3A_3 {strides = array<i32>} : memref<32768xf32, #tpu.memory_space<vmem>>, vector<16xf32>,
              }
              %scan3A_259 = arith.constant 256 : i32
            } else {
            }
            %gt3A_240 = arith.constant 28672 : i32
            %gt3A_241 = arith.cmpi sgt, %add3A_204, %gt3A_240 : i32
            %convert_element_type3A_242 = arith.extui %gt3A_241 : i1 to i32
            %cond3A_243 = arith.constant 0 : i32
            %cond3A_244 = arith.cmpi ne, %convert_element_type3A_242, %cond3A_243 : i32
            scf.if %cond3A_244 {
              %scan3A_248 = arith.constant 0 : i32
              %scan3A_249 = arith.constant 0 : i32
              %scan3A_250 = arith.constant 256 : i32
              %scan3A_251 = arith.addi %scan3A_249, %scan3A_250 : i32
              %scan3A_252 = arith.constant 1 : i32
              scf.for %scan3A_260 = %scan3A_249 to %scan3A_251 step %scan3A_252  : i32 {
                %add3A_261 = arith.constant 28672 : i32
                %add3A_262 = arith.addi %scan3A_174, %add3A_261 : i32
                %mul3A_263 = arith.constant 16 : i32
                %mul3A_264 = arith.muli %scan3A_260, %mul3A_263 : i32
                %add3A_265 = arith.addi %add3A_262, %mul3A_264 : i32
                %add3A_266 = vector.broadcast %add3A_265 : i32 to vector<16xi32>
                %add3A_267 = arith.addi %add3A_266, %iota3A : vector<16xi32>
                %mul3A_268 = arith.constant 16 : i32
                %mul3A_269 = arith.muli %scan3A_260, %mul3A_268 : i32
                %swap3A_270 = arith.index_cast %mul3A_269 : i32 to index
                %swap3A_271 = tpu.vector_load %arg10[%swap3A_270] {strides = array<i32>} : memref<4096xi32, #tpu.memory_space<vmem>>, vector<16xi32>,
                tpu.vector_store %arg10[%swap3A_270], %add3A_267 {strides = array<i32>} : memref<4096xi32, #tpu.memory_space<vmem>>, vector<16xi32>,
              }
              %scan3A_253 = arith.constant 256 : i32
              "tpu.region"() ({
                %run_scoped3A = tpu.sem_alloc : memref<!tpu.dma_semaphore, #tpu.memory_space<semaphore_mem>>
                %dma_start3A_260 = arith.constant 28672 : i32
                %dma_start3A_261 = tpu.memref_slice %arg9[%dma_start3A_260] : memref<32768xf32, #tpu.memory_space<vmem>> -> memref<4096xf32, #tpu.memory_space<vmem>>
                %dma_start3A_262 = arith.constant 0 : i32
                %dma_start3A_263 = tpu.memref_slice %arg11[%dma_start3A_262] : memref<133120xf32, #tpu.memory_space<vmem_shared>> -> memref<133120xf32, #tpu.memory_space<vmem_shared>>
                tpu.enqueue_indirect_dma source(%dma_start3A_261 : memref<4096xf32, #tpu.memory_space<vmem>>) target(%dma_start3A_263 : memref<133120xf32, #tpu.memory_space<vmem_shared>>) offsets(%arg10 : memref<4096xi32, #tpu.memory_space<vmem>>) semaphore(%run_scoped3A : memref<!tpu.dma_semaphore, #tpu.memory_space<semaphore_mem>>) {add = true}
                %dma_wait3A_264 = arith.constant 28672 : i32
                %dma_wait3A_265 = tpu.memref_slice %arg9[%dma_wait3A_264] : memref<32768xf32, #tpu.memory_space<vmem>> -> memref<4096xf32, #tpu.memory_space<vmem>>
                %dma_wait3A_266 = arith.constant 0 : i32
                %dma_wait3A_267 = tpu.memref_slice %arg11[%dma_wait3A_266] : memref<133120xf32, #tpu.memory_space<vmem_shared>> -> memref<133120xf32, #tpu.memory_space<vmem_shared>>
                tpu.wait_indirect_dma semaphore(%run_scoped3A : memref<!tpu.dma_semaphore, #tpu.memory_space<semaphore_mem>>) src(%dma_wait3A_265 : memref<4096xf32, #tpu.memory_space<vmem>>) dst(%dma_wait3A_267 : memref<133120xf32, #tpu.memory_space<vmem_shared>>)
                tpu.yield
              }) : () -> ()
              %scan3A_254 = arith.constant 0 : i32
              %scan3A_255 = arith.constant 0 : i32
              %scan3A_256 = arith.constant 256 : i32
              %scan3A_257 = arith.addi %scan3A_255, %scan3A_256 : i32
              %scan3A_258 = arith.constant 1 : i32
              scf.for %scan3A_260 = %scan3A_255 to %scan3A_257 step %scan3A_258  : i32 {
                %mul3A_261 = arith.constant 16 : i32
                %mul3A_262 = arith.muli %scan3A_260, %mul3A_261 : i32
                %add3A_263 = arith.constant 28672 : i32
                %add3A_264 = arith.addi %add3A_263, %mul3A_262 : i32
                %swap3A_265 = arith.index_cast %add3A_264 : i32 to index
                %swap3A_266 = tpu.vector_load %arg9[%swap3A_265] {strides = array<i32>} : memref<32768xf32, #tpu.memory_space<vmem>>, vector<16xf32>,
                tpu.vector_store %arg9[%swap3A_265], %broadcast_in_dim3A_3 {strides = array<i32>} : memref<32768xf32, #tpu.memory_space<vmem>>, vector<16xf32>,
              }
              %scan3A_259 = arith.constant 256 : i32
            } else {
            }
            %slice3A_245 = vector.extract_strided_slice %get3A_178 {offsets = [0], sizes = [1], strides = [1]} : vector<16xi32> to vector<1xi32>
            %squeeze3A_246 = vector.extract %slice3A_245[0] : i32 from vector<1xi32>
            %and3A = arith.constant -128 : i32
            %and3A_247 = arith.andi %squeeze3A_246, %and3A : i32
            scf.yield %and3A_247 : i32
          } else {
            scf.yield %scan3A_174 : i32
          }
          %scan3A_192 = arith.constant 0 : i32
          %scan3A_193 = arith.constant 4 : i32
          %scan3A_194 = arith.addi %scan3A_192, %scan3A_193 : i32
          %scan3A_195 = arith.constant 1 : i32
          %scan3A_196 = scf.for %scan3A_198 = %scan3A_192 to %scan3A_194 step %scan3A_195 iter_args(%scan3A_199 = %cond3A_191) -> (i32)  : i32 {
            %sub3A_200 = vector.broadcast %scan3A_199 : i32 to vector<16xi32>
            %sub3A_201 = arith.subi %get3A_178, %sub3A_200 : vector<16xi32>
            %ge3A_202 = arith.constant 0 : i32
            %ge3A_203 = vector.broadcast %ge3A_202 : i32 to vector<16xi32>
            %ge3A_204 = arith.cmpi sge, %sub3A_201, %ge3A_203 : vector<16xi32>
            %lt3A_205 = arith.constant 32768 : i32
            %lt3A_206 = vector.broadcast %lt3A_205 : i32 to vector<16xi32>
            %lt3A_207 = arith.cmpi slt, %sub3A_201, %lt3A_206 : vector<16xi32>
            %and3A = arith.andi %ge3A_204, %lt3A_207 : vector<16xi1>
            %jit3A = arith.constant 0 : i32
            %jit3A_208 = arith.constant 32767 : i32
            %max3A = vector.broadcast %jit3A : i32 to vector<16xi32>
            %max3A_209 = arith.maxsi %max3A, %sub3A_201 : vector<16xi32>
            %min3A = vector.broadcast %jit3A_208 : i32 to vector<16xi32>
            %min3A_210 = arith.minsi %min3A, %max3A_209 : vector<16xi32>
            tpu.vector_store_idx %arg9[%min3A_210], %get3A_182 masked %and3A {add = true} : memref<32768xf32, #tpu.memory_space<vmem>>[vector<16xi32>], vector<16xf32>, vector<16xi1>
            %slice3A_211 = vector.extract_strided_slice %get3A_178 {offsets = [15], sizes = [1], strides = [1]} : vector<16xi32> to vector<1xi32>
            %squeeze3A_212 = vector.extract %slice3A_211[0] : i32 from vector<1xi32>
            %add3A_213 = arith.constant 32768 : i32
            %add3A_214 = arith.addi %scan3A_199, %add3A_213 : i32
            %ge3A_215 = arith.cmpi sge, %squeeze3A_212, %add3A_214 : i32
            %convert_element_type3A_216 = arith.extui %ge3A_215 : i1 to i32
            %cond3A_217 = arith.constant 0 : i32
            %cond3A_218 = arith.cmpi ne, %convert_element_type3A_216, %cond3A_217 : i32
            %cond3A_219 = scf.if %cond3A_218 -> (i32) {
              %add3A_220 = arith.constant 32768 : i32
              %add3A_221 = arith.addi %scan3A_199, %add3A_220 : i32
              %sub3A_222 = arith.constant 1 : i32
              %sub3A_223 = arith.subi %add3A_221, %sub3A_222 : i32
              %sub3A_224 = arith.subi %sub3A_223, %scan3A_199 : i32
              %add3A_225 = arith.constant 1 : i32
              %add3A_226 = arith.addi %sub3A_224, %add3A_225 : i32
              %gt3A_227 = arith.constant 0 : i32
              %gt3A_228 = arith.cmpi sgt, %add3A_226, %gt3A_227 : i32
              %convert_element_type3A_229 = arith.extui %gt3A_228 : i1 to i32
              %cond3A_230 = arith.constant 0 : i32
              %cond3A_231 = arith.cmpi ne, %convert_element_type3A_229, %cond3A_230 : i32
              scf.if %cond3A_231 {
                %scan3A_269 = arith.constant 0 : i32
                %scan3A_270 = arith.constant 0 : i32
                %scan3A_271 = arith.constant 256 : i32
                %scan3A_272 = arith.addi %scan3A_270, %scan3A_271 : i32
                %scan3A_273 = arith.constant 1 : i32
                scf.for %scan3A_281 = %scan3A_270 to %scan3A_272 step %scan3A_273  : i32 {
                  %add3A_282 = arith.constant 0 : i32
                  %add3A_283 = arith.addi %scan3A_199, %add3A_282 : i32
                  %mul3A_284 = arith.constant 16 : i32
                  %mul3A_285 = arith.muli %scan3A_281, %mul3A_284 : i32
                  %add3A_286 = arith.addi %add3A_283, %mul3A_285 : i32
                  %add3A_287 = vector.broadcast %add3A_286 : i32 to vector<16xi32>
                  %add3A_288 = arith.addi %add3A_287, %iota3A : vector<16xi32>
                  %mul3A_289 = arith.constant 16 : i32
                  %mul3A_290 = arith.muli %scan3A_281, %mul3A_289 : i32
                  %swap3A_291 = arith.index_cast %mul3A_290 : i32 to index
                  %swap3A_292 = tpu.vector_load %arg10[%swap3A_291] {strides = array<i32>} : memref<4096xi32, #tpu.memory_space<vmem>>, vector<16xi32>,
                  tpu.vector_store %arg10[%swap3A_291], %add3A_288 {strides = array<i32>} : memref<4096xi32, #tpu.memory_space<vmem>>, vector<16xi32>,
                }
                %scan3A_274 = arith.constant 256 : i32
                "tpu.region"() ({
                  %run_scoped3A = tpu.sem_alloc : memref<!tpu.dma_semaphore, #tpu.memory_space<semaphore_mem>>
                  %dma_start3A_281 = arith.constant 0 : i32
                  %dma_start3A_282 = tpu.memref_slice %arg9[%dma_start3A_281] : memref<32768xf32, #tpu.memory_space<vmem>> -> memref<4096xf32, #tpu.memory_space<vmem>>
                  %dma_start3A_283 = arith.constant 0 : i32
                  %dma_start3A_284 = tpu.memref_slice %arg11[%dma_start3A_283] : memref<133120xf32, #tpu.memory_space<vmem_shared>> -> memref<133120xf32, #tpu.memory_space<vmem_shared>>
                  tpu.enqueue_indirect_dma source(%dma_start3A_282 : memref<4096xf32, #tpu.memory_space<vmem>>) target(%dma_start3A_284 : memref<133120xf32, #tpu.memory_space<vmem_shared>>) offsets(%arg10 : memref<4096xi32, #tpu.memory_space<vmem>>) semaphore(%run_scoped3A : memref<!tpu.dma_semaphore, #tpu.memory_space<semaphore_mem>>) {add = true}
                  %dma_wait3A_285 = arith.constant 0 : i32
                  %dma_wait3A_286 = tpu.memref_slice %arg9[%dma_wait3A_285] : memref<32768xf32, #tpu.memory_space<vmem>> -> memref<4096xf32, #tpu.memory_space<vmem>>
                  %dma_wait3A_287 = arith.constant 0 : i32
                  %dma_wait3A_288 = tpu.memref_slice %arg11[%dma_wait3A_287] : memref<133120xf32, #tpu.memory_space<vmem_shared>> -> memref<133120xf32, #tpu.memory_space<vmem_shared>>
                  tpu.wait_indirect_dma semaphore(%run_scoped3A : memref<!tpu.dma_semaphore, #tpu.memory_space<semaphore_mem>>) src(%dma_wait3A_286 : memref<4096xf32, #tpu.memory_space<vmem>>) dst(%dma_wait3A_288 : memref<133120xf32, #tpu.memory_space<vmem_shared>>)
                  tpu.yield
                }) : () -> ()
                %scan3A_275 = arith.constant 0 : i32
                %scan3A_276 = arith.constant 0 : i32
                %scan3A_277 = arith.constant 256 : i32
                %scan3A_278 = arith.addi %scan3A_276, %scan3A_277 : i32
                %scan3A_279 = arith.constant 1 : i32
                scf.for %scan3A_281 = %scan3A_276 to %scan3A_278 step %scan3A_279  : i32 {
                  %mul3A_282 = arith.constant 16 : i32
                  %mul3A_283 = arith.muli %scan3A_281, %mul3A_282 : i32
                  %add3A_284 = arith.constant 0 : i32
                  %add3A_285 = arith.addi %add3A_284, %mul3A_283 : i32
                  %swap3A_286 = arith.index_cast %add3A_285 : i32 to index
                  %swap3A_287 = tpu.vector_load %arg9[%swap3A_286] {strides = array<i32>} : memref<32768xf32, #tpu.memory_space<vmem>>, vector<16xf32>,
                  tpu.vector_store %arg9[%swap3A_286], %broadcast_in_dim3A_3 {strides = array<i32>} : memref<32768xf32, #tpu.memory_space<vmem>>, vector<16xf32>,
                }
                %scan3A_280 = arith.constant 256 : i32
              } else {
              }
              %gt3A_232 = arith.constant 4096 : i32
              %gt3A_233 = arith.cmpi sgt, %add3A_226, %gt3A_232 : i32
              %convert_element_type3A_234 = arith.extui %gt3A_233 : i1 to i32
              %cond3A_235 = arith.constant 0 : i32
              %cond3A_236 = arith.cmpi ne, %convert_element_type3A_234, %cond3A_235 : i32
              scf.if %cond3A_236 {
                %scan3A_269 = arith.constant 0 : i32
                %scan3A_270 = arith.constant 0 : i32
                %scan3A_271 = arith.constant 256 : i32
                %scan3A_272 = arith.addi %scan3A_270, %scan3A_271 : i32
                %scan3A_273 = arith.constant 1 : i32
                scf.for %scan3A_281 = %scan3A_270 to %scan3A_272 step %scan3A_273  : i32 {
                  %add3A_282 = arith.constant 4096 : i32
                  %add3A_283 = arith.addi %scan3A_199, %add3A_282 : i32
                  %mul3A_284 = arith.constant 16 : i32
                  %mul3A_285 = arith.muli %scan3A_281, %mul3A_284 : i32
                  %add3A_286 = arith.addi %add3A_283, %mul3A_285 : i32
                  %add3A_287 = vector.broadcast %add3A_286 : i32 to vector<16xi32>
                  %add3A_288 = arith.addi %add3A_287, %iota3A : vector<16xi32>
                  %mul3A_289 = arith.constant 16 : i32
                  %mul3A_290 = arith.muli %scan3A_281, %mul3A_289 : i32
                  %swap3A_291 = arith.index_cast %mul3A_290 : i32 to index
                  %swap3A_292 = tpu.vector_load %arg10[%swap3A_291] {strides = array<i32>} : memref<4096xi32, #tpu.memory_space<vmem>>, vector<16xi32>,
                  tpu.vector_store %arg10[%swap3A_291], %add3A_288 {strides = array<i32>} : memref<4096xi32, #tpu.memory_space<vmem>>, vector<16xi32>,
                }
                %scan3A_274 = arith.constant 256 : i32
                "tpu.region"() ({
                  %run_scoped3A = tpu.sem_alloc : memref<!tpu.dma_semaphore, #tpu.memory_space<semaphore_mem>>
                  %dma_start3A_281 = arith.constant 4096 : i32
                  %dma_start3A_282 = tpu.memref_slice %arg9[%dma_start3A_281] : memref<32768xf32, #tpu.memory_space<vmem>> -> memref<4096xf32, #tpu.memory_space<vmem>>
                  %dma_start3A_283 = arith.constant 0 : i32
                  %dma_start3A_284 = tpu.memref_slice %arg11[%dma_start3A_283] : memref<133120xf32, #tpu.memory_space<vmem_shared>> -> memref<133120xf32, #tpu.memory_space<vmem_shared>>
                  tpu.enqueue_indirect_dma source(%dma_start3A_282 : memref<4096xf32, #tpu.memory_space<vmem>>) target(%dma_start3A_284 : memref<133120xf32, #tpu.memory_space<vmem_shared>>) offsets(%arg10 : memref<4096xi32, #tpu.memory_space<vmem>>) semaphore(%run_scoped3A : memref<!tpu.dma_semaphore, #tpu.memory_space<semaphore_mem>>) {add = true}
                  %dma_wait3A_285 = arith.constant 4096 : i32
                  %dma_wait3A_286 = tpu.memref_slice %arg9[%dma_wait3A_285] : memref<32768xf32, #tpu.memory_space<vmem>> -> memref<4096xf32, #tpu.memory_space<vmem>>
                  %dma_wait3A_287 = arith.constant 0 : i32
                  %dma_wait3A_288 = tpu.memref_slice %arg11[%dma_wait3A_287] : memref<133120xf32, #tpu.memory_space<vmem_shared>> -> memref<133120xf32, #tpu.memory_space<vmem_shared>>
                  tpu.wait_indirect_dma semaphore(%run_scoped3A : memref<!tpu.dma_semaphore, #tpu.memory_space<semaphore_mem>>) src(%dma_wait3A_286 : memref<4096xf32, #tpu.memory_space<vmem>>) dst(%dma_wait3A_288 : memref<133120xf32, #tpu.memory_space<vmem_shared>>)
                  tpu.yield
                }) : () -> ()
                %scan3A_275 = arith.constant 0 : i32
                %scan3A_276 = arith.constant 0 : i32
                %scan3A_277 = arith.constant 256 : i32
                %scan3A_278 = arith.addi %scan3A_276, %scan3A_277 : i32
                %scan3A_279 = arith.constant 1 : i32
                scf.for %scan3A_281 = %scan3A_276 to %scan3A_278 step %scan3A_279  : i32 {
                  %mul3A_282 = arith.constant 16 : i32
                  %mul3A_283 = arith.muli %scan3A_281, %mul3A_282 : i32
                  %add3A_284 = arith.constant 4096 : i32
                  %add3A_285 = arith.addi %add3A_284, %mul3A_283 : i32
                  %swap3A_286 = arith.index_cast %add3A_285 : i32 to index
                  %swap3A_287 = tpu.vector_load %arg9[%swap3A_286] {strides = array<i32>} : memref<32768xf32, #tpu.memory_space<vmem>>, vector<16xf32>,
                  tpu.vector_store %arg9[%swap3A_286], %broadcast_in_dim3A_3 {strides = array<i32>} : memref<32768xf32, #tpu.memory_space<vmem>>, vector<16xf32>,
                }
                %scan3A_280 = arith.constant 256 : i32
              } else {
              }
              %gt3A_237 = arith.constant 8192 : i32
              %gt3A_238 = arith.cmpi sgt, %add3A_226, %gt3A_237 : i32
              %convert_element_type3A_239 = arith.extui %gt3A_238 : i1 to i32
              %cond3A_240 = arith.constant 0 : i32
              %cond3A_241 = arith.cmpi ne, %convert_element_type3A_239, %cond3A_240 : i32
              scf.if %cond3A_241 {
                %scan3A_269 = arith.constant 0 : i32
                %scan3A_270 = arith.constant 0 : i32
                %scan3A_271 = arith.constant 256 : i32
                %scan3A_272 = arith.addi %scan3A_270, %scan3A_271 : i32
                %scan3A_273 = arith.constant 1 : i32
                scf.for %scan3A_281 = %scan3A_270 to %scan3A_272 step %scan3A_273  : i32 {
                  %add3A_282 = arith.constant 8192 : i32
                  %add3A_283 = arith.addi %scan3A_199, %add3A_282 : i32
                  %mul3A_284 = arith.constant 16 : i32
                  %mul3A_285 = arith.muli %scan3A_281, %mul3A_284 : i32
                  %add3A_286 = arith.addi %add3A_283, %mul3A_285 : i32
                  %add3A_287 = vector.broadcast %add3A_286 : i32 to vector<16xi32>
                  %add3A_288 = arith.addi %add3A_287, %iota3A : vector<16xi32>
                  %mul3A_289 = arith.constant 16 : i32
                  %mul3A_290 = arith.muli %scan3A_281, %mul3A_289 : i32
                  %swap3A_291 = arith.index_cast %mul3A_290 : i32 to index
                  %swap3A_292 = tpu.vector_load %arg10[%swap3A_291] {strides = array<i32>} : memref<4096xi32, #tpu.memory_space<vmem>>, vector<16xi32>,
                  tpu.vector_store %arg10[%swap3A_291], %add3A_288 {strides = array<i32>} : memref<4096xi32, #tpu.memory_space<vmem>>, vector<16xi32>,
                }
                %scan3A_274 = arith.constant 256 : i32
                "tpu.region"() ({
                  %run_scoped3A = tpu.sem_alloc : memref<!tpu.dma_semaphore, #tpu.memory_space<semaphore_mem>>
                  %dma_start3A_281 = arith.constant 8192 : i32
                  %dma_start3A_282 = tpu.memref_slice %arg9[%dma_start3A_281] : memref<32768xf32, #tpu.memory_space<vmem>> -> memref<4096xf32, #tpu.memory_space<vmem>>
                  %dma_start3A_283 = arith.constant 0 : i32
                  %dma_start3A_284 = tpu.memref_slice %arg11[%dma_start3A_283] : memref<133120xf32, #tpu.memory_space<vmem_shared>> -> memref<133120xf32, #tpu.memory_space<vmem_shared>>
                  tpu.enqueue_indirect_dma source(%dma_start3A_282 : memref<4096xf32, #tpu.memory_space<vmem>>) target(%dma_start3A_284 : memref<133120xf32, #tpu.memory_space<vmem_shared>>) offsets(%arg10 : memref<4096xi32, #tpu.memory_space<vmem>>) semaphore(%run_scoped3A : memref<!tpu.dma_semaphore, #tpu.memory_space<semaphore_mem>>) {add = true}
                  %dma_wait3A_285 = arith.constant 8192 : i32
                  %dma_wait3A_286 = tpu.memref_slice %arg9[%dma_wait3A_285] : memref<32768xf32, #tpu.memory_space<vmem>> -> memref<4096xf32, #tpu.memory_space<vmem>>
                  %dma_wait3A_287 = arith.constant 0 : i32
                  %dma_wait3A_288 = tpu.memref_slice %arg11[%dma_wait3A_287] : memref<133120xf32, #tpu.memory_space<vmem_shared>> -> memref<133120xf32, #tpu.memory_space<vmem_shared>>
                  tpu.wait_indirect_dma semaphore(%run_scoped3A : memref<!tpu.dma_semaphore, #tpu.memory_space<semaphore_mem>>) src(%dma_wait3A_286 : memref<4096xf32, #tpu.memory_space<vmem>>) dst(%dma_wait3A_288 : memref<133120xf32, #tpu.memory_space<vmem_shared>>)
                  tpu.yield
                }) : () -> ()
                %scan3A_275 = arith.constant 0 : i32
                %scan3A_276 = arith.constant 0 : i32
                %scan3A_277 = arith.constant 256 : i32
                %scan3A_278 = arith.addi %scan3A_276, %scan3A_277 : i32
                %scan3A_279 = arith.constant 1 : i32
                scf.for %scan3A_281 = %scan3A_276 to %scan3A_278 step %scan3A_279  : i32 {
                  %mul3A_282 = arith.constant 16 : i32
                  %mul3A_283 = arith.muli %scan3A_281, %mul3A_282 : i32
                  %add3A_284 = arith.constant 8192 : i32
                  %add3A_285 = arith.addi %add3A_284, %mul3A_283 : i32
                  %swap3A_286 = arith.index_cast %add3A_285 : i32 to index
                  %swap3A_287 = tpu.vector_load %arg9[%swap3A_286] {strides = array<i32>} : memref<32768xf32, #tpu.memory_space<vmem>>, vector<16xf32>,
                  tpu.vector_store %arg9[%swap3A_286], %broadcast_in_dim3A_3 {strides = array<i32>} : memref<32768xf32, #tpu.memory_space<vmem>>, vector<16xf32>,
                }
                %scan3A_280 = arith.constant 256 : i32
              } else {
              }
              %gt3A_242 = arith.constant 12288 : i32
              %gt3A_243 = arith.cmpi sgt, %add3A_226, %gt3A_242 : i32
              %convert_element_type3A_244 = arith.extui %gt3A_243 : i1 to i32
              %cond3A_245 = arith.constant 0 : i32
              %cond3A_246 = arith.cmpi ne, %convert_element_type3A_244, %cond3A_245 : i32
              scf.if %cond3A_246 {
                %scan3A_269 = arith.constant 0 : i32
                %scan3A_270 = arith.constant 0 : i32
                %scan3A_271 = arith.constant 256 : i32
                %scan3A_272 = arith.addi %scan3A_270, %scan3A_271 : i32
                %scan3A_273 = arith.constant 1 : i32
                scf.for %scan3A_281 = %scan3A_270 to %scan3A_272 step %scan3A_273  : i32 {
                  %add3A_282 = arith.constant 12288 : i32
                  %add3A_283 = arith.addi %scan3A_199, %add3A_282 : i32
                  %mul3A_284 = arith.constant 16 : i32
                  %mul3A_285 = arith.muli %scan3A_281, %mul3A_284 : i32
                  %add3A_286 = arith.addi %add3A_283, %mul3A_285 : i32
                  %add3A_287 = vector.broadcast %add3A_286 : i32 to vector<16xi32>
                  %add3A_288 = arith.addi %add3A_287, %iota3A : vector<16xi32>
                  %mul3A_289 = arith.constant 16 : i32
                  %mul3A_290 = arith.muli %scan3A_281, %mul3A_289 : i32
                  %swap3A_291 = arith.index_cast %mul3A_290 : i32 to index
                  %swap3A_292 = tpu.vector_load %arg10[%swap3A_291] {strides = array<i32>} : memref<4096xi32, #tpu.memory_space<vmem>>, vector<16xi32>,
                  tpu.vector_store %arg10[%swap3A_291], %add3A_288 {strides = array<i32>} : memref<4096xi32, #tpu.memory_space<vmem>>, vector<16xi32>,
                }
                %scan3A_274 = arith.constant 256 : i32
                "tpu.region"() ({
                  %run_scoped3A = tpu.sem_alloc : memref<!tpu.dma_semaphore, #tpu.memory_space<semaphore_mem>>
                  %dma_start3A_281 = arith.constant 12288 : i32
                  %dma_start3A_282 = tpu.memref_slice %arg9[%dma_start3A_281] : memref<32768xf32, #tpu.memory_space<vmem>> -> memref<4096xf32, #tpu.memory_space<vmem>>
                  %dma_start3A_283 = arith.constant 0 : i32
                  %dma_start3A_284 = tpu.memref_slice %arg11[%dma_start3A_283] : memref<133120xf32, #tpu.memory_space<vmem_shared>> -> memref<133120xf32, #tpu.memory_space<vmem_shared>>
                  tpu.enqueue_indirect_dma source(%dma_start3A_282 : memref<4096xf32, #tpu.memory_space<vmem>>) target(%dma_start3A_284 : memref<133120xf32, #tpu.memory_space<vmem_shared>>) offsets(%arg10 : memref<4096xi32, #tpu.memory_space<vmem>>) semaphore(%run_scoped3A : memref<!tpu.dma_semaphore, #tpu.memory_space<semaphore_mem>>) {add = true}
                  %dma_wait3A_285 = arith.constant 12288 : i32
                  %dma_wait3A_286 = tpu.memref_slice %arg9[%dma_wait3A_285] : memref<32768xf32, #tpu.memory_space<vmem>> -> memref<4096xf32, #tpu.memory_space<vmem>>
                  %dma_wait3A_287 = arith.constant 0 : i32
                  %dma_wait3A_288 = tpu.memref_slice %arg11[%dma_wait3A_287] : memref<133120xf32, #tpu.memory_space<vmem_shared>> -> memref<133120xf32, #tpu.memory_space<vmem_shared>>
                  tpu.wait_indirect_dma semaphore(%run_scoped3A : memref<!tpu.dma_semaphore, #tpu.memory_space<semaphore_mem>>) src(%dma_wait3A_286 : memref<4096xf32, #tpu.memory_space<vmem>>) dst(%dma_wait3A_288 : memref<133120xf32, #tpu.memory_space<vmem_shared>>)
                  tpu.yield
                }) : () -> ()
                %scan3A_275 = arith.constant 0 : i32
                %scan3A_276 = arith.constant 0 : i32
                %scan3A_277 = arith.constant 256 : i32
                %scan3A_278 = arith.addi %scan3A_276, %scan3A_277 : i32
                %scan3A_279 = arith.constant 1 : i32
                scf.for %scan3A_281 = %scan3A_276 to %scan3A_278 step %scan3A_279  : i32 {
                  %mul3A_282 = arith.constant 16 : i32
                  %mul3A_283 = arith.muli %scan3A_281, %mul3A_282 : i32
                  %add3A_284 = arith.constant 12288 : i32
                  %add3A_285 = arith.addi %add3A_284, %mul3A_283 : i32
                  %swap3A_286 = arith.index_cast %add3A_285 : i32 to index
                  %swap3A_287 = tpu.vector_load %arg9[%swap3A_286] {strides = array<i32>} : memref<32768xf32, #tpu.memory_space<vmem>>, vector<16xf32>,
                  tpu.vector_store %arg9[%swap3A_286], %broadcast_in_dim3A_3 {strides = array<i32>} : memref<32768xf32, #tpu.memory_space<vmem>>, vector<16xf32>,
                }
                %scan3A_280 = arith.constant 256 : i32
              } else {
              }
              %gt3A_247 = arith.constant 16384 : i32
              %gt3A_248 = arith.cmpi sgt, %add3A_226, %gt3A_247 : i32
              %convert_element_type3A_249 = arith.extui %gt3A_248 : i1 to i32
              %cond3A_250 = arith.constant 0 : i32
              %cond3A_251 = arith.cmpi ne, %convert_element_type3A_249, %cond3A_250 : i32
              scf.if %cond3A_251 {
                %scan3A_269 = arith.constant 0 : i32
                %scan3A_270 = arith.constant 0 : i32
                %scan3A_271 = arith.constant 256 : i32
                %scan3A_272 = arith.addi %scan3A_270, %scan3A_271 : i32
                %scan3A_273 = arith.constant 1 : i32
                scf.for %scan3A_281 = %scan3A_270 to %scan3A_272 step %scan3A_273  : i32 {
                  %add3A_282 = arith.constant 16384 : i32
                  %add3A_283 = arith.addi %scan3A_199, %add3A_282 : i32
                  %mul3A_284 = arith.constant 16 : i32
                  %mul3A_285 = arith.muli %scan3A_281, %mul3A_284 : i32
                  %add3A_286 = arith.addi %add3A_283, %mul3A_285 : i32
                  %add3A_287 = vector.broadcast %add3A_286 : i32 to vector<16xi32>
                  %add3A_288 = arith.addi %add3A_287, %iota3A : vector<16xi32>
                  %mul3A_289 = arith.constant 16 : i32
                  %mul3A_290 = arith.muli %scan3A_281, %mul3A_289 : i32
                  %swap3A_291 = arith.index_cast %mul3A_290 : i32 to index
                  %swap3A_292 = tpu.vector_load %arg10[%swap3A_291] {strides = array<i32>} : memref<4096xi32, #tpu.memory_space<vmem>>, vector<16xi32>,
                  tpu.vector_store %arg10[%swap3A_291], %add3A_288 {strides = array<i32>} : memref<4096xi32, #tpu.memory_space<vmem>>, vector<16xi32>,
                }
                %scan3A_274 = arith.constant 256 : i32
                "tpu.region"() ({
                  %run_scoped3A = tpu.sem_alloc : memref<!tpu.dma_semaphore, #tpu.memory_space<semaphore_mem>>
                  %dma_start3A_281 = arith.constant 16384 : i32
                  %dma_start3A_282 = tpu.memref_slice %arg9[%dma_start3A_281] : memref<32768xf32, #tpu.memory_space<vmem>> -> memref<4096xf32, #tpu.memory_space<vmem>>
                  %dma_start3A_283 = arith.constant 0 : i32
                  %dma_start3A_284 = tpu.memref_slice %arg11[%dma_start3A_283] : memref<133120xf32, #tpu.memory_space<vmem_shared>> -> memref<133120xf32, #tpu.memory_space<vmem_shared>>
                  tpu.enqueue_indirect_dma source(%dma_start3A_282 : memref<4096xf32, #tpu.memory_space<vmem>>) target(%dma_start3A_284 : memref<133120xf32, #tpu.memory_space<vmem_shared>>) offsets(%arg10 : memref<4096xi32, #tpu.memory_space<vmem>>) semaphore(%run_scoped3A : memref<!tpu.dma_semaphore, #tpu.memory_space<semaphore_mem>>) {add = true}
                  %dma_wait3A_285 = arith.constant 16384 : i32
                  %dma_wait3A_286 = tpu.memref_slice %arg9[%dma_wait3A_285] : memref<32768xf32, #tpu.memory_space<vmem>> -> memref<4096xf32, #tpu.memory_space<vmem>>
                  %dma_wait3A_287 = arith.constant 0 : i32
                  %dma_wait3A_288 = tpu.memref_slice %arg11[%dma_wait3A_287] : memref<133120xf32, #tpu.memory_space<vmem_shared>> -> memref<133120xf32, #tpu.memory_space<vmem_shared>>
                  tpu.wait_indirect_dma semaphore(%run_scoped3A : memref<!tpu.dma_semaphore, #tpu.memory_space<semaphore_mem>>) src(%dma_wait3A_286 : memref<4096xf32, #tpu.memory_space<vmem>>) dst(%dma_wait3A_288 : memref<133120xf32, #tpu.memory_space<vmem_shared>>)
                  tpu.yield
                }) : () -> ()
                %scan3A_275 = arith.constant 0 : i32
                %scan3A_276 = arith.constant 0 : i32
                %scan3A_277 = arith.constant 256 : i32
                %scan3A_278 = arith.addi %scan3A_276, %scan3A_277 : i32
                %scan3A_279 = arith.constant 1 : i32
                scf.for %scan3A_281 = %scan3A_276 to %scan3A_278 step %scan3A_279  : i32 {
                  %mul3A_282 = arith.constant 16 : i32
                  %mul3A_283 = arith.muli %scan3A_281, %mul3A_282 : i32
                  %add3A_284 = arith.constant 16384 : i32
                  %add3A_285 = arith.addi %add3A_284, %mul3A_283 : i32
                  %swap3A_286 = arith.index_cast %add3A_285 : i32 to index
                  %swap3A_287 = tpu.vector_load %arg9[%swap3A_286] {strides = array<i32>} : memref<32768xf32, #tpu.memory_space<vmem>>, vector<16xf32>,
                  tpu.vector_store %arg9[%swap3A_286], %broadcast_in_dim3A_3 {strides = array<i32>} : memref<32768xf32, #tpu.memory_space<vmem>>, vector<16xf32>,
                }
                %scan3A_280 = arith.constant 256 : i32
              } else {
              }
              %gt3A_252 = arith.constant 20480 : i32
              %gt3A_253 = arith.cmpi sgt, %add3A_226, %gt3A_252 : i32
              %convert_element_type3A_254 = arith.extui %gt3A_253 : i1 to i32
              %cond3A_255 = arith.constant 0 : i32
              %cond3A_256 = arith.cmpi ne, %convert_element_type3A_254, %cond3A_255 : i32
              scf.if %cond3A_256 {
                %scan3A_269 = arith.constant 0 : i32
                %scan3A_270 = arith.constant 0 : i32
                %scan3A_271 = arith.constant 256 : i32
                %scan3A_272 = arith.addi %scan3A_270, %scan3A_271 : i32
                %scan3A_273 = arith.constant 1 : i32
                scf.for %scan3A_281 = %scan3A_270 to %scan3A_272 step %scan3A_273  : i32 {
                  %add3A_282 = arith.constant 20480 : i32
                  %add3A_283 = arith.addi %scan3A_199, %add3A_282 : i32
                  %mul3A_284 = arith.constant 16 : i32
                  %mul3A_285 = arith.muli %scan3A_281, %mul3A_284 : i32
                  %add3A_286 = arith.addi %add3A_283, %mul3A_285 : i32
                  %add3A_287 = vector.broadcast %add3A_286 : i32 to vector<16xi32>
                  %add3A_288 = arith.addi %add3A_287, %iota3A : vector<16xi32>
                  %mul3A_289 = arith.constant 16 : i32
                  %mul3A_290 = arith.muli %scan3A_281, %mul3A_289 : i32
                  %swap3A_291 = arith.index_cast %mul3A_290 : i32 to index
                  %swap3A_292 = tpu.vector_load %arg10[%swap3A_291] {strides = array<i32>} : memref<4096xi32, #tpu.memory_space<vmem>>, vector<16xi32>,
                  tpu.vector_store %arg10[%swap3A_291], %add3A_288 {strides = array<i32>} : memref<4096xi32, #tpu.memory_space<vmem>>, vector<16xi32>,
                }
                %scan3A_274 = arith.constant 256 : i32
                "tpu.region"() ({
                  %run_scoped3A = tpu.sem_alloc : memref<!tpu.dma_semaphore, #tpu.memory_space<semaphore_mem>>
                  %dma_start3A_281 = arith.constant 20480 : i32
                  %dma_start3A_282 = tpu.memref_slice %arg9[%dma_start3A_281] : memref<32768xf32, #tpu.memory_space<vmem>> -> memref<4096xf32, #tpu.memory_space<vmem>>
                  %dma_start3A_283 = arith.constant 0 : i32
                  %dma_start3A_284 = tpu.memref_slice %arg11[%dma_start3A_283] : memref<133120xf32, #tpu.memory_space<vmem_shared>> -> memref<133120xf32, #tpu.memory_space<vmem_shared>>
                  tpu.enqueue_indirect_dma source(%dma_start3A_282 : memref<4096xf32, #tpu.memory_space<vmem>>) target(%dma_start3A_284 : memref<133120xf32, #tpu.memory_space<vmem_shared>>) offsets(%arg10 : memref<4096xi32, #tpu.memory_space<vmem>>) semaphore(%run_scoped3A : memref<!tpu.dma_semaphore, #tpu.memory_space<semaphore_mem>>) {add = true}
                  %dma_wait3A_285 = arith.constant 20480 : i32
                  %dma_wait3A_286 = tpu.memref_slice %arg9[%dma_wait3A_285] : memref<32768xf32, #tpu.memory_space<vmem>> -> memref<4096xf32, #tpu.memory_space<vmem>>
                  %dma_wait3A_287 = arith.constant 0 : i32
                  %dma_wait3A_288 = tpu.memref_slice %arg11[%dma_wait3A_287] : memref<133120xf32, #tpu.memory_space<vmem_shared>> -> memref<133120xf32, #tpu.memory_space<vmem_shared>>
                  tpu.wait_indirect_dma semaphore(%run_scoped3A : memref<!tpu.dma_semaphore, #tpu.memory_space<semaphore_mem>>) src(%dma_wait3A_286 : memref<4096xf32, #tpu.memory_space<vmem>>) dst(%dma_wait3A_288 : memref<133120xf32, #tpu.memory_space<vmem_shared>>)
                  tpu.yield
                }) : () -> ()
                %scan3A_275 = arith.constant 0 : i32
                %scan3A_276 = arith.constant 0 : i32
                %scan3A_277 = arith.constant 256 : i32
                %scan3A_278 = arith.addi %scan3A_276, %scan3A_277 : i32
                %scan3A_279 = arith.constant 1 : i32
                scf.for %scan3A_281 = %scan3A_276 to %scan3A_278 step %scan3A_279  : i32 {
                  %mul3A_282 = arith.constant 16 : i32
                  %mul3A_283 = arith.muli %scan3A_281, %mul3A_282 : i32
                  %add3A_284 = arith.constant 20480 : i32
                  %add3A_285 = arith.addi %add3A_284, %mul3A_283 : i32
                  %swap3A_286 = arith.index_cast %add3A_285 : i32 to index
                  %swap3A_287 = tpu.vector_load %arg9[%swap3A_286] {strides = array<i32>} : memref<32768xf32, #tpu.memory_space<vmem>>, vector<16xf32>,
                  tpu.vector_store %arg9[%swap3A_286], %broadcast_in_dim3A_3 {strides = array<i32>} : memref<32768xf32, #tpu.memory_space<vmem>>, vector<16xf32>,
                }
                %scan3A_280 = arith.constant 256 : i32
              } else {
              }
              %gt3A_257 = arith.constant 24576 : i32
              %gt3A_258 = arith.cmpi sgt, %add3A_226, %gt3A_257 : i32
              %convert_element_type3A_259 = arith.extui %gt3A_258 : i1 to i32
              %cond3A_260 = arith.constant 0 : i32
              %cond3A_261 = arith.cmpi ne, %convert_element_type3A_259, %cond3A_260 : i32
              scf.if %cond3A_261 {
                %scan3A_269 = arith.constant 0 : i32
                %scan3A_270 = arith.constant 0 : i32
                %scan3A_271 = arith.constant 256 : i32
                %scan3A_272 = arith.addi %scan3A_270, %scan3A_271 : i32
                %scan3A_273 = arith.constant 1 : i32
                scf.for %scan3A_281 = %scan3A_270 to %scan3A_272 step %scan3A_273  : i32 {
                  %add3A_282 = arith.constant 24576 : i32
                  %add3A_283 = arith.addi %scan3A_199, %add3A_282 : i32
                  %mul3A_284 = arith.constant 16 : i32
                  %mul3A_285 = arith.muli %scan3A_281, %mul3A_284 : i32
                  %add3A_286 = arith.addi %add3A_283, %mul3A_285 : i32
                  %add3A_287 = vector.broadcast %add3A_286 : i32 to vector<16xi32>
                  %add3A_288 = arith.addi %add3A_287, %iota3A : vector<16xi32>
                  %mul3A_289 = arith.constant 16 : i32
                  %mul3A_290 = arith.muli %scan3A_281, %mul3A_289 : i32
                  %swap3A_291 = arith.index_cast %mul3A_290 : i32 to index
                  %swap3A_292 = tpu.vector_load %arg10[%swap3A_291] {strides = array<i32>} : memref<4096xi32, #tpu.memory_space<vmem>>, vector<16xi32>,
                  tpu.vector_store %arg10[%swap3A_291], %add3A_288 {strides = array<i32>} : memref<4096xi32, #tpu.memory_space<vmem>>, vector<16xi32>,
                }
                %scan3A_274 = arith.constant 256 : i32
                "tpu.region"() ({
                  %run_scoped3A = tpu.sem_alloc : memref<!tpu.dma_semaphore, #tpu.memory_space<semaphore_mem>>
                  %dma_start3A_281 = arith.constant 24576 : i32
                  %dma_start3A_282 = tpu.memref_slice %arg9[%dma_start3A_281] : memref<32768xf32, #tpu.memory_space<vmem>> -> memref<4096xf32, #tpu.memory_space<vmem>>
                  %dma_start3A_283 = arith.constant 0 : i32
                  %dma_start3A_284 = tpu.memref_slice %arg11[%dma_start3A_283] : memref<133120xf32, #tpu.memory_space<vmem_shared>> -> memref<133120xf32, #tpu.memory_space<vmem_shared>>
                  tpu.enqueue_indirect_dma source(%dma_start3A_282 : memref<4096xf32, #tpu.memory_space<vmem>>) target(%dma_start3A_284 : memref<133120xf32, #tpu.memory_space<vmem_shared>>) offsets(%arg10 : memref<4096xi32, #tpu.memory_space<vmem>>) semaphore(%run_scoped3A : memref<!tpu.dma_semaphore, #tpu.memory_space<semaphore_mem>>) {add = true}
                  %dma_wait3A_285 = arith.constant 24576 : i32
                  %dma_wait3A_286 = tpu.memref_slice %arg9[%dma_wait3A_285] : memref<32768xf32, #tpu.memory_space<vmem>> -> memref<4096xf32, #tpu.memory_space<vmem>>
                  %dma_wait3A_287 = arith.constant 0 : i32
                  %dma_wait3A_288 = tpu.memref_slice %arg11[%dma_wait3A_287] : memref<133120xf32, #tpu.memory_space<vmem_shared>> -> memref<133120xf32, #tpu.memory_space<vmem_shared>>
                  tpu.wait_indirect_dma semaphore(%run_scoped3A : memref<!tpu.dma_semaphore, #tpu.memory_space<semaphore_mem>>) src(%dma_wait3A_286 : memref<4096xf32, #tpu.memory_space<vmem>>) dst(%dma_wait3A_288 : memref<133120xf32, #tpu.memory_space<vmem_shared>>)
                  tpu.yield
                }) : () -> ()
                %scan3A_275 = arith.constant 0 : i32
                %scan3A_276 = arith.constant 0 : i32
                %scan3A_277 = arith.constant 256 : i32
                %scan3A_278 = arith.addi %scan3A_276, %scan3A_277 : i32
                %scan3A_279 = arith.constant 1 : i32
                scf.for %scan3A_281 = %scan3A_276 to %scan3A_278 step %scan3A_279  : i32 {
                  %mul3A_282 = arith.constant 16 : i32
                  %mul3A_283 = arith.muli %scan3A_281, %mul3A_282 : i32
                  %add3A_284 = arith.constant 24576 : i32
                  %add3A_285 = arith.addi %add3A_284, %mul3A_283 : i32
                  %swap3A_286 = arith.index_cast %add3A_285 : i32 to index
                  %swap3A_287 = tpu.vector_load %arg9[%swap3A_286] {strides = array<i32>} : memref<32768xf32, #tpu.memory_space<vmem>>, vector<16xf32>,
                  tpu.vector_store %arg9[%swap3A_286], %broadcast_in_dim3A_3 {strides = array<i32>} : memref<32768xf32, #tpu.memory_space<vmem>>, vector<16xf32>,
                }
                %scan3A_280 = arith.constant 256 : i32
              } else {
              }
              %gt3A_262 = arith.constant 28672 : i32
              %gt3A_263 = arith.cmpi sgt, %add3A_226, %gt3A_262 : i32
              %convert_element_type3A_264 = arith.extui %gt3A_263 : i1 to i32
              %cond3A_265 = arith.constant 0 : i32
              %cond3A_266 = arith.cmpi ne, %convert_element_type3A_264, %cond3A_265 : i32
              scf.if %cond3A_266 {
                %scan3A_269 = arith.constant 0 : i32
                %scan3A_270 = arith.constant 0 : i32
                %scan3A_271 = arith.constant 256 : i32
                %scan3A_272 = arith.addi %scan3A_270, %scan3A_271 : i32
                %scan3A_273 = arith.constant 1 : i32
                scf.for %scan3A_281 = %scan3A_270 to %scan3A_272 step %scan3A_273  : i32 {
                  %add3A_282 = arith.constant 28672 : i32
                  %add3A_283 = arith.addi %scan3A_199, %add3A_282 : i32
                  %mul3A_284 = arith.constant 16 : i32
                  %mul3A_285 = arith.muli %scan3A_281, %mul3A_284 : i32
                  %add3A_286 = arith.addi %add3A_283, %mul3A_285 : i32
                  %add3A_287 = vector.broadcast %add3A_286 : i32 to vector<16xi32>
                  %add3A_288 = arith.addi %add3A_287, %iota3A : vector<16xi32>
                  %mul3A_289 = arith.constant 16 : i32
                  %mul3A_290 = arith.muli %scan3A_281, %mul3A_289 : i32
                  %swap3A_291 = arith.index_cast %mul3A_290 : i32 to index
                  %swap3A_292 = tpu.vector_load %arg10[%swap3A_291] {strides = array<i32>} : memref<4096xi32, #tpu.memory_space<vmem>>, vector<16xi32>,
                  tpu.vector_store %arg10[%swap3A_291], %add3A_288 {strides = array<i32>} : memref<4096xi32, #tpu.memory_space<vmem>>, vector<16xi32>,
                }
                %scan3A_274 = arith.constant 256 : i32
                "tpu.region"() ({
                  %run_scoped3A = tpu.sem_alloc : memref<!tpu.dma_semaphore, #tpu.memory_space<semaphore_mem>>
                  %dma_start3A_281 = arith.constant 28672 : i32
                  %dma_start3A_282 = tpu.memref_slice %arg9[%dma_start3A_281] : memref<32768xf32, #tpu.memory_space<vmem>> -> memref<4096xf32, #tpu.memory_space<vmem>>
                  %dma_start3A_283 = arith.constant 0 : i32
                  %dma_start3A_284 = tpu.memref_slice %arg11[%dma_start3A_283] : memref<133120xf32, #tpu.memory_space<vmem_shared>> -> memref<133120xf32, #tpu.memory_space<vmem_shared>>
                  tpu.enqueue_indirect_dma source(%dma_start3A_282 : memref<4096xf32, #tpu.memory_space<vmem>>) target(%dma_start3A_284 : memref<133120xf32, #tpu.memory_space<vmem_shared>>) offsets(%arg10 : memref<4096xi32, #tpu.memory_space<vmem>>) semaphore(%run_scoped3A : memref<!tpu.dma_semaphore, #tpu.memory_space<semaphore_mem>>) {add = true}
                  %dma_wait3A_285 = arith.constant 28672 : i32
                  %dma_wait3A_286 = tpu.memref_slice %arg9[%dma_wait3A_285] : memref<32768xf32, #tpu.memory_space<vmem>> -> memref<4096xf32, #tpu.memory_space<vmem>>
                  %dma_wait3A_287 = arith.constant 0 : i32
                  %dma_wait3A_288 = tpu.memref_slice %arg11[%dma_wait3A_287] : memref<133120xf32, #tpu.memory_space<vmem_shared>> -> memref<133120xf32, #tpu.memory_space<vmem_shared>>
                  tpu.wait_indirect_dma semaphore(%run_scoped3A : memref<!tpu.dma_semaphore, #tpu.memory_space<semaphore_mem>>) src(%dma_wait3A_286 : memref<4096xf32, #tpu.memory_space<vmem>>) dst(%dma_wait3A_288 : memref<133120xf32, #tpu.memory_space<vmem_shared>>)
                  tpu.yield
                }) : () -> ()
                %scan3A_275 = arith.constant 0 : i32
                %scan3A_276 = arith.constant 0 : i32
                %scan3A_277 = arith.constant 256 : i32
                %scan3A_278 = arith.addi %scan3A_276, %scan3A_277 : i32
                %scan3A_279 = arith.constant 1 : i32
                scf.for %scan3A_281 = %scan3A_276 to %scan3A_278 step %scan3A_279  : i32 {
                  %mul3A_282 = arith.constant 16 : i32
                  %mul3A_283 = arith.muli %scan3A_281, %mul3A_282 : i32
                  %add3A_284 = arith.constant 28672 : i32
                  %add3A_285 = arith.addi %add3A_284, %mul3A_283 : i32
                  %swap3A_286 = arith.index_cast %add3A_285 : i32 to index
                  %swap3A_287 = tpu.vector_load %arg9[%swap3A_286] {strides = array<i32>} : memref<32768xf32, #tpu.memory_space<vmem>>, vector<16xf32>,
                  tpu.vector_store %arg9[%swap3A_286], %broadcast_in_dim3A_3 {strides = array<i32>} : memref<32768xf32, #tpu.memory_space<vmem>>, vector<16xf32>,
                }
                %scan3A_280 = arith.constant 256 : i32
              } else {
              }
              %add3A_267 = arith.constant 32768 : i32
              %add3A_268 = arith.addi %scan3A_199, %add3A_267 : i32
              scf.yield %add3A_268 : i32
            } else {
              scf.yield %scan3A_199 : i32
            }
            scf.yield %cond3A_219 : i32
          }
          %scan3A_197 = arith.constant 4 : i32
          scf.yield %scan3A_196 : i32
        }
        %scan3A_172 = arith.constant 625 : i32
        scf.yield %scan3A_171 : i32
      }
      scf.yield %cond3A_166, %squeeze3A_152 : i32, i32
    }
    %scan3A_36 = arith.constant 10 : i32
    %sub3A = arith.subi %scan3A_35#1, %scan3A_35#0 : i32
    %add3A_37 = arith.constant 1 : i32
    %add3A_38 = arith.addi %sub3A, %add3A_37 : i32
    %gt3A = arith.constant 0 : i32
    %gt3A_39 = arith.cmpi sgt, %add3A_38, %gt3A : i32
    %convert_element_type3A = arith.extui %gt3A_39 : i1 to i32
    %cond3A = arith.constant 0 : i32
    %cond3A_40 = arith.cmpi ne, %convert_element_type3A, %cond3A : i32
    scf.if %cond3A_40 {
      %scan3A_82 = arith.constant 0 : i32
      %scan3A_83 = arith.constant 0 : i32
      %scan3A_84 = arith.constant 256 : i32
      %scan3A_85 = arith.addi %scan3A_83, %scan3A_84 : i32
      %scan3A_86 = arith.constant 1 : i32
      scf.for %scan3A_94 = %scan3A_83 to %scan3A_85 step %scan3A_86  : i32 {
        %add3A_95 = arith.constant 0 : i32
        %add3A_96 = arith.addi %scan3A_35#0, %add3A_95 : i32
        %mul3A_97 = arith.constant 16 : i32
        %mul3A_98 = arith.muli %scan3A_94, %mul3A_97 : i32
        %add3A_99 = arith.addi %add3A_96, %mul3A_98 : i32
        %add3A_100 = vector.broadcast %add3A_99 : i32 to vector<16xi32>
        %add3A_101 = arith.addi %add3A_100, %iota3A : vector<16xi32>
        %mul3A_102 = arith.constant 16 : i32
        %mul3A_103 = arith.muli %scan3A_94, %mul3A_102 : i32
        %swap3A_104 = arith.index_cast %mul3A_103 : i32 to index
        %swap3A_105 = tpu.vector_load %arg10[%swap3A_104] {strides = array<i32>} : memref<4096xi32, #tpu.memory_space<vmem>>, vector<16xi32>,
        tpu.vector_store %arg10[%swap3A_104], %add3A_101 {strides = array<i32>} : memref<4096xi32, #tpu.memory_space<vmem>>, vector<16xi32>,
      }
      %scan3A_87 = arith.constant 256 : i32
      "tpu.region"() ({
        %run_scoped3A = tpu.sem_alloc : memref<!tpu.dma_semaphore, #tpu.memory_space<semaphore_mem>>
        %dma_start3A_94 = arith.constant 0 : i32
        %dma_start3A_95 = tpu.memref_slice %arg9[%dma_start3A_94] : memref<32768xf32, #tpu.memory_space<vmem>> -> memref<4096xf32, #tpu.memory_space<vmem>>
        %dma_start3A_96 = arith.constant 0 : i32
        %dma_start3A_97 = tpu.memref_slice %arg11[%dma_start3A_96] : memref<133120xf32, #tpu.memory_space<vmem_shared>> -> memref<133120xf32, #tpu.memory_space<vmem_shared>>
        tpu.enqueue_indirect_dma source(%dma_start3A_95 : memref<4096xf32, #tpu.memory_space<vmem>>) target(%dma_start3A_97 : memref<133120xf32, #tpu.memory_space<vmem_shared>>) offsets(%arg10 : memref<4096xi32, #tpu.memory_space<vmem>>) semaphore(%run_scoped3A : memref<!tpu.dma_semaphore, #tpu.memory_space<semaphore_mem>>) {add = true}
        %dma_wait3A = arith.constant 0 : i32
        %dma_wait3A_98 = tpu.memref_slice %arg9[%dma_wait3A] : memref<32768xf32, #tpu.memory_space<vmem>> -> memref<4096xf32, #tpu.memory_space<vmem>>
        %dma_wait3A_99 = arith.constant 0 : i32
        %dma_wait3A_100 = tpu.memref_slice %arg11[%dma_wait3A_99] : memref<133120xf32, #tpu.memory_space<vmem_shared>> -> memref<133120xf32, #tpu.memory_space<vmem_shared>>
        tpu.wait_indirect_dma semaphore(%run_scoped3A : memref<!tpu.dma_semaphore, #tpu.memory_space<semaphore_mem>>) src(%dma_wait3A_98 : memref<4096xf32, #tpu.memory_space<vmem>>) dst(%dma_wait3A_100 : memref<133120xf32, #tpu.memory_space<vmem_shared>>)
        tpu.yield
      }) : () -> ()
      %scan3A_88 = arith.constant 0 : i32
      %scan3A_89 = arith.constant 0 : i32
      %scan3A_90 = arith.constant 256 : i32
      %scan3A_91 = arith.addi %scan3A_89, %scan3A_90 : i32
      %scan3A_92 = arith.constant 1 : i32
      scf.for %scan3A_94 = %scan3A_89 to %scan3A_91 step %scan3A_92  : i32 {
        %mul3A_95 = arith.constant 16 : i32
        %mul3A_96 = arith.muli %scan3A_94, %mul3A_95 : i32
        %add3A_97 = arith.constant 0 : i32
        %add3A_98 = arith.addi %add3A_97, %mul3A_96 : i32
        %swap3A_99 = arith.index_cast %add3A_98 : i32 to index
        %swap3A_100 = tpu.vector_load %arg9[%swap3A_99] {strides = array<i32>} : memref<32768xf32, #tpu.memory_space<vmem>>, vector<16xf32>,
        tpu.vector_store %arg9[%swap3A_99], %broadcast_in_dim3A_3 {strides = array<i32>} : memref<32768xf32, #tpu.memory_space<vmem>>, vector<16xf32>,
      }
      %scan3A_93 = arith.constant 256 : i32
    } else {
    }
    %gt3A_41 = arith.constant 4096 : i32
    %gt3A_42 = arith.cmpi sgt, %add3A_38, %gt3A_41 : i32
    %convert_element_type3A_43 = arith.extui %gt3A_42 : i1 to i32
    %cond3A_44 = arith.constant 0 : i32
    %cond3A_45 = arith.cmpi ne, %convert_element_type3A_43, %cond3A_44 : i32
    scf.if %cond3A_45 {
      %scan3A_82 = arith.constant 0 : i32
      %scan3A_83 = arith.constant 0 : i32
      %scan3A_84 = arith.constant 256 : i32
      %scan3A_85 = arith.addi %scan3A_83, %scan3A_84 : i32
      %scan3A_86 = arith.constant 1 : i32
      scf.for %scan3A_94 = %scan3A_83 to %scan3A_85 step %scan3A_86  : i32 {
        %add3A_95 = arith.constant 4096 : i32
        %add3A_96 = arith.addi %scan3A_35#0, %add3A_95 : i32
        %mul3A_97 = arith.constant 16 : i32
        %mul3A_98 = arith.muli %scan3A_94, %mul3A_97 : i32
        %add3A_99 = arith.addi %add3A_96, %mul3A_98 : i32
        %add3A_100 = vector.broadcast %add3A_99 : i32 to vector<16xi32>
        %add3A_101 = arith.addi %add3A_100, %iota3A : vector<16xi32>
        %mul3A_102 = arith.constant 16 : i32
        %mul3A_103 = arith.muli %scan3A_94, %mul3A_102 : i32
        %swap3A_104 = arith.index_cast %mul3A_103 : i32 to index
        %swap3A_105 = tpu.vector_load %arg10[%swap3A_104] {strides = array<i32>} : memref<4096xi32, #tpu.memory_space<vmem>>, vector<16xi32>,
        tpu.vector_store %arg10[%swap3A_104], %add3A_101 {strides = array<i32>} : memref<4096xi32, #tpu.memory_space<vmem>>, vector<16xi32>,
      }
      %scan3A_87 = arith.constant 256 : i32
      "tpu.region"() ({
        %run_scoped3A = tpu.sem_alloc : memref<!tpu.dma_semaphore, #tpu.memory_space<semaphore_mem>>
        %dma_start3A_94 = arith.constant 4096 : i32
        %dma_start3A_95 = tpu.memref_slice %arg9[%dma_start3A_94] : memref<32768xf32, #tpu.memory_space<vmem>> -> memref<4096xf32, #tpu.memory_space<vmem>>
        %dma_start3A_96 = arith.constant 0 : i32
        %dma_start3A_97 = tpu.memref_slice %arg11[%dma_start3A_96] : memref<133120xf32, #tpu.memory_space<vmem_shared>> -> memref<133120xf32, #tpu.memory_space<vmem_shared>>
        tpu.enqueue_indirect_dma source(%dma_start3A_95 : memref<4096xf32, #tpu.memory_space<vmem>>) target(%dma_start3A_97 : memref<133120xf32, #tpu.memory_space<vmem_shared>>) offsets(%arg10 : memref<4096xi32, #tpu.memory_space<vmem>>) semaphore(%run_scoped3A : memref<!tpu.dma_semaphore, #tpu.memory_space<semaphore_mem>>) {add = true}
        %dma_wait3A = arith.constant 4096 : i32
        %dma_wait3A_98 = tpu.memref_slice %arg9[%dma_wait3A] : memref<32768xf32, #tpu.memory_space<vmem>> -> memref<4096xf32, #tpu.memory_space<vmem>>
        %dma_wait3A_99 = arith.constant 0 : i32
        %dma_wait3A_100 = tpu.memref_slice %arg11[%dma_wait3A_99] : memref<133120xf32, #tpu.memory_space<vmem_shared>> -> memref<133120xf32, #tpu.memory_space<vmem_shared>>
        tpu.wait_indirect_dma semaphore(%run_scoped3A : memref<!tpu.dma_semaphore, #tpu.memory_space<semaphore_mem>>) src(%dma_wait3A_98 : memref<4096xf32, #tpu.memory_space<vmem>>) dst(%dma_wait3A_100 : memref<133120xf32, #tpu.memory_space<vmem_shared>>)
        tpu.yield
      }) : () -> ()
      %scan3A_88 = arith.constant 0 : i32
      %scan3A_89 = arith.constant 0 : i32
      %scan3A_90 = arith.constant 256 : i32
      %scan3A_91 = arith.addi %scan3A_89, %scan3A_90 : i32
      %scan3A_92 = arith.constant 1 : i32
      scf.for %scan3A_94 = %scan3A_89 to %scan3A_91 step %scan3A_92  : i32 {
        %mul3A_95 = arith.constant 16 : i32
        %mul3A_96 = arith.muli %scan3A_94, %mul3A_95 : i32
        %add3A_97 = arith.constant 4096 : i32
        %add3A_98 = arith.addi %add3A_97, %mul3A_96 : i32
        %swap3A_99 = arith.index_cast %add3A_98 : i32 to index
        %swap3A_100 = tpu.vector_load %arg9[%swap3A_99] {strides = array<i32>} : memref<32768xf32, #tpu.memory_space<vmem>>, vector<16xf32>,
        tpu.vector_store %arg9[%swap3A_99], %broadcast_in_dim3A_3 {strides = array<i32>} : memref<32768xf32, #tpu.memory_space<vmem>>, vector<16xf32>,
      }
      %scan3A_93 = arith.constant 256 : i32
    } else {
    }
    %gt3A_46 = arith.constant 8192 : i32
    %gt3A_47 = arith.cmpi sgt, %add3A_38, %gt3A_46 : i32
    %convert_element_type3A_48 = arith.extui %gt3A_47 : i1 to i32
    %cond3A_49 = arith.constant 0 : i32
    %cond3A_50 = arith.cmpi ne, %convert_element_type3A_48, %cond3A_49 : i32
    scf.if %cond3A_50 {
      %scan3A_82 = arith.constant 0 : i32
      %scan3A_83 = arith.constant 0 : i32
      %scan3A_84 = arith.constant 256 : i32
      %scan3A_85 = arith.addi %scan3A_83, %scan3A_84 : i32
      %scan3A_86 = arith.constant 1 : i32
      scf.for %scan3A_94 = %scan3A_83 to %scan3A_85 step %scan3A_86  : i32 {
        %add3A_95 = arith.constant 8192 : i32
        %add3A_96 = arith.addi %scan3A_35#0, %add3A_95 : i32
        %mul3A_97 = arith.constant 16 : i32
        %mul3A_98 = arith.muli %scan3A_94, %mul3A_97 : i32
        %add3A_99 = arith.addi %add3A_96, %mul3A_98 : i32
        %add3A_100 = vector.broadcast %add3A_99 : i32 to vector<16xi32>
        %add3A_101 = arith.addi %add3A_100, %iota3A : vector<16xi32>
        %mul3A_102 = arith.constant 16 : i32
        %mul3A_103 = arith.muli %scan3A_94, %mul3A_102 : i32
        %swap3A_104 = arith.index_cast %mul3A_103 : i32 to index
        %swap3A_105 = tpu.vector_load %arg10[%swap3A_104] {strides = array<i32>} : memref<4096xi32, #tpu.memory_space<vmem>>, vector<16xi32>,
        tpu.vector_store %arg10[%swap3A_104], %add3A_101 {strides = array<i32>} : memref<4096xi32, #tpu.memory_space<vmem>>, vector<16xi32>,
      }
      %scan3A_87 = arith.constant 256 : i32
      "tpu.region"() ({
        %run_scoped3A = tpu.sem_alloc : memref<!tpu.dma_semaphore, #tpu.memory_space<semaphore_mem>>
        %dma_start3A_94 = arith.constant 8192 : i32
        %dma_start3A_95 = tpu.memref_slice %arg9[%dma_start3A_94] : memref<32768xf32, #tpu.memory_space<vmem>> -> memref<4096xf32, #tpu.memory_space<vmem>>
        %dma_start3A_96 = arith.constant 0 : i32
        %dma_start3A_97 = tpu.memref_slice %arg11[%dma_start3A_96] : memref<133120xf32, #tpu.memory_space<vmem_shared>> -> memref<133120xf32, #tpu.memory_space<vmem_shared>>
        tpu.enqueue_indirect_dma source(%dma_start3A_95 : memref<4096xf32, #tpu.memory_space<vmem>>) target(%dma_start3A_97 : memref<133120xf32, #tpu.memory_space<vmem_shared>>) offsets(%arg10 : memref<4096xi32, #tpu.memory_space<vmem>>) semaphore(%run_scoped3A : memref<!tpu.dma_semaphore, #tpu.memory_space<semaphore_mem>>) {add = true}
        %dma_wait3A = arith.constant 8192 : i32
        %dma_wait3A_98 = tpu.memref_slice %arg9[%dma_wait3A] : memref<32768xf32, #tpu.memory_space<vmem>> -> memref<4096xf32, #tpu.memory_space<vmem>>
        %dma_wait3A_99 = arith.constant 0 : i32
        %dma_wait3A_100 = tpu.memref_slice %arg11[%dma_wait3A_99] : memref<133120xf32, #tpu.memory_space<vmem_shared>> -> memref<133120xf32, #tpu.memory_space<vmem_shared>>
        tpu.wait_indirect_dma semaphore(%run_scoped3A : memref<!tpu.dma_semaphore, #tpu.memory_space<semaphore_mem>>) src(%dma_wait3A_98 : memref<4096xf32, #tpu.memory_space<vmem>>) dst(%dma_wait3A_100 : memref<133120xf32, #tpu.memory_space<vmem_shared>>)
        tpu.yield
      }) : () -> ()
      %scan3A_88 = arith.constant 0 : i32
      %scan3A_89 = arith.constant 0 : i32
      %scan3A_90 = arith.constant 256 : i32
      %scan3A_91 = arith.addi %scan3A_89, %scan3A_90 : i32
      %scan3A_92 = arith.constant 1 : i32
      scf.for %scan3A_94 = %scan3A_89 to %scan3A_91 step %scan3A_92  : i32 {
        %mul3A_95 = arith.constant 16 : i32
        %mul3A_96 = arith.muli %scan3A_94, %mul3A_95 : i32
        %add3A_97 = arith.constant 8192 : i32
        %add3A_98 = arith.addi %add3A_97, %mul3A_96 : i32
        %swap3A_99 = arith.index_cast %add3A_98 : i32 to index
        %swap3A_100 = tpu.vector_load %arg9[%swap3A_99] {strides = array<i32>} : memref<32768xf32, #tpu.memory_space<vmem>>, vector<16xf32>,
        tpu.vector_store %arg9[%swap3A_99], %broadcast_in_dim3A_3 {strides = array<i32>} : memref<32768xf32, #tpu.memory_space<vmem>>, vector<16xf32>,
      }
      %scan3A_93 = arith.constant 256 : i32
    } else {
    }
    %gt3A_51 = arith.constant 12288 : i32
    %gt3A_52 = arith.cmpi sgt, %add3A_38, %gt3A_51 : i32
    %convert_element_type3A_53 = arith.extui %gt3A_52 : i1 to i32
    %cond3A_54 = arith.constant 0 : i32
    %cond3A_55 = arith.cmpi ne, %convert_element_type3A_53, %cond3A_54 : i32
    scf.if %cond3A_55 {
      %scan3A_82 = arith.constant 0 : i32
      %scan3A_83 = arith.constant 0 : i32
      %scan3A_84 = arith.constant 256 : i32
      %scan3A_85 = arith.addi %scan3A_83, %scan3A_84 : i32
      %scan3A_86 = arith.constant 1 : i32
      scf.for %scan3A_94 = %scan3A_83 to %scan3A_85 step %scan3A_86  : i32 {
        %add3A_95 = arith.constant 12288 : i32
        %add3A_96 = arith.addi %scan3A_35#0, %add3A_95 : i32
        %mul3A_97 = arith.constant 16 : i32
        %mul3A_98 = arith.muli %scan3A_94, %mul3A_97 : i32
        %add3A_99 = arith.addi %add3A_96, %mul3A_98 : i32
        %add3A_100 = vector.broadcast %add3A_99 : i32 to vector<16xi32>
        %add3A_101 = arith.addi %add3A_100, %iota3A : vector<16xi32>
        %mul3A_102 = arith.constant 16 : i32
        %mul3A_103 = arith.muli %scan3A_94, %mul3A_102 : i32
        %swap3A_104 = arith.index_cast %mul3A_103 : i32 to index
        %swap3A_105 = tpu.vector_load %arg10[%swap3A_104] {strides = array<i32>} : memref<4096xi32, #tpu.memory_space<vmem>>, vector<16xi32>,
        tpu.vector_store %arg10[%swap3A_104], %add3A_101 {strides = array<i32>} : memref<4096xi32, #tpu.memory_space<vmem>>, vector<16xi32>,
      }
      %scan3A_87 = arith.constant 256 : i32
      "tpu.region"() ({
        %run_scoped3A = tpu.sem_alloc : memref<!tpu.dma_semaphore, #tpu.memory_space<semaphore_mem>>
        %dma_start3A_94 = arith.constant 12288 : i32
        %dma_start3A_95 = tpu.memref_slice %arg9[%dma_start3A_94] : memref<32768xf32, #tpu.memory_space<vmem>> -> memref<4096xf32, #tpu.memory_space<vmem>>
        %dma_start3A_96 = arith.constant 0 : i32
        %dma_start3A_97 = tpu.memref_slice %arg11[%dma_start3A_96] : memref<133120xf32, #tpu.memory_space<vmem_shared>> -> memref<133120xf32, #tpu.memory_space<vmem_shared>>
        tpu.enqueue_indirect_dma source(%dma_start3A_95 : memref<4096xf32, #tpu.memory_space<vmem>>) target(%dma_start3A_97 : memref<133120xf32, #tpu.memory_space<vmem_shared>>) offsets(%arg10 : memref<4096xi32, #tpu.memory_space<vmem>>) semaphore(%run_scoped3A : memref<!tpu.dma_semaphore, #tpu.memory_space<semaphore_mem>>) {add = true}
        %dma_wait3A = arith.constant 12288 : i32
        %dma_wait3A_98 = tpu.memref_slice %arg9[%dma_wait3A] : memref<32768xf32, #tpu.memory_space<vmem>> -> memref<4096xf32, #tpu.memory_space<vmem>>
        %dma_wait3A_99 = arith.constant 0 : i32
        %dma_wait3A_100 = tpu.memref_slice %arg11[%dma_wait3A_99] : memref<133120xf32, #tpu.memory_space<vmem_shared>> -> memref<133120xf32, #tpu.memory_space<vmem_shared>>
        tpu.wait_indirect_dma semaphore(%run_scoped3A : memref<!tpu.dma_semaphore, #tpu.memory_space<semaphore_mem>>) src(%dma_wait3A_98 : memref<4096xf32, #tpu.memory_space<vmem>>) dst(%dma_wait3A_100 : memref<133120xf32, #tpu.memory_space<vmem_shared>>)
        tpu.yield
      }) : () -> ()
      %scan3A_88 = arith.constant 0 : i32
      %scan3A_89 = arith.constant 0 : i32
      %scan3A_90 = arith.constant 256 : i32
      %scan3A_91 = arith.addi %scan3A_89, %scan3A_90 : i32
      %scan3A_92 = arith.constant 1 : i32
      scf.for %scan3A_94 = %scan3A_89 to %scan3A_91 step %scan3A_92  : i32 {
        %mul3A_95 = arith.constant 16 : i32
        %mul3A_96 = arith.muli %scan3A_94, %mul3A_95 : i32
        %add3A_97 = arith.constant 12288 : i32
        %add3A_98 = arith.addi %add3A_97, %mul3A_96 : i32
        %swap3A_99 = arith.index_cast %add3A_98 : i32 to index
        %swap3A_100 = tpu.vector_load %arg9[%swap3A_99] {strides = array<i32>} : memref<32768xf32, #tpu.memory_space<vmem>>, vector<16xf32>,
        tpu.vector_store %arg9[%swap3A_99], %broadcast_in_dim3A_3 {strides = array<i32>} : memref<32768xf32, #tpu.memory_space<vmem>>, vector<16xf32>,
      }
      %scan3A_93 = arith.constant 256 : i32
    } else {
    }
    %gt3A_56 = arith.constant 16384 : i32
    %gt3A_57 = arith.cmpi sgt, %add3A_38, %gt3A_56 : i32
    %convert_element_type3A_58 = arith.extui %gt3A_57 : i1 to i32
    %cond3A_59 = arith.constant 0 : i32
    %cond3A_60 = arith.cmpi ne, %convert_element_type3A_58, %cond3A_59 : i32
    scf.if %cond3A_60 {
      %scan3A_82 = arith.constant 0 : i32
      %scan3A_83 = arith.constant 0 : i32
      %scan3A_84 = arith.constant 256 : i32
      %scan3A_85 = arith.addi %scan3A_83, %scan3A_84 : i32
      %scan3A_86 = arith.constant 1 : i32
      scf.for %scan3A_94 = %scan3A_83 to %scan3A_85 step %scan3A_86  : i32 {
        %add3A_95 = arith.constant 16384 : i32
        %add3A_96 = arith.addi %scan3A_35#0, %add3A_95 : i32
        %mul3A_97 = arith.constant 16 : i32
        %mul3A_98 = arith.muli %scan3A_94, %mul3A_97 : i32
        %add3A_99 = arith.addi %add3A_96, %mul3A_98 : i32
        %add3A_100 = vector.broadcast %add3A_99 : i32 to vector<16xi32>
        %add3A_101 = arith.addi %add3A_100, %iota3A : vector<16xi32>
        %mul3A_102 = arith.constant 16 : i32
        %mul3A_103 = arith.muli %scan3A_94, %mul3A_102 : i32
        %swap3A_104 = arith.index_cast %mul3A_103 : i32 to index
        %swap3A_105 = tpu.vector_load %arg10[%swap3A_104] {strides = array<i32>} : memref<4096xi32, #tpu.memory_space<vmem>>, vector<16xi32>,
        tpu.vector_store %arg10[%swap3A_104], %add3A_101 {strides = array<i32>} : memref<4096xi32, #tpu.memory_space<vmem>>, vector<16xi32>,
      }
      %scan3A_87 = arith.constant 256 : i32
      "tpu.region"() ({
        %run_scoped3A = tpu.sem_alloc : memref<!tpu.dma_semaphore, #tpu.memory_space<semaphore_mem>>
        %dma_start3A_94 = arith.constant 16384 : i32
        %dma_start3A_95 = tpu.memref_slice %arg9[%dma_start3A_94] : memref<32768xf32, #tpu.memory_space<vmem>> -> memref<4096xf32, #tpu.memory_space<vmem>>
        %dma_start3A_96 = arith.constant 0 : i32
        %dma_start3A_97 = tpu.memref_slice %arg11[%dma_start3A_96] : memref<133120xf32, #tpu.memory_space<vmem_shared>> -> memref<133120xf32, #tpu.memory_space<vmem_shared>>
        tpu.enqueue_indirect_dma source(%dma_start3A_95 : memref<4096xf32, #tpu.memory_space<vmem>>) target(%dma_start3A_97 : memref<133120xf32, #tpu.memory_space<vmem_shared>>) offsets(%arg10 : memref<4096xi32, #tpu.memory_space<vmem>>) semaphore(%run_scoped3A : memref<!tpu.dma_semaphore, #tpu.memory_space<semaphore_mem>>) {add = true}
        %dma_wait3A = arith.constant 16384 : i32
        %dma_wait3A_98 = tpu.memref_slice %arg9[%dma_wait3A] : memref<32768xf32, #tpu.memory_space<vmem>> -> memref<4096xf32, #tpu.memory_space<vmem>>
        %dma_wait3A_99 = arith.constant 0 : i32
        %dma_wait3A_100 = tpu.memref_slice %arg11[%dma_wait3A_99] : memref<133120xf32, #tpu.memory_space<vmem_shared>> -> memref<133120xf32, #tpu.memory_space<vmem_shared>>
        tpu.wait_indirect_dma semaphore(%run_scoped3A : memref<!tpu.dma_semaphore, #tpu.memory_space<semaphore_mem>>) src(%dma_wait3A_98 : memref<4096xf32, #tpu.memory_space<vmem>>) dst(%dma_wait3A_100 : memref<133120xf32, #tpu.memory_space<vmem_shared>>)
        tpu.yield
      }) : () -> ()
      %scan3A_88 = arith.constant 0 : i32
      %scan3A_89 = arith.constant 0 : i32
      %scan3A_90 = arith.constant 256 : i32
      %scan3A_91 = arith.addi %scan3A_89, %scan3A_90 : i32
      %scan3A_92 = arith.constant 1 : i32
      scf.for %scan3A_94 = %scan3A_89 to %scan3A_91 step %scan3A_92  : i32 {
        %mul3A_95 = arith.constant 16 : i32
        %mul3A_96 = arith.muli %scan3A_94, %mul3A_95 : i32
        %add3A_97 = arith.constant 16384 : i32
        %add3A_98 = arith.addi %add3A_97, %mul3A_96 : i32
        %swap3A_99 = arith.index_cast %add3A_98 : i32 to index
        %swap3A_100 = tpu.vector_load %arg9[%swap3A_99] {strides = array<i32>} : memref<32768xf32, #tpu.memory_space<vmem>>, vector<16xf32>,
        tpu.vector_store %arg9[%swap3A_99], %broadcast_in_dim3A_3 {strides = array<i32>} : memref<32768xf32, #tpu.memory_space<vmem>>, vector<16xf32>,
      }
      %scan3A_93 = arith.constant 256 : i32
    } else {
    }
    %gt3A_61 = arith.constant 20480 : i32
    %gt3A_62 = arith.cmpi sgt, %add3A_38, %gt3A_61 : i32
    %convert_element_type3A_63 = arith.extui %gt3A_62 : i1 to i32
    %cond3A_64 = arith.constant 0 : i32
    %cond3A_65 = arith.cmpi ne, %convert_element_type3A_63, %cond3A_64 : i32
    scf.if %cond3A_65 {
      %scan3A_82 = arith.constant 0 : i32
      %scan3A_83 = arith.constant 0 : i32
      %scan3A_84 = arith.constant 256 : i32
      %scan3A_85 = arith.addi %scan3A_83, %scan3A_84 : i32
      %scan3A_86 = arith.constant 1 : i32
      scf.for %scan3A_94 = %scan3A_83 to %scan3A_85 step %scan3A_86  : i32 {
        %add3A_95 = arith.constant 20480 : i32
        %add3A_96 = arith.addi %scan3A_35#0, %add3A_95 : i32
        %mul3A_97 = arith.constant 16 : i32
        %mul3A_98 = arith.muli %scan3A_94, %mul3A_97 : i32
        %add3A_99 = arith.addi %add3A_96, %mul3A_98 : i32
        %add3A_100 = vector.broadcast %add3A_99 : i32 to vector<16xi32>
        %add3A_101 = arith.addi %add3A_100, %iota3A : vector<16xi32>
        %mul3A_102 = arith.constant 16 : i32
        %mul3A_103 = arith.muli %scan3A_94, %mul3A_102 : i32
        %swap3A_104 = arith.index_cast %mul3A_103 : i32 to index
        %swap3A_105 = tpu.vector_load %arg10[%swap3A_104] {strides = array<i32>} : memref<4096xi32, #tpu.memory_space<vmem>>, vector<16xi32>,
        tpu.vector_store %arg10[%swap3A_104], %add3A_101 {strides = array<i32>} : memref<4096xi32, #tpu.memory_space<vmem>>, vector<16xi32>,
      }
      %scan3A_87 = arith.constant 256 : i32
      "tpu.region"() ({
        %run_scoped3A = tpu.sem_alloc : memref<!tpu.dma_semaphore, #tpu.memory_space<semaphore_mem>>
        %dma_start3A_94 = arith.constant 20480 : i32
        %dma_start3A_95 = tpu.memref_slice %arg9[%dma_start3A_94] : memref<32768xf32, #tpu.memory_space<vmem>> -> memref<4096xf32, #tpu.memory_space<vmem>>
        %dma_start3A_96 = arith.constant 0 : i32
        %dma_start3A_97 = tpu.memref_slice %arg11[%dma_start3A_96] : memref<133120xf32, #tpu.memory_space<vmem_shared>> -> memref<133120xf32, #tpu.memory_space<vmem_shared>>
        tpu.enqueue_indirect_dma source(%dma_start3A_95 : memref<4096xf32, #tpu.memory_space<vmem>>) target(%dma_start3A_97 : memref<133120xf32, #tpu.memory_space<vmem_shared>>) offsets(%arg10 : memref<4096xi32, #tpu.memory_space<vmem>>) semaphore(%run_scoped3A : memref<!tpu.dma_semaphore, #tpu.memory_space<semaphore_mem>>) {add = true}
        %dma_wait3A = arith.constant 20480 : i32
        %dma_wait3A_98 = tpu.memref_slice %arg9[%dma_wait3A] : memref<32768xf32, #tpu.memory_space<vmem>> -> memref<4096xf32, #tpu.memory_space<vmem>>
        %dma_wait3A_99 = arith.constant 0 : i32
        %dma_wait3A_100 = tpu.memref_slice %arg11[%dma_wait3A_99] : memref<133120xf32, #tpu.memory_space<vmem_shared>> -> memref<133120xf32, #tpu.memory_space<vmem_shared>>
        tpu.wait_indirect_dma semaphore(%run_scoped3A : memref<!tpu.dma_semaphore, #tpu.memory_space<semaphore_mem>>) src(%dma_wait3A_98 : memref<4096xf32, #tpu.memory_space<vmem>>) dst(%dma_wait3A_100 : memref<133120xf32, #tpu.memory_space<vmem_shared>>)
        tpu.yield
      }) : () -> ()
      %scan3A_88 = arith.constant 0 : i32
      %scan3A_89 = arith.constant 0 : i32
      %scan3A_90 = arith.constant 256 : i32
      %scan3A_91 = arith.addi %scan3A_89, %scan3A_90 : i32
      %scan3A_92 = arith.constant 1 : i32
      scf.for %scan3A_94 = %scan3A_89 to %scan3A_91 step %scan3A_92  : i32 {
        %mul3A_95 = arith.constant 16 : i32
        %mul3A_96 = arith.muli %scan3A_94, %mul3A_95 : i32
        %add3A_97 = arith.constant 20480 : i32
        %add3A_98 = arith.addi %add3A_97, %mul3A_96 : i32
        %swap3A_99 = arith.index_cast %add3A_98 : i32 to index
        %swap3A_100 = tpu.vector_load %arg9[%swap3A_99] {strides = array<i32>} : memref<32768xf32, #tpu.memory_space<vmem>>, vector<16xf32>,
        tpu.vector_store %arg9[%swap3A_99], %broadcast_in_dim3A_3 {strides = array<i32>} : memref<32768xf32, #tpu.memory_space<vmem>>, vector<16xf32>,
      }
      %scan3A_93 = arith.constant 256 : i32
    } else {
    }
    %gt3A_66 = arith.constant 24576 : i32
    %gt3A_67 = arith.cmpi sgt, %add3A_38, %gt3A_66 : i32
    %convert_element_type3A_68 = arith.extui %gt3A_67 : i1 to i32
    %cond3A_69 = arith.constant 0 : i32
    %cond3A_70 = arith.cmpi ne, %convert_element_type3A_68, %cond3A_69 : i32
    scf.if %cond3A_70 {
      %scan3A_82 = arith.constant 0 : i32
      %scan3A_83 = arith.constant 0 : i32
      %scan3A_84 = arith.constant 256 : i32
      %scan3A_85 = arith.addi %scan3A_83, %scan3A_84 : i32
      %scan3A_86 = arith.constant 1 : i32
      scf.for %scan3A_94 = %scan3A_83 to %scan3A_85 step %scan3A_86  : i32 {
        %add3A_95 = arith.constant 24576 : i32
        %add3A_96 = arith.addi %scan3A_35#0, %add3A_95 : i32
        %mul3A_97 = arith.constant 16 : i32
        %mul3A_98 = arith.muli %scan3A_94, %mul3A_97 : i32
        %add3A_99 = arith.addi %add3A_96, %mul3A_98 : i32
        %add3A_100 = vector.broadcast %add3A_99 : i32 to vector<16xi32>
        %add3A_101 = arith.addi %add3A_100, %iota3A : vector<16xi32>
        %mul3A_102 = arith.constant 16 : i32
        %mul3A_103 = arith.muli %scan3A_94, %mul3A_102 : i32
        %swap3A_104 = arith.index_cast %mul3A_103 : i32 to index
        %swap3A_105 = tpu.vector_load %arg10[%swap3A_104] {strides = array<i32>} : memref<4096xi32, #tpu.memory_space<vmem>>, vector<16xi32>,
        tpu.vector_store %arg10[%swap3A_104], %add3A_101 {strides = array<i32>} : memref<4096xi32, #tpu.memory_space<vmem>>, vector<16xi32>,
      }
      %scan3A_87 = arith.constant 256 : i32
      "tpu.region"() ({
        %run_scoped3A = tpu.sem_alloc : memref<!tpu.dma_semaphore, #tpu.memory_space<semaphore_mem>>
        %dma_start3A_94 = arith.constant 24576 : i32
        %dma_start3A_95 = tpu.memref_slice %arg9[%dma_start3A_94] : memref<32768xf32, #tpu.memory_space<vmem>> -> memref<4096xf32, #tpu.memory_space<vmem>>
        %dma_start3A_96 = arith.constant 0 : i32
        %dma_start3A_97 = tpu.memref_slice %arg11[%dma_start3A_96] : memref<133120xf32, #tpu.memory_space<vmem_shared>> -> memref<133120xf32, #tpu.memory_space<vmem_shared>>
        tpu.enqueue_indirect_dma source(%dma_start3A_95 : memref<4096xf32, #tpu.memory_space<vmem>>) target(%dma_start3A_97 : memref<133120xf32, #tpu.memory_space<vmem_shared>>) offsets(%arg10 : memref<4096xi32, #tpu.memory_space<vmem>>) semaphore(%run_scoped3A : memref<!tpu.dma_semaphore, #tpu.memory_space<semaphore_mem>>) {add = true}
        %dma_wait3A = arith.constant 24576 : i32
        %dma_wait3A_98 = tpu.memref_slice %arg9[%dma_wait3A] : memref<32768xf32, #tpu.memory_space<vmem>> -> memref<4096xf32, #tpu.memory_space<vmem>>
        %dma_wait3A_99 = arith.constant 0 : i32
        %dma_wait3A_100 = tpu.memref_slice %arg11[%dma_wait3A_99] : memref<133120xf32, #tpu.memory_space<vmem_shared>> -> memref<133120xf32, #tpu.memory_space<vmem_shared>>
        tpu.wait_indirect_dma semaphore(%run_scoped3A : memref<!tpu.dma_semaphore, #tpu.memory_space<semaphore_mem>>) src(%dma_wait3A_98 : memref<4096xf32, #tpu.memory_space<vmem>>) dst(%dma_wait3A_100 : memref<133120xf32, #tpu.memory_space<vmem_shared>>)
        tpu.yield
      }) : () -> ()
      %scan3A_88 = arith.constant 0 : i32
      %scan3A_89 = arith.constant 0 : i32
      %scan3A_90 = arith.constant 256 : i32
      %scan3A_91 = arith.addi %scan3A_89, %scan3A_90 : i32
      %scan3A_92 = arith.constant 1 : i32
      scf.for %scan3A_94 = %scan3A_89 to %scan3A_91 step %scan3A_92  : i32 {
        %mul3A_95 = arith.constant 16 : i32
        %mul3A_96 = arith.muli %scan3A_94, %mul3A_95 : i32
        %add3A_97 = arith.constant 24576 : i32
        %add3A_98 = arith.addi %add3A_97, %mul3A_96 : i32
        %swap3A_99 = arith.index_cast %add3A_98 : i32 to index
        %swap3A_100 = tpu.vector_load %arg9[%swap3A_99] {strides = array<i32>} : memref<32768xf32, #tpu.memory_space<vmem>>, vector<16xf32>,
        tpu.vector_store %arg9[%swap3A_99], %broadcast_in_dim3A_3 {strides = array<i32>} : memref<32768xf32, #tpu.memory_space<vmem>>, vector<16xf32>,
      }
      %scan3A_93 = arith.constant 256 : i32
    } else {
    }
    %gt3A_71 = arith.constant 28672 : i32
    %gt3A_72 = arith.cmpi sgt, %add3A_38, %gt3A_71 : i32
    %convert_element_type3A_73 = arith.extui %gt3A_72 : i1 to i32
    %cond3A_74 = arith.constant 0 : i32
    %cond3A_75 = arith.cmpi ne, %convert_element_type3A_73, %cond3A_74 : i32
    scf.if %cond3A_75 {
      %scan3A_82 = arith.constant 0 : i32
      %scan3A_83 = arith.constant 0 : i32
      %scan3A_84 = arith.constant 256 : i32
      %scan3A_85 = arith.addi %scan3A_83, %scan3A_84 : i32
      %scan3A_86 = arith.constant 1 : i32
      scf.for %scan3A_94 = %scan3A_83 to %scan3A_85 step %scan3A_86  : i32 {
        %add3A_95 = arith.constant 28672 : i32
        %add3A_96 = arith.addi %scan3A_35#0, %add3A_95 : i32
        %mul3A_97 = arith.constant 16 : i32
        %mul3A_98 = arith.muli %scan3A_94, %mul3A_97 : i32
        %add3A_99 = arith.addi %add3A_96, %mul3A_98 : i32
        %add3A_100 = vector.broadcast %add3A_99 : i32 to vector<16xi32>
        %add3A_101 = arith.addi %add3A_100, %iota3A : vector<16xi32>
        %mul3A_102 = arith.constant 16 : i32
        %mul3A_103 = arith.muli %scan3A_94, %mul3A_102 : i32
        %swap3A_104 = arith.index_cast %mul3A_103 : i32 to index
        %swap3A_105 = tpu.vector_load %arg10[%swap3A_104] {strides = array<i32>} : memref<4096xi32, #tpu.memory_space<vmem>>, vector<16xi32>,
        tpu.vector_store %arg10[%swap3A_104], %add3A_101 {strides = array<i32>} : memref<4096xi32, #tpu.memory_space<vmem>>, vector<16xi32>,
      }
      %scan3A_87 = arith.constant 256 : i32
      "tpu.region"() ({
        %run_scoped3A = tpu.sem_alloc : memref<!tpu.dma_semaphore, #tpu.memory_space<semaphore_mem>>
        %dma_start3A_94 = arith.constant 28672 : i32
        %dma_start3A_95 = tpu.memref_slice %arg9[%dma_start3A_94] : memref<32768xf32, #tpu.memory_space<vmem>> -> memref<4096xf32, #tpu.memory_space<vmem>>
        %dma_start3A_96 = arith.constant 0 : i32
        %dma_start3A_97 = tpu.memref_slice %arg11[%dma_start3A_96] : memref<133120xf32, #tpu.memory_space<vmem_shared>> -> memref<133120xf32, #tpu.memory_space<vmem_shared>>
        tpu.enqueue_indirect_dma source(%dma_start3A_95 : memref<4096xf32, #tpu.memory_space<vmem>>) target(%dma_start3A_97 : memref<133120xf32, #tpu.memory_space<vmem_shared>>) offsets(%arg10 : memref<4096xi32, #tpu.memory_space<vmem>>) semaphore(%run_scoped3A : memref<!tpu.dma_semaphore, #tpu.memory_space<semaphore_mem>>) {add = true}
        %dma_wait3A = arith.constant 28672 : i32
        %dma_wait3A_98 = tpu.memref_slice %arg9[%dma_wait3A] : memref<32768xf32, #tpu.memory_space<vmem>> -> memref<4096xf32, #tpu.memory_space<vmem>>
        %dma_wait3A_99 = arith.constant 0 : i32
        %dma_wait3A_100 = tpu.memref_slice %arg11[%dma_wait3A_99] : memref<133120xf32, #tpu.memory_space<vmem_shared>> -> memref<133120xf32, #tpu.memory_space<vmem_shared>>
        tpu.wait_indirect_dma semaphore(%run_scoped3A : memref<!tpu.dma_semaphore, #tpu.memory_space<semaphore_mem>>) src(%dma_wait3A_98 : memref<4096xf32, #tpu.memory_space<vmem>>) dst(%dma_wait3A_100 : memref<133120xf32, #tpu.memory_space<vmem_shared>>)
        tpu.yield
      }) : () -> ()
      %scan3A_88 = arith.constant 0 : i32
      %scan3A_89 = arith.constant 0 : i32
      %scan3A_90 = arith.constant 256 : i32
      %scan3A_91 = arith.addi %scan3A_89, %scan3A_90 : i32
      %scan3A_92 = arith.constant 1 : i32
      scf.for %scan3A_94 = %scan3A_89 to %scan3A_91 step %scan3A_92  : i32 {
        %mul3A_95 = arith.constant 16 : i32
        %mul3A_96 = arith.muli %scan3A_94, %mul3A_95 : i32
        %add3A_97 = arith.constant 28672 : i32
        %add3A_98 = arith.addi %add3A_97, %mul3A_96 : i32
        %swap3A_99 = arith.index_cast %add3A_98 : i32 to index
        %swap3A_100 = tpu.vector_load %arg9[%swap3A_99] {strides = array<i32>} : memref<32768xf32, #tpu.memory_space<vmem>>, vector<16xf32>,
        tpu.vector_store %arg9[%swap3A_99], %broadcast_in_dim3A_3 {strides = array<i32>} : memref<32768xf32, #tpu.memory_space<vmem>>, vector<16xf32>,
      }
      %scan3A_93 = arith.constant 256 : i32
    } else {
    }
    %barrier3A_76 = arith.constant 0 : index
    tpu.barrier barrier_id(%barrier3A_76)
    %eq3A_77 = arith.constant 0 : i32
    %eq3A_78 = arith.cmpi eq, %arg1, %eq3A_77 : i32
    %convert_element_type3A_79 = arith.extui %eq3A_78 : i1 to i32
    %cond3A_80 = arith.constant 0 : i32
    %cond3A_81 = arith.cmpi ne, %convert_element_type3A_79, %cond3A_80 : i32
    scf.if %cond3A_81 {
      "tpu.region"() ({
        %run_scoped3A = tpu.sem_alloc : memref<!tpu.dma_semaphore, #tpu.memory_space<semaphore_mem>>
        %dma_start3A_82 = arith.constant 0 : i32
        %dma_start3A_83 = tpu.memref_slice %arg4[%arg0, %dma_start3A_82] : memref<2x100352xf32, #tpu.memory_space<hbm>> -> memref<1x100352xf32, #tpu.memory_space<hbm>>
        %dma_start3A_84 = tpu.memref_squeeze %dma_start3A_83 : memref<1x100352xf32, #tpu.memory_space<hbm>> -> memref<100352xf32, #tpu.memory_space<hbm>>
        %dma_start3A_85 = arith.constant 0 : i32
        %dma_start3A_86 = tpu.memref_slice %arg11[%dma_start3A_85] : memref<133120xf32, #tpu.memory_space<vmem_shared>> -> memref<100352xf32, #tpu.memory_space<vmem_shared>>
        tpu.enqueue_dma source(%dma_start3A_86 : memref<100352xf32, #tpu.memory_space<vmem_shared>>) target(%dma_start3A_84 : memref<100352xf32, #tpu.memory_space<hbm>>) target_semaphore(%run_scoped3A : memref<!tpu.dma_semaphore, #tpu.memory_space<semaphore_mem>>)
        %dma_wait3A = arith.constant 0 : i32
        %dma_wait3A_87 = tpu.memref_slice %arg4[%arg0, %dma_wait3A] : memref<2x100352xf32, #tpu.memory_space<hbm>> -> memref<1x100352xf32, #tpu.memory_space<hbm>>
        %dma_wait3A_88 = tpu.memref_squeeze %dma_wait3A_87 : memref<1x100352xf32, #tpu.memory_space<hbm>> -> memref<100352xf32, #tpu.memory_space<hbm>>
        %dma_wait3A_89 = arith.constant 0 : i32
        %dma_wait3A_90 = tpu.memref_slice %arg11[%dma_wait3A_89] : memref<133120xf32, #tpu.memory_space<vmem_shared>> -> memref<100352xf32, #tpu.memory_space<vmem_shared>>
        tpu.wait_dma2 semaphore(%run_scoped3A : memref<!tpu.dma_semaphore, #tpu.memory_space<semaphore_mem>>) src(%dma_wait3A_90 : memref<100352xf32, #tpu.memory_space<vmem_shared>>) dst(%dma_wait3A_88 : memref<100352xf32, #tpu.memory_space<hbm>>)
        tpu.yield
      }) : () -> ()
    } else {
    }
    return
  }
}

module attributes {stable_mosaic.version = 14 : i64} {
  func.func @_merge_body(%arg0: memref<2x784x128xf32, #tpu.memory_space<vmem>>, %arg1: memref<784x128xf32, #tpu.memory_space<vmem>>) attributes {dimension_semantics = [], scalar_prefetch = 0 : i64, scratch_operands = 0 : i64, tpu.core_type = #tpu.core_type<tc>} {
    %get3A = arith.constant 0 : index
    %get3A_0 = arith.constant 0 : index
    %get3A_1 = arith.constant 0 : index
    %get3A_2 = vector.load %arg0[%get3A, %get3A_0, %get3A_1] : memref<2x784x128xf32, #tpu.memory_space<vmem>>, vector<1x784x128xf32>
    %get3A_3 = vector.shape_cast %get3A_2 : vector<1x784x128xf32> to vector<784x128xf32>
    %get3A_4 = arith.constant 1 : index
    %get3A_5 = arith.constant 0 : index
    %get3A_6 = arith.constant 0 : index
    %get3A_7 = vector.load %arg0[%get3A_4, %get3A_5, %get3A_6] : memref<2x784x128xf32, #tpu.memory_space<vmem>>, vector<1x784x128xf32>
    %get3A_8 = vector.shape_cast %get3A_7 : vector<1x784x128xf32> to vector<784x128xf32>
    %add3A = arith.addf %get3A_3, %get3A_8 : vector<784x128xf32>
    %swap3A = arith.constant 0 : index
    %swap3A_9 = arith.constant 0 : index
    %swap3A_10 = vector.load %arg1[%swap3A, %swap3A_9] : memref<784x128xf32, #tpu.memory_space<vmem>>, vector<784x128xf32>
    tpu.vector_store %arg1[%swap3A, %swap3A_9], %add3A {strides = array<i32>} : memref<784x128xf32, #tpu.memory_space<vmem>>, vector<784x128xf32>,
    return
  }
}

</mosaic_0001>

<sc_bundles>
// kernel: kernel.4.cloned.1.call-start
scs
__scs_entry_jumppad:
0x0: {  	(pc) =	sbr.rel $0x88, $3  }
0x1: {  	(tag) =	ssettag $0x0;
	lr =	simm.s32 $0x1  }
0x2: {  	[smem:$0x3F9F] =	sst lr;
	_ =	strace $0xD0000000  }
0x3: {  	_ = 	snop  }
0x4: {  	_ = 	snop  }
0x5: {  	_ = 	snop  }
0x6: {  	_ = 	snop  }
0x7: {  	_ = 	snop  }
__scs_overlays_trampoline_lowered:
0x8: {  	[smem:$0x3FAE] =	sst s0  }
0x9: {  	[smem:$0x3FAF] =	sst s1  }
0xa: {  	[smem:$0x3FB0] =	sst s2  }
0xb: {  	[smem:$0x3FB1] =	sst s3  }
0xc: {  	[smem:$0x3FB2] =	sst s4  }
0xd: {  	[smem:$0x3FB3] =	sst s5  }
0xe: {  	[smem:$0x3FB4] =	sst s6  }
0xf: {  	[smem:$0x3FB5] =	sst s7  }
0x10: {  	[smem:$0x3FB6] =	sst s8  }
0x11: {  	[smem:$0x3FB7] =	sst s9;
	s0 =	simm.s32 @!p0 $0x0  }
0x12: {  	s1 =	sld [smem:$0x3F9D];
	s0 =	simm.s32 @p0 $0x1  }
0x13: {  	[smem:$0x3FB8] =	sst s0;
	s0 =	simm.s32 @!p1 $0x0  }
0x14: {  	s2 =	sld [smem:$0x3F9C];
	s0 =	simm.s32 @p1 $0x1  }
0x15: {  	[smem:$0x3FB9] =	sst s0;
	s0 =	simm.s32 @!p2 $0x0  }
0x16: {  	s3 =	sld [smem:$0x3FDB];
	s0 =	simm.s32 @p2 $0x1  }
0x17: {  	s4 =	simm.s32 $0x1BF5;
	[smem:$0x3FBB] =	sst s0  }
0x18: {  	s0 =	sld [smem:$0x3F9E];
	_ =	swait.ge [sflag:s4], $0x0  }
0x19: {  	s7 =	sld [smem:$0x3F9F]  }
0x1a: {  	s8 =	sadd.s32 $0xFFFFE003, lr  }
0x1b: {  	s9 =	sadd.s32 $0xFFFFFEF7, lr;
	s5 =	simm.s32 $0xFFFFFFFF;
	p2 =	slt.u32 s8, $0xFFFFF086  }
0x1c: {  	p1 =	slt.u32 s9, $0xF7A;
	s5 =	simm.s32 @!p2 $0x0  }
0x1d: {  	s5 =	simm.s32 @p1 $0x1;
	p0 =	seq.s32 s7, s2  }
0x1e: {  	s7 =	smul.u32 @!p0 $0xF7A, s2;
	p2 =	seq.s32 @!p0 s5, $0x0  }
0x1f: {  	s9 =	smul.u32 $0xF7A, s1;
	s8 =	simm.s32 @!p0 $0x1BF5;
	p2 =	por !p2, p0  }
0x20: {  	[sflag:s8] =	ssyncset.s32 @!p0 $0xFFFFF086;
	s6 =	sadd.s32 @!p0 s3, s7;
	s7 =	simm.s32 @!p0 $0x108  }
0x21: {  	s3 =	sadd.s32 s3, s9;
	s6 =	sadd.s32 @!p0 $0x88, s6;
	s7 =	simm.s32 @p2 $0x1082  }
0x22: {  	[simem:s7], [sflag:s8] =	dma.local @!p0 [hbm:s6], $0xF7A  }
0x23: {  	s9 =	sor.u32 $0xD0000000, s2;
	s6 =	simm.s32 $0x108;
	_ =	swait.ge @!p0 [sflag:s8], $0x0  }
0x24: {  	s3 =	sadd.s32 $0x88, s3;
	s6 =	simm.s32 @!p1 $0x1082;
	[sflag:s4] =	ssyncset.s32 $0xFFFFF086  }
0x25: {  	[simem:s6], [sflag:s4] =	dma.local [hbm:s3], $0xF7A  }
0x26: {  	[smem:$0x3F9F] =	sst s1;
	(tag) =	ssettag s2;
	_ =	strace s9  }
0x27: {  	s1 =	sld [smem:$0x3FAF]  }
0x28: {  	s2 =	sld [smem:$0x3FB0]  }
0x29: {  	s4 =	sld [smem:$0x3FB2]  }
0x2a: {  	p0 =	seq.s32 s5, $0x0;
	s5 =	sld [smem:$0x3FB3]  }
0x2b: {  	s6 =	sld [smem:$0x3FB4]  }
0x2c: {  	s7 =	sld [smem:$0x3FB5]  }
0x2d: {  	s3 =	simm.s32 $0x108;
	s8 =	sld [smem:$0x3FB6]  }
0x2e: {  	s3 =	simm.s32 @!p0 $0x1082;
	s9 =	sld [smem:$0x3FB7]  }
0x2f: {  	lr =	sadd.s32 s0, s3;
	s0 =	sld [smem:$0x3FAE]  }
0x30: {  	s3 =	sld [smem:$0x3FB1]  }
0x31: {  	[smem:$0x3FBA] =	sst s10  }
0x32: {  	s10 =	sld [smem:$0x3FB8];
	_ =	sdelay $0x3  }
0x33: {  	p0 =	seq.s32 s10, $0x1;
	s10 =	sld [smem:$0x3FBA];
	_ =	sdelay $0x3  }
0x34: {  	[smem:$0x3FBA] =	sst s10  }
0x35: {  	s10 =	sld [smem:$0x3FB9];
	_ =	sdelay $0x3  }
0x36: {  	p1 =	seq.s32 s10, $0x1;
	s10 =	sld [smem:$0x3FBA];
	_ =	sdelay $0x3  }
0x37: {  	[smem:$0x3FBA] =	sst s10  }
0x38: {  	s10 =	sld [smem:$0x3FBB]  }
0x39: {  	_ = 	snop;
	(pc) =	sbr.ind lr, $3  }
0x3a: {  	_ = 	snop  }
0x3b: {  	_ = 	snop  }
0x3c: {  	p2 =	seq.s32 s10, $0x1;
	s10 =	sld [smem:$0x3FBA]  }
0x3d: {  	_ =	shalt  }
0x3e: {  	_ =	shalt  }
0x3f: {  	_ =	shalt  }
0x40: {  	_ =	shalt  }
0x41: {  	_ =	shalt  }
0x42: {  	_ =	shalt  }
0x43: {  	_ =	shalt  }
0x44: {  	_ =	shalt  }
0x45: {  	_ =	shalt  }
0x46: {  	_ =	shalt  }
0x47: {  	_ =	shalt  }
0x48: {  	_ =	shalt  }
0x49: {  	_ =	shalt  }
0x4a: {  	_ =	shalt  }
0x4b: {  	_ =	shalt  }
0x4c: {  	_ =	shalt  }
0x4d: {  	_ =	shalt  }
0x4e: {  	_ =	shalt  }
0x4f: {  	_ =	shalt  }
0x50: {  	_ =	shalt  }
0x51: {  	_ =	shalt  }
0x52: {  	_ =	shalt  }
0x53: {  	_ =	shalt  }
0x54: {  	_ =	shalt  }
0x55: {  	_ =	shalt  }
0x56: {  	_ =	shalt  }
0x57: {  	_ =	shalt  }
0x58: {  	_ =	shalt  }
0x59: {  	_ =	shalt  }
0x5a: {  	_ =	shalt  }
0x5b: {  	_ =	shalt  }
0x5c: {  	_ =	shalt  }
0x5d: {  	_ =	shalt  }
0x5e: {  	_ =	shalt  }
0x5f: {  	_ =	shalt  }
0x60: {  	_ =	shalt  }
0x61: {  	_ =	shalt  }
0x62: {  	_ =	shalt  }
0x63: {  	_ =	shalt  }
0x64: {  	_ =	shalt  }
0x65: {  	_ =	shalt  }
0x66: {  	_ =	shalt  }
0x67: {  	_ =	shalt  }
0x68: {  	_ =	shalt  }
0x69: {  	_ =	shalt  }
0x6a: {  	_ =	shalt  }
0x6b: {  	_ =	shalt  }
0x6c: {  	_ =	shalt  }
0x6d: {  	_ =	shalt  }
0x6e: {  	_ =	shalt  }
0x6f: {  	_ =	shalt  }
0x70: {  	_ =	shalt  }
0x71: {  	_ =	shalt  }
0x72: {  	_ =	shalt  }
0x73: {  	_ =	shalt  }
0x74: {  	_ =	shalt  }
0x75: {  	_ =	shalt  }
0x76: {  	_ =	shalt  }
0x77: {  	_ =	shalt  }
0x78: {  	_ =	shalt  }
0x79: {  	_ =	shalt  }
0x7a: {  	_ =	shalt  }
0x7b: {  	_ =	shalt  }
0x7c: {  	_ =	shalt  }
0x7d: {  	_ =	shalt  }
0x7e: {  	_ =	shalt  }
0x7f: {  	_ =	shalt  }
0x80: {  	_ =	shalt  }
0x81: {  	_ =	shalt  }
0x82: {  	_ =	shalt  }
0x83: {  	_ =	shalt  }
0x84: {  	_ =	shalt  }
0x85: {  	_ =	shalt  }
0x86: {  	_ =	shalt  }
0x87: {  	_ =	shalt  }
.Lfunc_end0:
.L_simem_size_0:
called_computation_lowered:
.L_overlay_start_0:
0x88: {  	s2 =	sld [smem:$0x3FD9]  }
0x89: {  	s3 =	sld [smem:$0x3FFE];
	_ =	sdelay $0x1  }
0x8a: {  	s1 =	srdreg.scid  }
0x8b: {  	s0 =	sand.u32 $0x1, s1  }
0x8c: {  	s17 =	sshll.u32 s0, $0xA;
	s2 =	sadd.s32 s3, s2  }
0x8d: {  	s2 =	sadd.s32 s2, s17  }
0x8e: {  	[smem:$0x3FC6] =	sst s2  }
0x8f: {  	_ = 	snop  }
0x90: {  	s2 =	sld [smem:$0x3FC9]  }
0x91: {  	s18 =	sld [smem:$0x3FC8];
	(tm) =	ssettm $0x1  }
0x92: {  	s4 =	sld [smem:$0x3FFB];
	_ =	sdelay $0x3  }
0x93: {  	_ =	strace s4  }
0x94: {  	s4 =	sld [smem:$0x3FFC];
	_ =	sdelay $0x3  }
0x95: {  	_ =	strace s4  }
0x96: {  	s4 =	sld [smem:$0x3FFD];
	_ =	sdelay $0x3  }
0x97: {  	_ =	strace s4  }
0x98: {  	_ =	strace $0x8FFFFFFF  }
0x99: {  	s19 =	sld [smem:$0x3FDB];
	_ =	sdelay $0x1  }
0x9a: {  	s5 =	simm.s32 $_scs_section_size  }
0x9b: {  	s6 =	simm.s32 $_size__tile_overlayer_lowered;
	s7 =	simm.s32 $_tile_overlayer_lowered  }
0x9c: {  	s22 =	simm.s32 $0x1BFF;
	s21 =	sshll.u32 s7, $0x1;
	s4 =	sadd.s32 s5, s19  }
0x9d: {  	s8 =	simm.s32 $0x0;
	s20 =	sshll.u32 s6, $0x1;
	s6 =	sadd.s32 s21, s4  }
0x9e: {  	[timem:s8], [sflag:s22] =	dma.local [hbm:s6], s20  }
0x9f: {  	_ =	swait.ge [sflag:s22], s20  }
0xa0: {  	s5 =	ssub.s32 $0x0, s20;
	[sflag:s22] =	ssyncset.done $0x0  }
0xa1: {  	[sflag:s22] =	ssyncadd.s32 s5;
	_ =	sdelay $0x1  }
0xa2: {  	s23 =	simm.s32 $0x1B8B  }
0xa3: {  	_ =	swait.ge [sflag:s23], $0x1  }
0xa4: {  	[sflag:s23] =	ssyncset.done $0x0  }
0xa5: {  	s25 =	simm.s32 $0x1B8E;
	s24 =	sld [smem:$0x3FFE];
	[sflag:s23] =	ssyncadd.s32 $0xFFFFFFFF  }
0xa6: {  	s26 =	simm.s32 $execute0_lowered;
	[smem:$0x3FD2] =	sst s25  }
0xa7: {  	s6 =	sshll.u32 s26, $0x1;
	_ =	strace $0x80000046;
	[dreg:$0x1] =	wrdreg $0xFFFFFFFF  }
0xa8: {  	s28 =	simm.s32 $_size_execute0_lowered;
	s4 =	sadd.s32 s4, s6;
	[dreg:$0x0] =	wrdreg $0x0  }
0xa9: {  	s6 =	sshll.u32 s28, $0x1;
	[dreg:$0x2] =	wrdreg s4  }
0xaa: {  	[dreg:$0x3] =	wrdreg s6  }
0xab: {  	[dreg:$0x4] =	wrdreg $0xC0  }
0xac: {  	_ =	task [dreg:s8], $0x5FFFF  }
0xad: {  	[dreg:$0x1] =	wrdreg $0xFFFFFFFF  }
0xae: {  	[dreg:$0x0] =	wrdreg $0x60  }
0xaf: {  	[dreg:$0x2] =	wrdreg s2  }
0xb0: {  	[dreg:$0x3] =	wrdreg s18  }
0xb1: {  	[dreg:$0x4] =	wrdreg s24  }
0xb2: {  	[dreg:$0x5] =	wrdreg $0x12C600  }
0xb3: {  	[dreg:$0x6] =	wrdreg $0x9  }
0xb4: {  	_ =	task.clear_ibuf [dreg:s8], $0x7FFFF;
	_ =	strace $0x90000046  }
0xb5: {  	s29 =	simm.s32 $0x9;
	_ =	strace $0x80000048  }
0xb6: {  	_ =	swait.ge [sflag:s29], $0x1  }
0xb7: {  	[sflag:s29] =	ssyncadd.s32 $0xFFFFFFFF  }
0xb8: {  	_ =	strace $0x90000048  }
0xb9: {  	_ =	sfence  }
0xba: {  	s30 =	sld [smem:$0x0];
	_ =	sdelay $0x2  }
0xbb: {  	s31 =	sshll.u32 s1, $0xD;
	s1 =	sshrl.u32 s1, $0x2  }
0xbc: {  	s3 =	sand.u32 $0x4000, s31;
	s1 =	sadd.s32 s1, s30  }
0xbd: {  	s0 =	sor.u32 s3, s0;
	s1 =	sshll.u32 s1, $0x11  }
0xbe: {  	s0 =	sor.u32 s1, s0  }
0xbf: {  	s0 =	sadd.s32 $0x8F2B, s0  }
0xc0: {  	[sflag:s0] =	ssyncadd.remote.s32 $0x1  }
0xc1: {  	_ =	sfence.sel $0xFFFF  }
0xc2: {  	[dreg:$0x0] =	wrdreg $0xFFFFFFFF;
	(pc) =	sbr.abs _section_cstart, $3  }
0xc3: {  	[dreg:$0x1] =	wrdreg $0xFFFFFFFF  }
0xc4: {  	_ =	task.clear_ibuf [dreg:s8], $0x2FFFF;
	_ =	strace $0x9FFFFFFF  }
0xc5: {  	(tm) =	ssettm $0x7FFFFFFF  }
tec
execute0_lowered:
.L_overlay_start_1:
0x0: {  	(tag) =	ssettag $0x1  }
0x1: {  	s9 =	rddreg [dreg:$0x0]  }
0x2: {  	s10 =	rddreg [dreg:$0x1];
	s0 =	srdreg.scid  }
0x3: {  	s2 =	stileid.u32;
	s5 =	rddreg [dreg:$0x2]  }
0x4: {  	s3 =	rddreg [dreg:$0x3];
	s1 =	simm.s32 $0x0;
	s12 =	simm.s32 $0x9C60  }
0x5: {  	s13 =	simm.s32 $0x5;
	s15 =	simm.s32 $0x1;
	s16 =	simm.s32 $0x3  }
0x6: {  	s19 =	simm.s32 $0x2;
	s20 =	simm.s32 $0x4;
	s21 =	simm.s32 $0x1000  }
0x7: {  	s28 =	simm.s32 $0xEC60;
	s29 =	simm.s32 $0xFC60;
	s30 =	simm.s32 $0x10C60  }
0x8: {  	s0 =	sand.u32 $0x1, s0;
	s4 =	sshll.u32 s2, $0x1;
	[smem:$0x7FF] =	sst s1  }
0x9: {  	s8 =	smul.u32 $0x8200, s2;
	s1 =	smov.u32 s9;
	p0 =	sne.s32 s2, $0x0  }
0xa: {  	s6 =	smul.u32 $0x3100, s0;
	s7 =	sor.u32 s0, s4;
	s0 =	ssub.s32 $0x2, s0  }
0xb: {  	_ =	strace $0x80000047;
	s4 =	smov.u32 s10;
	s7 =	smul.u32 $0x30D40, s7  }
0xc: {  	s22 =	sshrl.u32 s0, $0x1;
	s23 =	sshrl.u32 s8, $0x2;
	s5 =	sadd.s32 s6, s5  }
0xd: {  	s0 =	ssub.s32 s0, s22;
	s25 =	sadd.s32 s23, s3;
	s22 =	simm.s32 $0x11C60  }
0xe: {  	s23 =	simm.s32 $0xAC60;
	s6 =	simm.s32 $0x0;
	s24 =	sshrl.u32 s7, $0x3  }
.Ltmp0:
0xf: {  	[dreg:$0x5] =	wrdreg s25;
	s5 =	sadd.s32 $0x600, s5;
	(pc) =	sbr.rel .LBB2_1-.Ltmp0, $4  }
0x10: {  	s8 =	sadd.s32 $0x2710, s7;
	s0 =	smax.u32 s0, $0x1;
	[dreg:$0x8] =	wrdreg s5  }
0x11: {  	s25 =	simm.s32 $0xCC60;
	s26 =	sadd.s32 s9, s24;
	[dreg:$0x9] =	wrdreg s0  }
0x12: {  	v0 =	vimm.f32 $0.0e+00;
	v1 =	vimm.s32 $0x0;
	s31 =	sadd.s32 s10, s24;
	s9 =	sadd.s32 $0x4E20, s7;
	[dreg:$0x6] =	wrdreg s26  }
0x13: {  	vm0 =	vcmask $0x3F3C;
	vm1 =	vmmov $0x7fff;
	v2 =	vlaneseq.u32;
	s24 =	simm.s32 $0xBC60;
	[dreg:$0x7] =	wrdreg s31;
	s26 =	simm.s32 $0xDC60  }
.LBB2_280:
0x14: {  	[bflag:$0x0] =	sbarrier.arrive $0xFFFF  }
0x15: {  	s0 =	sshrl.u32 @!p0 s3, $0x3;
	s2 =	simm.s32 @!p0 $0x1C05;
	s5 =	rddreg [dreg:$0x8]  }
0x16: {  	[hbm:s5], [sflag:s2] =	dma.local @!p0 [spmem:s0], $0x3100  }
0x17: {  	s0 =	simm.s32 @!p0 $0x5  }
0x18: {  	_ =	swait.ge @!p0 [sflag:s0], $0x3100  }
0x19: {  	s6 =	sadd.s32 $0x1, s6;
	s31 =	rddreg [dreg:$0x9]  }
0x1a: {  	p1 =	sne.s32 s6, s31  }
.Ltmp1:
0x1b: {  	_ = 	snop;
	(pc) =	sbr.rel @!p1 .LBB2_281-.Ltmp1, $3  }
0x1c: {  	_ =	sdelay $0x1  }
0x1d: {  	[sflag:s0] =	ssyncset.done @!p0 $0x0  }
0x1e: {  	[sflag:s0] =	ssyncadd.s32 @!p0 $0xFFFFCF00  }
.LBB2_1:
0x1f: {  	[dreg:$0xa] =	wrdreg s6;
	s2 =	simm.s32 $0x40;
	s0 =	simm.s32 $0x0  }
.LBB2_2:
0x20: {  	p1 =	sne.s32 s2, $0x1FFC0;
	[tilespmem:s0+$0x9C60] =	vst v0;
	s0 =	smov.u32 s2;
	s2 =	sadd.s32 $0x40, s2  }
.Ltmp2:
0x21: {  	(pc) =	sbr.rel @p1 .LBB2_2-.Ltmp2, $2  }
0x22: {  	_ =	sdelay $0x2  }
0x23: {  	s0 =	sshra.s32 s0, $0x2  }
0x24: {  	[tilespmem:s0+$0x9C60] =	vst v0  }
0x25: {  	[tilespmem:$0x2710] =	vst v1  }
0x26: {  	s14 =	rddreg [dreg:$0x5];
	[tilespmem:$0x4E30] =	vst v1  }
0x27: {  	[spmem:s14] =	stream.linear.scatter [tilespmem:s12], [sflag:$0x5], $0x2080, $0x38;
	[tilespmem:$0x14CE0] =	vst v63  }
0x28: {  	_ =	swait.ge [sflag:s13], $0x2080  }
0x29: {  	[sflag:s13] =	ssyncset.done $0x0  }
0x2a: {  	[sflag:s13] =	ssyncadd.s32 $0xFFFFDF80  }
.Ltmp3:
0x2b: {  	[bflag:$0x0] =	sbarrier.arrive $0xFFFF;
	(pc) =	sbr.rel .LBB2_4-.Ltmp3, $4  }
0x2c: {  	s31 =	simm.s32 $0x0;
	s2 =	simm.s32 $0x4E40;
	s17 =	rddreg [dreg:$0x6]  }
0x2d: {  	[tilespmem:s31], [sflag:$0x1] =	stream.linear.gather [hbm4b:s17+s31], $0x2710, $0x38;
	[tilespmem:$0x14CE0] =	vst v63  }
0x2e: {  	s5 =	simm.s32 $0x0;
	s14 =	simm.s32 $0x0;
	s18 =	rddreg [dreg:$0x7]  }
0x2f: {  	[tilespmem:s2], [sflag:$0x3] =	stream.linear.gather [hbm4b:s18+s31], $0x2710, $0x38;
	[tilespmem:$0x14CE0] =	vst v63  }
.LBB2_238:
0x30: {  	s14 =	sadd.s32 $0x1, s14  }
0x31: {  	p1 =	sne.s32 s14, $0xA  }
.Ltmp4:
0x32: {  	_ = 	snop;
	(pc) =	sbr.rel @!p1 .LBB2_239-.Ltmp4, $1  }
0x33: {  	_ =	sdelay $0x3  }
.LBB2_4:
0x34: {  	_ =	swait.ge [sflag:s15], $0x2710  }
0x35: {  	s7 =	smul.u32 $0x4E20, s14;
	[sflag:s15] =	ssyncset.done $0x0  }
0x36: {  	[sflag:s15] =	ssyncadd.s32 $0xFFFFD8F0  }
0x37: {  	s0 =	sadd.s32 s7, s8;
	_ =	swait.ge [sflag:s16], $0x2710  }
0x38: {  	s6 =	simm.s32 $0x0;
	s0 =	sshrl.u32 s0, $0x3;
	[sflag:s16] =	ssyncset.done $0x0  }
0x39: {  	s10 =	simm.s32 $0x2720;
	s2 =	sadd.s32 s1, s0;
	[sflag:s16] =	ssyncadd.s32 $0xFFFFD8F0  }
0x3a: {  	[tilespmem:s10], [sflag:$0x2] =	stream.linear.gather [hbm4b:s2+s6], $0x2710, $0x38;
	[tilespmem:$0x14CE0] =	vst v63  }
0x3b: {  	s17 =	simm.s32 $0x7550;
	s0 =	sadd.s32 s4, s0  }
0x3c: {  	[tilespmem:s17], [sflag:$0x4] =	stream.linear.gather [hbm4b:s0+s6], $0x2710, $0x38;
	[tilespmem:$0x14CE0] =	vst v63  }
0x3d: {  	v3 =	vld [tilespmem:$0x0]  }
0x3e: {  	v4 =	vld [tilespmem:$0x2700];
	_ =	sdelay $0x3  }
0x3f: {  	(v2sf) =	vpush v3, $0x0  }
0x40: {  	(v2sf) =	vpush v4, $0xF;
	_ =	sdelay $0xd  }
0x41: {  	s2 =	spop (v2sf)  }
0x42: {  	s18 =	sadd.s32 $0x8000, s31;
	s6 =	spop (v2sf)  }
0x43: {  	p1 =	slt.s32 s6, s18  }
.Ltmp5:
0x44: {  	_ = 	snop;
	(pc) =	sbr.rel @p1 .LBB2_47-.Ltmp5, $1  }
0x45: {  	_ =	sdelay $0x3  }
0x46: {  	s0 =	ssub.s32 s5, s31  }
0x47: {  	p1 =	sgt.u32 s0, $0x7FFFFFFE  }
.Ltmp6:
0x48: {  	_ = 	snop;
	(pc) =	sbr.rel @p1 .LBB2_46-.Ltmp6, $1  }
0x49: {  	_ =	sdelay $0x3  }
0x4a: {  	s5 =	sadd.s32 $0x1, s0  }
0x4b: {  	s10 =	simm.s32 $0x40;
	v3 =	vadd.s32 s31, v2;
	s17 =	simm.s32 $0x0;
	s11 =	smov.u32 s31  }
.LBB2_7:
0x4c: {  	p1 =	sne.s32 s10, $0x3FC0  }
0x4d: {  	[tilespmem:s17+$0x11C60] =	vst v3;
	s11 =	sadd.s32 $0x10, s11;
	s0 =	smov.u32 s10;
	s10 =	sadd.s32 $0x40, s10  }
.Ltmp7:
0x4e: {  	(pc) =	sbr.rel @p1 .LBB2_7-.Ltmp7, $2  }
0x4f: {  	_ =	sdelay $0x2  }
0x50: {  	v3 =	vadd.s32 s11, v2;
	s17 =	sshra.s32 s0, $0x2  }
0x51: {  	[tilespmem:s17+$0x11C60] =	vst v3  }
0x52: {  	[spmem:s3] =	stream.indirect.scatter.add.f32 [tilespmem:s12], [sflag:$0x5], $0x1, s22, s21, $0xb8;
	[tilespmem:$0x14CE0] =	vst v63  }
0x53: {  	_ =	swait.ge [sflag:s13], $0x1000  }
0x54: {  	[sflag:s13] =	ssyncset.done $0x0  }
0x55: {  	s10 =	simm.s32 $0x40;
	s11 =	simm.s32 $0x0;
	[sflag:s13] =	ssyncadd.s32 $0xFFFFF000  }
.LBB2_9:
0x56: {  	p1 =	sne.s32 s10, $0x3FC0;
	[tilespmem:s11+$0x9C60] =	vst v0;
	s0 =	smov.u32 s10;
	s10 =	sadd.s32 $0x40, s10  }
.Ltmp8:
0x57: {  	(pc) =	sbr.rel @p1 .LBB2_9-.Ltmp8, $2  }
0x58: {  	_ =	sdelay $0x2  }
0x59: {  	s11 =	sshra.s32 s0, $0x2  }
0x5a: {  	p1 =	slt.u32 s5, $0x1001  }
.Ltmp9:
0x5b: {  	_ = 	snop;
	(pc) =	sbr.rel @p1 .LBB2_46-.Ltmp9, $2  }
0x5c: {  	_ =	sdelay $0x2  }
0x5d: {  	[tilespmem:s11+$0x9C60] =	vst v0  }
0x5e: {  	s10 =	sadd.s32 $0x1000, s31  }
0x5f: {  	s11 =	simm.s32 $0x40;
	s0 =	simm.s32 $0x0;
	v3 =	vadd.s32 s10, v2  }
.LBB2_12:
0x60: {  	p1 =	sne.s32 s11, $0x3FC0  }
0x61: {  	[tilespmem:s0+$0x11C60] =	vst v3;
	s10 =	sadd.s32 $0x10, s10;
	s0 =	smov.u32 s11;
	s11 =	sadd.s32 $0x40, s11  }
.Ltmp10:
0x62: {  	(pc) =	sbr.rel @p1 .LBB2_12-.Ltmp10, $2  }
0x63: {  	_ =	sdelay $0x2  }
0x64: {  	v3 =	vadd.s32 s10, v2;
	s0 =	sshra.s32 s0, $0x2  }
0x65: {  	[tilespmem:s0+$0x11C60] =	vst v3  }
0x66: {  	[spmem:s3] =	stream.indirect.scatter.add.f32 [tilespmem:s23], [sflag:$0x5], $0x1, s22, s21, $0xb8;
	[tilespmem:$0x14CE0] =	vst v63  }
0x67: {  	_ =	swait.ge [sflag:s13], $0x1000  }
0x68: {  	[sflag:s13] =	ssyncset.done $0x0  }
0x69: {  	s10 =	simm.s32 $0x40;
	s11 =	simm.s32 $0x0;
	[sflag:s13] =	ssyncadd.s32 $0xFFFFF000  }
.LBB2_14:
0x6a: {  	p1 =	sne.s32 s10, $0x3FC0;
	[tilespmem:s11+$0xAC60] =	vst v0;
	s0 =	smov.u32 s10;
	s10 =	sadd.s32 $0x40, s10  }
.Ltmp11:
0x6b: {  	(pc) =	sbr.rel @p1 .LBB2_14-.Ltmp11, $2  }
0x6c: {  	_ =	sdelay $0x2  }
0x6d: {  	s11 =	sshra.s32 s0, $0x2  }
0x6e: {  	p1 =	slt.u32 s5, $0x2001  }
.Ltmp12:
0x6f: {  	_ = 	snop;
	(pc) =	sbr.rel @p1 .LBB2_46-.Ltmp12, $2  }
0x70: {  	_ =	sdelay $0x2  }
0x71: {  	[tilespmem:s11+$0xAC60] =	vst v0  }
0x72: {  	s10 =	sadd.s32 $0x2000, s31  }
0x73: {  	s11 =	simm.s32 $0x40;
	s0 =	simm.s32 $0x0;
	v3 =	vadd.s32 s10, v2  }
.LBB2_17:
0x74: {  	p1 =	sne.s32 s11, $0x3FC0  }
0x75: {  	[tilespmem:s0+$0x11C60] =	vst v3;
	s10 =	sadd.s32 $0x10, s10;
	s0 =	smov.u32 s11;
	s11 =	sadd.s32 $0x40, s11  }
.Ltmp13:
0x76: {  	(pc) =	sbr.rel @p1 .LBB2_17-.Ltmp13, $2  }
0x77: {  	_ =	sdelay $0x2  }
0x78: {  	v3 =	vadd.s32 s10, v2;
	s0 =	sshra.s32 s0, $0x2  }
0x79: {  	[tilespmem:s0+$0x11C60] =	vst v3  }
0x7a: {  	[spmem:s3] =	stream.indirect.scatter.add.f32 [tilespmem:s24], [sflag:$0x5], $0x1, s22, s21, $0xb8;
	[tilespmem:$0x14CE0] =	vst v63  }
0x7b: {  	_ =	swait.ge [sflag:s13], $0x1000  }
0x7c: {  	[sflag:s13] =	ssyncset.done $0x0  }
0x7d: {  	s10 =	simm.s32 $0x40;
	s11 =	simm.s32 $0x0;
	[sflag:s13] =	ssyncadd.s32 $0xFFFFF000  }
.LBB2_19:
0x7e: {  	p1 =	sne.s32 s10, $0x3FC0;
	[tilespmem:s11+$0xBC60] =	vst v0;
	s0 =	smov.u32 s10;
	s10 =	sadd.s32 $0x40, s10  }
.Ltmp14:
0x7f: {  	(pc) =	sbr.rel @p1 .LBB2_19-.Ltmp14, $2  }
0x80: {  	_ =	sdelay $0x2  }
0x81: {  	s11 =	sshra.s32 s0, $0x2  }
0x82: {  	p1 =	slt.u32 s5, $0x3001  }
.Ltmp15:
0x83: {  	_ = 	snop;
	(pc) =	sbr.rel @p1 .LBB2_46-.Ltmp15, $2  }
0x84: {  	_ =	sdelay $0x2  }
0x85: {  	[tilespmem:s11+$0xBC60] =	vst v0  }
0x86: {  	s10 =	sadd.s32 $0x3000, s31  }
0x87: {  	s11 =	simm.s32 $0x40;
	s0 =	simm.s32 $0x0;
	v3 =	vadd.s32 s10, v2  }
.LBB2_22:
0x88: {  	p1 =	sne.s32 s11, $0x3FC0  }
0x89: {  	[tilespmem:s0+$0x11C60] =	vst v3;
	s10 =	sadd.s32 $0x10, s10;
	s0 =	smov.u32 s11;
	s11 =	sadd.s32 $0x40, s11  }
.Ltmp16:
0x8a: {  	(pc) =	sbr.rel @p1 .LBB2_22-.Ltmp16, $2  }
0x8b: {  	_ =	sdelay $0x2  }
0x8c: {  	v3 =	vadd.s32 s10, v2;
	s0 =	sshra.s32 s0, $0x2  }
0x8d: {  	[tilespmem:s0+$0x11C60] =	vst v3  }
0x8e: {  	[spmem:s3] =	stream.indirect.scatter.add.f32 [tilespmem:s25], [sflag:$0x5], $0x1, s22, s21, $0xb8;
	[tilespmem:$0x14CE0] =	vst v63  }
0x8f: {  	_ =	swait.ge [sflag:s13], $0x1000  }
0x90: {  	[sflag:s13] =	ssyncset.done $0x0  }
0x91: {  	s10 =	simm.s32 $0x40;
	s11 =	simm.s32 $0x0;
	[sflag:s13] =	ssyncadd.s32 $0xFFFFF000  }
.LBB2_24:
0x92: {  	p1 =	sne.s32 s10, $0x3FC0;
	[tilespmem:s11+$0xCC60] =	vst v0;
	s0 =	smov.u32 s10;
	s10 =	sadd.s32 $0x40, s10  }
.Ltmp17:
0x93: {  	(pc) =	sbr.rel @p1 .LBB2_24-.Ltmp17, $2  }
0x94: {  	_ =	sdelay $0x2  }
0x95: {  	s11 =	sshra.s32 s0, $0x2  }
0x96: {  	p1 =	slt.u32 s5, $0x4001  }
.Ltmp18:
0x97: {  	_ = 	snop;
	(pc) =	sbr.rel @p1 .LBB2_46-.Ltmp18, $2  }
0x98: {  	_ =	sdelay $0x2  }
0x99: {  	[tilespmem:s11+$0xCC60] =	vst v0  }
0x9a: {  	s10 =	sadd.s32 $0x4000, s31  }
0x9b: {  	s11 =	simm.s32 $0x40;
	s0 =	simm.s32 $0x0;
	v3 =	vadd.s32 s10, v2  }
.LBB2_27:
0x9c: {  	p1 =	sne.s32 s11, $0x3FC0  }
0x9d: {  	[tilespmem:s0+$0x11C60] =	vst v3;
	s10 =	sadd.s32 $0x10, s10;
	s0 =	smov.u32 s11;
	s11 =	sadd.s32 $0x40, s11  }
.Ltmp19:
0x9e: {  	(pc) =	sbr.rel @p1 .LBB2_27-.Ltmp19, $2  }
0x9f: {  	_ =	sdelay $0x2  }
0xa0: {  	v3 =	vadd.s32 s10, v2;
	s0 =	sshra.s32 s0, $0x2  }
0xa1: {  	[tilespmem:s0+$0x11C60] =	vst v3  }
0xa2: {  	[spmem:s3] =	stream.indirect.scatter.add.f32 [tilespmem:s26], [sflag:$0x5], $0x1, s22, s21, $0xb8;
	[tilespmem:$0x14CE0] =	vst v63  }
0xa3: {  	_ =	swait.ge [sflag:s13], $0x1000  }
0xa4: {  	[sflag:s13] =	ssyncset.done $0x0  }
0xa5: {  	s10 =	simm.s32 $0x40;
	s11 =	simm.s32 $0x0;
	[sflag:s13] =	ssyncadd.s32 $0xFFFFF000  }
.LBB2_29:
0xa6: {  	p1 =	sne.s32 s10, $0x3FC0;
	[tilespmem:s11+$0xDC60] =	vst v0;
	s0 =	smov.u32 s10;
	s10 =	sadd.s32 $0x40, s10  }
.Ltmp20:
0xa7: {  	(pc) =	sbr.rel @p1 .LBB2_29-.Ltmp20, $2  }
0xa8: {  	_ =	sdelay $0x2  }
0xa9: {  	s11 =	sshra.s32 s0, $0x2  }
0xaa: {  	p1 =	slt.u32 s5, $0x5001  }
.Ltmp21:
0xab: {  	_ = 	snop;
	(pc) =	sbr.rel @p1 .LBB2_46-.Ltmp21, $2  }
0xac: {  	_ =	sdelay $0x2  }
0xad: {  	[tilespmem:s11+$0xDC60] =	vst v0  }
0xae: {  	s10 =	sadd.s32 $0x5000, s31  }
0xaf: {  	s11 =	simm.s32 $0x40;
	s0 =	simm.s32 $0x0;
	v3 =	vadd.s32 s10, v2  }
.LBB2_32:
0xb0: {  	p1 =	sne.s32 s11, $0x3FC0  }
0xb1: {  	[tilespmem:s0+$0x11C60] =	vst v3;
	s10 =	sadd.s32 $0x10, s10;
	s0 =	smov.u32 s11;
	s11 =	sadd.s32 $0x40, s11  }
.Ltmp22:
0xb2: {  	(pc) =	sbr.rel @p1 .LBB2_32-.Ltmp22, $2  }
0xb3: {  	_ =	sdelay $0x2  }
0xb4: {  	v3 =	vadd.s32 s10, v2;
	s0 =	sshra.s32 s0, $0x2  }
0xb5: {  	[tilespmem:s0+$0x11C60] =	vst v3  }
0xb6: {  	[spmem:s3] =	stream.indirect.scatter.add.f32 [tilespmem:s28], [sflag:$0x5], $0x1, s22, s21, $0xb8;
	[tilespmem:$0x14CE0] =	vst v63  }
0xb7: {  	_ =	swait.ge [sflag:s13], $0x1000  }
0xb8: {  	[sflag:s13] =	ssyncset.done $0x0  }
0xb9: {  	s10 =	simm.s32 $0x40;
	s11 =	simm.s32 $0x0;
	[sflag:s13] =	ssyncadd.s32 $0xFFFFF000  }
.LBB2_34:
0xba: {  	p1 =	sne.s32 s10, $0x3FC0;
	[tilespmem:s11+$0xEC60] =	vst v0;
	s0 =	smov.u32 s10;
	s10 =	sadd.s32 $0x40, s10  }
.Ltmp23:
0xbb: {  	(pc) =	sbr.rel @p1 .LBB2_34-.Ltmp23, $2  }
0xbc: {  	_ =	sdelay $0x2  }
0xbd: {  	s11 =	sshra.s32 s0, $0x2  }
0xbe: {  	p1 =	slt.u32 s5, $0x6001  }
.Ltmp24:
0xbf: {  	_ = 	snop;
	(pc) =	sbr.rel @p1 .LBB2_46-.Ltmp24, $2  }
0xc0: {  	_ =	sdelay $0x2  }
0xc1: {  	[tilespmem:s11+$0xEC60] =	vst v0  }
0xc2: {  	s10 =	sadd.s32 $0x6000, s31  }
0xc3: {  	s11 =	simm.s32 $0x40;
	s0 =	simm.s32 $0x0;
	v3 =	vadd.s32 s10, v2  }
.LBB2_37:
0xc4: {  	p1 =	sne.s32 s11, $0x3FC0  }
0xc5: {  	[tilespmem:s0+$0x11C60] =	vst v3;
	s10 =	sadd.s32 $0x10, s10;
	s0 =	smov.u32 s11;
	s11 =	sadd.s32 $0x40, s11  }
.Ltmp25:
0xc6: {  	(pc) =	sbr.rel @p1 .LBB2_37-.Ltmp25, $2  }
0xc7: {  	_ =	sdelay $0x2  }
0xc8: {  	v3 =	vadd.s32 s10, v2;
	s0 =	sshra.s32 s0, $0x2  }
0xc9: {  	[tilespmem:s0+$0x11C60] =	vst v3  }
0xca: {  	[spmem:s3] =	stream.indirect.scatter.add.f32 [tilespmem:s29], [sflag:$0x5], $0x1, s22, s21, $0xb8;
	[tilespmem:$0x14CE0] =	vst v63  }
0xcb: {  	_ =	swait.ge [sflag:s13], $0x1000  }
0xcc: {  	[sflag:s13] =	ssyncset.done $0x0  }
0xcd: {  	s10 =	simm.s32 $0x40;
	s11 =	simm.s32 $0x0;
	[sflag:s13] =	ssyncadd.s32 $0xFFFFF000  }
.LBB2_39:
0xce: {  	p1 =	sne.s32 s10, $0x3FC0;
	[tilespmem:s11+$0xFC60] =	vst v0;
	s0 =	smov.u32 s10;
	s10 =	sadd.s32 $0x40, s10  }
.Ltmp26:
0xcf: {  	(pc) =	sbr.rel @p1 .LBB2_39-.Ltmp26, $2  }
0xd0: {  	_ =	sdelay $0x2  }
0xd1: {  	s11 =	sshra.s32 s0, $0x2  }
0xd2: {  	p1 =	slt.u32 s5, $0x7001  }
.Ltmp27:
0xd3: {  	_ = 	snop;
	(pc) =	sbr.rel @p1 .LBB2_46-.Ltmp27, $2  }
0xd4: {  	_ =	sdelay $0x2  }
0xd5: {  	[tilespmem:s11+$0xFC60] =	vst v0  }
0xd6: {  	s5 =	sadd.s32 $0x7000, s31  }
0xd7: {  	s10 =	simm.s32 $0x40;
	s0 =	simm.s32 $0x0;
	v3 =	vadd.s32 s5, v2  }
.LBB2_42:
0xd8: {  	p1 =	sne.s32 s10, $0x3FC0  }
0xd9: {  	[tilespmem:s0+$0x11C60] =	vst v3;
	s5 =	sadd.s32 $0x10, s5;
	s0 =	smov.u32 s10;
	s10 =	sadd.s32 $0x40, s10  }
.Ltmp28:
0xda: {  	(pc) =	sbr.rel @p1 .LBB2_42-.Ltmp28, $2  }
0xdb: {  	_ =	sdelay $0x2  }
0xdc: {  	v3 =	vadd.s32 s5, v2;
	s0 =	sshra.s32 s0, $0x2  }
0xdd: {  	[tilespmem:s0+$0x11C60] =	vst v3  }
0xde: {  	[spmem:s3] =	stream.indirect.scatter.add.f32 [tilespmem:s30], [sflag:$0x5], $0x1, s22, s21, $0xb8;
	[tilespmem:$0x14CE0] =	vst v63  }
0xdf: {  	_ =	swait.ge [sflag:s13], $0x1000  }
0xe0: {  	[sflag:s13] =	ssyncset.done $0x0  }
0xe1: {  	s5 =	simm.s32 $0x40;
	s0 =	simm.s32 $0x0;
	[sflag:s13] =	ssyncadd.s32 $0xFFFFF000  }
.LBB2_44:
0xe2: {  	p1 =	sne.s32 s5, $0x3FC0;
	[tilespmem:s0+$0x10C60] =	vst v0;
	s0 =	smov.u32 s5;
	s5 =	sadd.s32 $0x40, s5  }
.Ltmp29:
0xe3: {  	(pc) =	sbr.rel @p1 .LBB2_44-.Ltmp29, $2  }
0xe4: {  	_ =	sdelay $0x2  }
0xe5: {  	s0 =	sshra.s32 s0, $0x2  }
0xe6: {  	[tilespmem:s0+$0x10C60] =	vst v0  }
.LBB2_46:
0xe7: {  	s31 =	sand.u32 $0xFFFFFF80, s2  }
0xe8: {  	s0 =	sadd.s32 $0x8000, s31  }
0xe9: {  	p1 =	sge.s32 s6, s0  }
.Ltmp30:
0xea: {  	_ = 	snop;
	(pc) =	sbr.rel @p1 .LBB2_50-.Ltmp30, $2  }
0xeb: {  	_ =	sdelay $0x2  }
0xec: {  	s5 =	simm.s32 $0x0  }
.LBB2_47:
0xed: {  	s5 =	simm.s32 $0x4E60  }
0xee: {  	s0 =	simm.s32 $0x20;
	v12 =	vld [tilespmem:s5+$0xFFFFFFF0]  }
0xef: {  	v7 =	vld [tilespmem:s0+$0x1]  }
0xf0: {  	v4 =	vld [tilespmem:s0+$0xFFFFFFF1]  }
0xf1: {  	v14 =	vld [tilespmem:s5+$0xFFFFFFE0]  }
0xf2: {  	v11 =	vld [tilespmem:s0+$0xFFFFFFF0]  }
0xf3: {  	(xrf2) =	vadd.scan.msk.f32 $0xffff, v12  }
0xf4: {  	v3 =	vmov s31;
	v10 =	vld [tilespmem:s0+$0xFFFFFFE1]  }
0xf5: {  	v9 =	vld [tilespmem:s0+$0xFFFFFFE0];
	v13 =	vsub.s32 v7, v3  }
0xf6: {  	v6 =	vld [tilespmem:s0+$0x10];
	vm2 =	vgt.s32 v13, $0x0;
	(xrf2) =	vadd.scan.msk.f32 $0xffff, v14  }
0xf7: {  	v15 =	vsub.s32 v4, v3;
	vm4 =	vne.s32 v11, v4;
	v4 =	vnsel vm2, $0x0, v13;
	v13 =	vld [tilespmem:s5+$0x10]  }
0xf8: {  	v5 =	vld [tilespmem:s0+$0x11];
	vm5 =	vmor vm4, vm0  }
0xf9: {  	v8 =	vld [tilespmem:s0+$0x0];
	v12 =	vsub.s32 v11, v3  }
0xfa: {  	vm3 =	vne.s32 v9, v10;
	v11 =	vsub.s32 v10, v3;
	v14 =	vld [tilespmem:s5+$0x0];
	vm2 =	vgt.s32 v15, $0x0  }
0xfb: {  	s2 =	simm.s32 $0x0;
	s10 =	simm.s32 $0x4EA0;
	vm7 =	vgt.s32 v11, $0x0;
	s5 =	simm.s32 $0x60;
	v10 =	vnsel vm2, $0x0, v15;
	vm2 =	vmor vm3, vm0  }
.LBB2_48:
0xfc: {  	v15 =	vld [tilespmem:s5+$0xFFFFFFE1];
	s2 =	sadd.s32 $0x4, s2;
	(xrf2) =	vadd.scan.msk.f32 $0xffff, v13  }
0xfd: {  	vm8 =	vne.s32 v6, v5;
	v13 =	vld [tilespmem:s5+$0x0];
	p1 =	slt.u32 s2, $0x26C;
	v16, _, _ =	vpop (xrf2)  }
0xfe: {  	vm9 =	vne.s32 v8, v7;
	[tilespmem:v12+s12+$0x0] =	vst.idx.add.f32.msk vm5, v16;
	vm5 =	vmor vm8, vm0  }
0xff: {  	vm4 =	vmand vm4, vm1;
	v17 =	vsub.s32 v6, v3;
	v12 =	vsub.s32 v9, v3;
	v6 =	vld [tilespmem:s5+$0x10];
	(xrf2) =	vadd.scan.msk.f32 $0xffff, v14  }
0x100: {  	v18 =	vsub.s32 v8, v3;
	v21 =	vsub.s32 v5, v3;
	vm6 =	vmor vm9, vm0;
	v7 =	vld [tilespmem:s5+$0x1];
	v14, _, _ =	vpop (xrf2)  }
0x101: {  	v9 =	vnsel vm7, $0x0, v11;
	vm7 =	vmand vm9, vm1;
	vm9 =	vgt.s32 v21, $0x0;
	v5 =	vld [tilespmem:s5+$0x11]  }
0x102: {  	vm3 =	vmand vm3, vm1;
	v19 =	vmin.u32 v9, $0x7FFF;
	v20 =	vnsel vm9, $0x0, v21;
	v11 =	vld [tilespmem:s10+$0xFFFFFFF0];
	v8 =	vmovc v13  }
0x103: {  	v10 =	vmin.u32 v10, $0x7FFF;
	vm8 =	vmand vm8, vm1;
	v20 =	vmin.u32 v20, $0x7FFF;
	v9 =	vld [tilespmem:s5+$0xFFFFFFE0]  }
0x104: {  	v21 =	vld [tilespmem:s10+$0xFFFFFFE0]  }
0x105: {  	v22 =	vld [tilespmem:s5+$0xFFFFFFF1];
	v13 =	vsub.s32 v7, v3  }
0x106: {  	v16 =	vsub.f32 $0.0e+00, v16;
	v23 =	vld [tilespmem:s5+$0xFFFFFFF0];
	vm9 =	vgt.s32 v13, $0x0;
	v24, _, _ =	vpop (xrf2)  }
0x107: {  	v25 =	vnsel vm9, $0x0, v13;
	(xrf2) =	vadd.scan.msk.f32 $0xffff, v11;
	[tilespmem:v12+s12+$0x0] =	vst.idx.add.f32.msk vm2, v14  }
0x108: {  	v11 =	vsub.f32 $0.0e+00, v14;
	[tilespmem:v10+s12+$0x0] =	vst.idx.add.f32.msk vm4, v16  }
0x109: {  	v16 =	vmin.u32 v4, $0x7FFF;
	v4 =	vmov v25;
	v13 =	vld [tilespmem:s10+$0x10];
	v26, _, _ =	vpop (xrf2)  }
0x10a: {  	v10 =	vsub.s32 v22, v3;
	(xrf2) =	vadd.scan.msk.f32 $0xffff, v21;
	[tilespmem:v17+s12+$0x0] =	vst.idx.add.f32.msk vm5, v24  }
.Ltmp31:
0x10b: {  	vm4 =	vne.s32 v23, v22;
	vm2 =	vgt.s32 v10, $0x0;
	[tilespmem:v19+s12+$0x0] =	vst.idx.add.f32.msk vm3, v11;
	(pc) =	sbr.rel @p1 .LBB2_48-.Ltmp31, $4  }
0x10c: {  	v17 =	vsub.f32 $0.0e+00, v26;
	v19 =	vsub.f32 $0.0e+00, v24;
	vm5 =	vmor vm4, vm0;
	v14 =	vld [tilespmem:s10+$0x0]  }
0x10d: {  	v12 =	vsub.s32 v23, v3;
	v10 =	vnsel vm2, $0x0, v10;
	[tilespmem:v18+s12+$0x0] =	vst.idx.add.f32.msk vm6, v26  }
0x10e: {  	vm3 =	vne.s32 v9, v15;
	v11 =	vsub.s32 v15, v3;
	[tilespmem:v16+s12+$0x0] =	vst.idx.add.f32.msk vm7, v17  }
0x10f: {  	s5 =	sadd.s32 $0x40, s5;
	vm2 =	vmor vm3, vm0;
	s10 =	sadd.s32 $0x40, s10;
	vm7 =	vgt.s32 v11, $0x0;
	[tilespmem:v20+s12+$0x0] =	vst.idx.add.f32.msk vm8, v19  }
0x110: {  	(xrf2) =	vadd.scan.msk.f32 $0xffff, v13  }
0x111: {  	(xrf2) =	vadd.scan.msk.f32 $0xffff, v14  }
0x112: {  	vm6 =	vne.s32 v6, v5;
	vm8 =	vne.s32 v8, v7  }
0x113: {  	v50 =	vsub.s32 v9, v3;
	vm4 =	vmand vm4, vm1;
	v51 =	vsub.s32 v6, v3  }
0x114: {  	v52 =	vmin.u32 v10, $0x7FFF;
	v53 =	vnsel vm7, $0x0, v11;
	vm3 =	vmand vm3, vm1  }
0x115: {  	v56 =	vsub.s32 v5, v3;
	vm9 =	vmor vm6, vm0;
	v10 =	vmin.u32 v53, $0x7FFF  }
0x116: {  	v55 =	vsub.s32 v8, v3;
	vm12 =	vmor vm8, vm0;
	v54, _, _ =	vpop (xrf2);
	vm14 =	vgt.s32 v56, $0x0  }
0x117: {  	vm6 =	vmand vm6, vm1;
	[tilespmem:v12+s12+$0x0] =	vst.idx.add.f32.msk vm5, v54;
	v11 =	vsub.f32 $0.0e+00, v54;
	v5 =	vnsel vm14, $0x0, v56;
	v57, _, _ =	vpop (xrf2)  }
0x118: {  	vm13 =	vmand vm8, vm1;
	v5 =	vmin.u32 v5, $0x7FFF;
	[tilespmem:v50+s12+$0x0] =	vst.idx.add.f32.msk vm2, v57;
	v12 =	vsub.f32 $0.0e+00, v57  }
0x119: {  	v4 =	vmin.u32 v4, $0x7FFF;
	[tilespmem:v52+s12+$0x0] =	vst.idx.add.f32.msk vm4, v11  }
0x11a: {  	[tilespmem:v10+s12+$0x0] =	vst.idx.add.f32.msk vm3, v12;
	v58, _, _ =	vpop (xrf2)  }
0x11b: {  	v59, _, _ =	vpop (xrf2);
	[tilespmem:v51+s12+$0x0] =	vst.idx.add.f32.msk vm9, v58;
	v7 =	vsub.f32 $0.0e+00, v58  }
0x11c: {  	v60 =	vsub.f32 $0.0e+00, v59;
	[tilespmem:v55+s12+$0x0] =	vst.idx.add.f32.msk vm12, v59  }
0x11d: {  	[tilespmem:v5+s12+$0x0] =	vst.idx.add.f32.msk vm6, v7  }
0x11e: {  	[tilespmem:v4+s12+$0x0] =	vst.idx.add.f32.msk vm13, v60  }
0x11f: {  	v4 =	vld [tilespmem:$0x7540];
	_ =	sdelay $0x3  }
0x120: {  	v5 =	vld [tilespmem:$0x2700]  }
0x121: {  	v6 =	vld [tilespmem:$0x2701];
	(xrf2) =	vadd.scan.msk.f32 $0xffff, v4;
	_ =	sdelay $0x4  }
0x122: {  	vm2 =	vne.s32 v5, v6;
	v61 =	vsub.s32 v6, v3  }
0x123: {  	vm3 =	vmor vm2, vm0;
	vm15 =	vgt.s32 v61, $0x0  }
0x124: {  	v3 =	vsub.s32 v5, v3;
	vm2 =	vmand vm2, vm1;
	v4 =	vnsel vm15, $0x0, v61  }
0x125: {  	v4 =	vmin.u32 v4, $0x7FFF;
	_ =	sdelay $0x1  }
0x126: {  	v62, _, _ =	vpop (xrf2)  }
0x127: {  	v63 =	vsub.f32 $0.0e+00, v62  }
0x128: {  	[tilespmem:v3+s12+$0x0] =	vst.idx.add.f32.msk vm3, v62  }
0x129: {  	[tilespmem:v4+s12+$0x0] =	vst.idx.add.f32.msk vm2, v63  }
.LBB2_121:
0x12a: {  	_ =	swait.ge [sflag:s19], $0x2710  }
0x12b: {  	[sflag:s19] =	ssyncset.done $0x0  }
0x12c: {  	p1 =	seq.s32 s14, $0x9;
	[sflag:s19] =	ssyncadd.s32 $0xFFFFD8F0  }
0x12d: {  	s0 =	sadd.s32 @!p1 s7, s9;
	_ =	swait.ge [sflag:s20], $0x2710  }
0x12e: {  	s0 =	sshrl.u32 @!p1 s0, $0x3;
	[sflag:s20] =	ssyncset.done $0x0  }
0x12f: {  	s5 =	simm.s32 @!p1 $0x0;
	s2 =	sadd.s32 @!p1 s1, s0;
	[sflag:s20] =	ssyncadd.s32 $0xFFFFD8F0  }
0x130: {  	[tilespmem:s5], [sflag:$0x1] =	stream.linear.gather @!p1 [hbm4b:s2+s5], $0x2710, $0x38;
	[tilespmem:$0x14CE0] =	vst v63  }
0x131: {  	s0 =	sadd.s32 @!p1 s4, s0;
	s2 =	simm.s32 @!p1 $0x4E40  }
0x132: {  	[tilespmem:s2], [sflag:$0x3] =	stream.linear.gather @!p1 [hbm4b:s0+s5], $0x2710, $0x38;
	[tilespmem:$0x14CE0] =	vst v63  }
0x133: {  	v3 =	vld [tilespmem:$0x2720]  }
0x134: {  	v4 =	vld [tilespmem:$0x4E20];
	_ =	sdelay $0x3  }
0x135: {  	(v2sf) =	vpush v3, $0x0  }
0x136: {  	(v2sf) =	vpush v4, $0xF;
	_ =	sdelay $0xd  }
0x137: {  	s2 =	spop (v2sf)  }
0x138: {  	s18 =	sadd.s32 $0x8000, s31;
	s5 =	spop (v2sf)  }
0x139: {  	p1 =	slt.s32 s5, s18  }
.Ltmp32:
0x13a: {  	_ = 	snop;
	(pc) =	sbr.rel @p1 .LBB2_164-.Ltmp32, $1  }
0x13b: {  	_ =	sdelay $0x3  }
0x13c: {  	s0 =	ssub.s32 s6, s31  }
0x13d: {  	p1 =	sgt.u32 s0, $0x7FFFFFFE  }
.Ltmp33:
0x13e: {  	_ = 	snop;
	(pc) =	sbr.rel @p1 .LBB2_163-.Ltmp33, $1  }
0x13f: {  	_ =	sdelay $0x3  }
0x140: {  	s6 =	sadd.s32 $0x1, s0  }
0x141: {  	s7 =	simm.s32 $0x40;
	v3 =	vadd.s32 s31, v2;
	s0 =	simm.s32 $0x0;
	s10 =	smov.u32 s31  }
.LBB2_124:
0x142: {  	p1 =	sne.s32 s7, $0x3FC0  }
0x143: {  	[tilespmem:s0+$0x11C60] =	vst v3;
	s10 =	sadd.s32 $0x10, s10;
	s0 =	smov.u32 s7;
	s7 =	sadd.s32 $0x40, s7  }
.Ltmp34:
0x144: {  	(pc) =	sbr.rel @p1 .LBB2_124-.Ltmp34, $2  }
0x145: {  	_ =	sdelay $0x2  }
0x146: {  	v3 =	vadd.s32 s10, v2;
	s0 =	sshra.s32 s0, $0x2  }
0x147: {  	[tilespmem:s0+$0x11C60] =	vst v3  }
0x148: {  	[spmem:s3] =	stream.indirect.scatter.add.f32 [tilespmem:s12], [sflag:$0x5], $0x1, s22, s21, $0xb8;
	[tilespmem:$0x14CE0] =	vst v63  }
0x149: {  	_ =	swait.ge [sflag:s13], $0x1000  }
0x14a: {  	[sflag:s13] =	ssyncset.done $0x0  }
0x14b: {  	s7 =	simm.s32 $0x40;
	s0 =	simm.s32 $0x0;
	[sflag:s13] =	ssyncadd.s32 $0xFFFFF000  }
.LBB2_126:
0x14c: {  	p1 =	sne.s32 s7, $0x3FC0;
	[tilespmem:s0+$0x9C60] =	vst v0;
	s0 =	smov.u32 s7;
	s7 =	sadd.s32 $0x40, s7  }
.Ltmp35:
0x14d: {  	(pc) =	sbr.rel @p1 .LBB2_126-.Ltmp35, $2  }
0x14e: {  	_ =	sdelay $0x2  }
0x14f: {  	s0 =	sshra.s32 s0, $0x2  }
0x150: {  	p1 =	slt.u32 s6, $0x1001  }
.Ltmp36:
0x151: {  	_ = 	snop;
	(pc) =	sbr.rel @p1 .LBB2_163-.Ltmp36, $2  }
0x152: {  	_ =	sdelay $0x2  }
0x153: {  	[tilespmem:s0+$0x9C60] =	vst v0  }
0x154: {  	s7 =	sadd.s32 $0x1000, s31  }
0x155: {  	s10 =	simm.s32 $0x40;
	s0 =	simm.s32 $0x0;
	v3 =	vadd.s32 s7, v2  }
.LBB2_129:
0x156: {  	p1 =	sne.s32 s10, $0x3FC0  }
0x157: {  	[tilespmem:s0+$0x11C60] =	vst v3;
	s7 =	sadd.s32 $0x10, s7;
	s0 =	smov.u32 s10;
	s10 =	sadd.s32 $0x40, s10  }
.Ltmp37:
0x158: {  	(pc) =	sbr.rel @p1 .LBB2_129-.Ltmp37, $2  }
0x159: {  	_ =	sdelay $0x2  }
0x15a: {  	v3 =	vadd.s32 s7, v2;
	s0 =	sshra.s32 s0, $0x2  }
0x15b: {  	[tilespmem:s0+$0x11C60] =	vst v3  }
0x15c: {  	[spmem:s3] =	stream.indirect.scatter.add.f32 [tilespmem:s23], [sflag:$0x5], $0x1, s22, s21, $0xb8;
	[tilespmem:$0x14CE0] =	vst v63  }
0x15d: {  	_ =	swait.ge [sflag:s13], $0x1000  }
0x15e: {  	[sflag:s13] =	ssyncset.done $0x0  }
0x15f: {  	s7 =	simm.s32 $0x40;
	s0 =	simm.s32 $0x0;
	[sflag:s13] =	ssyncadd.s32 $0xFFFFF000  }
.LBB2_131:
0x160: {  	p1 =	sne.s32 s7, $0x3FC0;
	[tilespmem:s0+$0xAC60] =	vst v0;
	s0 =	smov.u32 s7;
	s7 =	sadd.s32 $0x40, s7  }
.Ltmp38:
0x161: {  	(pc) =	sbr.rel @p1 .LBB2_131-.Ltmp38, $2  }
0x162: {  	_ =	sdelay $0x2  }
0x163: {  	s0 =	sshra.s32 s0, $0x2  }
0x164: {  	p1 =	slt.u32 s6, $0x2001  }
.Ltmp39:
0x165: {  	_ = 	snop;
	(pc) =	sbr.rel @p1 .LBB2_163-.Ltmp39, $2  }
0x166: {  	_ =	sdelay $0x2  }
0x167: {  	[tilespmem:s0+$0xAC60] =	vst v0  }
0x168: {  	s7 =	sadd.s32 $0x2000, s31  }
0x169: {  	s10 =	simm.s32 $0x40;
	s0 =	simm.s32 $0x0;
	v3 =	vadd.s32 s7, v2  }
.LBB2_134:
0x16a: {  	p1 =	sne.s32 s10, $0x3FC0  }
0x16b: {  	[tilespmem:s0+$0x11C60] =	vst v3;
	s7 =	sadd.s32 $0x10, s7;
	s0 =	smov.u32 s10;
	s10 =	sadd.s32 $0x40, s10  }
.Ltmp40:
0x16c: {  	(pc) =	sbr.rel @p1 .LBB2_134-.Ltmp40, $2  }
0x16d: {  	_ =	sdelay $0x2  }
0x16e: {  	v3 =	vadd.s32 s7, v2;
	s0 =	sshra.s32 s0, $0x2  }
0x16f: {  	[tilespmem:s0+$0x11C60] =	vst v3  }
0x170: {  	[spmem:s3] =	stream.indirect.scatter.add.f32 [tilespmem:s24], [sflag:$0x5], $0x1, s22, s21, $0xb8;
	[tilespmem:$0x14CE0] =	vst v63  }
0x171: {  	_ =	swait.ge [sflag:s13], $0x1000  }
0x172: {  	[sflag:s13] =	ssyncset.done $0x0  }
0x173: {  	s7 =	simm.s32 $0x40;
	s0 =	simm.s32 $0x0;
	[sflag:s13] =	ssyncadd.s32 $0xFFFFF000  }
.LBB2_136:
0x174: {  	p1 =	sne.s32 s7, $0x3FC0;
	[tilespmem:s0+$0xBC60] =	vst v0;
	s0 =	smov.u32 s7;
	s7 =	sadd.s32 $0x40, s7  }
.Ltmp41:
0x175: {  	(pc) =	sbr.rel @p1 .LBB2_136-.Ltmp41, $2  }
0x176: {  	_ =	sdelay $0x2  }
0x177: {  	s0 =	sshra.s32 s0, $0x2  }
0x178: {  	p1 =	slt.u32 s6, $0x3001  }
.Ltmp42:
0x179: {  	_ = 	snop;
	(pc) =	sbr.rel @p1 .LBB2_163-.Ltmp42, $2  }
0x17a: {  	_ =	sdelay $0x2  }
0x17b: {  	[tilespmem:s0+$0xBC60] =	vst v0  }
0x17c: {  	s7 =	sadd.s32 $0x3000, s31  }
0x17d: {  	s10 =	simm.s32 $0x40;
	s0 =	simm.s32 $0x0;
	v3 =	vadd.s32 s7, v2  }
.LBB2_139:
0x17e: {  	p1 =	sne.s32 s10, $0x3FC0  }
0x17f: {  	[tilespmem:s0+$0x11C60] =	vst v3;
	s7 =	sadd.s32 $0x10, s7;
	s0 =	smov.u32 s10;
	s10 =	sadd.s32 $0x40, s10  }
.Ltmp43:
0x180: {  	(pc) =	sbr.rel @p1 .LBB2_139-.Ltmp43, $2  }
0x181: {  	_ =	sdelay $0x2  }
0x182: {  	v3 =	vadd.s32 s7, v2;
	s0 =	sshra.s32 s0, $0x2  }
0x183: {  	[tilespmem:s0+$0x11C60] =	vst v3  }
0x184: {  	[spmem:s3] =	stream.indirect.scatter.add.f32 [tilespmem:s25], [sflag:$0x5], $0x1, s22, s21, $0xb8;
	[tilespmem:$0x14CE0] =	vst v63  }
0x185: {  	_ =	swait.ge [sflag:s13], $0x1000  }
0x186: {  	[sflag:s13] =	ssyncset.done $0x0  }
0x187: {  	s7 =	simm.s32 $0x40;
	s0 =	simm.s32 $0x0;
	[sflag:s13] =	ssyncadd.s32 $0xFFFFF000  }
.LBB2_141:
0x188: {  	p1 =	sne.s32 s7, $0x3FC0;
	[tilespmem:s0+$0xCC60] =	vst v0;
	s0 =	smov.u32 s7;
	s7 =	sadd.s32 $0x40, s7  }
.Ltmp44:
0x189: {  	(pc) =	sbr.rel @p1 .LBB2_141-.Ltmp44, $2  }
0x18a: {  	_ =	sdelay $0x2  }
0x18b: {  	s0 =	sshra.s32 s0, $0x2  }
0x18c: {  	p1 =	slt.u32 s6, $0x4001  }
.Ltmp45:
0x18d: {  	_ = 	snop;
	(pc) =	sbr.rel @p1 .LBB2_163-.Ltmp45, $2  }
0x18e: {  	_ =	sdelay $0x2  }
0x18f: {  	[tilespmem:s0+$0xCC60] =	vst v0  }
0x190: {  	s7 =	sadd.s32 $0x4000, s31  }
0x191: {  	s10 =	simm.s32 $0x40;
	s0 =	simm.s32 $0x0;
	v3 =	vadd.s32 s7, v2  }
.LBB2_144:
0x192: {  	p1 =	sne.s32 s10, $0x3FC0  }
0x193: {  	[tilespmem:s0+$0x11C60] =	vst v3;
	s7 =	sadd.s32 $0x10, s7;
	s0 =	smov.u32 s10;
	s10 =	sadd.s32 $0x40, s10  }
.Ltmp46:
0x194: {  	(pc) =	sbr.rel @p1 .LBB2_144-.Ltmp46, $2  }
0x195: {  	_ =	sdelay $0x2  }
0x196: {  	v3 =	vadd.s32 s7, v2;
	s0 =	sshra.s32 s0, $0x2  }
0x197: {  	[tilespmem:s0+$0x11C60] =	vst v3  }
0x198: {  	[spmem:s3] =	stream.indirect.scatter.add.f32 [tilespmem:s26], [sflag:$0x5], $0x1, s22, s21, $0xb8;
	[tilespmem:$0x14CE0] =	vst v63  }
0x199: {  	_ =	swait.ge [sflag:s13], $0x1000  }
0x19a: {  	[sflag:s13] =	ssyncset.done $0x0  }
0x19b: {  	s7 =	simm.s32 $0x40;
	s0 =	simm.s32 $0x0;
	[sflag:s13] =	ssyncadd.s32 $0xFFFFF000  }
.LBB2_146:
0x19c: {  	p1 =	sne.s32 s7, $0x3FC0;
	[tilespmem:s0+$0xDC60] =	vst v0;
	s0 =	smov.u32 s7;
	s7 =	sadd.s32 $0x40, s7  }
.Ltmp47:
0x19d: {  	(pc) =	sbr.rel @p1 .LBB2_146-.Ltmp47, $2  }
0x19e: {  	_ =	sdelay $0x2  }
0x19f: {  	s0 =	sshra.s32 s0, $0x2  }
0x1a0: {  	p1 =	slt.u32 s6, $0x5001  }
.Ltmp48:
0x1a1: {  	_ = 	snop;
	(pc) =	sbr.rel @p1 .LBB2_163-.Ltmp48, $2  }
0x1a2: {  	_ =	sdelay $0x2  }
0x1a3: {  	[tilespmem:s0+$0xDC60] =	vst v0  }
0x1a4: {  	s7 =	sadd.s32 $0x5000, s31  }
0x1a5: {  	s10 =	simm.s32 $0x40;
	s0 =	simm.s32 $0x0;
	v3 =	vadd.s32 s7, v2  }
.LBB2_149:
0x1a6: {  	p1 =	sne.s32 s10, $0x3FC0  }
0x1a7: {  	[tilespmem:s0+$0x11C60] =	vst v3;
	s7 =	sadd.s32 $0x10, s7;
	s0 =	smov.u32 s10;
	s10 =	sadd.s32 $0x40, s10  }
.Ltmp49:
0x1a8: {  	(pc) =	sbr.rel @p1 .LBB2_149-.Ltmp49, $2  }
0x1a9: {  	_ =	sdelay $0x2  }
0x1aa: {  	v3 =	vadd.s32 s7, v2;
	s0 =	sshra.s32 s0, $0x2  }
0x1ab: {  	[tilespmem:s0+$0x11C60] =	vst v3  }
0x1ac: {  	[spmem:s3] =	stream.indirect.scatter.add.f32 [tilespmem:s28], [sflag:$0x5], $0x1, s22, s21, $0xb8;
	[tilespmem:$0x14CE0] =	vst v63  }
0x1ad: {  	_ =	swait.ge [sflag:s13], $0x1000  }
0x1ae: {  	[sflag:s13] =	ssyncset.done $0x0  }
0x1af: {  	s7 =	simm.s32 $0x40;
	s0 =	simm.s32 $0x0;
	[sflag:s13] =	ssyncadd.s32 $0xFFFFF000  }
.LBB2_151:
0x1b0: {  	p1 =	sne.s32 s7, $0x3FC0;
	[tilespmem:s0+$0xEC60] =	vst v0;
	s0 =	smov.u32 s7;
	s7 =	sadd.s32 $0x40, s7  }
.Ltmp50:
0x1b1: {  	(pc) =	sbr.rel @p1 .LBB2_151-.Ltmp50, $2  }
0x1b2: {  	_ =	sdelay $0x2  }
0x1b3: {  	s0 =	sshra.s32 s0, $0x2  }
0x1b4: {  	p1 =	slt.u32 s6, $0x6001  }
.Ltmp51:
0x1b5: {  	_ = 	snop;
	(pc) =	sbr.rel @p1 .LBB2_163-.Ltmp51, $2  }
0x1b6: {  	_ =	sdelay $0x2  }
0x1b7: {  	[tilespmem:s0+$0xEC60] =	vst v0  }
0x1b8: {  	s7 =	sadd.s32 $0x6000, s31  }
0x1b9: {  	s10 =	simm.s32 $0x40;
	s0 =	simm.s32 $0x0;
	v3 =	vadd.s32 s7, v2  }
.LBB2_154:
0x1ba: {  	p1 =	sne.s32 s10, $0x3FC0  }
0x1bb: {  	[tilespmem:s0+$0x11C60] =	vst v3;
	s7 =	sadd.s32 $0x10, s7;
	s0 =	smov.u32 s10;
	s10 =	sadd.s32 $0x40, s10  }
.Ltmp52:
0x1bc: {  	(pc) =	sbr.rel @p1 .LBB2_154-.Ltmp52, $2  }
0x1bd: {  	_ =	sdelay $0x2  }
0x1be: {  	v3 =	vadd.s32 s7, v2;
	s0 =	sshra.s32 s0, $0x2  }
0x1bf: {  	[tilespmem:s0+$0x11C60] =	vst v3  }
0x1c0: {  	[spmem:s3] =	stream.indirect.scatter.add.f32 [tilespmem:s29], [sflag:$0x5], $0x1, s22, s21, $0xb8;
	[tilespmem:$0x14CE0] =	vst v63  }
0x1c1: {  	_ =	swait.ge [sflag:s13], $0x1000  }
0x1c2: {  	[sflag:s13] =	ssyncset.done $0x0  }
0x1c3: {  	s7 =	simm.s32 $0x40;
	s0 =	simm.s32 $0x0;
	[sflag:s13] =	ssyncadd.s32 $0xFFFFF000  }
.LBB2_156:
0x1c4: {  	p1 =	sne.s32 s7, $0x3FC0;
	[tilespmem:s0+$0xFC60] =	vst v0;
	s0 =	smov.u32 s7;
	s7 =	sadd.s32 $0x40, s7  }
.Ltmp53:
0x1c5: {  	(pc) =	sbr.rel @p1 .LBB2_156-.Ltmp53, $2  }
0x1c6: {  	_ =	sdelay $0x2  }
0x1c7: {  	s0 =	sshra.s32 s0, $0x2  }
0x1c8: {  	p1 =	slt.u32 s6, $0x7001  }
.Ltmp54:
0x1c9: {  	_ = 	snop;
	(pc) =	sbr.rel @p1 .LBB2_163-.Ltmp54, $2  }
0x1ca: {  	_ =	sdelay $0x2  }
0x1cb: {  	[tilespmem:s0+$0xFC60] =	vst v0  }
0x1cc: {  	s6 =	sadd.s32 $0x7000, s31  }
0x1cd: {  	s7 =	simm.s32 $0x40;
	s0 =	simm.s32 $0x0;
	v3 =	vadd.s32 s6, v2  }
.LBB2_159:
0x1ce: {  	p1 =	sne.s32 s7, $0x3FC0  }
0x1cf: {  	[tilespmem:s0+$0x11C60] =	vst v3;
	s6 =	sadd.s32 $0x10, s6;
	s0 =	smov.u32 s7;
	s7 =	sadd.s32 $0x40, s7  }
.Ltmp55:
0x1d0: {  	(pc) =	sbr.rel @p1 .LBB2_159-.Ltmp55, $2  }
0x1d1: {  	_ =	sdelay $0x2  }
0x1d2: {  	v3 =	vadd.s32 s6, v2;
	s0 =	sshra.s32 s0, $0x2  }
0x1d3: {  	[tilespmem:s0+$0x11C60] =	vst v3  }
0x1d4: {  	[spmem:s3] =	stream.indirect.scatter.add.f32 [tilespmem:s30], [sflag:$0x5], $0x1, s22, s21, $0xb8;
	[tilespmem:$0x14CE0] =	vst v63  }
0x1d5: {  	_ =	swait.ge [sflag:s13], $0x1000  }
0x1d6: {  	[sflag:s13] =	ssyncset.done $0x0  }
0x1d7: {  	s6 =	simm.s32 $0x40;
	s0 =	simm.s32 $0x0;
	[sflag:s13] =	ssyncadd.s32 $0xFFFFF000  }
.LBB2_161:
0x1d8: {  	p1 =	sne.s32 s6, $0x3FC0;
	[tilespmem:s0+$0x10C60] =	vst v0;
	s0 =	smov.u32 s6;
	s6 =	sadd.s32 $0x40, s6  }
.Ltmp56:
0x1d9: {  	(pc) =	sbr.rel @p1 .LBB2_161-.Ltmp56, $2  }
0x1da: {  	_ =	sdelay $0x2  }
0x1db: {  	s0 =	sshra.s32 s0, $0x2  }
0x1dc: {  	[tilespmem:s0+$0x10C60] =	vst v0  }
.LBB2_163:
0x1dd: {  	s31 =	sand.u32 $0xFFFFFF80, s2  }
0x1de: {  	s0 =	sadd.s32 $0x8000, s31  }
0x1df: {  	p1 =	sge.s32 s5, s0  }
.Ltmp57:
0x1e0: {  	_ = 	snop;
	(pc) =	sbr.rel @p1 .LBB2_167-.Ltmp57, $2  }
0x1e1: {  	_ =	sdelay $0x2  }
0x1e2: {  	s6 =	simm.s32 $0x0  }
.LBB2_164:
0x1e3: {  	s6 =	simm.s32 $0x7570  }
0x1e4: {  	s0 =	simm.s32 $0x2740;
	v12 =	vld [tilespmem:s6+$0xFFFFFFF0]  }
0x1e5: {  	v7 =	vld [tilespmem:s0+$0x1]  }
0x1e6: {  	v4 =	vld [tilespmem:s0+$0xFFFFFFF1]  }
0x1e7: {  	v14 =	vld [tilespmem:s6+$0xFFFFFFE0]  }
0x1e8: {  	v11 =	vld [tilespmem:s0+$0xFFFFFFF0]  }
0x1e9: {  	(xrf2) =	vadd.scan.msk.f32 $0xffff, v12  }
0x1ea: {  	v3 =	vmov s31;
	v10 =	vld [tilespmem:s0+$0xFFFFFFE1]  }
0x1eb: {  	v9 =	vld [tilespmem:s0+$0xFFFFFFE0];
	v13 =	vsub.s32 v7, v3  }
0x1ec: {  	v6 =	vld [tilespmem:s0+$0x10];
	vm2 =	vgt.s32 v13, $0x0;
	(xrf2) =	vadd.scan.msk.f32 $0xffff, v14  }
0x1ed: {  	v15 =	vsub.s32 v4, v3;
	vm4 =	vne.s32 v11, v4;
	v4 =	vnsel vm2, $0x0, v13;
	v13 =	vld [tilespmem:s6+$0x10]  }
0x1ee: {  	v5 =	vld [tilespmem:s0+$0x11];
	vm5 =	vmor vm4, vm0  }
0x1ef: {  	v8 =	vld [tilespmem:s0+$0x0];
	v12 =	vsub.s32 v11, v3  }
0x1f0: {  	vm3 =	vne.s32 v9, v10;
	v11 =	vsub.s32 v10, v3;
	v14 =	vld [tilespmem:s6+$0x0];
	vm2 =	vgt.s32 v15, $0x0  }
0x1f1: {  	s2 =	simm.s32 $0x0;
	s7 =	simm.s32 $0x75B0;
	vm7 =	vgt.s32 v11, $0x0;
	s6 =	simm.s32 $0x2780;
	v10 =	vnsel vm2, $0x0, v15;
	vm2 =	vmor vm3, vm0  }
.LBB2_165:
0x1f2: {  	v15 =	vld [tilespmem:s6+$0xFFFFFFE1];
	s2 =	sadd.s32 $0x4, s2;
	(xrf2) =	vadd.scan.msk.f32 $0xffff, v13  }
0x1f3: {  	vm8 =	vne.s32 v6, v5;
	v13 =	vld [tilespmem:s6+$0x0];
	p1 =	slt.u32 s2, $0x26C;
	v16, _, _ =	vpop (xrf2)  }
0x1f4: {  	vm9 =	vne.s32 v8, v7;
	[tilespmem:v12+s12+$0x0] =	vst.idx.add.f32.msk vm5, v16;
	vm5 =	vmor vm8, vm0  }
0x1f5: {  	vm4 =	vmand vm4, vm1;
	v17 =	vsub.s32 v6, v3;
	v12 =	vsub.s32 v9, v3;
	v6 =	vld [tilespmem:s6+$0x10];
	(xrf2) =	vadd.scan.msk.f32 $0xffff, v14  }
0x1f6: {  	v18 =	vsub.s32 v8, v3;
	v21 =	vsub.s32 v5, v3;
	vm6 =	vmor vm9, vm0;
	v7 =	vld [tilespmem:s6+$0x1];
	v14, _, _ =	vpop (xrf2)  }
0x1f7: {  	v9 =	vnsel vm7, $0x0, v11;
	vm7 =	vmand vm9, vm1;
	vm9 =	vgt.s32 v21, $0x0;
	v5 =	vld [tilespmem:s6+$0x11]  }
0x1f8: {  	vm3 =	vmand vm3, vm1;
	v19 =	vmin.u32 v9, $0x7FFF;
	v20 =	vnsel vm9, $0x0, v21;
	v11 =	vld [tilespmem:s7+$0xFFFFFFF0];
	v8 =	vmovc v13  }
0x1f9: {  	v10 =	vmin.u32 v10, $0x7FFF;
	vm8 =	vmand vm8, vm1;
	v20 =	vmin.u32 v20, $0x7FFF;
	v9 =	vld [tilespmem:s6+$0xFFFFFFE0]  }
0x1fa: {  	v21 =	vld [tilespmem:s7+$0xFFFFFFE0]  }
0x1fb: {  	v22 =	vld [tilespmem:s6+$0xFFFFFFF1];
	v13 =	vsub.s32 v7, v3  }
0x1fc: {  	v16 =	vsub.f32 $0.0e+00, v16;
	v23 =	vld [tilespmem:s6+$0xFFFFFFF0];
	vm9 =	vgt.s32 v13, $0x0;
	v24, _, _ =	vpop (xrf2)  }
0x1fd: {  	v25 =	vnsel vm9, $0x0, v13;
	(xrf2) =	vadd.scan.msk.f32 $0xffff, v11;
	[tilespmem:v12+s12+$0x0] =	vst.idx.add.f32.msk vm2, v14  }
0x1fe: {  	v11 =	vsub.f32 $0.0e+00, v14;
	[tilespmem:v10+s12+$0x0] =	vst.idx.add.f32.msk vm4, v16  }
0x1ff: {  	v16 =	vmin.u32 v4, $0x7FFF;
	v4 =	vmov v25;
	v13 =	vld [tilespmem:s7+$0x10];
	v26, _, _ =	vpop (xrf2)  }
0x200: {  	v10 =	vsub.s32 v22, v3;
	(xrf2) =	vadd.scan.msk.f32 $0xffff, v21;
	[tilespmem:v17+s12+$0x0] =	vst.idx.add.f32.msk vm5, v24  }
.Ltmp58:
0x201: {  	vm4 =	vne.s32 v23, v22;
	vm2 =	vgt.s32 v10, $0x0;
	[tilespmem:v19+s12+$0x0] =	vst.idx.add.f32.msk vm3, v11;
	(pc) =	sbr.rel @p1 .LBB2_165-.Ltmp58, $4  }
0x202: {  	v17 =	vsub.f32 $0.0e+00, v26;
	v19 =	vsub.f32 $0.0e+00, v24;
	vm5 =	vmor vm4, vm0;
	v14 =	vld [tilespmem:s7+$0x0]  }
0x203: {  	v12 =	vsub.s32 v23, v3;
	v10 =	vnsel vm2, $0x0, v10;
	[tilespmem:v18+s12+$0x0] =	vst.idx.add.f32.msk vm6, v26  }
0x204: {  	vm3 =	vne.s32 v9, v15;
	v11 =	vsub.s32 v15, v3;
	[tilespmem:v16+s12+$0x0] =	vst.idx.add.f32.msk vm7, v17  }
0x205: {  	s6 =	sadd.s32 $0x40, s6;
	vm2 =	vmor vm3, vm0;
	s7 =	sadd.s32 $0x40, s7;
	vm7 =	vgt.s32 v11, $0x0;
	[tilespmem:v20+s12+$0x0] =	vst.idx.add.f32.msk vm8, v19  }
0x206: {  	(xrf2) =	vadd.scan.msk.f32 $0xffff, v13  }
0x207: {  	(xrf2) =	vadd.scan.msk.f32 $0xffff, v14  }
0x208: {  	vm6 =	vne.s32 v6, v5;
	vm8 =	vne.s32 v8, v7  }
0x209: {  	v50 =	vsub.s32 v9, v3;
	vm4 =	vmand vm4, vm1;
	v51 =	vsub.s32 v6, v3  }
0x20a: {  	v52 =	vmin.u32 v10, $0x7FFF;
	v53 =	vnsel vm7, $0x0, v11;
	vm3 =	vmand vm3, vm1  }
0x20b: {  	v56 =	vsub.s32 v5, v3;
	vm9 =	vmor vm6, vm0;
	v10 =	vmin.u32 v53, $0x7FFF  }
0x20c: {  	v55 =	vsub.s32 v8, v3;
	vm12 =	vmor vm8, vm0;
	v54, _, _ =	vpop (xrf2);
	vm14 =	vgt.s32 v56, $0x0  }
0x20d: {  	vm6 =	vmand vm6, vm1;
	[tilespmem:v12+s12+$0x0] =	vst.idx.add.f32.msk vm5, v54;
	v11 =	vsub.f32 $0.0e+00, v54;
	v5 =	vnsel vm14, $0x0, v56;
	v57, _, _ =	vpop (xrf2)  }
0x20e: {  	vm13 =	vmand vm8, vm1;
	v5 =	vmin.u32 v5, $0x7FFF;
	[tilespmem:v50+s12+$0x0] =	vst.idx.add.f32.msk vm2, v57;
	v12 =	vsub.f32 $0.0e+00, v57  }
0x20f: {  	v4 =	vmin.u32 v4, $0x7FFF;
	[tilespmem:v52+s12+$0x0] =	vst.idx.add.f32.msk vm4, v11  }
0x210: {  	[tilespmem:v10+s12+$0x0] =	vst.idx.add.f32.msk vm3, v12;
	v58, _, _ =	vpop (xrf2)  }
0x211: {  	v59, _, _ =	vpop (xrf2);
	[tilespmem:v51+s12+$0x0] =	vst.idx.add.f32.msk vm9, v58;
	v7 =	vsub.f32 $0.0e+00, v58  }
0x212: {  	v60 =	vsub.f32 $0.0e+00, v59;
	[tilespmem:v55+s12+$0x0] =	vst.idx.add.f32.msk vm12, v59  }
0x213: {  	[tilespmem:v5+s12+$0x0] =	vst.idx.add.f32.msk vm6, v7  }
0x214: {  	[tilespmem:v4+s12+$0x0] =	vst.idx.add.f32.msk vm13, v60  }
0x215: {  	v4 =	vld [tilespmem:$0x9C50];
	_ =	sdelay $0x3  }
0x216: {  	v5 =	vld [tilespmem:$0x4E20]  }
0x217: {  	v6 =	vld [tilespmem:$0x4E21];
	(xrf2) =	vadd.scan.msk.f32 $0xffff, v4;
	_ =	sdelay $0x4  }
0x218: {  	vm2 =	vne.s32 v5, v6;
	v61 =	vsub.s32 v6, v3  }
0x219: {  	vm3 =	vmor vm2, vm0;
	vm15 =	vgt.s32 v61, $0x0  }
0x21a: {  	v3 =	vsub.s32 v5, v3;
	vm2 =	vmand vm2, vm1;
	v4 =	vnsel vm15, $0x0, v61  }
0x21b: {  	v4 =	vmin.u32 v4, $0x7FFF  }
.Ltmp59:
0x21c: {  	_ = 	snop;
	(pc) =	sbr.rel .LBB2_238-.Ltmp59, $4  }
0x21d: {  	v62, _, _ =	vpop (xrf2)  }
0x21e: {  	v63 =	vsub.f32 $0.0e+00, v62  }
0x21f: {  	[tilespmem:v3+s12+$0x0] =	vst.idx.add.f32.msk vm3, v62  }
0x220: {  	[tilespmem:v4+s12+$0x0] =	vst.idx.add.f32.msk vm2, v63  }
.LBB2_120:
0x221: {  	s5 =	sadd.s32 $0x1, s5  }
0x222: {  	p1 =	sne.s32 s5, $0x271  }
.Ltmp60:
0x223: {  	_ = 	snop;
	(pc) =	sbr.rel @!p1 .LBB2_121-.Ltmp60, $1  }
0x224: {  	_ =	sdelay $0x3  }
.LBB2_50:
0x225: {  	s0 =	sshll.u32 s5, $0x4  }
0x226: {  	v3 =	vld [tilespmem:s0+$0x0];
	_ =	sdelay $0x4  }
0x227: {  	(v2sf) =	vpush v3, $0xF;
	_ =	sdelay $0xe  }
0x228: {  	s2 =	sadd.s32 $0x8000, s31;
	s10 =	spop (v2sf)  }
0x229: {  	p1 =	slt.s32 s10, s2  }
.Ltmp61:
0x22a: {  	_ = 	snop;
	(pc) =	sbr.rel @p1 .LBB2_84-.Ltmp61, $2  }
0x22b: {  	_ =	sdelay $0x2  }
0x22c: {  	v4 =	vld [tilespmem:s0+$0x4E40]  }
0x22d: {  	s2 =	simm.s32 $0x40;
	v5 =	vadd.s32 s31, v2;
	s17 =	simm.s32 $0x0;
	s11 =	smov.u32 s31  }
.LBB2_52:
0x22e: {  	p1 =	sne.s32 s2, $0x3FC0  }
0x22f: {  	[tilespmem:s17+$0x11C60] =	vst v5;
	s11 =	sadd.s32 $0x10, s11;
	s0 =	smov.u32 s2;
	s2 =	sadd.s32 $0x40, s2  }
.Ltmp62:
0x230: {  	(pc) =	sbr.rel @p1 .LBB2_52-.Ltmp62, $2  }
0x231: {  	_ =	sdelay $0x2  }
0x232: {  	v5 =	vadd.s32 s11, v2;
	s17 =	sshra.s32 s0, $0x2  }
0x233: {  	[tilespmem:s17+$0x11C60] =	vst v5  }
0x234: {  	[spmem:s3] =	stream.indirect.scatter.add.f32 [tilespmem:s12], [sflag:$0x5], $0x1, s22, s21, $0xb8;
	[tilespmem:$0x14CE0] =	vst v63  }
0x235: {  	_ =	swait.ge [sflag:s13], $0x1000  }
0x236: {  	[sflag:s13] =	ssyncset.done $0x0  }
0x237: {  	s2 =	simm.s32 $0x40;
	s0 =	simm.s32 $0x0;
	[sflag:s13] =	ssyncadd.s32 $0xFFFFF000  }
.LBB2_54:
0x238: {  	p1 =	seq.s32 s2, $0x3FC0;
	[tilespmem:s0+$0x9C60] =	vst v0;
	s0 =	smov.u32 s2;
	s2 =	sadd.s32 $0x40, s2  }
.Ltmp63:
0x239: {  	(pc) =	sbr.rel @!p1 .LBB2_54-.Ltmp63, $2  }
0x23a: {  	_ =	sdelay $0x2  }
0x23b: {  	s0 =	sshra.s32 s0, $0x2  }
0x23c: {  	s2 =	sadd.s32 $0x1000, s31  }
0x23d: {  	[tilespmem:s0+$0x9C60] =	vst v0;
	s11 =	simm.s32 $0x40;
	s0 =	simm.s32 $0x0;
	v5 =	vadd.s32 s2, v2  }
.LBB2_56:
0x23e: {  	p1 =	sne.s32 s11, $0x3FC0  }
0x23f: {  	[tilespmem:s0+$0x11C60] =	vst v5;
	s2 =	sadd.s32 $0x10, s2;
	s0 =	smov.u32 s11;
	s11 =	sadd.s32 $0x40, s11  }
.Ltmp64:
0x240: {  	(pc) =	sbr.rel @p1 .LBB2_56-.Ltmp64, $2  }
0x241: {  	_ =	sdelay $0x2  }
0x242: {  	v5 =	vadd.s32 s2, v2;
	s0 =	sshra.s32 s0, $0x2  }
0x243: {  	[tilespmem:s0+$0x11C60] =	vst v5  }
0x244: {  	[spmem:s3] =	stream.indirect.scatter.add.f32 [tilespmem:s23], [sflag:$0x5], $0x1, s22, s21, $0xb8;
	[tilespmem:$0x14CE0] =	vst v63  }
0x245: {  	_ =	swait.ge [sflag:s13], $0x1000  }
0x246: {  	[sflag:s13] =	ssyncset.done $0x0  }
0x247: {  	s2 =	simm.s32 $0x40;
	s0 =	simm.s32 $0x0;
	[sflag:s13] =	ssyncadd.s32 $0xFFFFF000  }
.LBB2_58:
0x248: {  	p1 =	seq.s32 s2, $0x3FC0;
	[tilespmem:s0+$0xAC60] =	vst v0;
	s0 =	smov.u32 s2;
	s2 =	sadd.s32 $0x40, s2  }
.Ltmp65:
0x249: {  	(pc) =	sbr.rel @!p1 .LBB2_58-.Ltmp65, $2  }
0x24a: {  	_ =	sdelay $0x2  }
0x24b: {  	s0 =	sshra.s32 s0, $0x2  }
0x24c: {  	s2 =	sadd.s32 $0x2000, s31  }
0x24d: {  	[tilespmem:s0+$0xAC60] =	vst v0;
	s11 =	simm.s32 $0x40;
	s0 =	simm.s32 $0x0;
	v5 =	vadd.s32 s2, v2  }
.LBB2_60:
0x24e: {  	p1 =	sne.s32 s11, $0x3FC0  }
0x24f: {  	[tilespmem:s0+$0x11C60] =	vst v5;
	s2 =	sadd.s32 $0x10, s2;
	s0 =	smov.u32 s11;
	s11 =	sadd.s32 $0x40, s11  }
.Ltmp66:
0x250: {  	(pc) =	sbr.rel @p1 .LBB2_60-.Ltmp66, $2  }
0x251: {  	_ =	sdelay $0x2  }
0x252: {  	v5 =	vadd.s32 s2, v2;
	s0 =	sshra.s32 s0, $0x2  }
0x253: {  	[tilespmem:s0+$0x11C60] =	vst v5  }
0x254: {  	[spmem:s3] =	stream.indirect.scatter.add.f32 [tilespmem:s24], [sflag:$0x5], $0x1, s22, s21, $0xb8;
	[tilespmem:$0x14CE0] =	vst v63  }
0x255: {  	_ =	swait.ge [sflag:s13], $0x1000  }
0x256: {  	[sflag:s13] =	ssyncset.done $0x0  }
0x257: {  	s2 =	simm.s32 $0x40;
	s0 =	simm.s32 $0x0;
	[sflag:s13] =	ssyncadd.s32 $0xFFFFF000  }
.LBB2_62:
0x258: {  	p1 =	seq.s32 s2, $0x3FC0;
	[tilespmem:s0+$0xBC60] =	vst v0;
	s0 =	smov.u32 s2;
	s2 =	sadd.s32 $0x40, s2  }
.Ltmp67:
0x259: {  	(pc) =	sbr.rel @!p1 .LBB2_62-.Ltmp67, $2  }
0x25a: {  	_ =	sdelay $0x2  }
0x25b: {  	s0 =	sshra.s32 s0, $0x2  }
0x25c: {  	s2 =	sadd.s32 $0x3000, s31  }
0x25d: {  	[tilespmem:s0+$0xBC60] =	vst v0;
	s11 =	simm.s32 $0x40;
	s0 =	simm.s32 $0x0;
	v5 =	vadd.s32 s2, v2  }
.LBB2_64:
0x25e: {  	p1 =	sne.s32 s11, $0x3FC0  }
0x25f: {  	[tilespmem:s0+$0x11C60] =	vst v5;
	s2 =	sadd.s32 $0x10, s2;
	s0 =	smov.u32 s11;
	s11 =	sadd.s32 $0x40, s11  }
.Ltmp68:
0x260: {  	(pc) =	sbr.rel @p1 .LBB2_64-.Ltmp68, $2  }
0x261: {  	_ =	sdelay $0x2  }
0x262: {  	v5 =	vadd.s32 s2, v2;
	s0 =	sshra.s32 s0, $0x2  }
0x263: {  	[tilespmem:s0+$0x11C60] =	vst v5  }
0x264: {  	[spmem:s3] =	stream.indirect.scatter.add.f32 [tilespmem:s25], [sflag:$0x5], $0x1, s22, s21, $0xb8;
	[tilespmem:$0x14CE0] =	vst v63  }
0x265: {  	_ =	swait.ge [sflag:s13], $0x1000  }
0x266: {  	[sflag:s13] =	ssyncset.done $0x0  }
0x267: {  	s2 =	simm.s32 $0x40;
	s0 =	simm.s32 $0x0;
	[sflag:s13] =	ssyncadd.s32 $0xFFFFF000  }
.LBB2_66:
0x268: {  	p1 =	seq.s32 s2, $0x3FC0;
	[tilespmem:s0+$0xCC60] =	vst v0;
	s0 =	smov.u32 s2;
	s2 =	sadd.s32 $0x40, s2  }
.Ltmp69:
0x269: {  	(pc) =	sbr.rel @!p1 .LBB2_66-.Ltmp69, $2  }
0x26a: {  	_ =	sdelay $0x2  }
0x26b: {  	s0 =	sshra.s32 s0, $0x2  }
0x26c: {  	s2 =	sadd.s32 $0x4000, s31  }
0x26d: {  	[tilespmem:s0+$0xCC60] =	vst v0;
	s11 =	simm.s32 $0x40;
	s0 =	simm.s32 $0x0;
	v5 =	vadd.s32 s2, v2  }
.LBB2_68:
0x26e: {  	p1 =	sne.s32 s11, $0x3FC0  }
0x26f: {  	[tilespmem:s0+$0x11C60] =	vst v5;
	s2 =	sadd.s32 $0x10, s2;
	s0 =	smov.u32 s11;
	s11 =	sadd.s32 $0x40, s11  }
.Ltmp70:
0x270: {  	(pc) =	sbr.rel @p1 .LBB2_68-.Ltmp70, $2  }
0x271: {  	_ =	sdelay $0x2  }
0x272: {  	v5 =	vadd.s32 s2, v2;
	s0 =	sshra.s32 s0, $0x2  }
0x273: {  	[tilespmem:s0+$0x11C60] =	vst v5  }
0x274: {  	[spmem:s3] =	stream.indirect.scatter.add.f32 [tilespmem:s26], [sflag:$0x5], $0x1, s22, s21, $0xb8;
	[tilespmem:$0x14CE0] =	vst v63  }
0x275: {  	_ =	swait.ge [sflag:s13], $0x1000  }
0x276: {  	[sflag:s13] =	ssyncset.done $0x0  }
0x277: {  	s2 =	simm.s32 $0x40;
	s0 =	simm.s32 $0x0;
	[sflag:s13] =	ssyncadd.s32 $0xFFFFF000  }
.LBB2_70:
0x278: {  	p1 =	seq.s32 s2, $0x3FC0;
	[tilespmem:s0+$0xDC60] =	vst v0;
	s0 =	smov.u32 s2;
	s2 =	sadd.s32 $0x40, s2  }
.Ltmp71:
0x279: {  	(pc) =	sbr.rel @!p1 .LBB2_70-.Ltmp71, $2  }
0x27a: {  	_ =	sdelay $0x2  }
0x27b: {  	s0 =	sshra.s32 s0, $0x2  }
0x27c: {  	s2 =	sadd.s32 $0x5000, s31  }
0x27d: {  	[tilespmem:s0+$0xDC60] =	vst v0;
	s11 =	simm.s32 $0x40;
	s0 =	simm.s32 $0x0;
	v5 =	vadd.s32 s2, v2  }
.LBB2_72:
0x27e: {  	p1 =	sne.s32 s11, $0x3FC0  }
0x27f: {  	[tilespmem:s0+$0x11C60] =	vst v5;
	s2 =	sadd.s32 $0x10, s2;
	s0 =	smov.u32 s11;
	s11 =	sadd.s32 $0x40, s11  }
.Ltmp72:
0x280: {  	(pc) =	sbr.rel @p1 .LBB2_72-.Ltmp72, $2  }
0x281: {  	_ =	sdelay $0x2  }
0x282: {  	v5 =	vadd.s32 s2, v2;
	s0 =	sshra.s32 s0, $0x2  }
0x283: {  	[tilespmem:s0+$0x11C60] =	vst v5  }
0x284: {  	[spmem:s3] =	stream.indirect.scatter.add.f32 [tilespmem:s28], [sflag:$0x5], $0x1, s22, s21, $0xb8;
	[tilespmem:$0x14CE0] =	vst v63  }
0x285: {  	_ =	swait.ge [sflag:s13], $0x1000  }
0x286: {  	[sflag:s13] =	ssyncset.done $0x0  }
0x287: {  	s2 =	simm.s32 $0x40;
	s0 =	simm.s32 $0x0;
	[sflag:s13] =	ssyncadd.s32 $0xFFFFF000  }
.LBB2_74:
0x288: {  	p1 =	seq.s32 s2, $0x3FC0;
	[tilespmem:s0+$0xEC60] =	vst v0;
	s0 =	smov.u32 s2;
	s2 =	sadd.s32 $0x40, s2  }
.Ltmp73:
0x289: {  	(pc) =	sbr.rel @!p1 .LBB2_74-.Ltmp73, $2  }
0x28a: {  	_ =	sdelay $0x2  }
0x28b: {  	s0 =	sshra.s32 s0, $0x2  }
0x28c: {  	s2 =	sadd.s32 $0x6000, s31  }
0x28d: {  	[tilespmem:s0+$0xEC60] =	vst v0;
	s11 =	simm.s32 $0x40;
	s0 =	simm.s32 $0x0;
	v5 =	vadd.s32 s2, v2  }
.LBB2_76:
0x28e: {  	p1 =	sne.s32 s11, $0x3FC0  }
0x28f: {  	[tilespmem:s0+$0x11C60] =	vst v5;
	s2 =	sadd.s32 $0x10, s2;
	s0 =	smov.u32 s11;
	s11 =	sadd.s32 $0x40, s11  }
.Ltmp74:
0x290: {  	(pc) =	sbr.rel @p1 .LBB2_76-.Ltmp74, $2  }
0x291: {  	_ =	sdelay $0x2  }
0x292: {  	v5 =	vadd.s32 s2, v2;
	s0 =	sshra.s32 s0, $0x2  }
0x293: {  	[tilespmem:s0+$0x11C60] =	vst v5  }
0x294: {  	[spmem:s3] =	stream.indirect.scatter.add.f32 [tilespmem:s29], [sflag:$0x5], $0x1, s22, s21, $0xb8;
	[tilespmem:$0x14CE0] =	vst v63  }
0x295: {  	_ =	swait.ge [sflag:s13], $0x1000  }
0x296: {  	[sflag:s13] =	ssyncset.done $0x0  }
0x297: {  	s2 =	simm.s32 $0x40;
	s0 =	simm.s32 $0x0;
	[sflag:s13] =	ssyncadd.s32 $0xFFFFF000  }
.LBB2_78:
0x298: {  	p1 =	seq.s32 s2, $0x3FC0;
	[tilespmem:s0+$0xFC60] =	vst v0;
	s0 =	smov.u32 s2;
	s2 =	sadd.s32 $0x40, s2  }
.Ltmp75:
0x299: {  	(pc) =	sbr.rel @!p1 .LBB2_78-.Ltmp75, $2  }
0x29a: {  	_ =	sdelay $0x2  }
0x29b: {  	s0 =	sshra.s32 s0, $0x2  }
0x29c: {  	s2 =	sadd.s32 $0x7000, s31  }
0x29d: {  	[tilespmem:s0+$0xFC60] =	vst v0;
	s11 =	simm.s32 $0x40;
	s0 =	simm.s32 $0x0;
	v5 =	vadd.s32 s2, v2  }
.LBB2_80:
0x29e: {  	p1 =	sne.s32 s11, $0x3FC0  }
0x29f: {  	[tilespmem:s0+$0x11C60] =	vst v5;
	s2 =	sadd.s32 $0x10, s2;
	s0 =	smov.u32 s11;
	s11 =	sadd.s32 $0x40, s11  }
.Ltmp76:
0x2a0: {  	(pc) =	sbr.rel @p1 .LBB2_80-.Ltmp76, $2  }
0x2a1: {  	_ =	sdelay $0x2  }
0x2a2: {  	v5 =	vadd.s32 s2, v2;
	s0 =	sshra.s32 s0, $0x2  }
0x2a3: {  	[tilespmem:s0+$0x11C60] =	vst v5  }
0x2a4: {  	[spmem:s3] =	stream.indirect.scatter.add.f32 [tilespmem:s30], [sflag:$0x5], $0x1, s22, s21, $0xb8;
	[tilespmem:$0x14CE0] =	vst v63  }
0x2a5: {  	_ =	swait.ge [sflag:s13], $0x1000  }
0x2a6: {  	[sflag:s13] =	ssyncset.done $0x0  }
0x2a7: {  	s2 =	simm.s32 $0x40;
	s11 =	simm.s32 $0x0;
	[sflag:s13] =	ssyncadd.s32 $0xFFFFF000  }
.LBB2_82:
0x2a8: {  	p1 =	sne.s32 s2, $0x3FC0;
	[tilespmem:s11+$0x10C60] =	vst v0;
	s0 =	smov.u32 s2;
	s2 =	sadd.s32 $0x40, s2  }
.Ltmp77:
0x2a9: {  	(pc) =	sbr.rel @p1 .LBB2_82-.Ltmp77, $2  }
0x2aa: {  	_ =	sdelay $0x2  }
0x2ab: {  	s11 =	sshra.s32 s0, $0x2  }
0x2ac: {  	(v2sf) =	vpush v3, $0x0;
	_ =	sdelay $0xe  }
0x2ad: {  	s0 =	spop (v2sf)  }
0x2ae: {  	[tilespmem:s11+$0x10C60] =	vst v0;
	s31 =	sand.u32 $0xFFFFFF80, s0  }
.LBB2_84:
.Ltmp78:
0x2af: {  	(pc) =	sbr.rel .LBB2_85-.Ltmp78, $2  }
0x2b0: {  	_ =	sdelay $0x2  }
0x2b1: {  	s11 =	simm.s32 $0x0;
	s2 =	smov.u32 s31  }
.LBB2_119:
0x2b2: {  	s11 =	sadd.s32 $0x1, s11  }
0x2b3: {  	s31 =	smov.u32 @p1 s2;
	p1 =	sne.s32 s11, $0x4  }
.Ltmp79:
0x2b4: {  	_ = 	snop;
	(pc) =	sbr.rel @!p1 .LBB2_120-.Ltmp79, $2  }
0x2b5: {  	_ =	sdelay $0x2  }
0x2b6: {  	s2 =	smov.u32 s31  }
.LBB2_85:
0x2b7: {  	v5 =	vmov s2  }
0x2b8: {  	v5 =	vsub.s32 v3, v5  }
0x2b9: {  	vm2 =	vgt.s32 v5, $0x0  }
0x2ba: {  	s31 =	sadd.s32 $0x8000, s2;
	vm3 =	vlt.u32 v5, $0x8000;
	v5 =	vnsel vm2, $0x0, v5  }
0x2bb: {  	p1 =	slt.s32 s10, s31;
	v5 =	vmin.u32 v5, $0x7FFF  }
.Ltmp80:
0x2bc: {  	_ = 	snop;
	(pc) =	sbr.rel @p1 .LBB2_119-.Ltmp80, $2  }
0x2bd: {  	_ =	sdelay $0x2  }
0x2be: {  	[tilespmem:v5+s12+$0x0] =	vst.idx.add.f32.msk vm3, v4  }
0x2bf: {  	s17 =	simm.s32 $0x40;
	v5 =	vadd.s32 s2, v2;
	s0 =	simm.s32 $0x0;
	s18 =	smov.u32 s2  }
.LBB2_87:
0x2c0: {  	p2 =	sne.s32 s17, $0x3FC0  }
0x2c1: {  	[tilespmem:s0+$0x11C60] =	vst v5;
	s18 =	sadd.s32 $0x10, s18;
	s0 =	smov.u32 s17;
	s17 =	sadd.s32 $0x40, s17  }
.Ltmp81:
0x2c2: {  	(pc) =	sbr.rel @p2 .LBB2_87-.Ltmp81, $2  }
0x2c3: {  	_ =	sdelay $0x2  }
0x2c4: {  	v5 =	vadd.s32 s18, v2;
	s0 =	sshra.s32 s0, $0x2  }
0x2c5: {  	[tilespmem:s0+$0x11C60] =	vst v5  }
0x2c6: {  	[spmem:s3] =	stream.indirect.scatter.add.f32 [tilespmem:s12], [sflag:$0x5], $0x1, s22, s21, $0xb8;
	[tilespmem:$0x14CE0] =	vst v63  }
0x2c7: {  	_ =	swait.ge [sflag:s13], $0x1000  }
0x2c8: {  	[sflag:s13] =	ssyncset.done $0x0  }
0x2c9: {  	s17 =	simm.s32 $0x40;
	s0 =	simm.s32 $0x0;
	[sflag:s13] =	ssyncadd.s32 $0xFFFFF000  }
.LBB2_89:
0x2ca: {  	p2 =	seq.s32 s17, $0x3FC0;
	[tilespmem:s0+$0x9C60] =	vst v0;
	s0 =	smov.u32 s17;
	s17 =	sadd.s32 $0x40, s17  }
.Ltmp82:
0x2cb: {  	(pc) =	sbr.rel @!p2 .LBB2_89-.Ltmp82, $2  }
0x2cc: {  	_ =	sdelay $0x2  }
0x2cd: {  	s0 =	sshra.s32 s0, $0x2  }
0x2ce: {  	s17 =	sadd.s32 $0x1000, s2  }
0x2cf: {  	[tilespmem:s0+$0x9C60] =	vst v0;
	s18 =	simm.s32 $0x40;
	s0 =	simm.s32 $0x0;
	v5 =	vadd.s32 s17, v2  }
.LBB2_91:
0x2d0: {  	p2 =	sne.s32 s18, $0x3FC0  }
0x2d1: {  	[tilespmem:s0+$0x11C60] =	vst v5;
	s17 =	sadd.s32 $0x10, s17;
	s0 =	smov.u32 s18;
	s18 =	sadd.s32 $0x40, s18  }
.Ltmp83:
0x2d2: {  	(pc) =	sbr.rel @p2 .LBB2_91-.Ltmp83, $2  }
0x2d3: {  	_ =	sdelay $0x2  }
0x2d4: {  	v5 =	vadd.s32 s17, v2;
	s0 =	sshra.s32 s0, $0x2  }
0x2d5: {  	[tilespmem:s0+$0x11C60] =	vst v5  }
0x2d6: {  	[spmem:s3] =	stream.indirect.scatter.add.f32 [tilespmem:s23], [sflag:$0x5], $0x1, s22, s21, $0xb8;
	[tilespmem:$0x14CE0] =	vst v63  }
0x2d7: {  	_ =	swait.ge [sflag:s13], $0x1000  }
0x2d8: {  	[sflag:s13] =	ssyncset.done $0x0  }
0x2d9: {  	s17 =	simm.s32 $0x40;
	s0 =	simm.s32 $0x0;
	[sflag:s13] =	ssyncadd.s32 $0xFFFFF000  }
.LBB2_93:
0x2da: {  	p2 =	seq.s32 s17, $0x3FC0;
	[tilespmem:s0+$0xAC60] =	vst v0;
	s0 =	smov.u32 s17;
	s17 =	sadd.s32 $0x40, s17  }
.Ltmp84:
0x2db: {  	(pc) =	sbr.rel @!p2 .LBB2_93-.Ltmp84, $2  }
0x2dc: {  	_ =	sdelay $0x2  }
0x2dd: {  	s0 =	sshra.s32 s0, $0x2  }
0x2de: {  	s17 =	sadd.s32 $0x2000, s2  }
0x2df: {  	[tilespmem:s0+$0xAC60] =	vst v0;
	s18 =	simm.s32 $0x40;
	s0 =	simm.s32 $0x0;
	v5 =	vadd.s32 s17, v2  }
.LBB2_95:
0x2e0: {  	p2 =	sne.s32 s18, $0x3FC0  }
0x2e1: {  	[tilespmem:s0+$0x11C60] =	vst v5;
	s17 =	sadd.s32 $0x10, s17;
	s0 =	smov.u32 s18;
	s18 =	sadd.s32 $0x40, s18  }
.Ltmp85:
0x2e2: {  	(pc) =	sbr.rel @p2 .LBB2_95-.Ltmp85, $2  }
0x2e3: {  	_ =	sdelay $0x2  }
0x2e4: {  	v5 =	vadd.s32 s17, v2;
	s0 =	sshra.s32 s0, $0x2  }
0x2e5: {  	[tilespmem:s0+$0x11C60] =	vst v5  }
0x2e6: {  	[spmem:s3] =	stream.indirect.scatter.add.f32 [tilespmem:s24], [sflag:$0x5], $0x1, s22, s21, $0xb8;
	[tilespmem:$0x14CE0] =	vst v63  }
0x2e7: {  	_ =	swait.ge [sflag:s13], $0x1000  }
0x2e8: {  	[sflag:s13] =	ssyncset.done $0x0  }
0x2e9: {  	s17 =	simm.s32 $0x40;
	s0 =	simm.s32 $0x0;
	[sflag:s13] =	ssyncadd.s32 $0xFFFFF000  }
.LBB2_97:
0x2ea: {  	p2 =	seq.s32 s17, $0x3FC0;
	[tilespmem:s0+$0xBC60] =	vst v0;
	s0 =	smov.u32 s17;
	s17 =	sadd.s32 $0x40, s17  }
.Ltmp86:
0x2eb: {  	(pc) =	sbr.rel @!p2 .LBB2_97-.Ltmp86, $2  }
0x2ec: {  	_ =	sdelay $0x2  }
0x2ed: {  	s0 =	sshra.s32 s0, $0x2  }
0x2ee: {  	s17 =	sadd.s32 $0x3000, s2  }
0x2ef: {  	[tilespmem:s0+$0xBC60] =	vst v0;
	s18 =	simm.s32 $0x40;
	s0 =	simm.s32 $0x0;
	v5 =	vadd.s32 s17, v2  }
.LBB2_99:
0x2f0: {  	p2 =	sne.s32 s18, $0x3FC0  }
0x2f1: {  	[tilespmem:s0+$0x11C60] =	vst v5;
	s17 =	sadd.s32 $0x10, s17;
	s0 =	smov.u32 s18;
	s18 =	sadd.s32 $0x40, s18  }
.Ltmp87:
0x2f2: {  	(pc) =	sbr.rel @p2 .LBB2_99-.Ltmp87, $2  }
0x2f3: {  	_ =	sdelay $0x2  }
0x2f4: {  	v5 =	vadd.s32 s17, v2;
	s0 =	sshra.s32 s0, $0x2  }
0x2f5: {  	[tilespmem:s0+$0x11C60] =	vst v5  }
0x2f6: {  	[spmem:s3] =	stream.indirect.scatter.add.f32 [tilespmem:s25], [sflag:$0x5], $0x1, s22, s21, $0xb8;
	[tilespmem:$0x14CE0] =	vst v63  }
0x2f7: {  	_ =	swait.ge [sflag:s13], $0x1000  }
0x2f8: {  	[sflag:s13] =	ssyncset.done $0x0  }
0x2f9: {  	s17 =	simm.s32 $0x40;
	s0 =	simm.s32 $0x0;
	[sflag:s13] =	ssyncadd.s32 $0xFFFFF000  }
.LBB2_101:
0x2fa: {  	p2 =	seq.s32 s17, $0x3FC0;
	[tilespmem:s0+$0xCC60] =	vst v0;
	s0 =	smov.u32 s17;
	s17 =	sadd.s32 $0x40, s17  }
.Ltmp88:
0x2fb: {  	(pc) =	sbr.rel @!p2 .LBB2_101-.Ltmp88, $2  }
0x2fc: {  	_ =	sdelay $0x2  }
0x2fd: {  	s0 =	sshra.s32 s0, $0x2  }
0x2fe: {  	s17 =	sadd.s32 $0x4000, s2  }
0x2ff: {  	[tilespmem:s0+$0xCC60] =	vst v0;
	s18 =	simm.s32 $0x40;
	s0 =	simm.s32 $0x0;
	v5 =	vadd.s32 s17, v2  }
.LBB2_103:
0x300: {  	p2 =	sne.s32 s18, $0x3FC0  }
0x301: {  	[tilespmem:s0+$0x11C60] =	vst v5;
	s17 =	sadd.s32 $0x10, s17;
	s0 =	smov.u32 s18;
	s18 =	sadd.s32 $0x40, s18  }
.Ltmp89:
0x302: {  	(pc) =	sbr.rel @p2 .LBB2_103-.Ltmp89, $2  }
0x303: {  	_ =	sdelay $0x2  }
0x304: {  	v5 =	vadd.s32 s17, v2;
	s0 =	sshra.s32 s0, $0x2  }
0x305: {  	[tilespmem:s0+$0x11C60] =	vst v5  }
0x306: {  	[spmem:s3] =	stream.indirect.scatter.add.f32 [tilespmem:s26], [sflag:$0x5], $0x1, s22, s21, $0xb8;
	[tilespmem:$0x14CE0] =	vst v63  }
0x307: {  	_ =	swait.ge [sflag:s13], $0x1000  }
0x308: {  	[sflag:s13] =	ssyncset.done $0x0  }
0x309: {  	s17 =	simm.s32 $0x40;
	s0 =	simm.s32 $0x0;
	[sflag:s13] =	ssyncadd.s32 $0xFFFFF000  }
.LBB2_105:
0x30a: {  	p2 =	seq.s32 s17, $0x3FC0;
	[tilespmem:s0+$0xDC60] =	vst v0;
	s0 =	smov.u32 s17;
	s17 =	sadd.s32 $0x40, s17  }
.Ltmp90:
0x30b: {  	(pc) =	sbr.rel @!p2 .LBB2_105-.Ltmp90, $2  }
0x30c: {  	_ =	sdelay $0x2  }
0x30d: {  	s0 =	sshra.s32 s0, $0x2  }
0x30e: {  	s17 =	sadd.s32 $0x5000, s2  }
0x30f: {  	[tilespmem:s0+$0xDC60] =	vst v0;
	s18 =	simm.s32 $0x40;
	s0 =	simm.s32 $0x0;
	v5 =	vadd.s32 s17, v2  }
.LBB2_107:
0x310: {  	p2 =	sne.s32 s18, $0x3FC0  }
0x311: {  	[tilespmem:s0+$0x11C60] =	vst v5;
	s17 =	sadd.s32 $0x10, s17;
	s0 =	smov.u32 s18;
	s18 =	sadd.s32 $0x40, s18  }
.Ltmp91:
0x312: {  	(pc) =	sbr.rel @p2 .LBB2_107-.Ltmp91, $2  }
0x313: {  	_ =	sdelay $0x2  }
0x314: {  	v5 =	vadd.s32 s17, v2;
	s0 =	sshra.s32 s0, $0x2  }
0x315: {  	[tilespmem:s0+$0x11C60] =	vst v5  }
0x316: {  	[spmem:s3] =	stream.indirect.scatter.add.f32 [tilespmem:s28], [sflag:$0x5], $0x1, s22, s21, $0xb8;
	[tilespmem:$0x14CE0] =	vst v63  }
0x317: {  	_ =	swait.ge [sflag:s13], $0x1000  }
0x318: {  	[sflag:s13] =	ssyncset.done $0x0  }
0x319: {  	s17 =	simm.s32 $0x40;
	s0 =	simm.s32 $0x0;
	[sflag:s13] =	ssyncadd.s32 $0xFFFFF000  }
.LBB2_109:
0x31a: {  	p2 =	seq.s32 s17, $0x3FC0;
	[tilespmem:s0+$0xEC60] =	vst v0;
	s0 =	smov.u32 s17;
	s17 =	sadd.s32 $0x40, s17  }
.Ltmp92:
0x31b: {  	(pc) =	sbr.rel @!p2 .LBB2_109-.Ltmp92, $2  }
0x31c: {  	_ =	sdelay $0x2  }
0x31d: {  	s0 =	sshra.s32 s0, $0x2  }
0x31e: {  	s17 =	sadd.s32 $0x6000, s2  }
0x31f: {  	[tilespmem:s0+$0xEC60] =	vst v0;
	s18 =	simm.s32 $0x40;
	s0 =	simm.s32 $0x0;
	v5 =	vadd.s32 s17, v2  }
.LBB2_111:
0x320: {  	p2 =	sne.s32 s18, $0x3FC0  }
0x321: {  	[tilespmem:s0+$0x11C60] =	vst v5;
	s17 =	sadd.s32 $0x10, s17;
	s0 =	smov.u32 s18;
	s18 =	sadd.s32 $0x40, s18  }
.Ltmp93:
0x322: {  	(pc) =	sbr.rel @p2 .LBB2_111-.Ltmp93, $2  }
0x323: {  	_ =	sdelay $0x2  }
0x324: {  	v5 =	vadd.s32 s17, v2;
	s0 =	sshra.s32 s0, $0x2  }
0x325: {  	[tilespmem:s0+$0x11C60] =	vst v5  }
0x326: {  	[spmem:s3] =	stream.indirect.scatter.add.f32 [tilespmem:s29], [sflag:$0x5], $0x1, s22, s21, $0xb8;
	[tilespmem:$0x14CE0] =	vst v63  }
0x327: {  	_ =	swait.ge [sflag:s13], $0x1000  }
0x328: {  	[sflag:s13] =	ssyncset.done $0x0  }
0x329: {  	s17 =	simm.s32 $0x40;
	s0 =	simm.s32 $0x0;
	[sflag:s13] =	ssyncadd.s32 $0xFFFFF000  }
.LBB2_113:
0x32a: {  	p2 =	seq.s32 s17, $0x3FC0;
	[tilespmem:s0+$0xFC60] =	vst v0;
	s0 =	smov.u32 s17;
	s17 =	sadd.s32 $0x40, s17  }
.Ltmp94:
0x32b: {  	(pc) =	sbr.rel @!p2 .LBB2_113-.Ltmp94, $2  }
0x32c: {  	_ =	sdelay $0x2  }
0x32d: {  	s0 =	sshra.s32 s0, $0x2  }
0x32e: {  	s17 =	sadd.s32 $0x7000, s2  }
0x32f: {  	[tilespmem:s0+$0xFC60] =	vst v0;
	s18 =	simm.s32 $0x40;
	s0 =	simm.s32 $0x0;
	v5 =	vadd.s32 s17, v2  }
.LBB2_115:
0x330: {  	p2 =	sne.s32 s18, $0x3FC0  }
0x331: {  	[tilespmem:s0+$0x11C60] =	vst v5;
	s17 =	sadd.s32 $0x10, s17;
	s0 =	smov.u32 s18;
	s18 =	sadd.s32 $0x40, s18  }
.Ltmp95:
0x332: {  	(pc) =	sbr.rel @p2 .LBB2_115-.Ltmp95, $2  }
0x333: {  	_ =	sdelay $0x2  }
0x334: {  	v5 =	vadd.s32 s17, v2;
	s0 =	sshra.s32 s0, $0x2  }
0x335: {  	[tilespmem:s0+$0x11C60] =	vst v5  }
0x336: {  	[spmem:s3] =	stream.indirect.scatter.add.f32 [tilespmem:s30], [sflag:$0x5], $0x1, s22, s21, $0xb8;
	[tilespmem:$0x14CE0] =	vst v63  }
0x337: {  	_ =	swait.ge [sflag:s13], $0x1000  }
0x338: {  	[sflag:s13] =	ssyncset.done $0x0  }
0x339: {  	s17 =	simm.s32 $0x40;
	s0 =	simm.s32 $0x0;
	[sflag:s13] =	ssyncadd.s32 $0xFFFFF000  }
.LBB2_117:
0x33a: {  	p2 =	sne.s32 s17, $0x3FC0;
	[tilespmem:s0+$0x10C60] =	vst v0;
	s0 =	smov.u32 s17;
	s17 =	sadd.s32 $0x40, s17  }
.Ltmp96:
0x33b: {  	(pc) =	sbr.rel @p2 .LBB2_117-.Ltmp96, $2  }
0x33c: {  	_ =	sdelay $0x2  }
0x33d: {  	s0 =	sshra.s32 s0, $0x2  }
.Ltmp97:
0x33e: {  	(pc) =	sbr.rel .LBB2_119-.Ltmp97, $2  }
0x33f: {  	_ =	sdelay $0x2  }
0x340: {  	[tilespmem:s0+$0x10C60] =	vst v0  }
.LBB2_237:
0x341: {  	s6 =	sadd.s32 $0x1, s6  }
0x342: {  	p1 =	sne.s32 s6, $0x271  }
.Ltmp98:
0x343: {  	_ = 	snop;
	(pc) =	sbr.rel @!p1 .LBB2_238-.Ltmp98, $1  }
0x344: {  	_ =	sdelay $0x3  }
.LBB2_167:
0x345: {  	s0 =	sshll.u32 s6, $0x4  }
0x346: {  	v3 =	vld [tilespmem:s0+$0x2720];
	_ =	sdelay $0x4  }
0x347: {  	(v2sf) =	vpush v3, $0xF;
	_ =	sdelay $0xe  }
0x348: {  	s2 =	sadd.s32 $0x8000, s31;
	s7 =	spop (v2sf)  }
0x349: {  	p1 =	slt.s32 s7, s2  }
.Ltmp99:
0x34a: {  	_ = 	snop;
	(pc) =	sbr.rel @p1 .LBB2_201-.Ltmp99, $2  }
0x34b: {  	_ =	sdelay $0x2  }
0x34c: {  	v4 =	vld [tilespmem:s0+$0x7550]  }
0x34d: {  	s2 =	simm.s32 $0x40;
	v5 =	vadd.s32 s31, v2;
	s0 =	simm.s32 $0x0;
	s10 =	smov.u32 s31  }
.LBB2_169:
0x34e: {  	p1 =	sne.s32 s2, $0x3FC0  }
0x34f: {  	[tilespmem:s0+$0x11C60] =	vst v5;
	s10 =	sadd.s32 $0x10, s10;
	s0 =	smov.u32 s2;
	s2 =	sadd.s32 $0x40, s2  }
.Ltmp100:
0x350: {  	(pc) =	sbr.rel @p1 .LBB2_169-.Ltmp100, $2  }
0x351: {  	_ =	sdelay $0x2  }
0x352: {  	v5 =	vadd.s32 s10, v2;
	s0 =	sshra.s32 s0, $0x2  }
0x353: {  	[tilespmem:s0+$0x11C60] =	vst v5  }
0x354: {  	[spmem:s3] =	stream.indirect.scatter.add.f32 [tilespmem:s12], [sflag:$0x5], $0x1, s22, s21, $0xb8;
	[tilespmem:$0x14CE0] =	vst v63  }
0x355: {  	_ =	swait.ge [sflag:s13], $0x1000  }
0x356: {  	[sflag:s13] =	ssyncset.done $0x0  }
0x357: {  	s2 =	simm.s32 $0x40;
	s0 =	simm.s32 $0x0;
	[sflag:s13] =	ssyncadd.s32 $0xFFFFF000  }
.LBB2_171:
0x358: {  	p1 =	seq.s32 s2, $0x3FC0;
	[tilespmem:s0+$0x9C60] =	vst v0;
	s0 =	smov.u32 s2;
	s2 =	sadd.s32 $0x40, s2  }
.Ltmp101:
0x359: {  	(pc) =	sbr.rel @!p1 .LBB2_171-.Ltmp101, $2  }
0x35a: {  	_ =	sdelay $0x2  }
0x35b: {  	s0 =	sshra.s32 s0, $0x2  }
0x35c: {  	s2 =	sadd.s32 $0x1000, s31  }
0x35d: {  	[tilespmem:s0+$0x9C60] =	vst v0;
	s10 =	simm.s32 $0x40;
	s0 =	simm.s32 $0x0;
	v5 =	vadd.s32 s2, v2  }
.LBB2_173:
0x35e: {  	p1 =	sne.s32 s10, $0x3FC0  }
0x35f: {  	[tilespmem:s0+$0x11C60] =	vst v5;
	s2 =	sadd.s32 $0x10, s2;
	s0 =	smov.u32 s10;
	s10 =	sadd.s32 $0x40, s10  }
.Ltmp102:
0x360: {  	(pc) =	sbr.rel @p1 .LBB2_173-.Ltmp102, $2  }
0x361: {  	_ =	sdelay $0x2  }
0x362: {  	v5 =	vadd.s32 s2, v2;
	s0 =	sshra.s32 s0, $0x2  }
0x363: {  	[tilespmem:s0+$0x11C60] =	vst v5  }
0x364: {  	[spmem:s3] =	stream.indirect.scatter.add.f32 [tilespmem:s23], [sflag:$0x5], $0x1, s22, s21, $0xb8;
	[tilespmem:$0x14CE0] =	vst v63  }
0x365: {  	_ =	swait.ge [sflag:s13], $0x1000  }
0x366: {  	[sflag:s13] =	ssyncset.done $0x0  }
0x367: {  	s2 =	simm.s32 $0x40;
	s0 =	simm.s32 $0x0;
	[sflag:s13] =	ssyncadd.s32 $0xFFFFF000  }
.LBB2_175:
0x368: {  	p1 =	seq.s32 s2, $0x3FC0;
	[tilespmem:s0+$0xAC60] =	vst v0;
	s0 =	smov.u32 s2;
	s2 =	sadd.s32 $0x40, s2  }
.Ltmp103:
0x369: {  	(pc) =	sbr.rel @!p1 .LBB2_175-.Ltmp103, $2  }
0x36a: {  	_ =	sdelay $0x2  }
0x36b: {  	s0 =	sshra.s32 s0, $0x2  }
0x36c: {  	s2 =	sadd.s32 $0x2000, s31  }
0x36d: {  	[tilespmem:s0+$0xAC60] =	vst v0;
	s10 =	simm.s32 $0x40;
	s0 =	simm.s32 $0x0;
	v5 =	vadd.s32 s2, v2  }
.LBB2_177:
0x36e: {  	p1 =	sne.s32 s10, $0x3FC0  }
0x36f: {  	[tilespmem:s0+$0x11C60] =	vst v5;
	s2 =	sadd.s32 $0x10, s2;
	s0 =	smov.u32 s10;
	s10 =	sadd.s32 $0x40, s10  }
.Ltmp104:
0x370: {  	(pc) =	sbr.rel @p1 .LBB2_177-.Ltmp104, $2  }
0x371: {  	_ =	sdelay $0x2  }
0x372: {  	v5 =	vadd.s32 s2, v2;
	s0 =	sshra.s32 s0, $0x2  }
0x373: {  	[tilespmem:s0+$0x11C60] =	vst v5  }
0x374: {  	[spmem:s3] =	stream.indirect.scatter.add.f32 [tilespmem:s24], [sflag:$0x5], $0x1, s22, s21, $0xb8;
	[tilespmem:$0x14CE0] =	vst v63  }
0x375: {  	_ =	swait.ge [sflag:s13], $0x1000  }
0x376: {  	[sflag:s13] =	ssyncset.done $0x0  }
0x377: {  	s2 =	simm.s32 $0x40;
	s0 =	simm.s32 $0x0;
	[sflag:s13] =	ssyncadd.s32 $0xFFFFF000  }
.LBB2_179:
0x378: {  	p1 =	seq.s32 s2, $0x3FC0;
	[tilespmem:s0+$0xBC60] =	vst v0;
	s0 =	smov.u32 s2;
	s2 =	sadd.s32 $0x40, s2  }
.Ltmp105:
0x379: {  	(pc) =	sbr.rel @!p1 .LBB2_179-.Ltmp105, $2  }
0x37a: {  	_ =	sdelay $0x2  }
0x37b: {  	s0 =	sshra.s32 s0, $0x2  }
0x37c: {  	s2 =	sadd.s32 $0x3000, s31  }
0x37d: {  	[tilespmem:s0+$0xBC60] =	vst v0;
	s10 =	simm.s32 $0x40;
	s0 =	simm.s32 $0x0;
	v5 =	vadd.s32 s2, v2  }
.LBB2_181:
0x37e: {  	p1 =	sne.s32 s10, $0x3FC0  }
0x37f: {  	[tilespmem:s0+$0x11C60] =	vst v5;
	s2 =	sadd.s32 $0x10, s2;
	s0 =	smov.u32 s10;
	s10 =	sadd.s32 $0x40, s10  }
.Ltmp106:
0x380: {  	(pc) =	sbr.rel @p1 .LBB2_181-.Ltmp106, $2  }
0x381: {  	_ =	sdelay $0x2  }
0x382: {  	v5 =	vadd.s32 s2, v2;
	s0 =	sshra.s32 s0, $0x2  }
0x383: {  	[tilespmem:s0+$0x11C60] =	vst v5  }
0x384: {  	[spmem:s3] =	stream.indirect.scatter.add.f32 [tilespmem:s25], [sflag:$0x5], $0x1, s22, s21, $0xb8;
	[tilespmem:$0x14CE0] =	vst v63  }
0x385: {  	_ =	swait.ge [sflag:s13], $0x1000  }
0x386: {  	[sflag:s13] =	ssyncset.done $0x0  }
0x387: {  	s2 =	simm.s32 $0x40;
	s0 =	simm.s32 $0x0;
	[sflag:s13] =	ssyncadd.s32 $0xFFFFF000  }
.LBB2_183:
0x388: {  	p1 =	seq.s32 s2, $0x3FC0;
	[tilespmem:s0+$0xCC60] =	vst v0;
	s0 =	smov.u32 s2;
	s2 =	sadd.s32 $0x40, s2  }
.Ltmp107:
0x389: {  	(pc) =	sbr.rel @!p1 .LBB2_183-.Ltmp107, $2  }
0x38a: {  	_ =	sdelay $0x2  }
0x38b: {  	s0 =	sshra.s32 s0, $0x2  }
0x38c: {  	s2 =	sadd.s32 $0x4000, s31  }
0x38d: {  	[tilespmem:s0+$0xCC60] =	vst v0;
	s10 =	simm.s32 $0x40;
	s0 =	simm.s32 $0x0;
	v5 =	vadd.s32 s2, v2  }
.LBB2_185:
0x38e: {  	p1 =	sne.s32 s10, $0x3FC0  }
0x38f: {  	[tilespmem:s0+$0x11C60] =	vst v5;
	s2 =	sadd.s32 $0x10, s2;
	s0 =	smov.u32 s10;
	s10 =	sadd.s32 $0x40, s10  }
.Ltmp108:
0x390: {  	(pc) =	sbr.rel @p1 .LBB2_185-.Ltmp108, $2  }
0x391: {  	_ =	sdelay $0x2  }
0x392: {  	v5 =	vadd.s32 s2, v2;
	s0 =	sshra.s32 s0, $0x2  }
0x393: {  	[tilespmem:s0+$0x11C60] =	vst v5  }
0x394: {  	[spmem:s3] =	stream.indirect.scatter.add.f32 [tilespmem:s26], [sflag:$0x5], $0x1, s22, s21, $0xb8;
	[tilespmem:$0x14CE0] =	vst v63  }
0x395: {  	_ =	swait.ge [sflag:s13], $0x1000  }
0x396: {  	[sflag:s13] =	ssyncset.done $0x0  }
0x397: {  	s2 =	simm.s32 $0x40;
	s0 =	simm.s32 $0x0;
	[sflag:s13] =	ssyncadd.s32 $0xFFFFF000  }
.LBB2_187:
0x398: {  	p1 =	seq.s32 s2, $0x3FC0;
	[tilespmem:s0+$0xDC60] =	vst v0;
	s0 =	smov.u32 s2;
	s2 =	sadd.s32 $0x40, s2  }
.Ltmp109:
0x399: {  	(pc) =	sbr.rel @!p1 .LBB2_187-.Ltmp109, $2  }
0x39a: {  	_ =	sdelay $0x2  }
0x39b: {  	s0 =	sshra.s32 s0, $0x2  }
0x39c: {  	s2 =	sadd.s32 $0x5000, s31  }
0x39d: {  	[tilespmem:s0+$0xDC60] =	vst v0;
	s10 =	simm.s32 $0x40;
	s0 =	simm.s32 $0x0;
	v5 =	vadd.s32 s2, v2  }
.LBB2_189:
0x39e: {  	p1 =	sne.s32 s10, $0x3FC0  }
0x39f: {  	[tilespmem:s0+$0x11C60] =	vst v5;
	s2 =	sadd.s32 $0x10, s2;
	s0 =	smov.u32 s10;
	s10 =	sadd.s32 $0x40, s10  }
.Ltmp110:
0x3a0: {  	(pc) =	sbr.rel @p1 .LBB2_189-.Ltmp110, $2  }
0x3a1: {  	_ =	sdelay $0x2  }
0x3a2: {  	v5 =	vadd.s32 s2, v2;
	s0 =	sshra.s32 s0, $0x2  }
0x3a3: {  	[tilespmem:s0+$0x11C60] =	vst v5  }
0x3a4: {  	[spmem:s3] =	stream.indirect.scatter.add.f32 [tilespmem:s28], [sflag:$0x5], $0x1, s22, s21, $0xb8;
	[tilespmem:$0x14CE0] =	vst v63  }
0x3a5: {  	_ =	swait.ge [sflag:s13], $0x1000  }
0x3a6: {  	[sflag:s13] =	ssyncset.done $0x0  }
0x3a7: {  	s2 =	simm.s32 $0x40;
	s0 =	simm.s32 $0x0;
	[sflag:s13] =	ssyncadd.s32 $0xFFFFF000  }
.LBB2_191:
0x3a8: {  	p1 =	seq.s32 s2, $0x3FC0;
	[tilespmem:s0+$0xEC60] =	vst v0;
	s0 =	smov.u32 s2;
	s2 =	sadd.s32 $0x40, s2  }
.Ltmp111:
0x3a9: {  	(pc) =	sbr.rel @!p1 .LBB2_191-.Ltmp111, $2  }
0x3aa: {  	_ =	sdelay $0x2  }
0x3ab: {  	s0 =	sshra.s32 s0, $0x2  }
0x3ac: {  	s2 =	sadd.s32 $0x6000, s31  }
0x3ad: {  	[tilespmem:s0+$0xEC60] =	vst v0;
	s10 =	simm.s32 $0x40;
	s0 =	simm.s32 $0x0;
	v5 =	vadd.s32 s2, v2  }
.LBB2_193:
0x3ae: {  	p1 =	sne.s32 s10, $0x3FC0  }
0x3af: {  	[tilespmem:s0+$0x11C60] =	vst v5;
	s2 =	sadd.s32 $0x10, s2;
	s0 =	smov.u32 s10;
	s10 =	sadd.s32 $0x40, s10  }
.Ltmp112:
0x3b0: {  	(pc) =	sbr.rel @p1 .LBB2_193-.Ltmp112, $2  }
0x3b1: {  	_ =	sdelay $0x2  }
0x3b2: {  	v5 =	vadd.s32 s2, v2;
	s0 =	sshra.s32 s0, $0x2  }
0x3b3: {  	[tilespmem:s0+$0x11C60] =	vst v5  }
0x3b4: {  	[spmem:s3] =	stream.indirect.scatter.add.f32 [tilespmem:s29], [sflag:$0x5], $0x1, s22, s21, $0xb8;
	[tilespmem:$0x14CE0] =	vst v63  }
0x3b5: {  	_ =	swait.ge [sflag:s13], $0x1000  }
0x3b6: {  	[sflag:s13] =	ssyncset.done $0x0  }
0x3b7: {  	s2 =	simm.s32 $0x40;
	s0 =	simm.s32 $0x0;
	[sflag:s13] =	ssyncadd.s32 $0xFFFFF000  }
.LBB2_195:
0x3b8: {  	p1 =	seq.s32 s2, $0x3FC0;
	[tilespmem:s0+$0xFC60] =	vst v0;
	s0 =	smov.u32 s2;
	s2 =	sadd.s32 $0x40, s2  }
.Ltmp113:
0x3b9: {  	(pc) =	sbr.rel @!p1 .LBB2_195-.Ltmp113, $2  }
0x3ba: {  	_ =	sdelay $0x2  }
0x3bb: {  	s0 =	sshra.s32 s0, $0x2  }
0x3bc: {  	s2 =	sadd.s32 $0x7000, s31  }
0x3bd: {  	[tilespmem:s0+$0xFC60] =	vst v0;
	s10 =	simm.s32 $0x40;
	s0 =	simm.s32 $0x0;
	v5 =	vadd.s32 s2, v2  }
.LBB2_197:
0x3be: {  	p1 =	sne.s32 s10, $0x3FC0  }
0x3bf: {  	[tilespmem:s0+$0x11C60] =	vst v5;
	s2 =	sadd.s32 $0x10, s2;
	s0 =	smov.u32 s10;
	s10 =	sadd.s32 $0x40, s10  }
.Ltmp114:
0x3c0: {  	(pc) =	sbr.rel @p1 .LBB2_197-.Ltmp114, $2  }
0x3c1: {  	_ =	sdelay $0x2  }
0x3c2: {  	v5 =	vadd.s32 s2, v2;
	s0 =	sshra.s32 s0, $0x2  }
0x3c3: {  	[tilespmem:s0+$0x11C60] =	vst v5  }
0x3c4: {  	[spmem:s3] =	stream.indirect.scatter.add.f32 [tilespmem:s30], [sflag:$0x5], $0x1, s22, s21, $0xb8;
	[tilespmem:$0x14CE0] =	vst v63  }
0x3c5: {  	_ =	swait.ge [sflag:s13], $0x1000  }
0x3c6: {  	[sflag:s13] =	ssyncset.done $0x0  }
0x3c7: {  	s2 =	simm.s32 $0x40;
	s10 =	simm.s32 $0x0;
	[sflag:s13] =	ssyncadd.s32 $0xFFFFF000  }
.LBB2_199:
0x3c8: {  	p1 =	sne.s32 s2, $0x3FC0;
	[tilespmem:s10+$0x10C60] =	vst v0;
	s0 =	smov.u32 s2;
	s2 =	sadd.s32 $0x40, s2  }
.Ltmp115:
0x3c9: {  	(pc) =	sbr.rel @p1 .LBB2_199-.Ltmp115, $2  }
0x3ca: {  	_ =	sdelay $0x2  }
0x3cb: {  	s10 =	sshra.s32 s0, $0x2  }
0x3cc: {  	(v2sf) =	vpush v3, $0x0;
	_ =	sdelay $0xe  }
0x3cd: {  	s0 =	spop (v2sf)  }
0x3ce: {  	[tilespmem:s10+$0x10C60] =	vst v0;
	s31 =	sand.u32 $0xFFFFFF80, s0  }
.LBB2_201:
.Ltmp116:
0x3cf: {  	(pc) =	sbr.rel .LBB2_202-.Ltmp116, $2  }
0x3d0: {  	_ =	sdelay $0x2  }
0x3d1: {  	s10 =	simm.s32 $0x0;
	s2 =	smov.u32 s31  }
.LBB2_236:
0x3d2: {  	s10 =	sadd.s32 $0x1, s10  }
0x3d3: {  	s31 =	smov.u32 @p1 s2;
	p1 =	sne.s32 s10, $0x4  }
.Ltmp117:
0x3d4: {  	_ = 	snop;
	(pc) =	sbr.rel @!p1 .LBB2_237-.Ltmp117, $2  }
0x3d5: {  	_ =	sdelay $0x2  }
0x3d6: {  	s2 =	smov.u32 s31  }
.LBB2_202:
0x3d7: {  	v5 =	vmov s2  }
0x3d8: {  	v5 =	vsub.s32 v3, v5  }
0x3d9: {  	vm2 =	vgt.s32 v5, $0x0  }
0x3da: {  	s31 =	sadd.s32 $0x8000, s2;
	vm3 =	vlt.u32 v5, $0x8000;
	v5 =	vnsel vm2, $0x0, v5  }
0x3db: {  	p1 =	slt.s32 s7, s31;
	v5 =	vmin.u32 v5, $0x7FFF  }
.Ltmp118:
0x3dc: {  	_ = 	snop;
	(pc) =	sbr.rel @p1 .LBB2_236-.Ltmp118, $2  }
0x3dd: {  	_ =	sdelay $0x2  }
0x3de: {  	[tilespmem:v5+s12+$0x0] =	vst.idx.add.f32.msk vm3, v4  }
0x3df: {  	s11 =	simm.s32 $0x40;
	v5 =	vadd.s32 s2, v2;
	s0 =	simm.s32 $0x0;
	s17 =	smov.u32 s2  }
.LBB2_204:
0x3e0: {  	p2 =	sne.s32 s11, $0x3FC0  }
0x3e1: {  	[tilespmem:s0+$0x11C60] =	vst v5;
	s17 =	sadd.s32 $0x10, s17;
	s0 =	smov.u32 s11;
	s11 =	sadd.s32 $0x40, s11  }
.Ltmp119:
0x3e2: {  	(pc) =	sbr.rel @p2 .LBB2_204-.Ltmp119, $2  }
0x3e3: {  	_ =	sdelay $0x2  }
0x3e4: {  	v5 =	vadd.s32 s17, v2;
	s0 =	sshra.s32 s0, $0x2  }
0x3e5: {  	[tilespmem:s0+$0x11C60] =	vst v5  }
0x3e6: {  	[spmem:s3] =	stream.indirect.scatter.add.f32 [tilespmem:s12], [sflag:$0x5], $0x1, s22, s21, $0xb8;
	[tilespmem:$0x14CE0] =	vst v63  }
0x3e7: {  	_ =	swait.ge [sflag:s13], $0x1000  }
0x3e8: {  	[sflag:s13] =	ssyncset.done $0x0  }
0x3e9: {  	s11 =	simm.s32 $0x40;
	s0 =	simm.s32 $0x0;
	[sflag:s13] =	ssyncadd.s32 $0xFFFFF000  }
.LBB2_206:
0x3ea: {  	p2 =	seq.s32 s11, $0x3FC0;
	[tilespmem:s0+$0x9C60] =	vst v0;
	s0 =	smov.u32 s11;
	s11 =	sadd.s32 $0x40, s11  }
.Ltmp120:
0x3eb: {  	(pc) =	sbr.rel @!p2 .LBB2_206-.Ltmp120, $2  }
0x3ec: {  	_ =	sdelay $0x2  }
0x3ed: {  	s0 =	sshra.s32 s0, $0x2  }
0x3ee: {  	s11 =	sadd.s32 $0x1000, s2  }
0x3ef: {  	[tilespmem:s0+$0x9C60] =	vst v0;
	s17 =	simm.s32 $0x40;
	s0 =	simm.s32 $0x0;
	v5 =	vadd.s32 s11, v2  }
.LBB2_208:
0x3f0: {  	p2 =	sne.s32 s17, $0x3FC0  }
0x3f1: {  	[tilespmem:s0+$0x11C60] =	vst v5;
	s11 =	sadd.s32 $0x10, s11;
	s0 =	smov.u32 s17;
	s17 =	sadd.s32 $0x40, s17  }
.Ltmp121:
0x3f2: {  	(pc) =	sbr.rel @p2 .LBB2_208-.Ltmp121, $2  }
0x3f3: {  	_ =	sdelay $0x2  }
0x3f4: {  	v5 =	vadd.s32 s11, v2;
	s0 =	sshra.s32 s0, $0x2  }
0x3f5: {  	[tilespmem:s0+$0x11C60] =	vst v5  }
0x3f6: {  	[spmem:s3] =	stream.indirect.scatter.add.f32 [tilespmem:s23], [sflag:$0x5], $0x1, s22, s21, $0xb8;
	[tilespmem:$0x14CE0] =	vst v63  }
0x3f7: {  	_ =	swait.ge [sflag:s13], $0x1000  }
0x3f8: {  	[sflag:s13] =	ssyncset.done $0x0  }
0x3f9: {  	s11 =	simm.s32 $0x40;
	s0 =	simm.s32 $0x0;
	[sflag:s13] =	ssyncadd.s32 $0xFFFFF000  }
.LBB2_210:
0x3fa: {  	p2 =	seq.s32 s11, $0x3FC0;
	[tilespmem:s0+$0xAC60] =	vst v0;
	s0 =	smov.u32 s11;
	s11 =	sadd.s32 $0x40, s11  }
.Ltmp122:
0x3fb: {  	(pc) =	sbr.rel @!p2 .LBB2_210-.Ltmp122, $2  }
0x3fc: {  	_ =	sdelay $0x2  }
0x3fd: {  	s0 =	sshra.s32 s0, $0x2  }
0x3fe: {  	s11 =	sadd.s32 $0x2000, s2  }
0x3ff: {  	[tilespmem:s0+$0xAC60] =	vst v0;
	s17 =	simm.s32 $0x40;
	s0 =	simm.s32 $0x0;
	v5 =	vadd.s32 s11, v2  }
.LBB2_212:
0x400: {  	p2 =	sne.s32 s17, $0x3FC0  }
0x401: {  	[tilespmem:s0+$0x11C60] =	vst v5;
	s11 =	sadd.s32 $0x10, s11;
	s0 =	smov.u32 s17;
	s17 =	sadd.s32 $0x40, s17  }
.Ltmp123:
0x402: {  	(pc) =	sbr.rel @p2 .LBB2_212-.Ltmp123, $2  }
0x403: {  	_ =	sdelay $0x2  }
0x404: {  	v5 =	vadd.s32 s11, v2;
	s0 =	sshra.s32 s0, $0x2  }
0x405: {  	[tilespmem:s0+$0x11C60] =	vst v5  }
0x406: {  	[spmem:s3] =	stream.indirect.scatter.add.f32 [tilespmem:s24], [sflag:$0x5], $0x1, s22, s21, $0xb8;
	[tilespmem:$0x14CE0] =	vst v63  }
0x407: {  	_ =	swait.ge [sflag:s13], $0x1000  }
0x408: {  	[sflag:s13] =	ssyncset.done $0x0  }
0x409: {  	s11 =	simm.s32 $0x40;
	s0 =	simm.s32 $0x0;
	[sflag:s13] =	ssyncadd.s32 $0xFFFFF000  }
.LBB2_214:
0x40a: {  	p2 =	seq.s32 s11, $0x3FC0;
	[tilespmem:s0+$0xBC60] =	vst v0;
	s0 =	smov.u32 s11;
	s11 =	sadd.s32 $0x40, s11  }
.Ltmp124:
0x40b: {  	(pc) =	sbr.rel @!p2 .LBB2_214-.Ltmp124, $2  }
0x40c: {  	_ =	sdelay $0x2  }
0x40d: {  	s0 =	sshra.s32 s0, $0x2  }
0x40e: {  	s11 =	sadd.s32 $0x3000, s2  }
0x40f: {  	[tilespmem:s0+$0xBC60] =	vst v0;
	s17 =	simm.s32 $0x40;
	s0 =	simm.s32 $0x0;
	v5 =	vadd.s32 s11, v2  }
.LBB2_216:
0x410: {  	p2 =	sne.s32 s17, $0x3FC0  }
0x411: {  	[tilespmem:s0+$0x11C60] =	vst v5;
	s11 =	sadd.s32 $0x10, s11;
	s0 =	smov.u32 s17;
	s17 =	sadd.s32 $0x40, s17  }
.Ltmp125:
0x412: {  	(pc) =	sbr.rel @p2 .LBB2_216-.Ltmp125, $2  }
0x413: {  	_ =	sdelay $0x2  }
0x414: {  	v5 =	vadd.s32 s11, v2;
	s0 =	sshra.s32 s0, $0x2  }
0x415: {  	[tilespmem:s0+$0x11C60] =	vst v5  }
0x416: {  	[spmem:s3] =	stream.indirect.scatter.add.f32 [tilespmem:s25], [sflag:$0x5], $0x1, s22, s21, $0xb8;
	[tilespmem:$0x14CE0] =	vst v63  }
0x417: {  	_ =	swait.ge [sflag:s13], $0x1000  }
0x418: {  	[sflag:s13] =	ssyncset.done $0x0  }
0x419: {  	s11 =	simm.s32 $0x40;
	s0 =	simm.s32 $0x0;
	[sflag:s13] =	ssyncadd.s32 $0xFFFFF000  }
.LBB2_218:
0x41a: {  	p2 =	seq.s32 s11, $0x3FC0;
	[tilespmem:s0+$0xCC60] =	vst v0;
	s0 =	smov.u32 s11;
	s11 =	sadd.s32 $0x40, s11  }
.Ltmp126:
0x41b: {  	(pc) =	sbr.rel @!p2 .LBB2_218-.Ltmp126, $2  }
0x41c: {  	_ =	sdelay $0x2  }
0x41d: {  	s0 =	sshra.s32 s0, $0x2  }
0x41e: {  	s11 =	sadd.s32 $0x4000, s2  }
0x41f: {  	[tilespmem:s0+$0xCC60] =	vst v0;
	s17 =	simm.s32 $0x40;
	s0 =	simm.s32 $0x0;
	v5 =	vadd.s32 s11, v2  }
.LBB2_220:
0x420: {  	p2 =	sne.s32 s17, $0x3FC0  }
0x421: {  	[tilespmem:s0+$0x11C60] =	vst v5;
	s11 =	sadd.s32 $0x10, s11;
	s0 =	smov.u32 s17;
	s17 =	sadd.s32 $0x40, s17  }
.Ltmp127:
0x422: {  	(pc) =	sbr.rel @p2 .LBB2_220-.Ltmp127, $2  }
0x423: {  	_ =	sdelay $0x2  }
0x424: {  	v5 =	vadd.s32 s11, v2;
	s0 =	sshra.s32 s0, $0x2  }
0x425: {  	[tilespmem:s0+$0x11C60] =	vst v5  }
0x426: {  	[spmem:s3] =	stream.indirect.scatter.add.f32 [tilespmem:s26], [sflag:$0x5], $0x1, s22, s21, $0xb8;
	[tilespmem:$0x14CE0] =	vst v63  }
0x427: {  	_ =	swait.ge [sflag:s13], $0x1000  }
0x428: {  	[sflag:s13] =	ssyncset.done $0x0  }
0x429: {  	s11 =	simm.s32 $0x40;
	s0 =	simm.s32 $0x0;
	[sflag:s13] =	ssyncadd.s32 $0xFFFFF000  }
.LBB2_222:
0x42a: {  	p2 =	seq.s32 s11, $0x3FC0;
	[tilespmem:s0+$0xDC60] =	vst v0;
	s0 =	smov.u32 s11;
	s11 =	sadd.s32 $0x40, s11  }
.Ltmp128:
0x42b: {  	(pc) =	sbr.rel @!p2 .LBB2_222-.Ltmp128, $2  }
0x42c: {  	_ =	sdelay $0x2  }
0x42d: {  	s0 =	sshra.s32 s0, $0x2  }
0x42e: {  	s11 =	sadd.s32 $0x5000, s2  }
0x42f: {  	[tilespmem:s0+$0xDC60] =	vst v0;
	s17 =	simm.s32 $0x40;
	s0 =	simm.s32 $0x0;
	v5 =	vadd.s32 s11, v2  }
.LBB2_224:
0x430: {  	p2 =	sne.s32 s17, $0x3FC0  }
0x431: {  	[tilespmem:s0+$0x11C60] =	vst v5;
	s11 =	sadd.s32 $0x10, s11;
	s0 =	smov.u32 s17;
	s17 =	sadd.s32 $0x40, s17  }
.Ltmp129:
0x432: {  	(pc) =	sbr.rel @p2 .LBB2_224-.Ltmp129, $2  }
0x433: {  	_ =	sdelay $0x2  }
0x434: {  	v5 =	vadd.s32 s11, v2;
	s0 =	sshra.s32 s0, $0x2  }
0x435: {  	[tilespmem:s0+$0x11C60] =	vst v5  }
0x436: {  	[spmem:s3] =	stream.indirect.scatter.add.f32 [tilespmem:s28], [sflag:$0x5], $0x1, s22, s21, $0xb8;
	[tilespmem:$0x14CE0] =	vst v63  }
0x437: {  	_ =	swait.ge [sflag:s13], $0x1000  }
0x438: {  	[sflag:s13] =	ssyncset.done $0x0  }
0x439: {  	s11 =	simm.s32 $0x40;
	s0 =	simm.s32 $0x0;
	[sflag:s13] =	ssyncadd.s32 $0xFFFFF000  }
.LBB2_226:
0x43a: {  	p2 =	seq.s32 s11, $0x3FC0;
	[tilespmem:s0+$0xEC60] =	vst v0;
	s0 =	smov.u32 s11;
	s11 =	sadd.s32 $0x40, s11  }
.Ltmp130:
0x43b: {  	(pc) =	sbr.rel @!p2 .LBB2_226-.Ltmp130, $2  }
0x43c: {  	_ =	sdelay $0x2  }
0x43d: {  	s0 =	sshra.s32 s0, $0x2  }
0x43e: {  	s11 =	sadd.s32 $0x6000, s2  }
0x43f: {  	[tilespmem:s0+$0xEC60] =	vst v0;
	s17 =	simm.s32 $0x40;
	s0 =	simm.s32 $0x0;
	v5 =	vadd.s32 s11, v2  }
.LBB2_228:
0x440: {  	p2 =	sne.s32 s17, $0x3FC0  }
0x441: {  	[tilespmem:s0+$0x11C60] =	vst v5;
	s11 =	sadd.s32 $0x10, s11;
	s0 =	smov.u32 s17;
	s17 =	sadd.s32 $0x40, s17  }
.Ltmp131:
0x442: {  	(pc) =	sbr.rel @p2 .LBB2_228-.Ltmp131, $2  }
0x443: {  	_ =	sdelay $0x2  }
0x444: {  	v5 =	vadd.s32 s11, v2;
	s0 =	sshra.s32 s0, $0x2  }
0x445: {  	[tilespmem:s0+$0x11C60] =	vst v5  }
0x446: {  	[spmem:s3] =	stream.indirect.scatter.add.f32 [tilespmem:s29], [sflag:$0x5], $0x1, s22, s21, $0xb8;
	[tilespmem:$0x14CE0] =	vst v63  }
0x447: {  	_ =	swait.ge [sflag:s13], $0x1000  }
0x448: {  	[sflag:s13] =	ssyncset.done $0x0  }
0x449: {  	s11 =	simm.s32 $0x40;
	s0 =	simm.s32 $0x0;
	[sflag:s13] =	ssyncadd.s32 $0xFFFFF000  }
.LBB2_230:
0x44a: {  	p2 =	seq.s32 s11, $0x3FC0;
	[tilespmem:s0+$0xFC60] =	vst v0;
	s0 =	smov.u32 s11;
	s11 =	sadd.s32 $0x40, s11  }
.Ltmp132:
0x44b: {  	(pc) =	sbr.rel @!p2 .LBB2_230-.Ltmp132, $2  }
0x44c: {  	_ =	sdelay $0x2  }
0x44d: {  	s0 =	sshra.s32 s0, $0x2  }
0x44e: {  	s11 =	sadd.s32 $0x7000, s2  }
0x44f: {  	[tilespmem:s0+$0xFC60] =	vst v0;
	s17 =	simm.s32 $0x40;
	s0 =	simm.s32 $0x0;
	v5 =	vadd.s32 s11, v2  }
.LBB2_232:
0x450: {  	p2 =	sne.s32 s17, $0x3FC0  }
0x451: {  	[tilespmem:s0+$0x11C60] =	vst v5;
	s11 =	sadd.s32 $0x10, s11;
	s0 =	smov.u32 s17;
	s17 =	sadd.s32 $0x40, s17  }
.Ltmp133:
0x452: {  	(pc) =	sbr.rel @p2 .LBB2_232-.Ltmp133, $2  }
0x453: {  	_ =	sdelay $0x2  }
0x454: {  	v5 =	vadd.s32 s11, v2;
	s0 =	sshra.s32 s0, $0x2  }
0x455: {  	[tilespmem:s0+$0x11C60] =	vst v5  }
0x456: {  	[spmem:s3] =	stream.indirect.scatter.add.f32 [tilespmem:s30], [sflag:$0x5], $0x1, s22, s21, $0xb8;
	[tilespmem:$0x14CE0] =	vst v63  }
0x457: {  	_ =	swait.ge [sflag:s13], $0x1000  }
0x458: {  	[sflag:s13] =	ssyncset.done $0x0  }
0x459: {  	s11 =	simm.s32 $0x40;
	s0 =	simm.s32 $0x0;
	[sflag:s13] =	ssyncadd.s32 $0xFFFFF000  }
.LBB2_234:
0x45a: {  	p2 =	sne.s32 s11, $0x3FC0;
	[tilespmem:s0+$0x10C60] =	vst v0;
	s0 =	smov.u32 s11;
	s11 =	sadd.s32 $0x40, s11  }
.Ltmp134:
0x45b: {  	(pc) =	sbr.rel @p2 .LBB2_234-.Ltmp134, $2  }
0x45c: {  	_ =	sdelay $0x2  }
0x45d: {  	s0 =	sshra.s32 s0, $0x2  }
.Ltmp135:
0x45e: {  	(pc) =	sbr.rel .LBB2_236-.Ltmp135, $2  }
0x45f: {  	_ =	sdelay $0x2  }
0x460: {  	[tilespmem:s0+$0x10C60] =	vst v0  }
.LBB2_239:
0x461: {  	s0 =	ssub.s32 s5, s31  }
0x462: {  	p1 =	sgt.u32 s0, $0x7FFFFFFE  }
.Ltmp136:
0x463: {  	_ = 	snop;
	(pc) =	sbr.rel @p1 .LBB2_280-.Ltmp136, $2  }
0x464: {  	_ =	sdelay $0x2  }
0x465: {  	s6 =	rddreg [dreg:$0xa]  }
0x466: {  	s2 =	sadd.s32 $0x1, s0  }
0x467: {  	s5 =	simm.s32 $0x40;
	v3 =	vadd.s32 s31, v2;
	s0 =	simm.s32 $0x0;
	s6 =	smov.u32 s31  }
.LBB2_241:
0x468: {  	p1 =	sne.s32 s5, $0x3FC0  }
0x469: {  	[tilespmem:s0+$0x11C60] =	vst v3;
	s6 =	sadd.s32 $0x10, s6;
	s0 =	smov.u32 s5;
	s5 =	sadd.s32 $0x40, s5  }
.Ltmp137:
0x46a: {  	(pc) =	sbr.rel @p1 .LBB2_241-.Ltmp137, $2  }
0x46b: {  	_ =	sdelay $0x2  }
0x46c: {  	v3 =	vadd.s32 s6, v2;
	s0 =	sshra.s32 s0, $0x2  }
0x46d: {  	[tilespmem:s0+$0x11C60] =	vst v3  }
0x46e: {  	[spmem:s3] =	stream.indirect.scatter.add.f32 [tilespmem:s12], [sflag:$0x5], $0x1, s22, s21, $0xb8;
	[tilespmem:$0x14CE0] =	vst v63  }
0x46f: {  	_ =	swait.ge [sflag:s13], $0x1000  }
0x470: {  	[sflag:s13] =	ssyncset.done $0x0  }
0x471: {  	s5 =	simm.s32 $0x40;
	s0 =	simm.s32 $0x0;
	[sflag:s13] =	ssyncadd.s32 $0xFFFFF000  }
.LBB2_243:
0x472: {  	p1 =	sne.s32 s5, $0x3FC0;
	[tilespmem:s0+$0x9C60] =	vst v0;
	s0 =	smov.u32 s5;
	s5 =	sadd.s32 $0x40, s5  }
.Ltmp138:
0x473: {  	(pc) =	sbr.rel @p1 .LBB2_243-.Ltmp138, $2  }
0x474: {  	_ =	sdelay $0x2  }
0x475: {  	s0 =	sshra.s32 s0, $0x2  }
0x476: {  	p1 =	slt.u32 s2, $0x1001  }
.Ltmp139:
0x477: {  	_ = 	snop;
	(pc) =	sbr.rel @p1 .LBB2_280-.Ltmp139, $2  }
0x478: {  	_ =	sdelay $0x2  }
0x479: {  	[tilespmem:s0+$0x9C60] =	vst v0;
	s6 =	rddreg [dreg:$0xa]  }
0x47a: {  	s5 =	sadd.s32 $0x1000, s31  }
0x47b: {  	s6 =	simm.s32 $0x40;
	s0 =	simm.s32 $0x0;
	v3 =	vadd.s32 s5, v2  }
.LBB2_246:
0x47c: {  	p1 =	sne.s32 s6, $0x3FC0  }
0x47d: {  	[tilespmem:s0+$0x11C60] =	vst v3;
	s5 =	sadd.s32 $0x10, s5;
	s0 =	smov.u32 s6;
	s6 =	sadd.s32 $0x40, s6  }
.Ltmp140:
0x47e: {  	(pc) =	sbr.rel @p1 .LBB2_246-.Ltmp140, $2  }
0x47f: {  	_ =	sdelay $0x2  }
0x480: {  	v3 =	vadd.s32 s5, v2;
	s0 =	sshra.s32 s0, $0x2  }
0x481: {  	[tilespmem:s0+$0x11C60] =	vst v3  }
0x482: {  	[spmem:s3] =	stream.indirect.scatter.add.f32 [tilespmem:s23], [sflag:$0x5], $0x1, s22, s21, $0xb8;
	[tilespmem:$0x14CE0] =	vst v63  }
0x483: {  	_ =	swait.ge [sflag:s13], $0x1000  }
0x484: {  	[sflag:s13] =	ssyncset.done $0x0  }
0x485: {  	s5 =	simm.s32 $0x40;
	s0 =	simm.s32 $0x0;
	[sflag:s13] =	ssyncadd.s32 $0xFFFFF000  }
.LBB2_248:
0x486: {  	p1 =	sne.s32 s5, $0x3FC0;
	[tilespmem:s0+$0xAC60] =	vst v0;
	s0 =	smov.u32 s5;
	s5 =	sadd.s32 $0x40, s5  }
.Ltmp141:
0x487: {  	(pc) =	sbr.rel @p1 .LBB2_248-.Ltmp141, $2  }
0x488: {  	_ =	sdelay $0x2  }
0x489: {  	s0 =	sshra.s32 s0, $0x2  }
0x48a: {  	p1 =	slt.u32 s2, $0x2001  }
.Ltmp142:
0x48b: {  	_ = 	snop;
	(pc) =	sbr.rel @p1 .LBB2_280-.Ltmp142, $2  }
0x48c: {  	_ =	sdelay $0x2  }
0x48d: {  	[tilespmem:s0+$0xAC60] =	vst v0;
	s6 =	rddreg [dreg:$0xa]  }
0x48e: {  	s5 =	sadd.s32 $0x2000, s31  }
0x48f: {  	s6 =	simm.s32 $0x40;
	s0 =	simm.s32 $0x0;
	v3 =	vadd.s32 s5, v2  }
.LBB2_251:
0x490: {  	p1 =	sne.s32 s6, $0x3FC0  }
0x491: {  	[tilespmem:s0+$0x11C60] =	vst v3;
	s5 =	sadd.s32 $0x10, s5;
	s0 =	smov.u32 s6;
	s6 =	sadd.s32 $0x40, s6  }
.Ltmp143:
0x492: {  	(pc) =	sbr.rel @p1 .LBB2_251-.Ltmp143, $2  }
0x493: {  	_ =	sdelay $0x2  }
0x494: {  	v3 =	vadd.s32 s5, v2;
	s0 =	sshra.s32 s0, $0x2  }
0x495: {  	[tilespmem:s0+$0x11C60] =	vst v3  }
0x496: {  	[spmem:s3] =	stream.indirect.scatter.add.f32 [tilespmem:s24], [sflag:$0x5], $0x1, s22, s21, $0xb8;
	[tilespmem:$0x14CE0] =	vst v63  }
0x497: {  	_ =	swait.ge [sflag:s13], $0x1000  }
0x498: {  	[sflag:s13] =	ssyncset.done $0x0  }
0x499: {  	s5 =	simm.s32 $0x40;
	s0 =	simm.s32 $0x0;
	[sflag:s13] =	ssyncadd.s32 $0xFFFFF000  }
.LBB2_253:
0x49a: {  	p1 =	sne.s32 s5, $0x3FC0;
	[tilespmem:s0+$0xBC60] =	vst v0;
	s0 =	smov.u32 s5;
	s5 =	sadd.s32 $0x40, s5  }
.Ltmp144:
0x49b: {  	(pc) =	sbr.rel @p1 .LBB2_253-.Ltmp144, $2  }
0x49c: {  	_ =	sdelay $0x2  }
0x49d: {  	s0 =	sshra.s32 s0, $0x2  }
0x49e: {  	p1 =	slt.u32 s2, $0x3001  }
.Ltmp145:
0x49f: {  	_ = 	snop;
	(pc) =	sbr.rel @p1 .LBB2_280-.Ltmp145, $2  }
0x4a0: {  	_ =	sdelay $0x2  }
0x4a1: {  	[tilespmem:s0+$0xBC60] =	vst v0;
	s6 =	rddreg [dreg:$0xa]  }
0x4a2: {  	s5 =	sadd.s32 $0x3000, s31  }
0x4a3: {  	s6 =	simm.s32 $0x40;
	s0 =	simm.s32 $0x0;
	v3 =	vadd.s32 s5, v2  }
.LBB2_256:
0x4a4: {  	p1 =	sne.s32 s6, $0x3FC0  }
0x4a5: {  	[tilespmem:s0+$0x11C60] =	vst v3;
	s5 =	sadd.s32 $0x10, s5;
	s0 =	smov.u32 s6;
	s6 =	sadd.s32 $0x40, s6  }
.Ltmp146:
0x4a6: {  	(pc) =	sbr.rel @p1 .LBB2_256-.Ltmp146, $2  }
0x4a7: {  	_ =	sdelay $0x2  }
0x4a8: {  	v3 =	vadd.s32 s5, v2;
	s0 =	sshra.s32 s0, $0x2  }
0x4a9: {  	[tilespmem:s0+$0x11C60] =	vst v3  }
0x4aa: {  	[spmem:s3] =	stream.indirect.scatter.add.f32 [tilespmem:s25], [sflag:$0x5], $0x1, s22, s21, $0xb8;
	[tilespmem:$0x14CE0] =	vst v63  }
0x4ab: {  	_ =	swait.ge [sflag:s13], $0x1000  }
0x4ac: {  	[sflag:s13] =	ssyncset.done $0x0  }
0x4ad: {  	s5 =	simm.s32 $0x40;
	s0 =	simm.s32 $0x0;
	[sflag:s13] =	ssyncadd.s32 $0xFFFFF000  }
.LBB2_258:
0x4ae: {  	p1 =	sne.s32 s5, $0x3FC0;
	[tilespmem:s0+$0xCC60] =	vst v0;
	s0 =	smov.u32 s5;
	s5 =	sadd.s32 $0x40, s5  }
.Ltmp147:
0x4af: {  	(pc) =	sbr.rel @p1 .LBB2_258-.Ltmp147, $2  }
0x4b0: {  	_ =	sdelay $0x2  }
0x4b1: {  	s0 =	sshra.s32 s0, $0x2  }
0x4b2: {  	p1 =	slt.u32 s2, $0x4001  }
.Ltmp148:
0x4b3: {  	_ = 	snop;
	(pc) =	sbr.rel @p1 .LBB2_280-.Ltmp148, $2  }
0x4b4: {  	_ =	sdelay $0x2  }
0x4b5: {  	[tilespmem:s0+$0xCC60] =	vst v0;
	s6 =	rddreg [dreg:$0xa]  }
0x4b6: {  	s5 =	sadd.s32 $0x4000, s31  }
0x4b7: {  	s6 =	simm.s32 $0x40;
	s0 =	simm.s32 $0x0;
	v3 =	vadd.s32 s5, v2  }
.LBB2_261:
0x4b8: {  	p1 =	sne.s32 s6, $0x3FC0  }
0x4b9: {  	[tilespmem:s0+$0x11C60] =	vst v3;
	s5 =	sadd.s32 $0x10, s5;
	s0 =	smov.u32 s6;
	s6 =	sadd.s32 $0x40, s6  }
.Ltmp149:
0x4ba: {  	(pc) =	sbr.rel @p1 .LBB2_261-.Ltmp149, $2  }
0x4bb: {  	_ =	sdelay $0x2  }
0x4bc: {  	v3 =	vadd.s32 s5, v2;
	s0 =	sshra.s32 s0, $0x2  }
0x4bd: {  	[tilespmem:s0+$0x11C60] =	vst v3  }
0x4be: {  	[spmem:s3] =	stream.indirect.scatter.add.f32 [tilespmem:s26], [sflag:$0x5], $0x1, s22, s21, $0xb8;
	[tilespmem:$0x14CE0] =	vst v63  }
0x4bf: {  	_ =	swait.ge [sflag:s13], $0x1000  }
0x4c0: {  	[sflag:s13] =	ssyncset.done $0x0  }
0x4c1: {  	s5 =	simm.s32 $0x40;
	s0 =	simm.s32 $0x0;
	[sflag:s13] =	ssyncadd.s32 $0xFFFFF000  }
.LBB2_263:
0x4c2: {  	p1 =	sne.s32 s5, $0x3FC0;
	[tilespmem:s0+$0xDC60] =	vst v0;
	s0 =	smov.u32 s5;
	s5 =	sadd.s32 $0x40, s5  }
.Ltmp150:
0x4c3: {  	(pc) =	sbr.rel @p1 .LBB2_263-.Ltmp150, $2  }
0x4c4: {  	_ =	sdelay $0x2  }
0x4c5: {  	s0 =	sshra.s32 s0, $0x2  }
0x4c6: {  	p1 =	slt.u32 s2, $0x5001  }
.Ltmp151:
0x4c7: {  	_ = 	snop;
	(pc) =	sbr.rel @p1 .LBB2_280-.Ltmp151, $2  }
0x4c8: {  	_ =	sdelay $0x2  }
0x4c9: {  	[tilespmem:s0+$0xDC60] =	vst v0;
	s6 =	rddreg [dreg:$0xa]  }
0x4ca: {  	s5 =	sadd.s32 $0x5000, s31  }
0x4cb: {  	s6 =	simm.s32 $0x40;
	s0 =	simm.s32 $0x0;
	v3 =	vadd.s32 s5, v2  }
.LBB2_266:
0x4cc: {  	p1 =	sne.s32 s6, $0x3FC0  }
0x4cd: {  	[tilespmem:s0+$0x11C60] =	vst v3;
	s5 =	sadd.s32 $0x10, s5;
	s0 =	smov.u32 s6;
	s6 =	sadd.s32 $0x40, s6  }
.Ltmp152:
0x4ce: {  	(pc) =	sbr.rel @p1 .LBB2_266-.Ltmp152, $2  }
0x4cf: {  	_ =	sdelay $0x2  }
0x4d0: {  	v3 =	vadd.s32 s5, v2;
	s0 =	sshra.s32 s0, $0x2  }
0x4d1: {  	[tilespmem:s0+$0x11C60] =	vst v3  }
0x4d2: {  	[spmem:s3] =	stream.indirect.scatter.add.f32 [tilespmem:s28], [sflag:$0x5], $0x1, s22, s21, $0xb8;
	[tilespmem:$0x14CE0] =	vst v63  }
0x4d3: {  	_ =	swait.ge [sflag:s13], $0x1000  }
0x4d4: {  	[sflag:s13] =	ssyncset.done $0x0  }
0x4d5: {  	s5 =	simm.s32 $0x40;
	s0 =	simm.s32 $0x0;
	[sflag:s13] =	ssyncadd.s32 $0xFFFFF000  }
.LBB2_268:
0x4d6: {  	p1 =	sne.s32 s5, $0x3FC0;
	[tilespmem:s0+$0xEC60] =	vst v0;
	s0 =	smov.u32 s5;
	s5 =	sadd.s32 $0x40, s5  }
.Ltmp153:
0x4d7: {  	(pc) =	sbr.rel @p1 .LBB2_268-.Ltmp153, $2  }
0x4d8: {  	_ =	sdelay $0x2  }
0x4d9: {  	s0 =	sshra.s32 s0, $0x2  }
0x4da: {  	p1 =	slt.u32 s2, $0x6001  }
.Ltmp154:
0x4db: {  	_ = 	snop;
	(pc) =	sbr.rel @p1 .LBB2_280-.Ltmp154, $2  }
0x4dc: {  	_ =	sdelay $0x2  }
0x4dd: {  	[tilespmem:s0+$0xEC60] =	vst v0;
	s6 =	rddreg [dreg:$0xa]  }
0x4de: {  	s5 =	sadd.s32 $0x6000, s31  }
0x4df: {  	s6 =	simm.s32 $0x40;
	s0 =	simm.s32 $0x0;
	v3 =	vadd.s32 s5, v2  }
.LBB2_271:
0x4e0: {  	p1 =	sne.s32 s6, $0x3FC0  }
0x4e1: {  	[tilespmem:s0+$0x11C60] =	vst v3;
	s5 =	sadd.s32 $0x10, s5;
	s0 =	smov.u32 s6;
	s6 =	sadd.s32 $0x40, s6  }
.Ltmp155:
0x4e2: {  	(pc) =	sbr.rel @p1 .LBB2_271-.Ltmp155, $2  }
0x4e3: {  	_ =	sdelay $0x2  }
0x4e4: {  	v3 =	vadd.s32 s5, v2;
	s0 =	sshra.s32 s0, $0x2  }
0x4e5: {  	[tilespmem:s0+$0x11C60] =	vst v3  }
0x4e6: {  	[spmem:s3] =	stream.indirect.scatter.add.f32 [tilespmem:s29], [sflag:$0x5], $0x1, s22, s21, $0xb8;
	[tilespmem:$0x14CE0] =	vst v63  }
0x4e7: {  	_ =	swait.ge [sflag:s13], $0x1000  }
0x4e8: {  	[sflag:s13] =	ssyncset.done $0x0  }
0x4e9: {  	s5 =	simm.s32 $0x40;
	s0 =	simm.s32 $0x0;
	[sflag:s13] =	ssyncadd.s32 $0xFFFFF000  }
.LBB2_273:
0x4ea: {  	p1 =	sne.s32 s5, $0x3FC0;
	[tilespmem:s0+$0xFC60] =	vst v0;
	s0 =	smov.u32 s5;
	s5 =	sadd.s32 $0x40, s5  }
.Ltmp156:
0x4eb: {  	(pc) =	sbr.rel @p1 .LBB2_273-.Ltmp156, $2  }
0x4ec: {  	_ =	sdelay $0x2  }
0x4ed: {  	s0 =	sshra.s32 s0, $0x2  }
0x4ee: {  	p1 =	slt.u32 s2, $0x7001  }
.Ltmp157:
0x4ef: {  	_ = 	snop;
	(pc) =	sbr.rel @p1 .LBB2_280-.Ltmp157, $2  }
0x4f0: {  	_ =	sdelay $0x2  }
0x4f1: {  	[tilespmem:s0+$0xFC60] =	vst v0;
	s6 =	rddreg [dreg:$0xa]  }
0x4f2: {  	s2 =	sadd.s32 $0x7000, s31  }
0x4f3: {  	s5 =	simm.s32 $0x40;
	s0 =	simm.s32 $0x0;
	v3 =	vadd.s32 s2, v2  }
.LBB2_276:
0x4f4: {  	p1 =	sne.s32 s5, $0x3FC0  }
0x4f5: {  	[tilespmem:s0+$0x11C60] =	vst v3;
	s2 =	sadd.s32 $0x10, s2;
	s0 =	smov.u32 s5;
	s5 =	sadd.s32 $0x40, s5  }
.Ltmp158:
0x4f6: {  	(pc) =	sbr.rel @p1 .LBB2_276-.Ltmp158, $2  }
0x4f7: {  	_ =	sdelay $0x2  }
0x4f8: {  	v3 =	vadd.s32 s2, v2;
	s0 =	sshra.s32 s0, $0x2  }
0x4f9: {  	[tilespmem:s0+$0x11C60] =	vst v3  }
0x4fa: {  	[spmem:s3] =	stream.indirect.scatter.add.f32 [tilespmem:s30], [sflag:$0x5], $0x1, s22, s21, $0xb8;
	[tilespmem:$0x14CE0] =	vst v63  }
0x4fb: {  	_ =	swait.ge [sflag:s13], $0x1000  }
0x4fc: {  	[sflag:s13] =	ssyncset.done $0x0  }
0x4fd: {  	s2 =	simm.s32 $0x40;
	s0 =	simm.s32 $0x0;
	[sflag:s13] =	ssyncadd.s32 $0xFFFFF000  }
.LBB2_278:
0x4fe: {  	p1 =	sne.s32 s2, $0x3FC0;
	[tilespmem:s0+$0x10C60] =	vst v0;
	s0 =	smov.u32 s2;
	s2 =	sadd.s32 $0x40, s2  }
.Ltmp159:
0x4ff: {  	(pc) =	sbr.rel @p1 .LBB2_278-.Ltmp159, $2  }
0x500: {  	_ =	sdelay $0x2  }
0x501: {  	s0 =	sshra.s32 s0, $0x2  }
.Ltmp160:
0x502: {  	(pc) =	sbr.rel .LBB2_280-.Ltmp160, $2  }
0x503: {  	_ =	sdelay $0x2  }
0x504: {  	[tilespmem:s0+$0x10C60] =	vst v0;
	s6 =	rddreg [dreg:$0xa]  }
.LBB2_281:
0x505: {  	_ =	sfence.sel $0x180000  }
0x506: {  	[bflag:$0x0] =	sbarrier.arrive $0xFFFF  }
0x507: {  	_ =	strace $0x90000047  }
0x508: {  	[bflag:$0x2] =	sbarrier.arrive $0xFFFF  }
0x509: {  	s0 =	rddreg [dreg:$0x4]  }
0x50a: {  	s0 =	sadd.s32 @!p0 $0x100000, s0  }
0x50b: {  	[sflag:s0] =	ssyncadd.tile.s32 @!p0 $0x1;
	_ =	shalt  }
.Lfunc_end2:
_tile_overlayer_lowered:
.L_overlay_start_2:
0x50c: {  	(tag) =	ssettag $0x2  }
0x50d: {  	s0 =	rddreg [dreg:$0x0];
	s2 =	stileid.u32  }
0x50e: {  	s1 =	rddreg [dreg:$0x1];
	p0 =	sne.s32 s2, $0x0  }
0x50f: {  	s3 =	rddreg [dreg:$0x2];
	[bflag:$0x3] =	sbarrier.arrive $0xFFFF;
	s2 =	simm.s32 @!p0 $0x1C05  }
0x510: {  	[timem:s3], [sflag:s2] =	dma.local @!p0 [hbm:s0], s1  }
0x511: {  	s0 =	simm.s32 @!p0 $0x5  }
0x512: {  	_ =	swait.ge @!p0 [sflag:s0], s1  }
0x513: {  	s1 =	ssub.s32 @!p0 $0x0, s1;
	[sflag:s0] =	ssyncset.done @!p0 $0x0  }
0x514: {  	[sflag:s0] =	ssyncadd.s32 @!p0 s1  }
0x515: {  	[bflag:$0x3] =	sbarrier.arrive $0xFFFF  }
0x516: {  	_ =	shalt  }

</sc_bundles>
